<compile_context>
chip_gen: v7x
topology: tpu7x:2x2x1
jax: 0.10.2.dev20260603
libtpu: 0.0.44.dev20260713+nightly
codegen_flags: <defaults>
</compile_context>

<pallas_src>
import functools

import jax
import jax.numpy as jnp
from jax import lax
from jax.experimental import pallas as pl
from jax.experimental.pallas import tpu as pltpu
from jax.experimental.pallas import tpu_sc as plsc

B, N, M, K = 8, 8192, 256, 32
import numpy as np

_BIG = np.float32(1e10)
_INF = np.float32(3.0e38)


def _fps_kernel(x0_ref, x1_ref, x2_ref, c0_ref, c1_ref, c2_ref, dist_ref):
    x0 = x0_ref[...]
    x1 = x1_ref[...]
    x2 = x2_ref[...]
    colN = lax.broadcasted_iota(jnp.int32, (B, N), 1)
    colM = lax.broadcasted_iota(jnp.int32, (B, M), 1)
    dist_ref[...] = jnp.full((B, N), _BIG, jnp.float32)

    def body(i, far):
        m = colN == far
        c0 = jnp.sum(jnp.where(m, x0, 0.0), axis=1, keepdims=True)
        c1 = jnp.sum(jnp.where(m, x1, 0.0), axis=1, keepdims=True)
        c2 = jnp.sum(jnp.where(m, x2, 0.0), axis=1, keepdims=True)
        sel = colM == i
        c0_ref[...] = jnp.where(sel, c0, c0_ref[...])
        c1_ref[...] = jnp.where(sel, c1, c1_ref[...])
        c2_ref[...] = jnp.where(sel, c2, c2_ref[...])
        d = (x0 - c0) ** 2 + (x1 - c1) ** 2 + (x2 - c2) ** 2
        dist = jnp.minimum(dist_ref[...], d)
        dist_ref[...] = dist
        maxv = jnp.max(dist, axis=1, keepdims=True)
        far_new = jnp.min(
            jnp.where(dist == maxv, colN, N), axis=1, keepdims=True
        )
        return far_new.astype(jnp.int32)

    far0 = jnp.zeros((B, 1), jnp.int32)
    lax.fori_loop(0, M, body, far0)


def _fps(x0, x1, x2):
    return pl.pallas_call(
        _fps_kernel,
        out_shape=[jax.ShapeDtypeStruct((B, M), jnp.float32)] * 3,
        scratch_shapes=[pltpu.VMEM((B, N), jnp.float32)],
    )(x0, x1, x2)


NCH = 64
CW = N // NCH
CAND = 128


def _dist_kernel(x0_ref, x1_ref, x2_ref, c0_ref, c1_ref, c2_ref,
                 dout_ref, t_ref):
    x0 = x0_ref[0]
    x1 = x1_ref[0]
    x2 = x2_ref[0]
    c0 = c0_ref[0]
    c1 = c1_ref[0]
    c2 = c2_ref[0]
    d = (c0 - x0) ** 2 + (c1 - x1) ** 2 + (c2 - x2) ** 2
    dout_ref[0] = d
    w = jnp.min(d.reshape(M, NCH, CW), axis=2)
    colC = lax.broadcasted_iota(jnp.int32, (M, NCH), 1)

    def body(s, carry):
        w, _ = carry
        minv = jnp.min(w, axis=1, keepdims=True)
        sel = jnp.min(jnp.where(w == minv, colC, NCH), axis=1, keepdims=True)
        w = jnp.where(colC == sel, _INF, w)
        return (w, minv)

    _, t = lax.fori_loop(0, K, body, (w, jnp.zeros((M, 1), jnp.float32)))
    t_ref[0] = jnp.broadcast_to(t, (M, 16))


def _dist(x0, x1, x2, c0t, c1t, c2t):
    nb = x0.shape[0]
    return pl.pallas_call(
        _dist_kernel,
        grid=(nb,),
        in_specs=[
            pl.BlockSpec((1, 1, N), lambda b: (b, 0, 0)),
            pl.BlockSpec((1, 1, N), lambda b: (b, 0, 0)),
            pl.BlockSpec((1, 1, N), lambda b: (b, 0, 0)),
            pl.BlockSpec((1, M, 1), lambda b: (b, 0, 0)),
            pl.BlockSpec((1, M, 1), lambda b: (b, 0, 0)),
            pl.BlockSpec((1, M, 1), lambda b: (b, 0, 0)),
        ],
        out_specs=[
            pl.BlockSpec((1, M, N), lambda b: (b, 0, 0)),
            pl.BlockSpec((1, M, 16), lambda b: (b, 0, 0)),
        ],
        out_shape=[
            jax.ShapeDtypeStruct((nb, M, N), jnp.float32),
            jax.ShapeDtypeStruct((nb, M, 16), jnp.float32),
        ],
    )(x0, x1, x2, c0t, c1t, c2t)


_NC, _NS = 2, 16
_NW = _NC * _NS
_RPW = B * M // _NW


def _sc_filter_kernel(rpw, d_hbm, t_hbm, cd_hbm, ci_hbm,
                      d_v, t_v, cd_v, ci_v, semA, semB):
    wid = lax.axis_index("s") * _NC + lax.axis_index("c")
    r0 = wid * rpw
    inf16 = jnp.full((16,), _INF, jnp.float32)
    iota16 = lax.iota(jnp.int32, 16)

    pltpu.sync_copy(t_hbm.at[pl.ds(r0 * 16, rpw * 16)], t_v)

    def init_body(i, _):
        cd_v[pl.ds(i * 16, 16)] = inf16
        return 0

    lax.fori_loop(0, rpw * CAND // 16, init_body, 0)

    def filter_row(r, buf):
        tv = t_v[pl.ds(r * 16, 16)]
        obase = r * CAND
        nq = 8

        def chunk(j, cnt):
            base = j * (16 * nq)
            dvs = [d_v[buf, pl.ds(base + q * 16, 16)] for q in range(nq)]
            ms = [dv <= tv for dv in dvs]
            mors = ms[0]
            for q in range(1, nq):
                mors = mors | ms[q]
            npass = plsc.all_reduce_population_count(mors)
            anyv = npass[0] != 0

            def heavy(c):
                for q in range(nq):
                    mi = ms[q].astype(jnp.int32)
                    cs = plsc.cumsum(mi)
                    pos = c + cs - 1
                    ok = ms[q] & (pos < CAND)
                    plsc.store_scatter(cd_v, [obase + pos], dvs[q], mask=ok)
                    plsc.store_scatter(
                        ci_v, [obase + pos], base + q * 16 + iota16, mask=ok)
                    c = c + jnp.sum(mi)
                return c

            return lax.cond(anyv, heavy, lambda c: c, cnt)

        lax.fori_loop(0, N // (16 * nq), chunk, 0)
        return 0

    pltpu.async_copy(d_hbm.at[r0], d_v.at[0], semA)

    def pair(p, _):
        ra = r0 + 2 * p
        pltpu.async_copy(d_hbm.at[ra + 1], d_v.at[1], semB)
        pltpu.make_async_copy(d_hbm.at[ra], d_v.at[0], semA).wait()
        filter_row(2 * p, 0)
        rn = jnp.minimum(ra + 2, r0 + rpw - 1)
        pltpu.async_copy(d_hbm.at[rn], d_v.at[0], semA)
        pltpu.make_async_copy(
            d_hbm.at[ra + 1], d_v.at[1], semB).wait()
        filter_row(2 * p + 1, 1)
        return 0

    lax.fori_loop(0, rpw // 2, pair, 0)
    pltpu.make_async_copy(d_hbm.at[r0], d_v.at[0], semA).wait()

    pltpu.sync_copy(cd_v, cd_hbm.at[pl.ds(r0 * CAND, rpw * CAND)])
    pltpu.sync_copy(ci_v, ci_hbm.at[pl.ds(r0 * CAND, rpw * CAND)])


def _sc_filter(dflat, tflat):
    nrows = dflat.shape[0]
    rpw = nrows // _NW
    mesh = plsc.VectorSubcoreMesh(core_axis_name="c", subcore_axis_name="s")
    f = functools.partial(
        pl.kernel,
        mesh=mesh,
        compiler_params=pltpu.CompilerParams(needs_layout_passes=False),
        out_type=[
            jax.ShapeDtypeStruct((nrows * CAND,), jnp.float32),
            jax.ShapeDtypeStruct((nrows * CAND,), jnp.int32),
        ],
        scratch_types=[
            pltpu.VMEM((2, N), jnp.float32),
            pltpu.VMEM((rpw * 16,), jnp.float32),
            pltpu.VMEM((rpw * CAND,), jnp.float32),
            pltpu.VMEM((rpw * CAND,), jnp.int32),
            pltpu.SemaphoreType.DMA,
            pltpu.SemaphoreType.DMA,
        ],
    )(functools.partial(_sc_filter_kernel, rpw))
    return f(dflat, tflat)


def _sel_kernel(cd_ref, ci_ref, idx_ref):
    ic = ci_ref[0]
    colK = lax.broadcasted_iota(jnp.int32, (M, K), 1)

    def body(s, dc):
        minv = jnp.min(dc, axis=1, keepdims=True)
        sel = jnp.min(jnp.where(dc == minv, ic, N), axis=1, keepdims=True)
        dc = jnp.where((dc == minv) & (ic == sel), _INF, dc)
        idx_ref[0] = jnp.where(colK == s, sel, idx_ref[0])
        return dc

    lax.fori_loop(0, K, body, cd_ref[0])


def _sel(cd, ci):
    return pl.pallas_call(
        _sel_kernel,
        grid=(B,),
        in_specs=[
            pl.BlockSpec((1, M, CAND), lambda b: (b, 0, 0)),
            pl.BlockSpec((1, M, CAND), lambda b: (b, 0, 0)),
        ],
        out_specs=pl.BlockSpec((1, M, K), lambda b: (b, 0, 0)),
        out_shape=jax.ShapeDtypeStruct((B, M, K), jnp.int32),
    )(cd, ci)


_NC, _NS = 2, 16
_NW = _NC * _NS
_ROWS = B * M * K // _NW
_TPB = _NW // B
_D = 16


def _sc_gather_kernel(xpad_hbm, idx_hbm, out_hbm, idx_v, rows_v, sem):
    wid = lax.axis_index("s") * _NC + lax.axis_index("c")
    b = wid // _TPB
    base = b * (M * K) + (wid % _TPB) * _ROWS
    pltpu.sync_copy(idx_hbm.at[pl.ds(base, _ROWS)], idx_v)
    bn = b * N

    def body(j, _):
        idx_v[pl.ds(j * 16, 16)] = idx_v[pl.ds(j * 16, 16)] + bn
        return 0

    lax.fori_loop(0, _ROWS // 16, body, 0)
    pltpu.async_copy(xpad_hbm.at[idx_v], rows_v, sem).wait()
    pltpu.sync_copy(rows_v, out_hbm.at[pl.ds(base, _ROWS)])


def _sc_gather(xpad, idxf):
    mesh = plsc.VectorSubcoreMesh(core_axis_name="c", subcore_axis_name="s")
    f = functools.partial(
        pl.kernel,
        mesh=mesh,
        compiler_params=pltpu.CompilerParams(use_tc_tiling_on_sc=False),
        out_type=jax.ShapeDtypeStruct((B * M * K, _D), jnp.float32),
        scratch_types=[
            pltpu.VMEM((_ROWS,), jnp.int32),
            pltpu.VMEM((_ROWS, _D), jnp.float32),
            pltpu.SemaphoreType.DMA,
        ],
    )(_sc_gather_kernel)
    return f(xpad, idxf)


def kernel(x):
    x0 = x[:, :, 0]
    x1 = x[:, :, 1]
    x2 = x[:, :, 2]
    c0, c1, c2 = _fps(x0, x1, x2)
    cds, cis = [], []
    for h in range(4):
        sl = slice(h * (B // 4), (h + 1) * (B // 4))
        dm, tm = _dist(
            x0[sl, None, :], x1[sl, None, :], x2[sl, None, :],
            c0[sl, :, None], c1[sl, :, None], c2[sl, :, None],
        )
        cdh, cih = _sc_filter(dm.reshape(B // 4 * M, N), tm.reshape(-1))
        cds.append(cdh)
        cis.append(cih)
    cd = jnp.concatenate(cds)
    ci = jnp.concatenate(cis)
    idx = _sel(
        cd.reshape(B, M, CAND), ci.reshape(B, M, CAND)
    )
    xpad = jnp.pad(x.reshape(B * N, 3), ((0, 0), (0, _D - 3)))
    out = _sc_gather(xpad, idx.reshape(-1))
    return out[:, :3].reshape(B, M, K, 3)

# --- scband reference (transcript-rebuilt; emitter-appended) ---
"""Pipeline reference for scband-patchify3-d-37546604101805 (READ-ONLY COPY).

The authoritative reference and input builder live on the scoring server;
editing this copy changes nothing except your own understanding.
"""

import jax, jax.numpy as jnp
import numpy as np

NUM_PATCHES = 256
PATCH_SIZE = 32


def farthest_point_sampling(x, m):
    B, N, _ = x.shape
    def body(i, state):
        idxs, dist, farthest = state
        idxs = idxs.at[:, i].set(farthest)
        centroid = jnp.take_along_axis(x, farthest[:, None, None].astype(jnp.int32), axis=1)  # [B,1,3]
        d = jnp.sum((x - centroid) ** 2, axis=-1)  # [B,N]
        dist = jnp.minimum(dist, d)
        farthest = jnp.argmax(dist, axis=1).astype(jnp.int32)
        return (idxs, dist, farthest)
    idxs0 = jnp.zeros((B, m), dtype=jnp.int32)
    dist0 = jnp.full((B, N), 1e10, dtype=x.dtype)
    far0 = jnp.zeros((B,), dtype=jnp.int32)
    idxs, _, _ = jax.lax.fori_loop(0, m, body, (idxs0, dist0, far0))
    return jax.lax.stop_gradient(idxs)


def knn_group(x, centers, k):
    # squared distances centers -> all points: [B, m, N]
    d = jnp.sum((centers[:, :, None, :] - x[:, None, :, :]) ** 2, axis=-1)
    _, idx = jax.lax.top_k(-d, k)  # [B, m, k], k nearest neighbors
    idx = jax.lax.stop_gradient(idx)
    # gather neighbor coordinates: [B, m, k, 3]
    patches = jnp.take_along_axis(x[:, None, :, :], idx[..., None], axis=2)
    return patches


def setup_inputs(seed: int = 0) -> dict:
    key = jax.random.key(seed)
    x = jax.random.normal(key, (8, 8192, 3), dtype=jnp.float32)
    return {"x": x}


def reference(x) -> jnp.ndarray:
    idxs = farthest_point_sampling(x, NUM_PATCHES)
    centers = jnp.take_along_axis(x, idxs[..., None], axis=1)  # [B, m, 3]
    patches = knn_group(x, centers, PATCH_SIZE)  # [B, m, k, 3]
    return patches

if __name__ == "__main__":
    import jax
    _d = setup_inputs()
    print(jax.jit(kernel)(*tuple(_d.values())))

</pallas_src>

<mosaic_0001>
#map = affine_map<(d0, d1) -> (0, 0)>
#map1 = affine_map<(d0, d1) -> (0)>
module attributes {stable_mosaic.version = 14 : i64} {
  func.func @_sc_filter_kernel(%arg0: i32, %arg1: i32, %arg2: memref<512x8192xf32, #tpu.memory_space<hbm>>, %arg3: memref<8192xf32, #tpu.memory_space<hbm>>, %arg4: memref<65536xf32, #tpu.memory_space<hbm>>, %arg5: memref<65536xi32, #tpu.memory_space<hbm>>, %arg6: memref<2x8192xf32, #tpu.memory_space<vmem>>, %arg7: memref<256xf32, #tpu.memory_space<vmem>>, %arg8: memref<2048xf32, #tpu.memory_space<vmem>>, %arg9: memref<2048xi32, #tpu.memory_space<vmem>>, %arg10: memref<!tpu.dma_semaphore, #tpu.memory_space<semaphore_mem>>, %arg11: memref<!tpu.dma_semaphore, #tpu.memory_space<semaphore_mem>>) attributes {dimension_semantics = [#tpu.dimension_semantics<core_parallel>, #tpu.dimension_semantics<subcore_parallel>], iteration_bounds = array<i64: 2, 16>, scalar_prefetch = 0 : i64, scratch_operands = 6 : i64, tpu.core_type = #tpu.core_type<sc_vector_subcore>, window_params = [{transform_indices = #map}, {transform_indices = #map1}, {transform_indices = #map1}, {transform_indices = #map1}]} {
    %mul3A = arith.constant 2 : i32
    %mul3A_0 = arith.muli %arg1, %mul3A : i32
    %add3A = arith.addi %mul3A_0, %arg0 : i32
    %mul3A_1 = arith.constant 16 : i32
    %mul3A_2 = arith.muli %add3A, %mul3A_1 : i32
    %broadcast_in_dim3A = arith.constant 3.000000e+38 : f32
    %broadcast_in_dim3A_3 = vector.broadcast %broadcast_in_dim3A : f32 to vector<16xf32>
    %iota3A = tpu.iota {dimensions = array<i32: 0>} : vector<16xi32>
    %mul3A_4 = arith.constant 16 : i32
    %mul3A_5 = arith.muli %mul3A_2, %mul3A_4 : i32
    "tpu.region"() ({
      %run_scoped3A = tpu.sem_alloc : memref<!tpu.dma_semaphore, #tpu.memory_space<semaphore_mem>>
      %dma_start3A_47 = tpu.memref_slice %arg3[%mul3A_5] : memref<8192xf32, #tpu.memory_space<hbm>> -> memref<256xf32, #tpu.memory_space<hbm>>
      %dma_start3A_48 = tpu.memref_slice %arg3[%mul3A_5] : memref<8192xf32, #tpu.memory_space<hbm>> -> memref<256xf32, #tpu.memory_space<hbm>>
      tpu.enqueue_dma source(%dma_start3A_48 : memref<256xf32, #tpu.memory_space<hbm>>) target(%arg7 : memref<256xf32, #tpu.memory_space<vmem>>) target_semaphore(%run_scoped3A : memref<!tpu.dma_semaphore, #tpu.memory_space<semaphore_mem>>)
      %dma_wait3A_49 = tpu.memref_slice %arg3[%mul3A_5] : memref<8192xf32, #tpu.memory_space<hbm>> -> memref<256xf32, #tpu.memory_space<hbm>>
      %dma_wait3A_50 = tpu.memref_slice %arg3[%mul3A_5] : memref<8192xf32, #tpu.memory_space<hbm>> -> memref<256xf32, #tpu.memory_space<hbm>>
      tpu.wait_dma2 semaphore(%run_scoped3A : memref<!tpu.dma_semaphore, #tpu.memory_space<semaphore_mem>>) src(%dma_wait3A_50 : memref<256xf32, #tpu.memory_space<hbm>>) dst(%arg7 : memref<256xf32, #tpu.memory_space<vmem>>)
      tpu.yield
    }) : () -> ()
    %scan3A = arith.constant 0 : i32
    %scan3A_6 = arith.constant 0 : i32
    %scan3A_7 = arith.constant 128 : i32
    %scan3A_8 = arith.addi %scan3A_6, %scan3A_7 : i32
    %scan3A_9 = arith.constant 1 : i32
    %scan3A_10 = scf.for %scan3A_47 = %scan3A_6 to %scan3A_8 step %scan3A_9 iter_args(%scan3A_48 = %scan3A) -> (i32)  : i32 {
      %mul3A_49 = arith.constant 16 : i32
      %mul3A_50 = arith.muli %scan3A_47, %mul3A_49 : i32
      %swap3A = arith.index_cast %mul3A_50 : i32 to index
      %swap3A_51 = tpu.vector_load %arg8[%swap3A] {strides = array<i32>} : memref<2048xf32, #tpu.memory_space<vmem>>, vector<16xf32>,
      tpu.vector_store %arg8[%swap3A], %broadcast_in_dim3A_3 {strides = array<i32>} : memref<2048xf32, #tpu.memory_space<vmem>>, vector<16xf32>,
      %scan3A_52 = arith.constant 0 : i32
      scf.yield %scan3A_52 : i32
    }
    %scan3A_11 = arith.constant 128 : i32
    %dma_start3A = arith.constant 0 : i32
    %dma_start3A_12 = arith.constant 0 : i32
    %dma_start3A_13 = tpu.memref_slice %arg6[%dma_start3A, %dma_start3A_12] : memref<2x8192xf32, #tpu.memory_space<vmem>> -> memref<1x8192xf32, #tpu.memory_space<vmem>>
    %dma_start3A_14 = tpu.memref_squeeze %dma_start3A_13 : memref<1x8192xf32, #tpu.memory_space<vmem>> -> memref<8192xf32, #tpu.memory_space<vmem>>
    %dma_start3A_15 = arith.constant 0 : i32
    %dma_start3A_16 = tpu.memref_slice %arg2[%mul3A_2, %dma_start3A_15] : memref<512x8192xf32, #tpu.memory_space<hbm>> -> memref<1x8192xf32, #tpu.memory_space<hbm>>
    %dma_start3A_17 = tpu.memref_squeeze %dma_start3A_16 : memref<1x8192xf32, #tpu.memory_space<hbm>> -> memref<8192xf32, #tpu.memory_space<hbm>>
    %dma_start3A_18 = arith.constant 0 : i32
    %dma_start3A_19 = tpu.memref_slice %arg6[%dma_start3A, %dma_start3A_18] : memref<2x8192xf32, #tpu.memory_space<vmem>> -> memref<1x8192xf32, #tpu.memory_space<vmem>>
    %dma_start3A_20 = tpu.memref_squeeze %dma_start3A_19 : memref<1x8192xf32, #tpu.memory_space<vmem>> -> memref<8192xf32, #tpu.memory_space<vmem>>
    %dma_start3A_21 = arith.constant 0 : i32
    %dma_start3A_22 = tpu.memref_slice %arg2[%mul3A_2, %dma_start3A_21] : memref<512x8192xf32, #tpu.memory_space<hbm>> -> memref<1x8192xf32, #tpu.memory_space<hbm>>
    %dma_start3A_23 = tpu.memref_squeeze %dma_start3A_22 : memref<1x8192xf32, #tpu.memory_space<hbm>> -> memref<8192xf32, #tpu.memory_space<hbm>>
    tpu.enqueue_dma source(%dma_start3A_23 : memref<8192xf32, #tpu.memory_space<hbm>>) target(%dma_start3A_20 : memref<8192xf32, #tpu.memory_space<vmem>>) target_semaphore(%arg10 : memref<!tpu.dma_semaphore, #tpu.memory_space<semaphore_mem>>)
    %scan3A_24 = arith.constant 0 : i32
    %scan3A_25 = arith.constant 0 : i32
    %scan3A_26 = arith.constant 8 : i32
    %scan3A_27 = arith.addi %scan3A_25, %scan3A_26 : i32
    %scan3A_28 = arith.constant 1 : i32
    %scan3A_29 = scf.for %scan3A_47 = %scan3A_25 to %scan3A_27 step %scan3A_28 iter_args(%scan3A_48 = %scan3A_24) -> (i32)  : i32 {
      %mul3A_49 = arith.constant 2 : i32
      %mul3A_50 = arith.muli %mul3A_49, %scan3A_47 : i32
      %add3A_51 = arith.addi %mul3A_2, %mul3A_50 : i32
      %add3A_52 = arith.constant 1 : i32
      %add3A_53 = arith.addi %add3A_51, %add3A_52 : i32
      %dma_start3A_54 = arith.constant 1 : i32
      %dma_start3A_55 = arith.constant 0 : i32
      %dma_start3A_56 = tpu.memref_slice %arg6[%dma_start3A_54, %dma_start3A_55] : memref<2x8192xf32, #tpu.memory_space<vmem>> -> memref<1x8192xf32, #tpu.memory_space<vmem>>
      %dma_start3A_57 = tpu.memref_squeeze %dma_start3A_56 : memref<1x8192xf32, #tpu.memory_space<vmem>> -> memref<8192xf32, #tpu.memory_space<vmem>>
      %dma_start3A_58 = arith.constant 0 : i32
      %dma_start3A_59 = tpu.memref_slice %arg2[%add3A_53, %dma_start3A_58] : memref<512x8192xf32, #tpu.memory_space<hbm>> -> memref<1x8192xf32, #tpu.memory_space<hbm>>
      %dma_start3A_60 = tpu.memref_squeeze %dma_start3A_59 : memref<1x8192xf32, #tpu.memory_space<hbm>> -> memref<8192xf32, #tpu.memory_space<hbm>>
      %dma_start3A_61 = arith.constant 0 : i32
      %dma_start3A_62 = tpu.memref_slice %arg6[%dma_start3A_54, %dma_start3A_61] : memref<2x8192xf32, #tpu.memory_space<vmem>> -> memref<1x8192xf32, #tpu.memory_space<vmem>>
      %dma_start3A_63 = tpu.memref_squeeze %dma_start3A_62 : memref<1x8192xf32, #tpu.memory_space<vmem>> -> memref<8192xf32, #tpu.memory_space<vmem>>
      %dma_start3A_64 = arith.constant 0 : i32
      %dma_start3A_65 = tpu.memref_slice %arg2[%add3A_53, %dma_start3A_64] : memref<512x8192xf32, #tpu.memory_space<hbm>> -> memref<1x8192xf32, #tpu.memory_space<hbm>>
      %dma_start3A_66 = tpu.memref_squeeze %dma_start3A_65 : memref<1x8192xf32, #tpu.memory_space<hbm>> -> memref<8192xf32, #tpu.memory_space<hbm>>
      tpu.enqueue_dma source(%dma_start3A_66 : memref<8192xf32, #tpu.memory_space<hbm>>) target(%dma_start3A_63 : memref<8192xf32, #tpu.memory_space<vmem>>) target_semaphore(%arg11 : memref<!tpu.dma_semaphore, #tpu.memory_space<semaphore_mem>>)
      %dma_wait3A_67 = arith.constant 0 : i32
      %dma_wait3A_68 = arith.constant 0 : i32
      %dma_wait3A_69 = tpu.memref_slice %arg6[%dma_wait3A_67, %dma_wait3A_68] : memref<2x8192xf32, #tpu.memory_space<vmem>> -> memref<1x8192xf32, #tpu.memory_space<vmem>>
      %dma_wait3A_70 = tpu.memref_squeeze %dma_wait3A_69 : memref<1x8192xf32, #tpu.memory_space<vmem>> -> memref<8192xf32, #tpu.memory_space<vmem>>
      %dma_wait3A_71 = arith.constant 0 : i32
      %dma_wait3A_72 = tpu.memref_slice %arg2[%add3A_51, %dma_wait3A_71] : memref<512x8192xf32, #tpu.memory_space<hbm>> -> memref<1x8192xf32, #tpu.memory_space<hbm>>
      %dma_wait3A_73 = tpu.memref_squeeze %dma_wait3A_72 : memref<1x8192xf32, #tpu.memory_space<hbm>> -> memref<8192xf32, #tpu.memory_space<hbm>>
      %dma_wait3A_74 = arith.constant 0 : i32
      %dma_wait3A_75 = tpu.memref_slice %arg6[%dma_wait3A_67, %dma_wait3A_74] : memref<2x8192xf32, #tpu.memory_space<vmem>> -> memref<1x8192xf32, #tpu.memory_space<vmem>>
      %dma_wait3A_76 = tpu.memref_squeeze %dma_wait3A_75 : memref<1x8192xf32, #tpu.memory_space<vmem>> -> memref<8192xf32, #tpu.memory_space<vmem>>
      %dma_wait3A_77 = arith.constant 0 : i32
      %dma_wait3A_78 = tpu.memref_slice %arg2[%add3A_51, %dma_wait3A_77] : memref<512x8192xf32, #tpu.memory_space<hbm>> -> memref<1x8192xf32, #tpu.memory_space<hbm>>
      %dma_wait3A_79 = tpu.memref_squeeze %dma_wait3A_78 : memref<1x8192xf32, #tpu.memory_space<hbm>> -> memref<8192xf32, #tpu.memory_space<hbm>>
      tpu.wait_dma2 semaphore(%arg10 : memref<!tpu.dma_semaphore, #tpu.memory_space<semaphore_mem>>) src(%dma_wait3A_79 : memref<8192xf32, #tpu.memory_space<hbm>>) dst(%dma_wait3A_76 : memref<8192xf32, #tpu.memory_space<vmem>>)
      %mul3A_80 = arith.constant 2 : i32
      %mul3A_81 = arith.muli %mul3A_80, %scan3A_47 : i32
      %mul3A_82 = arith.constant 16 : i32
      %mul3A_83 = arith.muli %mul3A_81, %mul3A_82 : i32
      %get3A = arith.index_cast %mul3A_83 : i32 to index
      %get3A_84 = tpu.vector_load %arg7[%get3A] {strides = array<i32>} : memref<256xf32, #tpu.memory_space<vmem>>, vector<16xf32>,
      %mul3A_85 = arith.constant 128 : i32
      %mul3A_86 = arith.muli %mul3A_81, %mul3A_85 : i32
      %scan3A_87 = arith.constant 0 : i32
      %scan3A_88 = arith.constant 0 : i32
      %scan3A_89 = arith.constant 64 : i32
      %scan3A_90 = arith.addi %scan3A_88, %scan3A_89 : i32
      %scan3A_91 = arith.constant 1 : i32
      %scan3A_92 = scf.for %scan3A_145 = %scan3A_88 to %scan3A_90 step %scan3A_91 iter_args(%scan3A_146 = %scan3A_87) -> (i32)  : i32 {
        %mul3A_147 = arith.constant 128 : i32
        %mul3A_148 = arith.muli %scan3A_145, %mul3A_147 : i32
        %add3A_149 = arith.constant 0 : i32
        %add3A_150 = arith.addi %mul3A_148, %add3A_149 : i32
        %get3A_151 = arith.constant 0 : i32
        %get3A_152 = arith.index_cast %get3A_151 : i32 to index
        %get3A_153 = arith.index_cast %add3A_150 : i32 to index
        %get3A_154 = tpu.vector_load %arg6[%get3A_152, %get3A_153] {strides = array<i32>} : memref<2x8192xf32, #tpu.memory_space<vmem>>, vector<16xf32>,
        %add3A_155 = arith.constant 16 : i32
        %add3A_156 = arith.addi %mul3A_148, %add3A_155 : i32
        %get3A_157 = arith.constant 0 : i32
        %get3A_158 = arith.index_cast %get3A_157 : i32 to index
        %get3A_159 = arith.index_cast %add3A_156 : i32 to index
        %get3A_160 = tpu.vector_load %arg6[%get3A_158, %get3A_159] {strides = array<i32>} : memref<2x8192xf32, #tpu.memory_space<vmem>>, vector<16xf32>,
        %add3A_161 = arith.constant 32 : i32
        %add3A_162 = arith.addi %mul3A_148, %add3A_161 : i32
        %get3A_163 = arith.constant 0 : i32
        %get3A_164 = arith.index_cast %get3A_163 : i32 to index
        %get3A_165 = arith.index_cast %add3A_162 : i32 to index
        %get3A_166 = tpu.vector_load %arg6[%get3A_164, %get3A_165] {strides = array<i32>} : memref<2x8192xf32, #tpu.memory_space<vmem>>, vector<16xf32>,
        %add3A_167 = arith.constant 48 : i32
        %add3A_168 = arith.addi %mul3A_148, %add3A_167 : i32
        %get3A_169 = arith.constant 0 : i32
        %get3A_170 = arith.index_cast %get3A_169 : i32 to index
        %get3A_171 = arith.index_cast %add3A_168 : i32 to index
        %get3A_172 = tpu.vector_load %arg6[%get3A_170, %get3A_171] {strides = array<i32>} : memref<2x8192xf32, #tpu.memory_space<vmem>>, vector<16xf32>,
        %add3A_173 = arith.constant 64 : i32
        %add3A_174 = arith.addi %mul3A_148, %add3A_173 : i32
        %get3A_175 = arith.constant 0 : i32
        %get3A_176 = arith.index_cast %get3A_175 : i32 to index
        %get3A_177 = arith.index_cast %add3A_174 : i32 to index
        %get3A_178 = tpu.vector_load %arg6[%get3A_176, %get3A_177] {strides = array<i32>} : memref<2x8192xf32, #tpu.memory_space<vmem>>, vector<16xf32>,
        %add3A_179 = arith.constant 80 : i32
        %add3A_180 = arith.addi %mul3A_148, %add3A_179 : i32
        %get3A_181 = arith.constant 0 : i32
        %get3A_182 = arith.index_cast %get3A_181 : i32 to index
        %get3A_183 = arith.index_cast %add3A_180 : i32 to index
        %get3A_184 = tpu.vector_load %arg6[%get3A_182, %get3A_183] {strides = array<i32>} : memref<2x8192xf32, #tpu.memory_space<vmem>>, vector<16xf32>,
        %add3A_185 = arith.constant 96 : i32
        %add3A_186 = arith.addi %mul3A_148, %add3A_185 : i32
        %get3A_187 = arith.constant 0 : i32
        %get3A_188 = arith.index_cast %get3A_187 : i32 to index
        %get3A_189 = arith.index_cast %add3A_186 : i32 to index
        %get3A_190 = tpu.vector_load %arg6[%get3A_188, %get3A_189] {strides = array<i32>} : memref<2x8192xf32, #tpu.memory_space<vmem>>, vector<16xf32>,
        %add3A_191 = arith.constant 112 : i32
        %add3A_192 = arith.addi %mul3A_148, %add3A_191 : i32
        %get3A_193 = arith.constant 0 : i32
        %get3A_194 = arith.index_cast %get3A_193 : i32 to index
        %get3A_195 = arith.index_cast %add3A_192 : i32 to index
        %get3A_196 = tpu.vector_load %arg6[%get3A_194, %get3A_195] {strides = array<i32>} : memref<2x8192xf32, #tpu.memory_space<vmem>>, vector<16xf32>,
        %le3A = arith.cmpf ole, %get3A_154, %get3A_84 : vector<16xf32>
        %le3A_197 = arith.cmpf ole, %get3A_160, %get3A_84 : vector<16xf32>
        %le3A_198 = arith.cmpf ole, %get3A_166, %get3A_84 : vector<16xf32>
        %le3A_199 = arith.cmpf ole, %get3A_172, %get3A_84 : vector<16xf32>
        %le3A_200 = arith.cmpf ole, %get3A_178, %get3A_84 : vector<16xf32>
        %le3A_201 = arith.cmpf ole, %get3A_184, %get3A_84 : vector<16xf32>
        %le3A_202 = arith.cmpf ole, %get3A_190, %get3A_84 : vector<16xf32>
        %le3A_203 = arith.cmpf ole, %get3A_196, %get3A_84 : vector<16xf32>
        %or3A = arith.ori %le3A, %le3A_197 : vector<16xi1>
        %or3A_204 = arith.ori %or3A, %le3A_198 : vector<16xi1>
        %or3A_205 = arith.ori %or3A_204, %le3A_199 : vector<16xi1>
        %or3A_206 = arith.ori %or3A_205, %le3A_200 : vector<16xi1>
        %or3A_207 = arith.ori %or3A_206, %le3A_201 : vector<16xi1>
        %or3A_208 = arith.ori %or3A_207, %le3A_202 : vector<16xi1>
        %or3A_209 = arith.ori %or3A_208, %le3A_203 : vector<16xi1>
        %all_reduce_population_count3A = tpu.all_reduce %or3A_209 {dim = 0 : i64, kind = #tpu.reduction_kind<sum>} : vector<16xi1> -> vector<16xi32>
        %slice3A = vector.extract_strided_slice %all_reduce_population_count3A {offsets = [0], sizes = [1], strides = [1]} : vector<16xi32> to vector<1xi32>
        %squeeze3A = vector.extract %slice3A[0] : i32 from vector<1xi32>
        %ne3A = arith.constant 0 : i32
        %ne3A_210 = arith.cmpi ne, %squeeze3A, %ne3A : i32
        %convert_element_type3A = arith.extui %ne3A_210 : i1 to i32
        %cond3A = arith.constant 0 : i32
        %cond3A_211 = arith.cmpi ne, %convert_element_type3A, %cond3A : i32
        %cond3A_212 = scf.if %cond3A_211 -> (i32) {
          %convert_element_type3A_213 = arith.extui %le3A : vector<16xi1> to vector<16xi32>
          %broadcast_in_dim3A_214 = arith.constant true
          %broadcast_in_dim3A_215 = vector.broadcast %broadcast_in_dim3A_214 : i1 to vector<16xi1>
          %masked_cumsum3A = tpu.scan <sum>, %convert_element_type3A_213 masked %broadcast_in_dim3A_215 : vector<16xi32>, vector<16xi1> -> vector<16xi32>
          %add3A_216 = vector.broadcast %scan3A_146 : i32 to vector<16xi32>
          %add3A_217 = arith.addi %add3A_216, %masked_cumsum3A : vector<16xi32>
          %sub3A_218 = arith.constant 1 : i32
          %sub3A_219 = vector.broadcast %sub3A_218 : i32 to vector<16xi32>
          %sub3A_220 = arith.subi %add3A_217, %sub3A_219 : vector<16xi32>
          %lt3A = arith.constant 128 : i32
          %lt3A_221 = vector.broadcast %lt3A : i32 to vector<16xi32>
          %lt3A_222 = arith.cmpi slt, %sub3A_220, %lt3A_221 : vector<16xi32>
          %and3A = arith.andi %le3A, %lt3A_222 : vector<16xi1>
          %add3A_223 = vector.broadcast %mul3A_86 : i32 to vector<16xi32>
          %add3A_224 = arith.addi %add3A_223, %sub3A_220 : vector<16xi32>
          tpu.vector_store_idx %arg8[%add3A_224], %get3A_154 masked %and3A : memref<2048xf32, #tpu.memory_space<vmem>>[vector<16xi32>], vector<16xf32>, vector<16xi1>
          %add3A_225 = vector.broadcast %mul3A_86 : i32 to vector<16xi32>
          %add3A_226 = arith.addi %add3A_225, %sub3A_220 : vector<16xi32>
          %add3A_227 = arith.constant 0 : i32
          %add3A_228 = arith.addi %mul3A_148, %add3A_227 : i32
          %add3A_229 = vector.broadcast %add3A_228 : i32 to vector<16xi32>
          %add3A_230 = arith.addi %add3A_229, %iota3A : vector<16xi32>
          tpu.vector_store_idx %arg9[%add3A_226], %add3A_230 masked %and3A : memref<2048xi32, #tpu.memory_space<vmem>>[vector<16xi32>], vector<16xi32>, vector<16xi1>
          %reduce_sum3A = arith.constant true
          %reduce_sum3A_231 = vector.broadcast %reduce_sum3A : i1 to vector<16xi1>
          %reduce_sum3A_232 = tpu.scan <sum>, %convert_element_type3A_213 masked %reduce_sum3A_231 : vector<16xi32>, vector<16xi1> -> vector<16xi32>
          %reduce_sum3A_233 = vector.extract %reduce_sum3A_232[15] : i32 from vector<16xi32>
          %add3A_234 = arith.addi %scan3A_146, %reduce_sum3A_233 : i32
          %convert_element_type3A_235 = arith.extui %le3A_197 : vector<16xi1> to vector<16xi32>
          %broadcast_in_dim3A_236 = arith.constant true
          %broadcast_in_dim3A_237 = vector.broadcast %broadcast_in_dim3A_236 : i1 to vector<16xi1>
          %masked_cumsum3A_238 = tpu.scan <sum>, %convert_element_type3A_235 masked %broadcast_in_dim3A_237 : vector<16xi32>, vector<16xi1> -> vector<16xi32>
          %add3A_239 = vector.broadcast %add3A_234 : i32 to vector<16xi32>
          %add3A_240 = arith.addi %add3A_239, %masked_cumsum3A_238 : vector<16xi32>
          %sub3A_241 = arith.constant 1 : i32
          %sub3A_242 = vector.broadcast %sub3A_241 : i32 to vector<16xi32>
          %sub3A_243 = arith.subi %add3A_240, %sub3A_242 : vector<16xi32>
          %lt3A_244 = arith.constant 128 : i32
          %lt3A_245 = vector.broadcast %lt3A_244 : i32 to vector<16xi32>
          %lt3A_246 = arith.cmpi slt, %sub3A_243, %lt3A_245 : vector<16xi32>
          %and3A_247 = arith.andi %le3A_197, %lt3A_246 : vector<16xi1>
          %add3A_248 = vector.broadcast %mul3A_86 : i32 to vector<16xi32>
          %add3A_249 = arith.addi %add3A_248, %sub3A_243 : vector<16xi32>
          tpu.vector_store_idx %arg8[%add3A_249], %get3A_160 masked %and3A_247 : memref<2048xf32, #tpu.memory_space<vmem>>[vector<16xi32>], vector<16xf32>, vector<16xi1>
          %add3A_250 = vector.broadcast %mul3A_86 : i32 to vector<16xi32>
          %add3A_251 = arith.addi %add3A_250, %sub3A_243 : vector<16xi32>
          %add3A_252 = arith.constant 16 : i32
          %add3A_253 = arith.addi %mul3A_148, %add3A_252 : i32
          %add3A_254 = vector.broadcast %add3A_253 : i32 to vector<16xi32>
          %add3A_255 = arith.addi %add3A_254, %iota3A : vector<16xi32>
          tpu.vector_store_idx %arg9[%add3A_251], %add3A_255 masked %and3A_247 : memref<2048xi32, #tpu.memory_space<vmem>>[vector<16xi32>], vector<16xi32>, vector<16xi1>
          %reduce_sum3A_256 = arith.constant true
          %reduce_sum3A_257 = vector.broadcast %reduce_sum3A_256 : i1 to vector<16xi1>
          %reduce_sum3A_258 = tpu.scan <sum>, %convert_element_type3A_235 masked %reduce_sum3A_257 : vector<16xi32>, vector<16xi1> -> vector<16xi32>
          %reduce_sum3A_259 = vector.extract %reduce_sum3A_258[15] : i32 from vector<16xi32>
          %add3A_260 = arith.addi %add3A_234, %reduce_sum3A_259 : i32
          %convert_element_type3A_261 = arith.extui %le3A_198 : vector<16xi1> to vector<16xi32>
          %broadcast_in_dim3A_262 = arith.constant true
          %broadcast_in_dim3A_263 = vector.broadcast %broadcast_in_dim3A_262 : i1 to vector<16xi1>
          %masked_cumsum3A_264 = tpu.scan <sum>, %convert_element_type3A_261 masked %broadcast_in_dim3A_263 : vector<16xi32>, vector<16xi1> -> vector<16xi32>
          %add3A_265 = vector.broadcast %add3A_260 : i32 to vector<16xi32>
          %add3A_266 = arith.addi %add3A_265, %masked_cumsum3A_264 : vector<16xi32>
          %sub3A_267 = arith.constant 1 : i32
          %sub3A_268 = vector.broadcast %sub3A_267 : i32 to vector<16xi32>
          %sub3A_269 = arith.subi %add3A_266, %sub3A_268 : vector<16xi32>
          %lt3A_270 = arith.constant 128 : i32
          %lt3A_271 = vector.broadcast %lt3A_270 : i32 to vector<16xi32>
          %lt3A_272 = arith.cmpi slt, %sub3A_269, %lt3A_271 : vector<16xi32>
          %and3A_273 = arith.andi %le3A_198, %lt3A_272 : vector<16xi1>
          %add3A_274 = vector.broadcast %mul3A_86 : i32 to vector<16xi32>
          %add3A_275 = arith.addi %add3A_274, %sub3A_269 : vector<16xi32>
          tpu.vector_store_idx %arg8[%add3A_275], %get3A_166 masked %and3A_273 : memref<2048xf32, #tpu.memory_space<vmem>>[vector<16xi32>], vector<16xf32>, vector<16xi1>
          %add3A_276 = vector.broadcast %mul3A_86 : i32 to vector<16xi32>
          %add3A_277 = arith.addi %add3A_276, %sub3A_269 : vector<16xi32>
          %add3A_278 = arith.constant 32 : i32
          %add3A_279 = arith.addi %mul3A_148, %add3A_278 : i32
          %add3A_280 = vector.broadcast %add3A_279 : i32 to vector<16xi32>
          %add3A_281 = arith.addi %add3A_280, %iota3A : vector<16xi32>
          tpu.vector_store_idx %arg9[%add3A_277], %add3A_281 masked %and3A_273 : memref<2048xi32, #tpu.memory_space<vmem>>[vector<16xi32>], vector<16xi32>, vector<16xi1>
          %reduce_sum3A_282 = arith.constant true
          %reduce_sum3A_283 = vector.broadcast %reduce_sum3A_282 : i1 to vector<16xi1>
          %reduce_sum3A_284 = tpu.scan <sum>, %convert_element_type3A_261 masked %reduce_sum3A_283 : vector<16xi32>, vector<16xi1> -> vector<16xi32>
          %reduce_sum3A_285 = vector.extract %reduce_sum3A_284[15] : i32 from vector<16xi32>
          %add3A_286 = arith.addi %add3A_260, %reduce_sum3A_285 : i32
          %convert_element_type3A_287 = arith.extui %le3A_199 : vector<16xi1> to vector<16xi32>
          %broadcast_in_dim3A_288 = arith.constant true
          %broadcast_in_dim3A_289 = vector.broadcast %broadcast_in_dim3A_288 : i1 to vector<16xi1>
          %masked_cumsum3A_290 = tpu.scan <sum>, %convert_element_type3A_287 masked %broadcast_in_dim3A_289 : vector<16xi32>, vector<16xi1> -> vector<16xi32>
          %add3A_291 = vector.broadcast %add3A_286 : i32 to vector<16xi32>
          %add3A_292 = arith.addi %add3A_291, %masked_cumsum3A_290 : vector<16xi32>
          %sub3A_293 = arith.constant 1 : i32
          %sub3A_294 = vector.broadcast %sub3A_293 : i32 to vector<16xi32>
          %sub3A_295 = arith.subi %add3A_292, %sub3A_294 : vector<16xi32>
          %lt3A_296 = arith.constant 128 : i32
          %lt3A_297 = vector.broadcast %lt3A_296 : i32 to vector<16xi32>
          %lt3A_298 = arith.cmpi slt, %sub3A_295, %lt3A_297 : vector<16xi32>
          %and3A_299 = arith.andi %le3A_199, %lt3A_298 : vector<16xi1>
          %add3A_300 = vector.broadcast %mul3A_86 : i32 to vector<16xi32>
          %add3A_301 = arith.addi %add3A_300, %sub3A_295 : vector<16xi32>
          tpu.vector_store_idx %arg8[%add3A_301], %get3A_172 masked %and3A_299 : memref<2048xf32, #tpu.memory_space<vmem>>[vector<16xi32>], vector<16xf32>, vector<16xi1>
          %add3A_302 = vector.broadcast %mul3A_86 : i32 to vector<16xi32>
          %add3A_303 = arith.addi %add3A_302, %sub3A_295 : vector<16xi32>
          %add3A_304 = arith.constant 48 : i32
          %add3A_305 = arith.addi %mul3A_148, %add3A_304 : i32
          %add3A_306 = vector.broadcast %add3A_305 : i32 to vector<16xi32>
          %add3A_307 = arith.addi %add3A_306, %iota3A : vector<16xi32>
          tpu.vector_store_idx %arg9[%add3A_303], %add3A_307 masked %and3A_299 : memref<2048xi32, #tpu.memory_space<vmem>>[vector<16xi32>], vector<16xi32>, vector<16xi1>
          %reduce_sum3A_308 = arith.constant true
          %reduce_sum3A_309 = vector.broadcast %reduce_sum3A_308 : i1 to vector<16xi1>
          %reduce_sum3A_310 = tpu.scan <sum>, %convert_element_type3A_287 masked %reduce_sum3A_309 : vector<16xi32>, vector<16xi1> -> vector<16xi32>
          %reduce_sum3A_311 = vector.extract %reduce_sum3A_310[15] : i32 from vector<16xi32>
          %add3A_312 = arith.addi %add3A_286, %reduce_sum3A_311 : i32
          %convert_element_type3A_313 = arith.extui %le3A_200 : vector<16xi1> to vector<16xi32>
          %broadcast_in_dim3A_314 = arith.constant true
          %broadcast_in_dim3A_315 = vector.broadcast %broadcast_in_dim3A_314 : i1 to vector<16xi1>
          %masked_cumsum3A_316 = tpu.scan <sum>, %convert_element_type3A_313 masked %broadcast_in_dim3A_315 : vector<16xi32>, vector<16xi1> -> vector<16xi32>
          %add3A_317 = vector.broadcast %add3A_312 : i32 to vector<16xi32>
          %add3A_318 = arith.addi %add3A_317, %masked_cumsum3A_316 : vector<16xi32>
          %sub3A_319 = arith.constant 1 : i32
          %sub3A_320 = vector.broadcast %sub3A_319 : i32 to vector<16xi32>
          %sub3A_321 = arith.subi %add3A_318, %sub3A_320 : vector<16xi32>
          %lt3A_322 = arith.constant 128 : i32
          %lt3A_323 = vector.broadcast %lt3A_322 : i32 to vector<16xi32>
          %lt3A_324 = arith.cmpi slt, %sub3A_321, %lt3A_323 : vector<16xi32>
          %and3A_325 = arith.andi %le3A_200, %lt3A_324 : vector<16xi1>
          %add3A_326 = vector.broadcast %mul3A_86 : i32 to vector<16xi32>
          %add3A_327 = arith.addi %add3A_326, %sub3A_321 : vector<16xi32>
          tpu.vector_store_idx %arg8[%add3A_327], %get3A_178 masked %and3A_325 : memref<2048xf32, #tpu.memory_space<vmem>>[vector<16xi32>], vector<16xf32>, vector<16xi1>
          %add3A_328 = vector.broadcast %mul3A_86 : i32 to vector<16xi32>
          %add3A_329 = arith.addi %add3A_328, %sub3A_321 : vector<16xi32>
          %add3A_330 = arith.constant 64 : i32
          %add3A_331 = arith.addi %mul3A_148, %add3A_330 : i32
          %add3A_332 = vector.broadcast %add3A_331 : i32 to vector<16xi32>
          %add3A_333 = arith.addi %add3A_332, %iota3A : vector<16xi32>
          tpu.vector_store_idx %arg9[%add3A_329], %add3A_333 masked %and3A_325 : memref<2048xi32, #tpu.memory_space<vmem>>[vector<16xi32>], vector<16xi32>, vector<16xi1>
          %reduce_sum3A_334 = arith.constant true
          %reduce_sum3A_335 = vector.broadcast %reduce_sum3A_334 : i1 to vector<16xi1>
          %reduce_sum3A_336 = tpu.scan <sum>, %convert_element_type3A_313 masked %reduce_sum3A_335 : vector<16xi32>, vector<16xi1> -> vector<16xi32>
          %reduce_sum3A_337 = vector.extract %reduce_sum3A_336[15] : i32 from vector<16xi32>
          %add3A_338 = arith.addi %add3A_312, %reduce_sum3A_337 : i32
          %convert_element_type3A_339 = arith.extui %le3A_201 : vector<16xi1> to vector<16xi32>
          %broadcast_in_dim3A_340 = arith.constant true
          %broadcast_in_dim3A_341 = vector.broadcast %broadcast_in_dim3A_340 : i1 to vector<16xi1>
          %masked_cumsum3A_342 = tpu.scan <sum>, %convert_element_type3A_339 masked %broadcast_in_dim3A_341 : vector<16xi32>, vector<16xi1> -> vector<16xi32>
          %add3A_343 = vector.broadcast %add3A_338 : i32 to vector<16xi32>
          %add3A_344 = arith.addi %add3A_343, %masked_cumsum3A_342 : vector<16xi32>
          %sub3A_345 = arith.constant 1 : i32
          %sub3A_346 = vector.broadcast %sub3A_345 : i32 to vector<16xi32>
          %sub3A_347 = arith.subi %add3A_344, %sub3A_346 : vector<16xi32>
          %lt3A_348 = arith.constant 128 : i32
          %lt3A_349 = vector.broadcast %lt3A_348 : i32 to vector<16xi32>
          %lt3A_350 = arith.cmpi slt, %sub3A_347, %lt3A_349 : vector<16xi32>
          %and3A_351 = arith.andi %le3A_201, %lt3A_350 : vector<16xi1>
          %add3A_352 = vector.broadcast %mul3A_86 : i32 to vector<16xi32>
          %add3A_353 = arith.addi %add3A_352, %sub3A_347 : vector<16xi32>
          tpu.vector_store_idx %arg8[%add3A_353], %get3A_184 masked %and3A_351 : memref<2048xf32, #tpu.memory_space<vmem>>[vector<16xi32>], vector<16xf32>, vector<16xi1>
          %add3A_354 = vector.broadcast %mul3A_86 : i32 to vector<16xi32>
          %add3A_355 = arith.addi %add3A_354, %sub3A_347 : vector<16xi32>
          %add3A_356 = arith.constant 80 : i32
          %add3A_357 = arith.addi %mul3A_148, %add3A_356 : i32
          %add3A_358 = vector.broadcast %add3A_357 : i32 to vector<16xi32>
          %add3A_359 = arith.addi %add3A_358, %iota3A : vector<16xi32>
          tpu.vector_store_idx %arg9[%add3A_355], %add3A_359 masked %and3A_351 : memref<2048xi32, #tpu.memory_space<vmem>>[vector<16xi32>], vector<16xi32>, vector<16xi1>
          %reduce_sum3A_360 = arith.constant true
          %reduce_sum3A_361 = vector.broadcast %reduce_sum3A_360 : i1 to vector<16xi1>
          %reduce_sum3A_362 = tpu.scan <sum>, %convert_element_type3A_339 masked %reduce_sum3A_361 : vector<16xi32>, vector<16xi1> -> vector<16xi32>
          %reduce_sum3A_363 = vector.extract %reduce_sum3A_362[15] : i32 from vector<16xi32>
          %add3A_364 = arith.addi %add3A_338, %reduce_sum3A_363 : i32
          %convert_element_type3A_365 = arith.extui %le3A_202 : vector<16xi1> to vector<16xi32>
          %broadcast_in_dim3A_366 = arith.constant true
          %broadcast_in_dim3A_367 = vector.broadcast %broadcast_in_dim3A_366 : i1 to vector<16xi1>
          %masked_cumsum3A_368 = tpu.scan <sum>, %convert_element_type3A_365 masked %broadcast_in_dim3A_367 : vector<16xi32>, vector<16xi1> -> vector<16xi32>
          %add3A_369 = vector.broadcast %add3A_364 : i32 to vector<16xi32>
          %add3A_370 = arith.addi %add3A_369, %masked_cumsum3A_368 : vector<16xi32>
          %sub3A_371 = arith.constant 1 : i32
          %sub3A_372 = vector.broadcast %sub3A_371 : i32 to vector<16xi32>
          %sub3A_373 = arith.subi %add3A_370, %sub3A_372 : vector<16xi32>
          %lt3A_374 = arith.constant 128 : i32
          %lt3A_375 = vector.broadcast %lt3A_374 : i32 to vector<16xi32>
          %lt3A_376 = arith.cmpi slt, %sub3A_373, %lt3A_375 : vector<16xi32>
          %and3A_377 = arith.andi %le3A_202, %lt3A_376 : vector<16xi1>
          %add3A_378 = vector.broadcast %mul3A_86 : i32 to vector<16xi32>
          %add3A_379 = arith.addi %add3A_378, %sub3A_373 : vector<16xi32>
          tpu.vector_store_idx %arg8[%add3A_379], %get3A_190 masked %and3A_377 : memref<2048xf32, #tpu.memory_space<vmem>>[vector<16xi32>], vector<16xf32>, vector<16xi1>
          %add3A_380 = vector.broadcast %mul3A_86 : i32 to vector<16xi32>
          %add3A_381 = arith.addi %add3A_380, %sub3A_373 : vector<16xi32>
          %add3A_382 = arith.constant 96 : i32
          %add3A_383 = arith.addi %mul3A_148, %add3A_382 : i32
          %add3A_384 = vector.broadcast %add3A_383 : i32 to vector<16xi32>
          %add3A_385 = arith.addi %add3A_384, %iota3A : vector<16xi32>
          tpu.vector_store_idx %arg9[%add3A_381], %add3A_385 masked %and3A_377 : memref<2048xi32, #tpu.memory_space<vmem>>[vector<16xi32>], vector<16xi32>, vector<16xi1>
          %reduce_sum3A_386 = arith.constant true
          %reduce_sum3A_387 = vector.broadcast %reduce_sum3A_386 : i1 to vector<16xi1>
          %reduce_sum3A_388 = tpu.scan <sum>, %convert_element_type3A_365 masked %reduce_sum3A_387 : vector<16xi32>, vector<16xi1> -> vector<16xi32>
          %reduce_sum3A_389 = vector.extract %reduce_sum3A_388[15] : i32 from vector<16xi32>
          %add3A_390 = arith.addi %add3A_364, %reduce_sum3A_389 : i32
          %convert_element_type3A_391 = arith.extui %le3A_203 : vector<16xi1> to vector<16xi32>
          %broadcast_in_dim3A_392 = arith.constant true
          %broadcast_in_dim3A_393 = vector.broadcast %broadcast_in_dim3A_392 : i1 to vector<16xi1>
          %masked_cumsum3A_394 = tpu.scan <sum>, %convert_element_type3A_391 masked %broadcast_in_dim3A_393 : vector<16xi32>, vector<16xi1> -> vector<16xi32>
          %add3A_395 = vector.broadcast %add3A_390 : i32 to vector<16xi32>
          %add3A_396 = arith.addi %add3A_395, %masked_cumsum3A_394 : vector<16xi32>
          %sub3A_397 = arith.constant 1 : i32
          %sub3A_398 = vector.broadcast %sub3A_397 : i32 to vector<16xi32>
          %sub3A_399 = arith.subi %add3A_396, %sub3A_398 : vector<16xi32>
          %lt3A_400 = arith.constant 128 : i32
          %lt3A_401 = vector.broadcast %lt3A_400 : i32 to vector<16xi32>
          %lt3A_402 = arith.cmpi slt, %sub3A_399, %lt3A_401 : vector<16xi32>
          %and3A_403 = arith.andi %le3A_203, %lt3A_402 : vector<16xi1>
          %add3A_404 = vector.broadcast %mul3A_86 : i32 to vector<16xi32>
          %add3A_405 = arith.addi %add3A_404, %sub3A_399 : vector<16xi32>
          tpu.vector_store_idx %arg8[%add3A_405], %get3A_196 masked %and3A_403 : memref<2048xf32, #tpu.memory_space<vmem>>[vector<16xi32>], vector<16xf32>, vector<16xi1>
          %add3A_406 = vector.broadcast %mul3A_86 : i32 to vector<16xi32>
          %add3A_407 = arith.addi %add3A_406, %sub3A_399 : vector<16xi32>
          %add3A_408 = arith.constant 112 : i32
          %add3A_409 = arith.addi %mul3A_148, %add3A_408 : i32
          %add3A_410 = vector.broadcast %add3A_409 : i32 to vector<16xi32>
          %add3A_411 = arith.addi %add3A_410, %iota3A : vector<16xi32>
          tpu.vector_store_idx %arg9[%add3A_407], %add3A_411 masked %and3A_403 : memref<2048xi32, #tpu.memory_space<vmem>>[vector<16xi32>], vector<16xi32>, vector<16xi1>
          %reduce_sum3A_412 = arith.constant true
          %reduce_sum3A_413 = vector.broadcast %reduce_sum3A_412 : i1 to vector<16xi1>
          %reduce_sum3A_414 = tpu.scan <sum>, %convert_element_type3A_391 masked %reduce_sum3A_413 : vector<16xi32>, vector<16xi1> -> vector<16xi32>
          %reduce_sum3A_415 = vector.extract %reduce_sum3A_414[15] : i32 from vector<16xi32>
          %add3A_416 = arith.addi %add3A_390, %reduce_sum3A_415 : i32
          scf.yield %add3A_416 : i32
        } else {
          scf.yield %scan3A_146 : i32
        }
        scf.yield %cond3A_212 : i32
      }
      %scan3A_93 = arith.constant 64 : i32
      %add3A_94 = arith.constant 2 : i32
      %add3A_95 = arith.addi %add3A_51, %add3A_94 : i32
      %add3A_96 = arith.constant 16 : i32
      %add3A_97 = arith.addi %mul3A_2, %add3A_96 : i32
      %sub3A = arith.constant 1 : i32
      %sub3A_98 = arith.subi %add3A_97, %sub3A : i32
      %min3A = arith.minsi %add3A_95, %sub3A_98 : i32
      %dma_start3A_99 = arith.constant 0 : i32
      %dma_start3A_100 = arith.constant 0 : i32
      %dma_start3A_101 = tpu.memref_slice %arg6[%dma_start3A_99, %dma_start3A_100] : memref<2x8192xf32, #tpu.memory_space<vmem>> -> memref<1x8192xf32, #tpu.memory_space<vmem>>
      %dma_start3A_102 = tpu.memref_squeeze %dma_start3A_101 : memref<1x8192xf32, #tpu.memory_space<vmem>> -> memref<8192xf32, #tpu.memory_space<vmem>>
      %dma_start3A_103 = arith.constant 0 : i32
      %dma_start3A_104 = tpu.memref_slice %arg2[%min3A, %dma_start3A_103] : memref<512x8192xf32, #tpu.memory_space<hbm>> -> memref<1x8192xf32, #tpu.memory_space<hbm>>
      %dma_start3A_105 = tpu.memref_squeeze %dma_start3A_104 : memref<1x8192xf32, #tpu.memory_space<hbm>> -> memref<8192xf32, #tpu.memory_space<hbm>>
      %dma_start3A_106 = arith.constant 0 : i32
      %dma_start3A_107 = tpu.memref_slice %arg6[%dma_start3A_99, %dma_start3A_106] : memref<2x8192xf32, #tpu.memory_space<vmem>> -> memref<1x8192xf32, #tpu.memory_space<vmem>>
      %dma_start3A_108 = tpu.memref_squeeze %dma_start3A_107 : memref<1x8192xf32, #tpu.memory_space<vmem>> -> memref<8192xf32, #tpu.memory_space<vmem>>
      %dma_start3A_109 = arith.constant 0 : i32
      %dma_start3A_110 = tpu.memref_slice %arg2[%min3A, %dma_start3A_109] : memref<512x8192xf32, #tpu.memory_space<hbm>> -> memref<1x8192xf32, #tpu.memory_space<hbm>>
      %dma_start3A_111 = tpu.memref_squeeze %dma_start3A_110 : memref<1x8192xf32, #tpu.memory_space<hbm>> -> memref<8192xf32, #tpu.memory_space<hbm>>
      tpu.enqueue_dma source(%dma_start3A_111 : memref<8192xf32, #tpu.memory_space<hbm>>) target(%dma_start3A_108 : memref<8192xf32, #tpu.memory_space<vmem>>) target_semaphore(%arg10 : memref<!tpu.dma_semaphore, #tpu.memory_space<semaphore_mem>>)
      %add3A_112 = arith.constant 1 : i32
      %add3A_113 = arith.addi %add3A_51, %add3A_112 : i32
      %dma_wait3A_114 = arith.constant 1 : i32
      %dma_wait3A_115 = arith.constant 0 : i32
      %dma_wait3A_116 = tpu.memref_slice %arg6[%dma_wait3A_114, %dma_wait3A_115] : memref<2x8192xf32, #tpu.memory_space<vmem>> -> memref<1x8192xf32, #tpu.memory_space<vmem>>
      %dma_wait3A_117 = tpu.memref_squeeze %dma_wait3A_116 : memref<1x8192xf32, #tpu.memory_space<vmem>> -> memref<8192xf32, #tpu.memory_space<vmem>>
      %dma_wait3A_118 = arith.constant 0 : i32
      %dma_wait3A_119 = tpu.memref_slice %arg2[%add3A_113, %dma_wait3A_118] : memref<512x8192xf32, #tpu.memory_space<hbm>> -> memref<1x8192xf32, #tpu.memory_space<hbm>>
      %dma_wait3A_120 = tpu.memref_squeeze %dma_wait3A_119 : memref<1x8192xf32, #tpu.memory_space<hbm>> -> memref<8192xf32, #tpu.memory_space<hbm>>
      %dma_wait3A_121 = arith.constant 0 : i32
      %dma_wait3A_122 = tpu.memref_slice %arg6[%dma_wait3A_114, %dma_wait3A_121] : memref<2x8192xf32, #tpu.memory_space<vmem>> -> memref<1x8192xf32, #tpu.memory_space<vmem>>
      %dma_wait3A_123 = tpu.memref_squeeze %dma_wait3A_122 : memref<1x8192xf32, #tpu.memory_space<vmem>> -> memref<8192xf32, #tpu.memory_space<vmem>>
      %dma_wait3A_124 = arith.constant 0 : i32
      %dma_wait3A_125 = tpu.memref_slice %arg2[%add3A_113, %dma_wait3A_124] : memref<512x8192xf32, #tpu.memory_space<hbm>> -> memref<1x8192xf32, #tpu.memory_space<hbm>>
      %dma_wait3A_126 = tpu.memref_squeeze %dma_wait3A_125 : memref<1x8192xf32, #tpu.memory_space<hbm>> -> memref<8192xf32, #tpu.memory_space<hbm>>
      tpu.wait_dma2 semaphore(%arg11 : memref<!tpu.dma_semaphore, #tpu.memory_space<semaphore_mem>>) src(%dma_wait3A_126 : memref<8192xf32, #tpu.memory_space<hbm>>) dst(%dma_wait3A_123 : memref<8192xf32, #tpu.memory_space<vmem>>)
      %mul3A_127 = arith.constant 2 : i32
      %mul3A_128 = arith.muli %mul3A_127, %scan3A_47 : i32
      %add3A_129 = arith.constant 1 : i32
      %add3A_130 = arith.addi %mul3A_128, %add3A_129 : i32
      %mul3A_131 = arith.constant 16 : i32
      %mul3A_132 = arith.muli %add3A_130, %mul3A_131 : i32
      %get3A_133 = arith.index_cast %mul3A_132 : i32 to index
      %get3A_134 = tpu.vector_load %arg7[%get3A_133] {strides = array<i32>} : memref<256xf32, #tpu.memory_space<vmem>>, vector<16xf32>,
      %mul3A_135 = arith.constant 128 : i32
      %mul3A_136 = arith.muli %add3A_130, %mul3A_135 : i32
      %scan3A_137 = arith.constant 0 : i32
      %scan3A_138 = arith.constant 0 : i32
      %scan3A_139 = arith.constant 64 : i32
      %scan3A_140 = arith.addi %scan3A_138, %scan3A_139 : i32
      %scan3A_141 = arith.constant 1 : i32
      %scan3A_142 = scf.for %scan3A_145 = %scan3A_138 to %scan3A_140 step %scan3A_141 iter_args(%scan3A_146 = %scan3A_137) -> (i32)  : i32 {
        %mul3A_147 = arith.constant 128 : i32
        %mul3A_148 = arith.muli %scan3A_145, %mul3A_147 : i32
        %add3A_149 = arith.constant 0 : i32
        %add3A_150 = arith.addi %mul3A_148, %add3A_149 : i32
        %get3A_151 = arith.constant 1 : i32
        %get3A_152 = arith.index_cast %get3A_151 : i32 to index
        %get3A_153 = arith.index_cast %add3A_150 : i32 to index
        %get3A_154 = tpu.vector_load %arg6[%get3A_152, %get3A_153] {strides = array<i32>} : memref<2x8192xf32, #tpu.memory_space<vmem>>, vector<16xf32>,
        %add3A_155 = arith.constant 16 : i32
        %add3A_156 = arith.addi %mul3A_148, %add3A_155 : i32
        %get3A_157 = arith.constant 1 : i32
        %get3A_158 = arith.index_cast %get3A_157 : i32 to index
        %get3A_159 = arith.index_cast %add3A_156 : i32 to index
        %get3A_160 = tpu.vector_load %arg6[%get3A_158, %get3A_159] {strides = array<i32>} : memref<2x8192xf32, #tpu.memory_space<vmem>>, vector<16xf32>,
        %add3A_161 = arith.constant 32 : i32
        %add3A_162 = arith.addi %mul3A_148, %add3A_161 : i32
        %get3A_163 = arith.constant 1 : i32
        %get3A_164 = arith.index_cast %get3A_163 : i32 to index
        %get3A_165 = arith.index_cast %add3A_162 : i32 to index
        %get3A_166 = tpu.vector_load %arg6[%get3A_164, %get3A_165] {strides = array<i32>} : memref<2x8192xf32, #tpu.memory_space<vmem>>, vector<16xf32>,
        %add3A_167 = arith.constant 48 : i32
        %add3A_168 = arith.addi %mul3A_148, %add3A_167 : i32
        %get3A_169 = arith.constant 1 : i32
        %get3A_170 = arith.index_cast %get3A_169 : i32 to index
        %get3A_171 = arith.index_cast %add3A_168 : i32 to index
        %get3A_172 = tpu.vector_load %arg6[%get3A_170, %get3A_171] {strides = array<i32>} : memref<2x8192xf32, #tpu.memory_space<vmem>>, vector<16xf32>,
        %add3A_173 = arith.constant 64 : i32
        %add3A_174 = arith.addi %mul3A_148, %add3A_173 : i32
        %get3A_175 = arith.constant 1 : i32
        %get3A_176 = arith.index_cast %get3A_175 : i32 to index
        %get3A_177 = arith.index_cast %add3A_174 : i32 to index
        %get3A_178 = tpu.vector_load %arg6[%get3A_176, %get3A_177] {strides = array<i32>} : memref<2x8192xf32, #tpu.memory_space<vmem>>, vector<16xf32>,
        %add3A_179 = arith.constant 80 : i32
        %add3A_180 = arith.addi %mul3A_148, %add3A_179 : i32
        %get3A_181 = arith.constant 1 : i32
        %get3A_182 = arith.index_cast %get3A_181 : i32 to index
        %get3A_183 = arith.index_cast %add3A_180 : i32 to index
        %get3A_184 = tpu.vector_load %arg6[%get3A_182, %get3A_183] {strides = array<i32>} : memref<2x8192xf32, #tpu.memory_space<vmem>>, vector<16xf32>,
        %add3A_185 = arith.constant 96 : i32
        %add3A_186 = arith.addi %mul3A_148, %add3A_185 : i32
        %get3A_187 = arith.constant 1 : i32
        %get3A_188 = arith.index_cast %get3A_187 : i32 to index
        %get3A_189 = arith.index_cast %add3A_186 : i32 to index
        %get3A_190 = tpu.vector_load %arg6[%get3A_188, %get3A_189] {strides = array<i32>} : memref<2x8192xf32, #tpu.memory_space<vmem>>, vector<16xf32>,
        %add3A_191 = arith.constant 112 : i32
        %add3A_192 = arith.addi %mul3A_148, %add3A_191 : i32
        %get3A_193 = arith.constant 1 : i32
        %get3A_194 = arith.index_cast %get3A_193 : i32 to index
        %get3A_195 = arith.index_cast %add3A_192 : i32 to index
        %get3A_196 = tpu.vector_load %arg6[%get3A_194, %get3A_195] {strides = array<i32>} : memref<2x8192xf32, #tpu.memory_space<vmem>>, vector<16xf32>,
        %le3A = arith.cmpf ole, %get3A_154, %get3A_134 : vector<16xf32>
        %le3A_197 = arith.cmpf ole, %get3A_160, %get3A_134 : vector<16xf32>
        %le3A_198 = arith.cmpf ole, %get3A_166, %get3A_134 : vector<16xf32>
        %le3A_199 = arith.cmpf ole, %get3A_172, %get3A_134 : vector<16xf32>
        %le3A_200 = arith.cmpf ole, %get3A_178, %get3A_134 : vector<16xf32>
        %le3A_201 = arith.cmpf ole, %get3A_184, %get3A_134 : vector<16xf32>
        %le3A_202 = arith.cmpf ole, %get3A_190, %get3A_134 : vector<16xf32>
        %le3A_203 = arith.cmpf ole, %get3A_196, %get3A_134 : vector<16xf32>
        %or3A = arith.ori %le3A, %le3A_197 : vector<16xi1>
        %or3A_204 = arith.ori %or3A, %le3A_198 : vector<16xi1>
        %or3A_205 = arith.ori %or3A_204, %le3A_199 : vector<16xi1>
        %or3A_206 = arith.ori %or3A_205, %le3A_200 : vector<16xi1>
        %or3A_207 = arith.ori %or3A_206, %le3A_201 : vector<16xi1>
        %or3A_208 = arith.ori %or3A_207, %le3A_202 : vector<16xi1>
        %or3A_209 = arith.ori %or3A_208, %le3A_203 : vector<16xi1>
        %all_reduce_population_count3A = tpu.all_reduce %or3A_209 {dim = 0 : i64, kind = #tpu.reduction_kind<sum>} : vector<16xi1> -> vector<16xi32>
        %slice3A = vector.extract_strided_slice %all_reduce_population_count3A {offsets = [0], sizes = [1], strides = [1]} : vector<16xi32> to vector<1xi32>
        %squeeze3A = vector.extract %slice3A[0] : i32 from vector<1xi32>
        %ne3A = arith.constant 0 : i32
        %ne3A_210 = arith.cmpi ne, %squeeze3A, %ne3A : i32
        %convert_element_type3A = arith.extui %ne3A_210 : i1 to i32
        %cond3A = arith.constant 0 : i32
        %cond3A_211 = arith.cmpi ne, %convert_element_type3A, %cond3A : i32
        %cond3A_212 = scf.if %cond3A_211 -> (i32) {
          %convert_element_type3A_213 = arith.extui %le3A : vector<16xi1> to vector<16xi32>
          %broadcast_in_dim3A_214 = arith.constant true
          %broadcast_in_dim3A_215 = vector.broadcast %broadcast_in_dim3A_214 : i1 to vector<16xi1>
          %masked_cumsum3A = tpu.scan <sum>, %convert_element_type3A_213 masked %broadcast_in_dim3A_215 : vector<16xi32>, vector<16xi1> -> vector<16xi32>
          %add3A_216 = vector.broadcast %scan3A_146 : i32 to vector<16xi32>
          %add3A_217 = arith.addi %add3A_216, %masked_cumsum3A : vector<16xi32>
          %sub3A_218 = arith.constant 1 : i32
          %sub3A_219 = vector.broadcast %sub3A_218 : i32 to vector<16xi32>
          %sub3A_220 = arith.subi %add3A_217, %sub3A_219 : vector<16xi32>
          %lt3A = arith.constant 128 : i32
          %lt3A_221 = vector.broadcast %lt3A : i32 to vector<16xi32>
          %lt3A_222 = arith.cmpi slt, %sub3A_220, %lt3A_221 : vector<16xi32>
          %and3A = arith.andi %le3A, %lt3A_222 : vector<16xi1>
          %add3A_223 = vector.broadcast %mul3A_136 : i32 to vector<16xi32>
          %add3A_224 = arith.addi %add3A_223, %sub3A_220 : vector<16xi32>
          tpu.vector_store_idx %arg8[%add3A_224], %get3A_154 masked %and3A : memref<2048xf32, #tpu.memory_space<vmem>>[vector<16xi32>], vector<16xf32>, vector<16xi1>
          %add3A_225 = vector.broadcast %mul3A_136 : i32 to vector<16xi32>
          %add3A_226 = arith.addi %add3A_225, %sub3A_220 : vector<16xi32>
          %add3A_227 = arith.constant 0 : i32
          %add3A_228 = arith.addi %mul3A_148, %add3A_227 : i32
          %add3A_229 = vector.broadcast %add3A_228 : i32 to vector<16xi32>
          %add3A_230 = arith.addi %add3A_229, %iota3A : vector<16xi32>
          tpu.vector_store_idx %arg9[%add3A_226], %add3A_230 masked %and3A : memref<2048xi32, #tpu.memory_space<vmem>>[vector<16xi32>], vector<16xi32>, vector<16xi1>
          %reduce_sum3A = arith.constant true
          %reduce_sum3A_231 = vector.broadcast %reduce_sum3A : i1 to vector<16xi1>
          %reduce_sum3A_232 = tpu.scan <sum>, %convert_element_type3A_213 masked %reduce_sum3A_231 : vector<16xi32>, vector<16xi1> -> vector<16xi32>
          %reduce_sum3A_233 = vector.extract %reduce_sum3A_232[15] : i32 from vector<16xi32>
          %add3A_234 = arith.addi %scan3A_146, %reduce_sum3A_233 : i32
          %convert_element_type3A_235 = arith.extui %le3A_197 : vector<16xi1> to vector<16xi32>
          %broadcast_in_dim3A_236 = arith.constant true
          %broadcast_in_dim3A_237 = vector.broadcast %broadcast_in_dim3A_236 : i1 to vector<16xi1>
          %masked_cumsum3A_238 = tpu.scan <sum>, %convert_element_type3A_235 masked %broadcast_in_dim3A_237 : vector<16xi32>, vector<16xi1> -> vector<16xi32>
          %add3A_239 = vector.broadcast %add3A_234 : i32 to vector<16xi32>
          %add3A_240 = arith.addi %add3A_239, %masked_cumsum3A_238 : vector<16xi32>
          %sub3A_241 = arith.constant 1 : i32
          %sub3A_242 = vector.broadcast %sub3A_241 : i32 to vector<16xi32>
          %sub3A_243 = arith.subi %add3A_240, %sub3A_242 : vector<16xi32>
          %lt3A_244 = arith.constant 128 : i32
          %lt3A_245 = vector.broadcast %lt3A_244 : i32 to vector<16xi32>
          %lt3A_246 = arith.cmpi slt, %sub3A_243, %lt3A_245 : vector<16xi32>
          %and3A_247 = arith.andi %le3A_197, %lt3A_246 : vector<16xi1>
          %add3A_248 = vector.broadcast %mul3A_136 : i32 to vector<16xi32>
          %add3A_249 = arith.addi %add3A_248, %sub3A_243 : vector<16xi32>
          tpu.vector_store_idx %arg8[%add3A_249], %get3A_160 masked %and3A_247 : memref<2048xf32, #tpu.memory_space<vmem>>[vector<16xi32>], vector<16xf32>, vector<16xi1>
          %add3A_250 = vector.broadcast %mul3A_136 : i32 to vector<16xi32>
          %add3A_251 = arith.addi %add3A_250, %sub3A_243 : vector<16xi32>
          %add3A_252 = arith.constant 16 : i32
          %add3A_253 = arith.addi %mul3A_148, %add3A_252 : i32
          %add3A_254 = vector.broadcast %add3A_253 : i32 to vector<16xi32>
          %add3A_255 = arith.addi %add3A_254, %iota3A : vector<16xi32>
          tpu.vector_store_idx %arg9[%add3A_251], %add3A_255 masked %and3A_247 : memref<2048xi32, #tpu.memory_space<vmem>>[vector<16xi32>], vector<16xi32>, vector<16xi1>
          %reduce_sum3A_256 = arith.constant true
          %reduce_sum3A_257 = vector.broadcast %reduce_sum3A_256 : i1 to vector<16xi1>
          %reduce_sum3A_258 = tpu.scan <sum>, %convert_element_type3A_235 masked %reduce_sum3A_257 : vector<16xi32>, vector<16xi1> -> vector<16xi32>
          %reduce_sum3A_259 = vector.extract %reduce_sum3A_258[15] : i32 from vector<16xi32>
          %add3A_260 = arith.addi %add3A_234, %reduce_sum3A_259 : i32
          %convert_element_type3A_261 = arith.extui %le3A_198 : vector<16xi1> to vector<16xi32>
          %broadcast_in_dim3A_262 = arith.constant true
          %broadcast_in_dim3A_263 = vector.broadcast %broadcast_in_dim3A_262 : i1 to vector<16xi1>
          %masked_cumsum3A_264 = tpu.scan <sum>, %convert_element_type3A_261 masked %broadcast_in_dim3A_263 : vector<16xi32>, vector<16xi1> -> vector<16xi32>
          %add3A_265 = vector.broadcast %add3A_260 : i32 to vector<16xi32>
          %add3A_266 = arith.addi %add3A_265, %masked_cumsum3A_264 : vector<16xi32>
          %sub3A_267 = arith.constant 1 : i32
          %sub3A_268 = vector.broadcast %sub3A_267 : i32 to vector<16xi32>
          %sub3A_269 = arith.subi %add3A_266, %sub3A_268 : vector<16xi32>
          %lt3A_270 = arith.constant 128 : i32
          %lt3A_271 = vector.broadcast %lt3A_270 : i32 to vector<16xi32>
          %lt3A_272 = arith.cmpi slt, %sub3A_269, %lt3A_271 : vector<16xi32>
          %and3A_273 = arith.andi %le3A_198, %lt3A_272 : vector<16xi1>
          %add3A_274 = vector.broadcast %mul3A_136 : i32 to vector<16xi32>
          %add3A_275 = arith.addi %add3A_274, %sub3A_269 : vector<16xi32>
          tpu.vector_store_idx %arg8[%add3A_275], %get3A_166 masked %and3A_273 : memref<2048xf32, #tpu.memory_space<vmem>>[vector<16xi32>], vector<16xf32>, vector<16xi1>
          %add3A_276 = vector.broadcast %mul3A_136 : i32 to vector<16xi32>
          %add3A_277 = arith.addi %add3A_276, %sub3A_269 : vector<16xi32>
          %add3A_278 = arith.constant 32 : i32
          %add3A_279 = arith.addi %mul3A_148, %add3A_278 : i32
          %add3A_280 = vector.broadcast %add3A_279 : i32 to vector<16xi32>
          %add3A_281 = arith.addi %add3A_280, %iota3A : vector<16xi32>
          tpu.vector_store_idx %arg9[%add3A_277], %add3A_281 masked %and3A_273 : memref<2048xi32, #tpu.memory_space<vmem>>[vector<16xi32>], vector<16xi32>, vector<16xi1>
          %reduce_sum3A_282 = arith.constant true
          %reduce_sum3A_283 = vector.broadcast %reduce_sum3A_282 : i1 to vector<16xi1>
          %reduce_sum3A_284 = tpu.scan <sum>, %convert_element_type3A_261 masked %reduce_sum3A_283 : vector<16xi32>, vector<16xi1> -> vector<16xi32>
          %reduce_sum3A_285 = vector.extract %reduce_sum3A_284[15] : i32 from vector<16xi32>
          %add3A_286 = arith.addi %add3A_260, %reduce_sum3A_285 : i32
          %convert_element_type3A_287 = arith.extui %le3A_199 : vector<16xi1> to vector<16xi32>
          %broadcast_in_dim3A_288 = arith.constant true
          %broadcast_in_dim3A_289 = vector.broadcast %broadcast_in_dim3A_288 : i1 to vector<16xi1>
          %masked_cumsum3A_290 = tpu.scan <sum>, %convert_element_type3A_287 masked %broadcast_in_dim3A_289 : vector<16xi32>, vector<16xi1> -> vector<16xi32>
          %add3A_291 = vector.broadcast %add3A_286 : i32 to vector<16xi32>
          %add3A_292 = arith.addi %add3A_291, %masked_cumsum3A_290 : vector<16xi32>
          %sub3A_293 = arith.constant 1 : i32
          %sub3A_294 = vector.broadcast %sub3A_293 : i32 to vector<16xi32>
          %sub3A_295 = arith.subi %add3A_292, %sub3A_294 : vector<16xi32>
          %lt3A_296 = arith.constant 128 : i32
          %lt3A_297 = vector.broadcast %lt3A_296 : i32 to vector<16xi32>
          %lt3A_298 = arith.cmpi slt, %sub3A_295, %lt3A_297 : vector<16xi32>
          %and3A_299 = arith.andi %le3A_199, %lt3A_298 : vector<16xi1>
          %add3A_300 = vector.broadcast %mul3A_136 : i32 to vector<16xi32>
          %add3A_301 = arith.addi %add3A_300, %sub3A_295 : vector<16xi32>
          tpu.vector_store_idx %arg8[%add3A_301], %get3A_172 masked %and3A_299 : memref<2048xf32, #tpu.memory_space<vmem>>[vector<16xi32>], vector<16xf32>, vector<16xi1>
          %add3A_302 = vector.broadcast %mul3A_136 : i32 to vector<16xi32>
          %add3A_303 = arith.addi %add3A_302, %sub3A_295 : vector<16xi32>
          %add3A_304 = arith.constant 48 : i32
          %add3A_305 = arith.addi %mul3A_148, %add3A_304 : i32
          %add3A_306 = vector.broadcast %add3A_305 : i32 to vector<16xi32>
          %add3A_307 = arith.addi %add3A_306, %iota3A : vector<16xi32>
          tpu.vector_store_idx %arg9[%add3A_303], %add3A_307 masked %and3A_299 : memref<2048xi32, #tpu.memory_space<vmem>>[vector<16xi32>], vector<16xi32>, vector<16xi1>
          %reduce_sum3A_308 = arith.constant true
          %reduce_sum3A_309 = vector.broadcast %reduce_sum3A_308 : i1 to vector<16xi1>
          %reduce_sum3A_310 = tpu.scan <sum>, %convert_element_type3A_287 masked %reduce_sum3A_309 : vector<16xi32>, vector<16xi1> -> vector<16xi32>
          %reduce_sum3A_311 = vector.extract %reduce_sum3A_310[15] : i32 from vector<16xi32>
          %add3A_312 = arith.addi %add3A_286, %reduce_sum3A_311 : i32
          %convert_element_type3A_313 = arith.extui %le3A_200 : vector<16xi1> to vector<16xi32>
          %broadcast_in_dim3A_314 = arith.constant true
          %broadcast_in_dim3A_315 = vector.broadcast %broadcast_in_dim3A_314 : i1 to vector<16xi1>
          %masked_cumsum3A_316 = tpu.scan <sum>, %convert_element_type3A_313 masked %broadcast_in_dim3A_315 : vector<16xi32>, vector<16xi1> -> vector<16xi32>
          %add3A_317 = vector.broadcast %add3A_312 : i32 to vector<16xi32>
          %add3A_318 = arith.addi %add3A_317, %masked_cumsum3A_316 : vector<16xi32>
          %sub3A_319 = arith.constant 1 : i32
          %sub3A_320 = vector.broadcast %sub3A_319 : i32 to vector<16xi32>
          %sub3A_321 = arith.subi %add3A_318, %sub3A_320 : vector<16xi32>
          %lt3A_322 = arith.constant 128 : i32
          %lt3A_323 = vector.broadcast %lt3A_322 : i32 to vector<16xi32>
          %lt3A_324 = arith.cmpi slt, %sub3A_321, %lt3A_323 : vector<16xi32>
          %and3A_325 = arith.andi %le3A_200, %lt3A_324 : vector<16xi1>
          %add3A_326 = vector.broadcast %mul3A_136 : i32 to vector<16xi32>
          %add3A_327 = arith.addi %add3A_326, %sub3A_321 : vector<16xi32>
          tpu.vector_store_idx %arg8[%add3A_327], %get3A_178 masked %and3A_325 : memref<2048xf32, #tpu.memory_space<vmem>>[vector<16xi32>], vector<16xf32>, vector<16xi1>
          %add3A_328 = vector.broadcast %mul3A_136 : i32 to vector<16xi32>
          %add3A_329 = arith.addi %add3A_328, %sub3A_321 : vector<16xi32>
          %add3A_330 = arith.constant 64 : i32
          %add3A_331 = arith.addi %mul3A_148, %add3A_330 : i32
          %add3A_332 = vector.broadcast %add3A_331 : i32 to vector<16xi32>
          %add3A_333 = arith.addi %add3A_332, %iota3A : vector<16xi32>
          tpu.vector_store_idx %arg9[%add3A_329], %add3A_333 masked %and3A_325 : memref<2048xi32, #tpu.memory_space<vmem>>[vector<16xi32>], vector<16xi32>, vector<16xi1>
          %reduce_sum3A_334 = arith.constant true
          %reduce_sum3A_335 = vector.broadcast %reduce_sum3A_334 : i1 to vector<16xi1>
          %reduce_sum3A_336 = tpu.scan <sum>, %convert_element_type3A_313 masked %reduce_sum3A_335 : vector<16xi32>, vector<16xi1> -> vector<16xi32>
          %reduce_sum3A_337 = vector.extract %reduce_sum3A_336[15] : i32 from vector<16xi32>
          %add3A_338 = arith.addi %add3A_312, %reduce_sum3A_337 : i32
          %convert_element_type3A_339 = arith.extui %le3A_201 : vector<16xi1> to vector<16xi32>
          %broadcast_in_dim3A_340 = arith.constant true
          %broadcast_in_dim3A_341 = vector.broadcast %broadcast_in_dim3A_340 : i1 to vector<16xi1>
          %masked_cumsum3A_342 = tpu.scan <sum>, %convert_element_type3A_339 masked %broadcast_in_dim3A_341 : vector<16xi32>, vector<16xi1> -> vector<16xi32>
          %add3A_343 = vector.broadcast %add3A_338 : i32 to vector<16xi32>
          %add3A_344 = arith.addi %add3A_343, %masked_cumsum3A_342 : vector<16xi32>
          %sub3A_345 = arith.constant 1 : i32
          %sub3A_346 = vector.broadcast %sub3A_345 : i32 to vector<16xi32>
          %sub3A_347 = arith.subi %add3A_344, %sub3A_346 : vector<16xi32>
          %lt3A_348 = arith.constant 128 : i32
          %lt3A_349 = vector.broadcast %lt3A_348 : i32 to vector<16xi32>
          %lt3A_350 = arith.cmpi slt, %sub3A_347, %lt3A_349 : vector<16xi32>
          %and3A_351 = arith.andi %le3A_201, %lt3A_350 : vector<16xi1>
          %add3A_352 = vector.broadcast %mul3A_136 : i32 to vector<16xi32>
          %add3A_353 = arith.addi %add3A_352, %sub3A_347 : vector<16xi32>
          tpu.vector_store_idx %arg8[%add3A_353], %get3A_184 masked %and3A_351 : memref<2048xf32, #tpu.memory_space<vmem>>[vector<16xi32>], vector<16xf32>, vector<16xi1>
          %add3A_354 = vector.broadcast %mul3A_136 : i32 to vector<16xi32>
          %add3A_355 = arith.addi %add3A_354, %sub3A_347 : vector<16xi32>
          %add3A_356 = arith.constant 80 : i32
          %add3A_357 = arith.addi %mul3A_148, %add3A_356 : i32
          %add3A_358 = vector.broadcast %add3A_357 : i32 to vector<16xi32>
          %add3A_359 = arith.addi %add3A_358, %iota3A : vector<16xi32>
          tpu.vector_store_idx %arg9[%add3A_355], %add3A_359 masked %and3A_351 : memref<2048xi32, #tpu.memory_space<vmem>>[vector<16xi32>], vector<16xi32>, vector<16xi1>
          %reduce_sum3A_360 = arith.constant true
          %reduce_sum3A_361 = vector.broadcast %reduce_sum3A_360 : i1 to vector<16xi1>
          %reduce_sum3A_362 = tpu.scan <sum>, %convert_element_type3A_339 masked %reduce_sum3A_361 : vector<16xi32>, vector<16xi1> -> vector<16xi32>
          %reduce_sum3A_363 = vector.extract %reduce_sum3A_362[15] : i32 from vector<16xi32>
          %add3A_364 = arith.addi %add3A_338, %reduce_sum3A_363 : i32
          %convert_element_type3A_365 = arith.extui %le3A_202 : vector<16xi1> to vector<16xi32>
          %broadcast_in_dim3A_366 = arith.constant true
          %broadcast_in_dim3A_367 = vector.broadcast %broadcast_in_dim3A_366 : i1 to vector<16xi1>
          %masked_cumsum3A_368 = tpu.scan <sum>, %convert_element_type3A_365 masked %broadcast_in_dim3A_367 : vector<16xi32>, vector<16xi1> -> vector<16xi32>
          %add3A_369 = vector.broadcast %add3A_364 : i32 to vector<16xi32>
          %add3A_370 = arith.addi %add3A_369, %masked_cumsum3A_368 : vector<16xi32>
          %sub3A_371 = arith.constant 1 : i32
          %sub3A_372 = vector.broadcast %sub3A_371 : i32 to vector<16xi32>
          %sub3A_373 = arith.subi %add3A_370, %sub3A_372 : vector<16xi32>
          %lt3A_374 = arith.constant 128 : i32
          %lt3A_375 = vector.broadcast %lt3A_374 : i32 to vector<16xi32>
          %lt3A_376 = arith.cmpi slt, %sub3A_373, %lt3A_375 : vector<16xi32>
          %and3A_377 = arith.andi %le3A_202, %lt3A_376 : vector<16xi1>
          %add3A_378 = vector.broadcast %mul3A_136 : i32 to vector<16xi32>
          %add3A_379 = arith.addi %add3A_378, %sub3A_373 : vector<16xi32>
          tpu.vector_store_idx %arg8[%add3A_379], %get3A_190 masked %and3A_377 : memref<2048xf32, #tpu.memory_space<vmem>>[vector<16xi32>], vector<16xf32>, vector<16xi1>
          %add3A_380 = vector.broadcast %mul3A_136 : i32 to vector<16xi32>
          %add3A_381 = arith.addi %add3A_380, %sub3A_373 : vector<16xi32>
          %add3A_382 = arith.constant 96 : i32
          %add3A_383 = arith.addi %mul3A_148, %add3A_382 : i32
          %add3A_384 = vector.broadcast %add3A_383 : i32 to vector<16xi32>
          %add3A_385 = arith.addi %add3A_384, %iota3A : vector<16xi32>
          tpu.vector_store_idx %arg9[%add3A_381], %add3A_385 masked %and3A_377 : memref<2048xi32, #tpu.memory_space<vmem>>[vector<16xi32>], vector<16xi32>, vector<16xi1>
          %reduce_sum3A_386 = arith.constant true
          %reduce_sum3A_387 = vector.broadcast %reduce_sum3A_386 : i1 to vector<16xi1>
          %reduce_sum3A_388 = tpu.scan <sum>, %convert_element_type3A_365 masked %reduce_sum3A_387 : vector<16xi32>, vector<16xi1> -> vector<16xi32>
          %reduce_sum3A_389 = vector.extract %reduce_sum3A_388[15] : i32 from vector<16xi32>
          %add3A_390 = arith.addi %add3A_364, %reduce_sum3A_389 : i32
          %convert_element_type3A_391 = arith.extui %le3A_203 : vector<16xi1> to vector<16xi32>
          %broadcast_in_dim3A_392 = arith.constant true
          %broadcast_in_dim3A_393 = vector.broadcast %broadcast_in_dim3A_392 : i1 to vector<16xi1>
          %masked_cumsum3A_394 = tpu.scan <sum>, %convert_element_type3A_391 masked %broadcast_in_dim3A_393 : vector<16xi32>, vector<16xi1> -> vector<16xi32>
          %add3A_395 = vector.broadcast %add3A_390 : i32 to vector<16xi32>
          %add3A_396 = arith.addi %add3A_395, %masked_cumsum3A_394 : vector<16xi32>
          %sub3A_397 = arith.constant 1 : i32
          %sub3A_398 = vector.broadcast %sub3A_397 : i32 to vector<16xi32>
          %sub3A_399 = arith.subi %add3A_396, %sub3A_398 : vector<16xi32>
          %lt3A_400 = arith.constant 128 : i32
          %lt3A_401 = vector.broadcast %lt3A_400 : i32 to vector<16xi32>
          %lt3A_402 = arith.cmpi slt, %sub3A_399, %lt3A_401 : vector<16xi32>
          %and3A_403 = arith.andi %le3A_203, %lt3A_402 : vector<16xi1>
          %add3A_404 = vector.broadcast %mul3A_136 : i32 to vector<16xi32>
          %add3A_405 = arith.addi %add3A_404, %sub3A_399 : vector<16xi32>
          tpu.vector_store_idx %arg8[%add3A_405], %get3A_196 masked %and3A_403 : memref<2048xf32, #tpu.memory_space<vmem>>[vector<16xi32>], vector<16xf32>, vector<16xi1>
          %add3A_406 = vector.broadcast %mul3A_136 : i32 to vector<16xi32>
          %add3A_407 = arith.addi %add3A_406, %sub3A_399 : vector<16xi32>
          %add3A_408 = arith.constant 112 : i32
          %add3A_409 = arith.addi %mul3A_148, %add3A_408 : i32
          %add3A_410 = vector.broadcast %add3A_409 : i32 to vector<16xi32>
          %add3A_411 = arith.addi %add3A_410, %iota3A : vector<16xi32>
          tpu.vector_store_idx %arg9[%add3A_407], %add3A_411 masked %and3A_403 : memref<2048xi32, #tpu.memory_space<vmem>>[vector<16xi32>], vector<16xi32>, vector<16xi1>
          %reduce_sum3A_412 = arith.constant true
          %reduce_sum3A_413 = vector.broadcast %reduce_sum3A_412 : i1 to vector<16xi1>
          %reduce_sum3A_414 = tpu.scan <sum>, %convert_element_type3A_391 masked %reduce_sum3A_413 : vector<16xi32>, vector<16xi1> -> vector<16xi32>
          %reduce_sum3A_415 = vector.extract %reduce_sum3A_414[15] : i32 from vector<16xi32>
          %add3A_416 = arith.addi %add3A_390, %reduce_sum3A_415 : i32
          scf.yield %add3A_416 : i32
        } else {
          scf.yield %scan3A_146 : i32
        }
        scf.yield %cond3A_212 : i32
      }
      %scan3A_143 = arith.constant 64 : i32
      %scan3A_144 = arith.constant 0 : i32
      scf.yield %scan3A_144 : i32
    }
    %scan3A_30 = arith.constant 8 : i32
    %dma_wait3A = arith.constant 0 : i32
    %dma_wait3A_31 = arith.constant 0 : i32
    %dma_wait3A_32 = tpu.memref_slice %arg6[%dma_wait3A, %dma_wait3A_31] : memref<2x8192xf32, #tpu.memory_space<vmem>> -> memref<1x8192xf32, #tpu.memory_space<vmem>>
    %dma_wait3A_33 = tpu.memref_squeeze %dma_wait3A_32 : memref<1x8192xf32, #tpu.memory_space<vmem>> -> memref<8192xf32, #tpu.memory_space<vmem>>
    %dma_wait3A_34 = arith.constant 0 : i32
    %dma_wait3A_35 = tpu.memref_slice %arg2[%mul3A_2, %dma_wait3A_34] : memref<512x8192xf32, #tpu.memory_space<hbm>> -> memref<1x8192xf32, #tpu.memory_space<hbm>>
    %dma_wait3A_36 = tpu.memref_squeeze %dma_wait3A_35 : memref<1x8192xf32, #tpu.memory_space<hbm>> -> memref<8192xf32, #tpu.memory_space<hbm>>
    %dma_wait3A_37 = arith.constant 0 : i32
    %dma_wait3A_38 = tpu.memref_slice %arg6[%dma_wait3A, %dma_wait3A_37] : memref<2x8192xf32, #tpu.memory_space<vmem>> -> memref<1x8192xf32, #tpu.memory_space<vmem>>
    %dma_wait3A_39 = tpu.memref_squeeze %dma_wait3A_38 : memref<1x8192xf32, #tpu.memory_space<vmem>> -> memref<8192xf32, #tpu.memory_space<vmem>>
    %dma_wait3A_40 = arith.constant 0 : i32
    %dma_wait3A_41 = tpu.memref_slice %arg2[%mul3A_2, %dma_wait3A_40] : memref<512x8192xf32, #tpu.memory_space<hbm>> -> memref<1x8192xf32, #tpu.memory_space<hbm>>
    %dma_wait3A_42 = tpu.memref_squeeze %dma_wait3A_41 : memref<1x8192xf32, #tpu.memory_space<hbm>> -> memref<8192xf32, #tpu.memory_space<hbm>>
    tpu.wait_dma2 semaphore(%arg10 : memref<!tpu.dma_semaphore, #tpu.memory_space<semaphore_mem>>) src(%dma_wait3A_42 : memref<8192xf32, #tpu.memory_space<hbm>>) dst(%dma_wait3A_39 : memref<8192xf32, #tpu.memory_space<vmem>>)
    %mul3A_43 = arith.constant 128 : i32
    %mul3A_44 = arith.muli %mul3A_2, %mul3A_43 : i32
    "tpu.region"() ({
      %run_scoped3A = tpu.sem_alloc : memref<!tpu.dma_semaphore, #tpu.memory_space<semaphore_mem>>
      %dma_start3A_47 = tpu.memref_slice %arg4[%mul3A_44] : memref<65536xf32, #tpu.memory_space<hbm>> -> memref<2048xf32, #tpu.memory_space<hbm>>
      %dma_start3A_48 = tpu.memref_slice %arg4[%mul3A_44] : memref<65536xf32, #tpu.memory_space<hbm>> -> memref<2048xf32, #tpu.memory_space<hbm>>
      tpu.enqueue_dma source(%arg8 : memref<2048xf32, #tpu.memory_space<vmem>>) target(%dma_start3A_48 : memref<2048xf32, #tpu.memory_space<hbm>>) target_semaphore(%run_scoped3A : memref<!tpu.dma_semaphore, #tpu.memory_space<semaphore_mem>>)
      %dma_wait3A_49 = tpu.memref_slice %arg4[%mul3A_44] : memref<65536xf32, #tpu.memory_space<hbm>> -> memref<2048xf32, #tpu.memory_space<hbm>>
      %dma_wait3A_50 = tpu.memref_slice %arg4[%mul3A_44] : memref<65536xf32, #tpu.memory_space<hbm>> -> memref<2048xf32, #tpu.memory_space<hbm>>
      tpu.wait_dma2 semaphore(%run_scoped3A : memref<!tpu.dma_semaphore, #tpu.memory_space<semaphore_mem>>) src(%arg8 : memref<2048xf32, #tpu.memory_space<vmem>>) dst(%dma_wait3A_50 : memref<2048xf32, #tpu.memory_space<hbm>>)
      tpu.yield
    }) : () -> ()
    %mul3A_45 = arith.constant 128 : i32
    %mul3A_46 = arith.muli %mul3A_2, %mul3A_45 : i32
    "tpu.region"() ({
      %run_scoped3A = tpu.sem_alloc : memref<!tpu.dma_semaphore, #tpu.memory_space<semaphore_mem>>
      %dma_start3A_47 = tpu.memref_slice %arg5[%mul3A_46] : memref<65536xi32, #tpu.memory_space<hbm>> -> memref<2048xi32, #tpu.memory_space<hbm>>
      %dma_start3A_48 = tpu.memref_slice %arg5[%mul3A_46] : memref<65536xi32, #tpu.memory_space<hbm>> -> memref<2048xi32, #tpu.memory_space<hbm>>
      tpu.enqueue_dma source(%arg9 : memref<2048xi32, #tpu.memory_space<vmem>>) target(%dma_start3A_48 : memref<2048xi32, #tpu.memory_space<hbm>>) target_semaphore(%run_scoped3A : memref<!tpu.dma_semaphore, #tpu.memory_space<semaphore_mem>>)
      %dma_wait3A_49 = tpu.memref_slice %arg5[%mul3A_46] : memref<65536xi32, #tpu.memory_space<hbm>> -> memref<2048xi32, #tpu.memory_space<hbm>>
      %dma_wait3A_50 = tpu.memref_slice %arg5[%mul3A_46] : memref<65536xi32, #tpu.memory_space<hbm>> -> memref<2048xi32, #tpu.memory_space<hbm>>
      tpu.wait_dma2 semaphore(%run_scoped3A : memref<!tpu.dma_semaphore, #tpu.memory_space<semaphore_mem>>) src(%arg9 : memref<2048xi32, #tpu.memory_space<vmem>>) dst(%dma_wait3A_50 : memref<2048xi32, #tpu.memory_space<hbm>>)
      tpu.yield
    }) : () -> ()
    return
  }
}

#map = affine_map<(d0, d1) -> (0, 0)>
#map1 = affine_map<(d0, d1) -> (0)>
module attributes {stable_mosaic.version = 14 : i64} {
  func.func @_sc_filter_kernel(%arg0: i32, %arg1: i32, %arg2: memref<512x8192xf32, #tpu.memory_space<hbm>>, %arg3: memref<8192xf32, #tpu.memory_space<hbm>>, %arg4: memref<65536xf32, #tpu.memory_space<hbm>>, %arg5: memref<65536xi32, #tpu.memory_space<hbm>>, %arg6: memref<2x8192xf32, #tpu.memory_space<vmem>>, %arg7: memref<256xf32, #tpu.memory_space<vmem>>, %arg8: memref<2048xf32, #tpu.memory_space<vmem>>, %arg9: memref<2048xi32, #tpu.memory_space<vmem>>, %arg10: memref<!tpu.dma_semaphore, #tpu.memory_space<semaphore_mem>>, %arg11: memref<!tpu.dma_semaphore, #tpu.memory_space<semaphore_mem>>) attributes {dimension_semantics = [#tpu.dimension_semantics<core_parallel>, #tpu.dimension_semantics<subcore_parallel>], iteration_bounds = array<i64: 2, 16>, scalar_prefetch = 0 : i64, scratch_operands = 6 : i64, tpu.core_type = #tpu.core_type<sc_vector_subcore>, window_params = [{transform_indices = #map}, {transform_indices = #map1}, {transform_indices = #map1}, {transform_indices = #map1}]} {
    %mul3A = arith.constant 2 : i32
    %mul3A_0 = arith.muli %arg1, %mul3A : i32
    %add3A = arith.addi %mul3A_0, %arg0 : i32
    %mul3A_1 = arith.constant 16 : i32
    %mul3A_2 = arith.muli %add3A, %mul3A_1 : i32
    %broadcast_in_dim3A = arith.constant 3.000000e+38 : f32
    %broadcast_in_dim3A_3 = vector.broadcast %broadcast_in_dim3A : f32 to vector<16xf32>
    %iota3A = tpu.iota {dimensions = array<i32: 0>} : vector<16xi32>
    %mul3A_4 = arith.constant 16 : i32
    %mul3A_5 = arith.muli %mul3A_2, %mul3A_4 : i32
    "tpu.region"() ({
      %run_scoped3A = tpu.sem_alloc : memref<!tpu.dma_semaphore, #tpu.memory_space<semaphore_mem>>
      %dma_start3A_47 = tpu.memref_slice %arg3[%mul3A_5] : memref<8192xf32, #tpu.memory_space<hbm>> -> memref<256xf32, #tpu.memory_space<hbm>>
      %dma_start3A_48 = tpu.memref_slice %arg3[%mul3A_5] : memref<8192xf32, #tpu.memory_space<hbm>> -> memref<256xf32, #tpu.memory_space<hbm>>
      tpu.enqueue_dma source(%dma_start3A_48 : memref<256xf32, #tpu.memory_space<hbm>>) target(%arg7 : memref<256xf32, #tpu.memory_space<vmem>>) target_semaphore(%run_scoped3A : memref<!tpu.dma_semaphore, #tpu.memory_space<semaphore_mem>>)
      %dma_wait3A_49 = tpu.memref_slice %arg3[%mul3A_5] : memref<8192xf32, #tpu.memory_space<hbm>> -> memref<256xf32, #tpu.memory_space<hbm>>
      %dma_wait3A_50 = tpu.memref_slice %arg3[%mul3A_5] : memref<8192xf32, #tpu.memory_space<hbm>> -> memref<256xf32, #tpu.memory_space<hbm>>
      tpu.wait_dma2 semaphore(%run_scoped3A : memref<!tpu.dma_semaphore, #tpu.memory_space<semaphore_mem>>) src(%dma_wait3A_50 : memref<256xf32, #tpu.memory_space<hbm>>) dst(%arg7 : memref<256xf32, #tpu.memory_space<vmem>>)
      tpu.yield
    }) : () -> ()
    %scan3A = arith.constant 0 : i32
    %scan3A_6 = arith.constant 0 : i32
    %scan3A_7 = arith.constant 128 : i32
    %scan3A_8 = arith.addi %scan3A_6, %scan3A_7 : i32
    %scan3A_9 = arith.constant 1 : i32
    %scan3A_10 = scf.for %scan3A_47 = %scan3A_6 to %scan3A_8 step %scan3A_9 iter_args(%scan3A_48 = %scan3A) -> (i32)  : i32 {
      %mul3A_49 = arith.constant 16 : i32
      %mul3A_50 = arith.muli %scan3A_47, %mul3A_49 : i32
      %swap3A = arith.index_cast %mul3A_50 : i32 to index
      %swap3A_51 = tpu.vector_load %arg8[%swap3A] {strides = array<i32>} : memref<2048xf32, #tpu.memory_space<vmem>>, vector<16xf32>,
      tpu.vector_store %arg8[%swap3A], %broadcast_in_dim3A_3 {strides = array<i32>} : memref<2048xf32, #tpu.memory_space<vmem>>, vector<16xf32>,
      %scan3A_52 = arith.constant 0 : i32
      scf.yield %scan3A_52 : i32
    }
    %scan3A_11 = arith.constant 128 : i32
    %dma_start3A = arith.constant 0 : i32
    %dma_start3A_12 = arith.constant 0 : i32
    %dma_start3A_13 = tpu.memref_slice %arg6[%dma_start3A, %dma_start3A_12] : memref<2x8192xf32, #tpu.memory_space<vmem>> -> memref<1x8192xf32, #tpu.memory_space<vmem>>
    %dma_start3A_14 = tpu.memref_squeeze %dma_start3A_13 : memref<1x8192xf32, #tpu.memory_space<vmem>> -> memref<8192xf32, #tpu.memory_space<vmem>>
    %dma_start3A_15 = arith.constant 0 : i32
    %dma_start3A_16 = tpu.memref_slice %arg2[%mul3A_2, %dma_start3A_15] : memref<512x8192xf32, #tpu.memory_space<hbm>> -> memref<1x8192xf32, #tpu.memory_space<hbm>>
    %dma_start3A_17 = tpu.memref_squeeze %dma_start3A_16 : memref<1x8192xf32, #tpu.memory_space<hbm>> -> memref<8192xf32, #tpu.memory_space<hbm>>
    %dma_start3A_18 = arith.constant 0 : i32
    %dma_start3A_19 = tpu.memref_slice %arg6[%dma_start3A, %dma_start3A_18] : memref<2x8192xf32, #tpu.memory_space<vmem>> -> memref<1x8192xf32, #tpu.memory_space<vmem>>
    %dma_start3A_20 = tpu.memref_squeeze %dma_start3A_19 : memref<1x8192xf32, #tpu.memory_space<vmem>> -> memref<8192xf32, #tpu.memory_space<vmem>>
    %dma_start3A_21 = arith.constant 0 : i32
    %dma_start3A_22 = tpu.memref_slice %arg2[%mul3A_2, %dma_start3A_21] : memref<512x8192xf32, #tpu.memory_space<hbm>> -> memref<1x8192xf32, #tpu.memory_space<hbm>>
    %dma_start3A_23 = tpu.memref_squeeze %dma_start3A_22 : memref<1x8192xf32, #tpu.memory_space<hbm>> -> memref<8192xf32, #tpu.memory_space<hbm>>
    tpu.enqueue_dma source(%dma_start3A_23 : memref<8192xf32, #tpu.memory_space<hbm>>) target(%dma_start3A_20 : memref<8192xf32, #tpu.memory_space<vmem>>) target_semaphore(%arg10 : memref<!tpu.dma_semaphore, #tpu.memory_space<semaphore_mem>>)
    %scan3A_24 = arith.constant 0 : i32
    %scan3A_25 = arith.constant 0 : i32
    %scan3A_26 = arith.constant 8 : i32
    %scan3A_27 = arith.addi %scan3A_25, %scan3A_26 : i32
    %scan3A_28 = arith.constant 1 : i32
    %scan3A_29 = scf.for %scan3A_47 = %scan3A_25 to %scan3A_27 step %scan3A_28 iter_args(%scan3A_48 = %scan3A_24) -> (i32)  : i32 {
      %mul3A_49 = arith.constant 2 : i32
      %mul3A_50 = arith.muli %mul3A_49, %scan3A_47 : i32
      %add3A_51 = arith.addi %mul3A_2, %mul3A_50 : i32
      %add3A_52 = arith.constant 1 : i32
      %add3A_53 = arith.addi %add3A_51, %add3A_52 : i32
      %dma_start3A_54 = arith.constant 1 : i32
      %dma_start3A_55 = arith.constant 0 : i32
      %dma_start3A_56 = tpu.memref_slice %arg6[%dma_start3A_54, %dma_start3A_55] : memref<2x8192xf32, #tpu.memory_space<vmem>> -> memref<1x8192xf32, #tpu.memory_space<vmem>>
      %dma_start3A_57 = tpu.memref_squeeze %dma_start3A_56 : memref<1x8192xf32, #tpu.memory_space<vmem>> -> memref<8192xf32, #tpu.memory_space<vmem>>
      %dma_start3A_58 = arith.constant 0 : i32
      %dma_start3A_59 = tpu.memref_slice %arg2[%add3A_53, %dma_start3A_58] : memref<512x8192xf32, #tpu.memory_space<hbm>> -> memref<1x8192xf32, #tpu.memory_space<hbm>>
      %dma_start3A_60 = tpu.memref_squeeze %dma_start3A_59 : memref<1x8192xf32, #tpu.memory_space<hbm>> -> memref<8192xf32, #tpu.memory_space<hbm>>
      %dma_start3A_61 = arith.constant 0 : i32
      %dma_start3A_62 = tpu.memref_slice %arg6[%dma_start3A_54, %dma_start3A_61] : memref<2x8192xf32, #tpu.memory_space<vmem>> -> memref<1x8192xf32, #tpu.memory_space<vmem>>
      %dma_start3A_63 = tpu.memref_squeeze %dma_start3A_62 : memref<1x8192xf32, #tpu.memory_space<vmem>> -> memref<8192xf32, #tpu.memory_space<vmem>>
      %dma_start3A_64 = arith.constant 0 : i32
      %dma_start3A_65 = tpu.memref_slice %arg2[%add3A_53, %dma_start3A_64] : memref<512x8192xf32, #tpu.memory_space<hbm>> -> memref<1x8192xf32, #tpu.memory_space<hbm>>
      %dma_start3A_66 = tpu.memref_squeeze %dma_start3A_65 : memref<1x8192xf32, #tpu.memory_space<hbm>> -> memref<8192xf32, #tpu.memory_space<hbm>>
      tpu.enqueue_dma source(%dma_start3A_66 : memref<8192xf32, #tpu.memory_space<hbm>>) target(%dma_start3A_63 : memref<8192xf32, #tpu.memory_space<vmem>>) target_semaphore(%arg11 : memref<!tpu.dma_semaphore, #tpu.memory_space<semaphore_mem>>)
      %dma_wait3A_67 = arith.constant 0 : i32
      %dma_wait3A_68 = arith.constant 0 : i32
      %dma_wait3A_69 = tpu.memref_slice %arg6[%dma_wait3A_67, %dma_wait3A_68] : memref<2x8192xf32, #tpu.memory_space<vmem>> -> memref<1x8192xf32, #tpu.memory_space<vmem>>
      %dma_wait3A_70 = tpu.memref_squeeze %dma_wait3A_69 : memref<1x8192xf32, #tpu.memory_space<vmem>> -> memref<8192xf32, #tpu.memory_space<vmem>>
      %dma_wait3A_71 = arith.constant 0 : i32
      %dma_wait3A_72 = tpu.memref_slice %arg2[%add3A_51, %dma_wait3A_71] : memref<512x8192xf32, #tpu.memory_space<hbm>> -> memref<1x8192xf32, #tpu.memory_space<hbm>>
      %dma_wait3A_73 = tpu.memref_squeeze %dma_wait3A_72 : memref<1x8192xf32, #tpu.memory_space<hbm>> -> memref<8192xf32, #tpu.memory_space<hbm>>
      %dma_wait3A_74 = arith.constant 0 : i32
      %dma_wait3A_75 = tpu.memref_slice %arg6[%dma_wait3A_67, %dma_wait3A_74] : memref<2x8192xf32, #tpu.memory_space<vmem>> -> memref<1x8192xf32, #tpu.memory_space<vmem>>
      %dma_wait3A_76 = tpu.memref_squeeze %dma_wait3A_75 : memref<1x8192xf32, #tpu.memory_space<vmem>> -> memref<8192xf32, #tpu.memory_space<vmem>>
      %dma_wait3A_77 = arith.constant 0 : i32
      %dma_wait3A_78 = tpu.memref_slice %arg2[%add3A_51, %dma_wait3A_77] : memref<512x8192xf32, #tpu.memory_space<hbm>> -> memref<1x8192xf32, #tpu.memory_space<hbm>>
      %dma_wait3A_79 = tpu.memref_squeeze %dma_wait3A_78 : memref<1x8192xf32, #tpu.memory_space<hbm>> -> memref<8192xf32, #tpu.memory_space<hbm>>
      tpu.wait_dma2 semaphore(%arg10 : memref<!tpu.dma_semaphore, #tpu.memory_space<semaphore_mem>>) src(%dma_wait3A_79 : memref<8192xf32, #tpu.memory_space<hbm>>) dst(%dma_wait3A_76 : memref<8192xf32, #tpu.memory_space<vmem>>)
      %mul3A_80 = arith.constant 2 : i32
      %mul3A_81 = arith.muli %mul3A_80, %scan3A_47 : i32
      %mul3A_82 = arith.constant 16 : i32
      %mul3A_83 = arith.muli %mul3A_81, %mul3A_82 : i32
      %get3A = arith.index_cast %mul3A_83 : i32 to index
      %get3A_84 = tpu.vector_load %arg7[%get3A] {strides = array<i32>} : memref<256xf32, #tpu.memory_space<vmem>>, vector<16xf32>,
      %mul3A_85 = arith.constant 128 : i32
      %mul3A_86 = arith.muli %mul3A_81, %mul3A_85 : i32
      %scan3A_87 = arith.constant 0 : i32
      %scan3A_88 = arith.constant 0 : i32
      %scan3A_89 = arith.constant 64 : i32
      %scan3A_90 = arith.addi %scan3A_88, %scan3A_89 : i32
      %scan3A_91 = arith.constant 1 : i32
      %scan3A_92 = scf.for %scan3A_145 = %scan3A_88 to %scan3A_90 step %scan3A_91 iter_args(%scan3A_146 = %scan3A_87) -> (i32)  : i32 {
        %mul3A_147 = arith.constant 128 : i32
        %mul3A_148 = arith.muli %scan3A_145, %mul3A_147 : i32
        %add3A_149 = arith.constant 0 : i32
        %add3A_150 = arith.addi %mul3A_148, %add3A_149 : i32
        %get3A_151 = arith.constant 0 : i32
        %get3A_152 = arith.index_cast %get3A_151 : i32 to index
        %get3A_153 = arith.index_cast %add3A_150 : i32 to index
        %get3A_154 = tpu.vector_load %arg6[%get3A_152, %get3A_153] {strides = array<i32>} : memref<2x8192xf32, #tpu.memory_space<vmem>>, vector<16xf32>,
        %add3A_155 = arith.constant 16 : i32
        %add3A_156 = arith.addi %mul3A_148, %add3A_155 : i32
        %get3A_157 = arith.constant 0 : i32
        %get3A_158 = arith.index_cast %get3A_157 : i32 to index
        %get3A_159 = arith.index_cast %add3A_156 : i32 to index
        %get3A_160 = tpu.vector_load %arg6[%get3A_158, %get3A_159] {strides = array<i32>} : memref<2x8192xf32, #tpu.memory_space<vmem>>, vector<16xf32>,
        %add3A_161 = arith.constant 32 : i32
        %add3A_162 = arith.addi %mul3A_148, %add3A_161 : i32
        %get3A_163 = arith.constant 0 : i32
        %get3A_164 = arith.index_cast %get3A_163 : i32 to index
        %get3A_165 = arith.index_cast %add3A_162 : i32 to index
        %get3A_166 = tpu.vector_load %arg6[%get3A_164, %get3A_165] {strides = array<i32>} : memref<2x8192xf32, #tpu.memory_space<vmem>>, vector<16xf32>,
        %add3A_167 = arith.constant 48 : i32
        %add3A_168 = arith.addi %mul3A_148, %add3A_167 : i32
        %get3A_169 = arith.constant 0 : i32
        %get3A_170 = arith.index_cast %get3A_169 : i32 to index
        %get3A_171 = arith.index_cast %add3A_168 : i32 to index
        %get3A_172 = tpu.vector_load %arg6[%get3A_170, %get3A_171] {strides = array<i32>} : memref<2x8192xf32, #tpu.memory_space<vmem>>, vector<16xf32>,
        %add3A_173 = arith.constant 64 : i32
        %add3A_174 = arith.addi %mul3A_148, %add3A_173 : i32
        %get3A_175 = arith.constant 0 : i32
        %get3A_176 = arith.index_cast %get3A_175 : i32 to index
        %get3A_177 = arith.index_cast %add3A_174 : i32 to index
        %get3A_178 = tpu.vector_load %arg6[%get3A_176, %get3A_177] {strides = array<i32>} : memref<2x8192xf32, #tpu.memory_space<vmem>>, vector<16xf32>,
        %add3A_179 = arith.constant 80 : i32
        %add3A_180 = arith.addi %mul3A_148, %add3A_179 : i32
        %get3A_181 = arith.constant 0 : i32
        %get3A_182 = arith.index_cast %get3A_181 : i32 to index
        %get3A_183 = arith.index_cast %add3A_180 : i32 to index
        %get3A_184 = tpu.vector_load %arg6[%get3A_182, %get3A_183] {strides = array<i32>} : memref<2x8192xf32, #tpu.memory_space<vmem>>, vector<16xf32>,
        %add3A_185 = arith.constant 96 : i32
        %add3A_186 = arith.addi %mul3A_148, %add3A_185 : i32
        %get3A_187 = arith.constant 0 : i32
        %get3A_188 = arith.index_cast %get3A_187 : i32 to index
        %get3A_189 = arith.index_cast %add3A_186 : i32 to index
        %get3A_190 = tpu.vector_load %arg6[%get3A_188, %get3A_189] {strides = array<i32>} : memref<2x8192xf32, #tpu.memory_space<vmem>>, vector<16xf32>,
        %add3A_191 = arith.constant 112 : i32
        %add3A_192 = arith.addi %mul3A_148, %add3A_191 : i32
        %get3A_193 = arith.constant 0 : i32
        %get3A_194 = arith.index_cast %get3A_193 : i32 to index
        %get3A_195 = arith.index_cast %add3A_192 : i32 to index
        %get3A_196 = tpu.vector_load %arg6[%get3A_194, %get3A_195] {strides = array<i32>} : memref<2x8192xf32, #tpu.memory_space<vmem>>, vector<16xf32>,
        %le3A = arith.cmpf ole, %get3A_154, %get3A_84 : vector<16xf32>
        %le3A_197 = arith.cmpf ole, %get3A_160, %get3A_84 : vector<16xf32>
        %le3A_198 = arith.cmpf ole, %get3A_166, %get3A_84 : vector<16xf32>
        %le3A_199 = arith.cmpf ole, %get3A_172, %get3A_84 : vector<16xf32>
        %le3A_200 = arith.cmpf ole, %get3A_178, %get3A_84 : vector<16xf32>
        %le3A_201 = arith.cmpf ole, %get3A_184, %get3A_84 : vector<16xf32>
        %le3A_202 = arith.cmpf ole, %get3A_190, %get3A_84 : vector<16xf32>
        %le3A_203 = arith.cmpf ole, %get3A_196, %get3A_84 : vector<16xf32>
        %or3A = arith.ori %le3A, %le3A_197 : vector<16xi1>
        %or3A_204 = arith.ori %or3A, %le3A_198 : vector<16xi1>
        %or3A_205 = arith.ori %or3A_204, %le3A_199 : vector<16xi1>
        %or3A_206 = arith.ori %or3A_205, %le3A_200 : vector<16xi1>
        %or3A_207 = arith.ori %or3A_206, %le3A_201 : vector<16xi1>
        %or3A_208 = arith.ori %or3A_207, %le3A_202 : vector<16xi1>
        %or3A_209 = arith.ori %or3A_208, %le3A_203 : vector<16xi1>
        %all_reduce_population_count3A = tpu.all_reduce %or3A_209 {dim = 0 : i64, kind = #tpu.reduction_kind<sum>} : vector<16xi1> -> vector<16xi32>
        %slice3A = vector.extract_strided_slice %all_reduce_population_count3A {offsets = [0], sizes = [1], strides = [1]} : vector<16xi32> to vector<1xi32>
        %squeeze3A = vector.extract %slice3A[0] : i32 from vector<1xi32>
        %ne3A = arith.constant 0 : i32
        %ne3A_210 = arith.cmpi ne, %squeeze3A, %ne3A : i32
        %convert_element_type3A = arith.extui %ne3A_210 : i1 to i32
        %cond3A = arith.constant 0 : i32
        %cond3A_211 = arith.cmpi ne, %convert_element_type3A, %cond3A : i32
        %cond3A_212 = scf.if %cond3A_211 -> (i32) {
          %convert_element_type3A_213 = arith.extui %le3A : vector<16xi1> to vector<16xi32>
          %broadcast_in_dim3A_214 = arith.constant true
          %broadcast_in_dim3A_215 = vector.broadcast %broadcast_in_dim3A_214 : i1 to vector<16xi1>
          %masked_cumsum3A = tpu.scan <sum>, %convert_element_type3A_213 masked %broadcast_in_dim3A_215 : vector<16xi32>, vector<16xi1> -> vector<16xi32>
          %add3A_216 = vector.broadcast %scan3A_146 : i32 to vector<16xi32>
          %add3A_217 = arith.addi %add3A_216, %masked_cumsum3A : vector<16xi32>
          %sub3A_218 = arith.constant 1 : i32
          %sub3A_219 = vector.broadcast %sub3A_218 : i32 to vector<16xi32>
          %sub3A_220 = arith.subi %add3A_217, %sub3A_219 : vector<16xi32>
          %lt3A = arith.constant 128 : i32
          %lt3A_221 = vector.broadcast %lt3A : i32 to vector<16xi32>
          %lt3A_222 = arith.cmpi slt, %sub3A_220, %lt3A_221 : vector<16xi32>
          %and3A = arith.andi %le3A, %lt3A_222 : vector<16xi1>
          %add3A_223 = vector.broadcast %mul3A_86 : i32 to vector<16xi32>
          %add3A_224 = arith.addi %add3A_223, %sub3A_220 : vector<16xi32>
          tpu.vector_store_idx %arg8[%add3A_224], %get3A_154 masked %and3A : memref<2048xf32, #tpu.memory_space<vmem>>[vector<16xi32>], vector<16xf32>, vector<16xi1>
          %add3A_225 = vector.broadcast %mul3A_86 : i32 to vector<16xi32>
          %add3A_226 = arith.addi %add3A_225, %sub3A_220 : vector<16xi32>
          %add3A_227 = arith.constant 0 : i32
          %add3A_228 = arith.addi %mul3A_148, %add3A_227 : i32
          %add3A_229 = vector.broadcast %add3A_228 : i32 to vector<16xi32>
          %add3A_230 = arith.addi %add3A_229, %iota3A : vector<16xi32>
          tpu.vector_store_idx %arg9[%add3A_226], %add3A_230 masked %and3A : memref<2048xi32, #tpu.memory_space<vmem>>[vector<16xi32>], vector<16xi32>, vector<16xi1>
          %reduce_sum3A = arith.constant true
          %reduce_sum3A_231 = vector.broadcast %reduce_sum3A : i1 to vector<16xi1>
          %reduce_sum3A_232 = tpu.scan <sum>, %convert_element_type3A_213 masked %reduce_sum3A_231 : vector<16xi32>, vector<16xi1> -> vector<16xi32>
          %reduce_sum3A_233 = vector.extract %reduce_sum3A_232[15] : i32 from vector<16xi32>
          %add3A_234 = arith.addi %scan3A_146, %reduce_sum3A_233 : i32
          %convert_element_type3A_235 = arith.extui %le3A_197 : vector<16xi1> to vector<16xi32>
          %broadcast_in_dim3A_236 = arith.constant true
          %broadcast_in_dim3A_237 = vector.broadcast %broadcast_in_dim3A_236 : i1 to vector<16xi1>
          %masked_cumsum3A_238 = tpu.scan <sum>, %convert_element_type3A_235 masked %broadcast_in_dim3A_237 : vector<16xi32>, vector<16xi1> -> vector<16xi32>
          %add3A_239 = vector.broadcast %add3A_234 : i32 to vector<16xi32>
          %add3A_240 = arith.addi %add3A_239, %masked_cumsum3A_238 : vector<16xi32>
          %sub3A_241 = arith.constant 1 : i32
          %sub3A_242 = vector.broadcast %sub3A_241 : i32 to vector<16xi32>
          %sub3A_243 = arith.subi %add3A_240, %sub3A_242 : vector<16xi32>
          %lt3A_244 = arith.constant 128 : i32
          %lt3A_245 = vector.broadcast %lt3A_244 : i32 to vector<16xi32>
          %lt3A_246 = arith.cmpi slt, %sub3A_243, %lt3A_245 : vector<16xi32>
          %and3A_247 = arith.andi %le3A_197, %lt3A_246 : vector<16xi1>
          %add3A_248 = vector.broadcast %mul3A_86 : i32 to vector<16xi32>
          %add3A_249 = arith.addi %add3A_248, %sub3A_243 : vector<16xi32>
          tpu.vector_store_idx %arg8[%add3A_249], %get3A_160 masked %and3A_247 : memref<2048xf32, #tpu.memory_space<vmem>>[vector<16xi32>], vector<16xf32>, vector<16xi1>
          %add3A_250 = vector.broadcast %mul3A_86 : i32 to vector<16xi32>
          %add3A_251 = arith.addi %add3A_250, %sub3A_243 : vector<16xi32>
          %add3A_252 = arith.constant 16 : i32
          %add3A_253 = arith.addi %mul3A_148, %add3A_252 : i32
          %add3A_254 = vector.broadcast %add3A_253 : i32 to vector<16xi32>
          %add3A_255 = arith.addi %add3A_254, %iota3A : vector<16xi32>
          tpu.vector_store_idx %arg9[%add3A_251], %add3A_255 masked %and3A_247 : memref<2048xi32, #tpu.memory_space<vmem>>[vector<16xi32>], vector<16xi32>, vector<16xi1>
          %reduce_sum3A_256 = arith.constant true
          %reduce_sum3A_257 = vector.broadcast %reduce_sum3A_256 : i1 to vector<16xi1>
          %reduce_sum3A_258 = tpu.scan <sum>, %convert_element_type3A_235 masked %reduce_sum3A_257 : vector<16xi32>, vector<16xi1> -> vector<16xi32>
          %reduce_sum3A_259 = vector.extract %reduce_sum3A_258[15] : i32 from vector<16xi32>
          %add3A_260 = arith.addi %add3A_234, %reduce_sum3A_259 : i32
          %convert_element_type3A_261 = arith.extui %le3A_198 : vector<16xi1> to vector<16xi32>
          %broadcast_in_dim3A_262 = arith.constant true
          %broadcast_in_dim3A_263 = vector.broadcast %broadcast_in_dim3A_262 : i1 to vector<16xi1>
          %masked_cumsum3A_264 = tpu.scan <sum>, %convert_element_type3A_261 masked %broadcast_in_dim3A_263 : vector<16xi32>, vector<16xi1> -> vector<16xi32>
          %add3A_265 = vector.broadcast %add3A_260 : i32 to vector<16xi32>
          %add3A_266 = arith.addi %add3A_265, %masked_cumsum3A_264 : vector<16xi32>
          %sub3A_267 = arith.constant 1 : i32
          %sub3A_268 = vector.broadcast %sub3A_267 : i32 to vector<16xi32>
          %sub3A_269 = arith.subi %add3A_266, %sub3A_268 : vector<16xi32>
          %lt3A_270 = arith.constant 128 : i32
          %lt3A_271 = vector.broadcast %lt3A_270 : i32 to vector<16xi32>
          %lt3A_272 = arith.cmpi slt, %sub3A_269, %lt3A_271 : vector<16xi32>
          %and3A_273 = arith.andi %le3A_198, %lt3A_272 : vector<16xi1>
          %add3A_274 = vector.broadcast %mul3A_86 : i32 to vector<16xi32>
          %add3A_275 = arith.addi %add3A_274, %sub3A_269 : vector<16xi32>
          tpu.vector_store_idx %arg8[%add3A_275], %get3A_166 masked %and3A_273 : memref<2048xf32, #tpu.memory_space<vmem>>[vector<16xi32>], vector<16xf32>, vector<16xi1>
          %add3A_276 = vector.broadcast %mul3A_86 : i32 to vector<16xi32>
          %add3A_277 = arith.addi %add3A_276, %sub3A_269 : vector<16xi32>
          %add3A_278 = arith.constant 32 : i32
          %add3A_279 = arith.addi %mul3A_148, %add3A_278 : i32
          %add3A_280 = vector.broadcast %add3A_279 : i32 to vector<16xi32>
          %add3A_281 = arith.addi %add3A_280, %iota3A : vector<16xi32>
          tpu.vector_store_idx %arg9[%add3A_277], %add3A_281 masked %and3A_273 : memref<2048xi32, #tpu.memory_space<vmem>>[vector<16xi32>], vector<16xi32>, vector<16xi1>
          %reduce_sum3A_282 = arith.constant true
          %reduce_sum3A_283 = vector.broadcast %reduce_sum3A_282 : i1 to vector<16xi1>
          %reduce_sum3A_284 = tpu.scan <sum>, %convert_element_type3A_261 masked %reduce_sum3A_283 : vector<16xi32>, vector<16xi1> -> vector<16xi32>
          %reduce_sum3A_285 = vector.extract %reduce_sum3A_284[15] : i32 from vector<16xi32>
          %add3A_286 = arith.addi %add3A_260, %reduce_sum3A_285 : i32
          %convert_element_type3A_287 = arith.extui %le3A_199 : vector<16xi1> to vector<16xi32>
          %broadcast_in_dim3A_288 = arith.constant true
          %broadcast_in_dim3A_289 = vector.broadcast %broadcast_in_dim3A_288 : i1 to vector<16xi1>
          %masked_cumsum3A_290 = tpu.scan <sum>, %convert_element_type3A_287 masked %broadcast_in_dim3A_289 : vector<16xi32>, vector<16xi1> -> vector<16xi32>
          %add3A_291 = vector.broadcast %add3A_286 : i32 to vector<16xi32>
          %add3A_292 = arith.addi %add3A_291, %masked_cumsum3A_290 : vector<16xi32>
          %sub3A_293 = arith.constant 1 : i32
          %sub3A_294 = vector.broadcast %sub3A_293 : i32 to vector<16xi32>
          %sub3A_295 = arith.subi %add3A_292, %sub3A_294 : vector<16xi32>
          %lt3A_296 = arith.constant 128 : i32
          %lt3A_297 = vector.broadcast %lt3A_296 : i32 to vector<16xi32>
          %lt3A_298 = arith.cmpi slt, %sub3A_295, %lt3A_297 : vector<16xi32>
          %and3A_299 = arith.andi %le3A_199, %lt3A_298 : vector<16xi1>
          %add3A_300 = vector.broadcast %mul3A_86 : i32 to vector<16xi32>
          %add3A_301 = arith.addi %add3A_300, %sub3A_295 : vector<16xi32>
          tpu.vector_store_idx %arg8[%add3A_301], %get3A_172 masked %and3A_299 : memref<2048xf32, #tpu.memory_space<vmem>>[vector<16xi32>], vector<16xf32>, vector<16xi1>
          %add3A_302 = vector.broadcast %mul3A_86 : i32 to vector<16xi32>
          %add3A_303 = arith.addi %add3A_302, %sub3A_295 : vector<16xi32>
          %add3A_304 = arith.constant 48 : i32
          %add3A_305 = arith.addi %mul3A_148, %add3A_304 : i32
          %add3A_306 = vector.broadcast %add3A_305 : i32 to vector<16xi32>
          %add3A_307 = arith.addi %add3A_306, %iota3A : vector<16xi32>
          tpu.vector_store_idx %arg9[%add3A_303], %add3A_307 masked %and3A_299 : memref<2048xi32, #tpu.memory_space<vmem>>[vector<16xi32>], vector<16xi32>, vector<16xi1>
          %reduce_sum3A_308 = arith.constant true
          %reduce_sum3A_309 = vector.broadcast %reduce_sum3A_308 : i1 to vector<16xi1>
          %reduce_sum3A_310 = tpu.scan <sum>, %convert_element_type3A_287 masked %reduce_sum3A_309 : vector<16xi32>, vector<16xi1> -> vector<16xi32>
          %reduce_sum3A_311 = vector.extract %reduce_sum3A_310[15] : i32 from vector<16xi32>
          %add3A_312 = arith.addi %add3A_286, %reduce_sum3A_311 : i32
          %convert_element_type3A_313 = arith.extui %le3A_200 : vector<16xi1> to vector<16xi32>
          %broadcast_in_dim3A_314 = arith.constant true
          %broadcast_in_dim3A_315 = vector.broadcast %broadcast_in_dim3A_314 : i1 to vector<16xi1>
          %masked_cumsum3A_316 = tpu.scan <sum>, %convert_element_type3A_313 masked %broadcast_in_dim3A_315 : vector<16xi32>, vector<16xi1> -> vector<16xi32>
          %add3A_317 = vector.broadcast %add3A_312 : i32 to vector<16xi32>
          %add3A_318 = arith.addi %add3A_317, %masked_cumsum3A_316 : vector<16xi32>
          %sub3A_319 = arith.constant 1 : i32
          %sub3A_320 = vector.broadcast %sub3A_319 : i32 to vector<16xi32>
          %sub3A_321 = arith.subi %add3A_318, %sub3A_320 : vector<16xi32>
          %lt3A_322 = arith.constant 128 : i32
          %lt3A_323 = vector.broadcast %lt3A_322 : i32 to vector<16xi32>
          %lt3A_324 = arith.cmpi slt, %sub3A_321, %lt3A_323 : vector<16xi32>
          %and3A_325 = arith.andi %le3A_200, %lt3A_324 : vector<16xi1>
          %add3A_326 = vector.broadcast %mul3A_86 : i32 to vector<16xi32>
          %add3A_327 = arith.addi %add3A_326, %sub3A_321 : vector<16xi32>
          tpu.vector_store_idx %arg8[%add3A_327], %get3A_178 masked %and3A_325 : memref<2048xf32, #tpu.memory_space<vmem>>[vector<16xi32>], vector<16xf32>, vector<16xi1>
          %add3A_328 = vector.broadcast %mul3A_86 : i32 to vector<16xi32>
          %add3A_329 = arith.addi %add3A_328, %sub3A_321 : vector<16xi32>
          %add3A_330 = arith.constant 64 : i32
          %add3A_331 = arith.addi %mul3A_148, %add3A_330 : i32
          %add3A_332 = vector.broadcast %add3A_331 : i32 to vector<16xi32>
          %add3A_333 = arith.addi %add3A_332, %iota3A : vector<16xi32>
          tpu.vector_store_idx %arg9[%add3A_329], %add3A_333 masked %and3A_325 : memref<2048xi32, #tpu.memory_space<vmem>>[vector<16xi32>], vector<16xi32>, vector<16xi1>
          %reduce_sum3A_334 = arith.constant true
          %reduce_sum3A_335 = vector.broadcast %reduce_sum3A_334 : i1 to vector<16xi1>
          %reduce_sum3A_336 = tpu.scan <sum>, %convert_element_type3A_313 masked %reduce_sum3A_335 : vector<16xi32>, vector<16xi1> -> vector<16xi32>
          %reduce_sum3A_337 = vector.extract %reduce_sum3A_336[15] : i32 from vector<16xi32>
          %add3A_338 = arith.addi %add3A_312, %reduce_sum3A_337 : i32
          %convert_element_type3A_339 = arith.extui %le3A_201 : vector<16xi1> to vector<16xi32>
          %broadcast_in_dim3A_340 = arith.constant true
          %broadcast_in_dim3A_341 = vector.broadcast %broadcast_in_dim3A_340 : i1 to vector<16xi1>
          %masked_cumsum3A_342 = tpu.scan <sum>, %convert_element_type3A_339 masked %broadcast_in_dim3A_341 : vector<16xi32>, vector<16xi1> -> vector<16xi32>
          %add3A_343 = vector.broadcast %add3A_338 : i32 to vector<16xi32>
          %add3A_344 = arith.addi %add3A_343, %masked_cumsum3A_342 : vector<16xi32>
          %sub3A_345 = arith.constant 1 : i32
          %sub3A_346 = vector.broadcast %sub3A_345 : i32 to vector<16xi32>
          %sub3A_347 = arith.subi %add3A_344, %sub3A_346 : vector<16xi32>
          %lt3A_348 = arith.constant 128 : i32
          %lt3A_349 = vector.broadcast %lt3A_348 : i32 to vector<16xi32>
          %lt3A_350 = arith.cmpi slt, %sub3A_347, %lt3A_349 : vector<16xi32>
          %and3A_351 = arith.andi %le3A_201, %lt3A_350 : vector<16xi1>
          %add3A_352 = vector.broadcast %mul3A_86 : i32 to vector<16xi32>
          %add3A_353 = arith.addi %add3A_352, %sub3A_347 : vector<16xi32>
          tpu.vector_store_idx %arg8[%add3A_353], %get3A_184 masked %and3A_351 : memref<2048xf32, #tpu.memory_space<vmem>>[vector<16xi32>], vector<16xf32>, vector<16xi1>
          %add3A_354 = vector.broadcast %mul3A_86 : i32 to vector<16xi32>
          %add3A_355 = arith.addi %add3A_354, %sub3A_347 : vector<16xi32>
          %add3A_356 = arith.constant 80 : i32
          %add3A_357 = arith.addi %mul3A_148, %add3A_356 : i32
          %add3A_358 = vector.broadcast %add3A_357 : i32 to vector<16xi32>
          %add3A_359 = arith.addi %add3A_358, %iota3A : vector<16xi32>
          tpu.vector_store_idx %arg9[%add3A_355], %add3A_359 masked %and3A_351 : memref<2048xi32, #tpu.memory_space<vmem>>[vector<16xi32>], vector<16xi32>, vector<16xi1>
          %reduce_sum3A_360 = arith.constant true
          %reduce_sum3A_361 = vector.broadcast %reduce_sum3A_360 : i1 to vector<16xi1>
          %reduce_sum3A_362 = tpu.scan <sum>, %convert_element_type3A_339 masked %reduce_sum3A_361 : vector<16xi32>, vector<16xi1> -> vector<16xi32>
          %reduce_sum3A_363 = vector.extract %reduce_sum3A_362[15] : i32 from vector<16xi32>
          %add3A_364 = arith.addi %add3A_338, %reduce_sum3A_363 : i32
          %convert_element_type3A_365 = arith.extui %le3A_202 : vector<16xi1> to vector<16xi32>
          %broadcast_in_dim3A_366 = arith.constant true
          %broadcast_in_dim3A_367 = vector.broadcast %broadcast_in_dim3A_366 : i1 to vector<16xi1>
          %masked_cumsum3A_368 = tpu.scan <sum>, %convert_element_type3A_365 masked %broadcast_in_dim3A_367 : vector<16xi32>, vector<16xi1> -> vector<16xi32>
          %add3A_369 = vector.broadcast %add3A_364 : i32 to vector<16xi32>
          %add3A_370 = arith.addi %add3A_369, %masked_cumsum3A_368 : vector<16xi32>
          %sub3A_371 = arith.constant 1 : i32
          %sub3A_372 = vector.broadcast %sub3A_371 : i32 to vector<16xi32>
          %sub3A_373 = arith.subi %add3A_370, %sub3A_372 : vector<16xi32>
          %lt3A_374 = arith.constant 128 : i32
          %lt3A_375 = vector.broadcast %lt3A_374 : i32 to vector<16xi32>
          %lt3A_376 = arith.cmpi slt, %sub3A_373, %lt3A_375 : vector<16xi32>
          %and3A_377 = arith.andi %le3A_202, %lt3A_376 : vector<16xi1>
          %add3A_378 = vector.broadcast %mul3A_86 : i32 to vector<16xi32>
          %add3A_379 = arith.addi %add3A_378, %sub3A_373 : vector<16xi32>
          tpu.vector_store_idx %arg8[%add3A_379], %get3A_190 masked %and3A_377 : memref<2048xf32, #tpu.memory_space<vmem>>[vector<16xi32>], vector<16xf32>, vector<16xi1>
          %add3A_380 = vector.broadcast %mul3A_86 : i32 to vector<16xi32>
          %add3A_381 = arith.addi %add3A_380, %sub3A_373 : vector<16xi32>
          %add3A_382 = arith.constant 96 : i32
          %add3A_383 = arith.addi %mul3A_148, %add3A_382 : i32
          %add3A_384 = vector.broadcast %add3A_383 : i32 to vector<16xi32>
          %add3A_385 = arith.addi %add3A_384, %iota3A : vector<16xi32>
          tpu.vector_store_idx %arg9[%add3A_381], %add3A_385 masked %and3A_377 : memref<2048xi32, #tpu.memory_space<vmem>>[vector<16xi32>], vector<16xi32>, vector<16xi1>
          %reduce_sum3A_386 = arith.constant true
          %reduce_sum3A_387 = vector.broadcast %reduce_sum3A_386 : i1 to vector<16xi1>
          %reduce_sum3A_388 = tpu.scan <sum>, %convert_element_type3A_365 masked %reduce_sum3A_387 : vector<16xi32>, vector<16xi1> -> vector<16xi32>
          %reduce_sum3A_389 = vector.extract %reduce_sum3A_388[15] : i32 from vector<16xi32>
          %add3A_390 = arith.addi %add3A_364, %reduce_sum3A_389 : i32
          %convert_element_type3A_391 = arith.extui %le3A_203 : vector<16xi1> to vector<16xi32>
          %broadcast_in_dim3A_392 = arith.constant true
          %broadcast_in_dim3A_393 = vector.broadcast %broadcast_in_dim3A_392 : i1 to vector<16xi1>
          %masked_cumsum3A_394 = tpu.scan <sum>, %convert_element_type3A_391 masked %broadcast_in_dim3A_393 : vector<16xi32>, vector<16xi1> -> vector<16xi32>
          %add3A_395 = vector.broadcast %add3A_390 : i32 to vector<16xi32>
          %add3A_396 = arith.addi %add3A_395, %masked_cumsum3A_394 : vector<16xi32>
          %sub3A_397 = arith.constant 1 : i32
          %sub3A_398 = vector.broadcast %sub3A_397 : i32 to vector<16xi32>
          %sub3A_399 = arith.subi %add3A_396, %sub3A_398 : vector<16xi32>
          %lt3A_400 = arith.constant 128 : i32
          %lt3A_401 = vector.broadcast %lt3A_400 : i32 to vector<16xi32>
          %lt3A_402 = arith.cmpi slt, %sub3A_399, %lt3A_401 : vector<16xi32>
          %and3A_403 = arith.andi %le3A_203, %lt3A_402 : vector<16xi1>
          %add3A_404 = vector.broadcast %mul3A_86 : i32 to vector<16xi32>
          %add3A_405 = arith.addi %add3A_404, %sub3A_399 : vector<16xi32>
          tpu.vector_store_idx %arg8[%add3A_405], %get3A_196 masked %and3A_403 : memref<2048xf32, #tpu.memory_space<vmem>>[vector<16xi32>], vector<16xf32>, vector<16xi1>
          %add3A_406 = vector.broadcast %mul3A_86 : i32 to vector<16xi32>
          %add3A_407 = arith.addi %add3A_406, %sub3A_399 : vector<16xi32>
          %add3A_408 = arith.constant 112 : i32
          %add3A_409 = arith.addi %mul3A_148, %add3A_408 : i32
          %add3A_410 = vector.broadcast %add3A_409 : i32 to vector<16xi32>
          %add3A_411 = arith.addi %add3A_410, %iota3A : vector<16xi32>
          tpu.vector_store_idx %arg9[%add3A_407], %add3A_411 masked %and3A_403 : memref<2048xi32, #tpu.memory_space<vmem>>[vector<16xi32>], vector<16xi32>, vector<16xi1>
          %reduce_sum3A_412 = arith.constant true
          %reduce_sum3A_413 = vector.broadcast %reduce_sum3A_412 : i1 to vector<16xi1>
          %reduce_sum3A_414 = tpu.scan <sum>, %convert_element_type3A_391 masked %reduce_sum3A_413 : vector<16xi32>, vector<16xi1> -> vector<16xi32>
          %reduce_sum3A_415 = vector.extract %reduce_sum3A_414[15] : i32 from vector<16xi32>
          %add3A_416 = arith.addi %add3A_390, %reduce_sum3A_415 : i32
          scf.yield %add3A_416 : i32
        } else {
          scf.yield %scan3A_146 : i32
        }
        scf.yield %cond3A_212 : i32
      }
      %scan3A_93 = arith.constant 64 : i32
      %add3A_94 = arith.constant 2 : i32
      %add3A_95 = arith.addi %add3A_51, %add3A_94 : i32
      %add3A_96 = arith.constant 16 : i32
      %add3A_97 = arith.addi %mul3A_2, %add3A_96 : i32
      %sub3A = arith.constant 1 : i32
      %sub3A_98 = arith.subi %add3A_97, %sub3A : i32
      %min3A = arith.minsi %add3A_95, %sub3A_98 : i32
      %dma_start3A_99 = arith.constant 0 : i32
      %dma_start3A_100 = arith.constant 0 : i32
      %dma_start3A_101 = tpu.memref_slice %arg6[%dma_start3A_99, %dma_start3A_100] : memref<2x8192xf32, #tpu.memory_space<vmem>> -> memref<1x8192xf32, #tpu.memory_space<vmem>>
      %dma_start3A_102 = tpu.memref_squeeze %dma_start3A_101 : memref<1x8192xf32, #tpu.memory_space<vmem>> -> memref<8192xf32, #tpu.memory_space<vmem>>
      %dma_start3A_103 = arith.constant 0 : i32
      %dma_start3A_104 = tpu.memref_slice %arg2[%min3A, %dma_start3A_103] : memref<512x8192xf32, #tpu.memory_space<hbm>> -> memref<1x8192xf32, #tpu.memory_space<hbm>>
      %dma_start3A_105 = tpu.memref_squeeze %dma_start3A_104 : memref<1x8192xf32, #tpu.memory_space<hbm>> -> memref<8192xf32, #tpu.memory_space<hbm>>
      %dma_start3A_106 = arith.constant 0 : i32
      %dma_start3A_107 = tpu.memref_slice %arg6[%dma_start3A_99, %dma_start3A_106] : memref<2x8192xf32, #tpu.memory_space<vmem>> -> memref<1x8192xf32, #tpu.memory_space<vmem>>
      %dma_start3A_108 = tpu.memref_squeeze %dma_start3A_107 : memref<1x8192xf32, #tpu.memory_space<vmem>> -> memref<8192xf32, #tpu.memory_space<vmem>>
      %dma_start3A_109 = arith.constant 0 : i32
      %dma_start3A_110 = tpu.memref_slice %arg2[%min3A, %dma_start3A_109] : memref<512x8192xf32, #tpu.memory_space<hbm>> -> memref<1x8192xf32, #tpu.memory_space<hbm>>
      %dma_start3A_111 = tpu.memref_squeeze %dma_start3A_110 : memref<1x8192xf32, #tpu.memory_space<hbm>> -> memref<8192xf32, #tpu.memory_space<hbm>>
      tpu.enqueue_dma source(%dma_start3A_111 : memref<8192xf32, #tpu.memory_space<hbm>>) target(%dma_start3A_108 : memref<8192xf32, #tpu.memory_space<vmem>>) target_semaphore(%arg10 : memref<!tpu.dma_semaphore, #tpu.memory_space<semaphore_mem>>)
      %add3A_112 = arith.constant 1 : i32
      %add3A_113 = arith.addi %add3A_51, %add3A_112 : i32
      %dma_wait3A_114 = arith.constant 1 : i32
      %dma_wait3A_115 = arith.constant 0 : i32
      %dma_wait3A_116 = tpu.memref_slice %arg6[%dma_wait3A_114, %dma_wait3A_115] : memref<2x8192xf32, #tpu.memory_space<vmem>> -> memref<1x8192xf32, #tpu.memory_space<vmem>>
      %dma_wait3A_117 = tpu.memref_squeeze %dma_wait3A_116 : memref<1x8192xf32, #tpu.memory_space<vmem>> -> memref<8192xf32, #tpu.memory_space<vmem>>
      %dma_wait3A_118 = arith.constant 0 : i32
      %dma_wait3A_119 = tpu.memref_slice %arg2[%add3A_113, %dma_wait3A_118] : memref<512x8192xf32, #tpu.memory_space<hbm>> -> memref<1x8192xf32, #tpu.memory_space<hbm>>
      %dma_wait3A_120 = tpu.memref_squeeze %dma_wait3A_119 : memref<1x8192xf32, #tpu.memory_space<hbm>> -> memref<8192xf32, #tpu.memory_space<hbm>>
      %dma_wait3A_121 = arith.constant 0 : i32
      %dma_wait3A_122 = tpu.memref_slice %arg6[%dma_wait3A_114, %dma_wait3A_121] : memref<2x8192xf32, #tpu.memory_space<vmem>> -> memref<1x8192xf32, #tpu.memory_space<vmem>>
      %dma_wait3A_123 = tpu.memref_squeeze %dma_wait3A_122 : memref<1x8192xf32, #tpu.memory_space<vmem>> -> memref<8192xf32, #tpu.memory_space<vmem>>
      %dma_wait3A_124 = arith.constant 0 : i32
      %dma_wait3A_125 = tpu.memref_slice %arg2[%add3A_113, %dma_wait3A_124] : memref<512x8192xf32, #tpu.memory_space<hbm>> -> memref<1x8192xf32, #tpu.memory_space<hbm>>
      %dma_wait3A_126 = tpu.memref_squeeze %dma_wait3A_125 : memref<1x8192xf32, #tpu.memory_space<hbm>> -> memref<8192xf32, #tpu.memory_space<hbm>>
      tpu.wait_dma2 semaphore(%arg11 : memref<!tpu.dma_semaphore, #tpu.memory_space<semaphore_mem>>) src(%dma_wait3A_126 : memref<8192xf32, #tpu.memory_space<hbm>>) dst(%dma_wait3A_123 : memref<8192xf32, #tpu.memory_space<vmem>>)
      %mul3A_127 = arith.constant 2 : i32
      %mul3A_128 = arith.muli %mul3A_127, %scan3A_47 : i32
      %add3A_129 = arith.constant 1 : i32
      %add3A_130 = arith.addi %mul3A_128, %add3A_129 : i32
      %mul3A_131 = arith.constant 16 : i32
      %mul3A_132 = arith.muli %add3A_130, %mul3A_131 : i32
      %get3A_133 = arith.index_cast %mul3A_132 : i32 to index
      %get3A_134 = tpu.vector_load %arg7[%get3A_133] {strides = array<i32>} : memref<256xf32, #tpu.memory_space<vmem>>, vector<16xf32>,
      %mul3A_135 = arith.constant 128 : i32
      %mul3A_136 = arith.muli %add3A_130, %mul3A_135 : i32
      %scan3A_137 = arith.constant 0 : i32
      %scan3A_138 = arith.constant 0 : i32
      %scan3A_139 = arith.constant 64 : i32
      %scan3A_140 = arith.addi %scan3A_138, %scan3A_139 : i32
      %scan3A_141 = arith.constant 1 : i32
      %scan3A_142 = scf.for %scan3A_145 = %scan3A_138 to %scan3A_140 step %scan3A_141 iter_args(%scan3A_146 = %scan3A_137) -> (i32)  : i32 {
        %mul3A_147 = arith.constant 128 : i32
        %mul3A_148 = arith.muli %scan3A_145, %mul3A_147 : i32
        %add3A_149 = arith.constant 0 : i32
        %add3A_150 = arith.addi %mul3A_148, %add3A_149 : i32
        %get3A_151 = arith.constant 1 : i32
        %get3A_152 = arith.index_cast %get3A_151 : i32 to index
        %get3A_153 = arith.index_cast %add3A_150 : i32 to index
        %get3A_154 = tpu.vector_load %arg6[%get3A_152, %get3A_153] {strides = array<i32>} : memref<2x8192xf32, #tpu.memory_space<vmem>>, vector<16xf32>,
        %add3A_155 = arith.constant 16 : i32
        %add3A_156 = arith.addi %mul3A_148, %add3A_155 : i32
        %get3A_157 = arith.constant 1 : i32
        %get3A_158 = arith.index_cast %get3A_157 : i32 to index
        %get3A_159 = arith.index_cast %add3A_156 : i32 to index
        %get3A_160 = tpu.vector_load %arg6[%get3A_158, %get3A_159] {strides = array<i32>} : memref<2x8192xf32, #tpu.memory_space<vmem>>, vector<16xf32>,
        %add3A_161 = arith.constant 32 : i32
        %add3A_162 = arith.addi %mul3A_148, %add3A_161 : i32
        %get3A_163 = arith.constant 1 : i32
        %get3A_164 = arith.index_cast %get3A_163 : i32 to index
        %get3A_165 = arith.index_cast %add3A_162 : i32 to index
        %get3A_166 = tpu.vector_load %arg6[%get3A_164, %get3A_165] {strides = array<i32>} : memref<2x8192xf32, #tpu.memory_space<vmem>>, vector<16xf32>,
        %add3A_167 = arith.constant 48 : i32
        %add3A_168 = arith.addi %mul3A_148, %add3A_167 : i32
        %get3A_169 = arith.constant 1 : i32
        %get3A_170 = arith.index_cast %get3A_169 : i32 to index
        %get3A_171 = arith.index_cast %add3A_168 : i32 to index
        %get3A_172 = tpu.vector_load %arg6[%get3A_170, %get3A_171] {strides = array<i32>} : memref<2x8192xf32, #tpu.memory_space<vmem>>, vector<16xf32>,
        %add3A_173 = arith.constant 64 : i32
        %add3A_174 = arith.addi %mul3A_148, %add3A_173 : i32
        %get3A_175 = arith.constant 1 : i32
        %get3A_176 = arith.index_cast %get3A_175 : i32 to index
        %get3A_177 = arith.index_cast %add3A_174 : i32 to index
        %get3A_178 = tpu.vector_load %arg6[%get3A_176, %get3A_177] {strides = array<i32>} : memref<2x8192xf32, #tpu.memory_space<vmem>>, vector<16xf32>,
        %add3A_179 = arith.constant 80 : i32
        %add3A_180 = arith.addi %mul3A_148, %add3A_179 : i32
        %get3A_181 = arith.constant 1 : i32
        %get3A_182 = arith.index_cast %get3A_181 : i32 to index
        %get3A_183 = arith.index_cast %add3A_180 : i32 to index
        %get3A_184 = tpu.vector_load %arg6[%get3A_182, %get3A_183] {strides = array<i32>} : memref<2x8192xf32, #tpu.memory_space<vmem>>, vector<16xf32>,
        %add3A_185 = arith.constant 96 : i32
        %add3A_186 = arith.addi %mul3A_148, %add3A_185 : i32
        %get3A_187 = arith.constant 1 : i32
        %get3A_188 = arith.index_cast %get3A_187 : i32 to index
        %get3A_189 = arith.index_cast %add3A_186 : i32 to index
        %get3A_190 = tpu.vector_load %arg6[%get3A_188, %get3A_189] {strides = array<i32>} : memref<2x8192xf32, #tpu.memory_space<vmem>>, vector<16xf32>,
        %add3A_191 = arith.constant 112 : i32
        %add3A_192 = arith.addi %mul3A_148, %add3A_191 : i32
        %get3A_193 = arith.constant 1 : i32
        %get3A_194 = arith.index_cast %get3A_193 : i32 to index
        %get3A_195 = arith.index_cast %add3A_192 : i32 to index
        %get3A_196 = tpu.vector_load %arg6[%get3A_194, %get3A_195] {strides = array<i32>} : memref<2x8192xf32, #tpu.memory_space<vmem>>, vector<16xf32>,
        %le3A = arith.cmpf ole, %get3A_154, %get3A_134 : vector<16xf32>
        %le3A_197 = arith.cmpf ole, %get3A_160, %get3A_134 : vector<16xf32>
        %le3A_198 = arith.cmpf ole, %get3A_166, %get3A_134 : vector<16xf32>
        %le3A_199 = arith.cmpf ole, %get3A_172, %get3A_134 : vector<16xf32>
        %le3A_200 = arith.cmpf ole, %get3A_178, %get3A_134 : vector<16xf32>
        %le3A_201 = arith.cmpf ole, %get3A_184, %get3A_134 : vector<16xf32>
        %le3A_202 = arith.cmpf ole, %get3A_190, %get3A_134 : vector<16xf32>
        %le3A_203 = arith.cmpf ole, %get3A_196, %get3A_134 : vector<16xf32>
        %or3A = arith.ori %le3A, %le3A_197 : vector<16xi1>
        %or3A_204 = arith.ori %or3A, %le3A_198 : vector<16xi1>
        %or3A_205 = arith.ori %or3A_204, %le3A_199 : vector<16xi1>
        %or3A_206 = arith.ori %or3A_205, %le3A_200 : vector<16xi1>
        %or3A_207 = arith.ori %or3A_206, %le3A_201 : vector<16xi1>
        %or3A_208 = arith.ori %or3A_207, %le3A_202 : vector<16xi1>
        %or3A_209 = arith.ori %or3A_208, %le3A_203 : vector<16xi1>
        %all_reduce_population_count3A = tpu.all_reduce %or3A_209 {dim = 0 : i64, kind = #tpu.reduction_kind<sum>} : vector<16xi1> -> vector<16xi32>
        %slice3A = vector.extract_strided_slice %all_reduce_population_count3A {offsets = [0], sizes = [1], strides = [1]} : vector<16xi32> to vector<1xi32>
        %squeeze3A = vector.extract %slice3A[0] : i32 from vector<1xi32>
        %ne3A = arith.constant 0 : i32
        %ne3A_210 = arith.cmpi ne, %squeeze3A, %ne3A : i32
        %convert_element_type3A = arith.extui %ne3A_210 : i1 to i32
        %cond3A = arith.constant 0 : i32
        %cond3A_211 = arith.cmpi ne, %convert_element_type3A, %cond3A : i32
        %cond3A_212 = scf.if %cond3A_211 -> (i32) {
          %convert_element_type3A_213 = arith.extui %le3A : vector<16xi1> to vector<16xi32>
          %broadcast_in_dim3A_214 = arith.constant true
          %broadcast_in_dim3A_215 = vector.broadcast %broadcast_in_dim3A_214 : i1 to vector<16xi1>
          %masked_cumsum3A = tpu.scan <sum>, %convert_element_type3A_213 masked %broadcast_in_dim3A_215 : vector<16xi32>, vector<16xi1> -> vector<16xi32>
          %add3A_216 = vector.broadcast %scan3A_146 : i32 to vector<16xi32>
          %add3A_217 = arith.addi %add3A_216, %masked_cumsum3A : vector<16xi32>
          %sub3A_218 = arith.constant 1 : i32
          %sub3A_219 = vector.broadcast %sub3A_218 : i32 to vector<16xi32>
          %sub3A_220 = arith.subi %add3A_217, %sub3A_219 : vector<16xi32>
          %lt3A = arith.constant 128 : i32
          %lt3A_221 = vector.broadcast %lt3A : i32 to vector<16xi32>
          %lt3A_222 = arith.cmpi slt, %sub3A_220, %lt3A_221 : vector<16xi32>
          %and3A = arith.andi %le3A, %lt3A_222 : vector<16xi1>
          %add3A_223 = vector.broadcast %mul3A_136 : i32 to vector<16xi32>
          %add3A_224 = arith.addi %add3A_223, %sub3A_220 : vector<16xi32>
          tpu.vector_store_idx %arg8[%add3A_224], %get3A_154 masked %and3A : memref<2048xf32, #tpu.memory_space<vmem>>[vector<16xi32>], vector<16xf32>, vector<16xi1>
          %add3A_225 = vector.broadcast %mul3A_136 : i32 to vector<16xi32>
          %add3A_226 = arith.addi %add3A_225, %sub3A_220 : vector<16xi32>
          %add3A_227 = arith.constant 0 : i32
          %add3A_228 = arith.addi %mul3A_148, %add3A_227 : i32
          %add3A_229 = vector.broadcast %add3A_228 : i32 to vector<16xi32>
          %add3A_230 = arith.addi %add3A_229, %iota3A : vector<16xi32>
          tpu.vector_store_idx %arg9[%add3A_226], %add3A_230 masked %and3A : memref<2048xi32, #tpu.memory_space<vmem>>[vector<16xi32>], vector<16xi32>, vector<16xi1>
          %reduce_sum3A = arith.constant true
          %reduce_sum3A_231 = vector.broadcast %reduce_sum3A : i1 to vector<16xi1>
          %reduce_sum3A_232 = tpu.scan <sum>, %convert_element_type3A_213 masked %reduce_sum3A_231 : vector<16xi32>, vector<16xi1> -> vector<16xi32>
          %reduce_sum3A_233 = vector.extract %reduce_sum3A_232[15] : i32 from vector<16xi32>
          %add3A_234 = arith.addi %scan3A_146, %reduce_sum3A_233 : i32
          %convert_element_type3A_235 = arith.extui %le3A_197 : vector<16xi1> to vector<16xi32>
          %broadcast_in_dim3A_236 = arith.constant true
          %broadcast_in_dim3A_237 = vector.broadcast %broadcast_in_dim3A_236 : i1 to vector<16xi1>
          %masked_cumsum3A_238 = tpu.scan <sum>, %convert_element_type3A_235 masked %broadcast_in_dim3A_237 : vector<16xi32>, vector<16xi1> -> vector<16xi32>
          %add3A_239 = vector.broadcast %add3A_234 : i32 to vector<16xi32>
          %add3A_240 = arith.addi %add3A_239, %masked_cumsum3A_238 : vector<16xi32>
          %sub3A_241 = arith.constant 1 : i32
          %sub3A_242 = vector.broadcast %sub3A_241 : i32 to vector<16xi32>
          %sub3A_243 = arith.subi %add3A_240, %sub3A_242 : vector<16xi32>
          %lt3A_244 = arith.constant 128 : i32
          %lt3A_245 = vector.broadcast %lt3A_244 : i32 to vector<16xi32>
          %lt3A_246 = arith.cmpi slt, %sub3A_243, %lt3A_245 : vector<16xi32>
          %and3A_247 = arith.andi %le3A_197, %lt3A_246 : vector<16xi1>
          %add3A_248 = vector.broadcast %mul3A_136 : i32 to vector<16xi32>
          %add3A_249 = arith.addi %add3A_248, %sub3A_243 : vector<16xi32>
          tpu.vector_store_idx %arg8[%add3A_249], %get3A_160 masked %and3A_247 : memref<2048xf32, #tpu.memory_space<vmem>>[vector<16xi32>], vector<16xf32>, vector<16xi1>
          %add3A_250 = vector.broadcast %mul3A_136 : i32 to vector<16xi32>
          %add3A_251 = arith.addi %add3A_250, %sub3A_243 : vector<16xi32>
          %add3A_252 = arith.constant 16 : i32
          %add3A_253 = arith.addi %mul3A_148, %add3A_252 : i32
          %add3A_254 = vector.broadcast %add3A_253 : i32 to vector<16xi32>
          %add3A_255 = arith.addi %add3A_254, %iota3A : vector<16xi32>
          tpu.vector_store_idx %arg9[%add3A_251], %add3A_255 masked %and3A_247 : memref<2048xi32, #tpu.memory_space<vmem>>[vector<16xi32>], vector<16xi32>, vector<16xi1>
          %reduce_sum3A_256 = arith.constant true
          %reduce_sum3A_257 = vector.broadcast %reduce_sum3A_256 : i1 to vector<16xi1>
          %reduce_sum3A_258 = tpu.scan <sum>, %convert_element_type3A_235 masked %reduce_sum3A_257 : vector<16xi32>, vector<16xi1> -> vector<16xi32>
          %reduce_sum3A_259 = vector.extract %reduce_sum3A_258[15] : i32 from vector<16xi32>
          %add3A_260 = arith.addi %add3A_234, %reduce_sum3A_259 : i32
          %convert_element_type3A_261 = arith.extui %le3A_198 : vector<16xi1> to vector<16xi32>
          %broadcast_in_dim3A_262 = arith.constant true
          %broadcast_in_dim3A_263 = vector.broadcast %broadcast_in_dim3A_262 : i1 to vector<16xi1>
          %masked_cumsum3A_264 = tpu.scan <sum>, %convert_element_type3A_261 masked %broadcast_in_dim3A_263 : vector<16xi32>, vector<16xi1> -> vector<16xi32>
          %add3A_265 = vector.broadcast %add3A_260 : i32 to vector<16xi32>
          %add3A_266 = arith.addi %add3A_265, %masked_cumsum3A_264 : vector<16xi32>
          %sub3A_267 = arith.constant 1 : i32
          %sub3A_268 = vector.broadcast %sub3A_267 : i32 to vector<16xi32>
          %sub3A_269 = arith.subi %add3A_266, %sub3A_268 : vector<16xi32>
          %lt3A_270 = arith.constant 128 : i32
          %lt3A_271 = vector.broadcast %lt3A_270 : i32 to vector<16xi32>
          %lt3A_272 = arith.cmpi slt, %sub3A_269, %lt3A_271 : vector<16xi32>
          %and3A_273 = arith.andi %le3A_198, %lt3A_272 : vector<16xi1>
          %add3A_274 = vector.broadcast %mul3A_136 : i32 to vector<16xi32>
          %add3A_275 = arith.addi %add3A_274, %sub3A_269 : vector<16xi32>
          tpu.vector_store_idx %arg8[%add3A_275], %get3A_166 masked %and3A_273 : memref<2048xf32, #tpu.memory_space<vmem>>[vector<16xi32>], vector<16xf32>, vector<16xi1>
          %add3A_276 = vector.broadcast %mul3A_136 : i32 to vector<16xi32>
          %add3A_277 = arith.addi %add3A_276, %sub3A_269 : vector<16xi32>
          %add3A_278 = arith.constant 32 : i32
          %add3A_279 = arith.addi %mul3A_148, %add3A_278 : i32
          %add3A_280 = vector.broadcast %add3A_279 : i32 to vector<16xi32>
          %add3A_281 = arith.addi %add3A_280, %iota3A : vector<16xi32>
          tpu.vector_store_idx %arg9[%add3A_277], %add3A_281 masked %and3A_273 : memref<2048xi32, #tpu.memory_space<vmem>>[vector<16xi32>], vector<16xi32>, vector<16xi1>
          %reduce_sum3A_282 = arith.constant true
          %reduce_sum3A_283 = vector.broadcast %reduce_sum3A_282 : i1 to vector<16xi1>
          %reduce_sum3A_284 = tpu.scan <sum>, %convert_element_type3A_261 masked %reduce_sum3A_283 : vector<16xi32>, vector<16xi1> -> vector<16xi32>
          %reduce_sum3A_285 = vector.extract %reduce_sum3A_284[15] : i32 from vector<16xi32>
          %add3A_286 = arith.addi %add3A_260, %reduce_sum3A_285 : i32
          %convert_element_type3A_287 = arith.extui %le3A_199 : vector<16xi1> to vector<16xi32>
          %broadcast_in_dim3A_288 = arith.constant true
          %broadcast_in_dim3A_289 = vector.broadcast %broadcast_in_dim3A_288 : i1 to vector<16xi1>
          %masked_cumsum3A_290 = tpu.scan <sum>, %convert_element_type3A_287 masked %broadcast_in_dim3A_289 : vector<16xi32>, vector<16xi1> -> vector<16xi32>
          %add3A_291 = vector.broadcast %add3A_286 : i32 to vector<16xi32>
          %add3A_292 = arith.addi %add3A_291, %masked_cumsum3A_290 : vector<16xi32>
          %sub3A_293 = arith.constant 1 : i32
          %sub3A_294 = vector.broadcast %sub3A_293 : i32 to vector<16xi32>
          %sub3A_295 = arith.subi %add3A_292, %sub3A_294 : vector<16xi32>
          %lt3A_296 = arith.constant 128 : i32
          %lt3A_297 = vector.broadcast %lt3A_296 : i32 to vector<16xi32>
          %lt3A_298 = arith.cmpi slt, %sub3A_295, %lt3A_297 : vector<16xi32>
          %and3A_299 = arith.andi %le3A_199, %lt3A_298 : vector<16xi1>
          %add3A_300 = vector.broadcast %mul3A_136 : i32 to vector<16xi32>
          %add3A_301 = arith.addi %add3A_300, %sub3A_295 : vector<16xi32>
          tpu.vector_store_idx %arg8[%add3A_301], %get3A_172 masked %and3A_299 : memref<2048xf32, #tpu.memory_space<vmem>>[vector<16xi32>], vector<16xf32>, vector<16xi1>
          %add3A_302 = vector.broadcast %mul3A_136 : i32 to vector<16xi32>
          %add3A_303 = arith.addi %add3A_302, %sub3A_295 : vector<16xi32>
          %add3A_304 = arith.constant 48 : i32
          %add3A_305 = arith.addi %mul3A_148, %add3A_304 : i32
          %add3A_306 = vector.broadcast %add3A_305 : i32 to vector<16xi32>
          %add3A_307 = arith.addi %add3A_306, %iota3A : vector<16xi32>
          tpu.vector_store_idx %arg9[%add3A_303], %add3A_307 masked %and3A_299 : memref<2048xi32, #tpu.memory_space<vmem>>[vector<16xi32>], vector<16xi32>, vector<16xi1>
          %reduce_sum3A_308 = arith.constant true
          %reduce_sum3A_309 = vector.broadcast %reduce_sum3A_308 : i1 to vector<16xi1>
          %reduce_sum3A_310 = tpu.scan <sum>, %convert_element_type3A_287 masked %reduce_sum3A_309 : vector<16xi32>, vector<16xi1> -> vector<16xi32>
          %reduce_sum3A_311 = vector.extract %reduce_sum3A_310[15] : i32 from vector<16xi32>
          %add3A_312 = arith.addi %add3A_286, %reduce_sum3A_311 : i32
          %convert_element_type3A_313 = arith.extui %le3A_200 : vector<16xi1> to vector<16xi32>
          %broadcast_in_dim3A_314 = arith.constant true
          %broadcast_in_dim3A_315 = vector.broadcast %broadcast_in_dim3A_314 : i1 to vector<16xi1>
          %masked_cumsum3A_316 = tpu.scan <sum>, %convert_element_type3A_313 masked %broadcast_in_dim3A_315 : vector<16xi32>, vector<16xi1> -> vector<16xi32>
          %add3A_317 = vector.broadcast %add3A_312 : i32 to vector<16xi32>
          %add3A_318 = arith.addi %add3A_317, %masked_cumsum3A_316 : vector<16xi32>
          %sub3A_319 = arith.constant 1 : i32
          %sub3A_320 = vector.broadcast %sub3A_319 : i32 to vector<16xi32>
          %sub3A_321 = arith.subi %add3A_318, %sub3A_320 : vector<16xi32>
          %lt3A_322 = arith.constant 128 : i32
          %lt3A_323 = vector.broadcast %lt3A_322 : i32 to vector<16xi32>
          %lt3A_324 = arith.cmpi slt, %sub3A_321, %lt3A_323 : vector<16xi32>
          %and3A_325 = arith.andi %le3A_200, %lt3A_324 : vector<16xi1>
          %add3A_326 = vector.broadcast %mul3A_136 : i32 to vector<16xi32>
          %add3A_327 = arith.addi %add3A_326, %sub3A_321 : vector<16xi32>
          tpu.vector_store_idx %arg8[%add3A_327], %get3A_178 masked %and3A_325 : memref<2048xf32, #tpu.memory_space<vmem>>[vector<16xi32>], vector<16xf32>, vector<16xi1>
          %add3A_328 = vector.broadcast %mul3A_136 : i32 to vector<16xi32>
          %add3A_329 = arith.addi %add3A_328, %sub3A_321 : vector<16xi32>
          %add3A_330 = arith.constant 64 : i32
          %add3A_331 = arith.addi %mul3A_148, %add3A_330 : i32
          %add3A_332 = vector.broadcast %add3A_331 : i32 to vector<16xi32>
          %add3A_333 = arith.addi %add3A_332, %iota3A : vector<16xi32>
          tpu.vector_store_idx %arg9[%add3A_329], %add3A_333 masked %and3A_325 : memref<2048xi32, #tpu.memory_space<vmem>>[vector<16xi32>], vector<16xi32>, vector<16xi1>
          %reduce_sum3A_334 = arith.constant true
          %reduce_sum3A_335 = vector.broadcast %reduce_sum3A_334 : i1 to vector<16xi1>
          %reduce_sum3A_336 = tpu.scan <sum>, %convert_element_type3A_313 masked %reduce_sum3A_335 : vector<16xi32>, vector<16xi1> -> vector<16xi32>
          %reduce_sum3A_337 = vector.extract %reduce_sum3A_336[15] : i32 from vector<16xi32>
          %add3A_338 = arith.addi %add3A_312, %reduce_sum3A_337 : i32
          %convert_element_type3A_339 = arith.extui %le3A_201 : vector<16xi1> to vector<16xi32>
          %broadcast_in_dim3A_340 = arith.constant true
          %broadcast_in_dim3A_341 = vector.broadcast %broadcast_in_dim3A_340 : i1 to vector<16xi1>
          %masked_cumsum3A_342 = tpu.scan <sum>, %convert_element_type3A_339 masked %broadcast_in_dim3A_341 : vector<16xi32>, vector<16xi1> -> vector<16xi32>
          %add3A_343 = vector.broadcast %add3A_338 : i32 to vector<16xi32>
          %add3A_344 = arith.addi %add3A_343, %masked_cumsum3A_342 : vector<16xi32>
          %sub3A_345 = arith.constant 1 : i32
          %sub3A_346 = vector.broadcast %sub3A_345 : i32 to vector<16xi32>
          %sub3A_347 = arith.subi %add3A_344, %sub3A_346 : vector<16xi32>
          %lt3A_348 = arith.constant 128 : i32
          %lt3A_349 = vector.broadcast %lt3A_348 : i32 to vector<16xi32>
          %lt3A_350 = arith.cmpi slt, %sub3A_347, %lt3A_349 : vector<16xi32>
          %and3A_351 = arith.andi %le3A_201, %lt3A_350 : vector<16xi1>
          %add3A_352 = vector.broadcast %mul3A_136 : i32 to vector<16xi32>
          %add3A_353 = arith.addi %add3A_352, %sub3A_347 : vector<16xi32>
          tpu.vector_store_idx %arg8[%add3A_353], %get3A_184 masked %and3A_351 : memref<2048xf32, #tpu.memory_space<vmem>>[vector<16xi32>], vector<16xf32>, vector<16xi1>
          %add3A_354 = vector.broadcast %mul3A_136 : i32 to vector<16xi32>
          %add3A_355 = arith.addi %add3A_354, %sub3A_347 : vector<16xi32>
          %add3A_356 = arith.constant 80 : i32
          %add3A_357 = arith.addi %mul3A_148, %add3A_356 : i32
          %add3A_358 = vector.broadcast %add3A_357 : i32 to vector<16xi32>
          %add3A_359 = arith.addi %add3A_358, %iota3A : vector<16xi32>
          tpu.vector_store_idx %arg9[%add3A_355], %add3A_359 masked %and3A_351 : memref<2048xi32, #tpu.memory_space<vmem>>[vector<16xi32>], vector<16xi32>, vector<16xi1>
          %reduce_sum3A_360 = arith.constant true
          %reduce_sum3A_361 = vector.broadcast %reduce_sum3A_360 : i1 to vector<16xi1>
          %reduce_sum3A_362 = tpu.scan <sum>, %convert_element_type3A_339 masked %reduce_sum3A_361 : vector<16xi32>, vector<16xi1> -> vector<16xi32>
          %reduce_sum3A_363 = vector.extract %reduce_sum3A_362[15] : i32 from vector<16xi32>
          %add3A_364 = arith.addi %add3A_338, %reduce_sum3A_363 : i32
          %convert_element_type3A_365 = arith.extui %le3A_202 : vector<16xi1> to vector<16xi32>
          %broadcast_in_dim3A_366 = arith.constant true
          %broadcast_in_dim3A_367 = vector.broadcast %broadcast_in_dim3A_366 : i1 to vector<16xi1>
          %masked_cumsum3A_368 = tpu.scan <sum>, %convert_element_type3A_365 masked %broadcast_in_dim3A_367 : vector<16xi32>, vector<16xi1> -> vector<16xi32>
          %add3A_369 = vector.broadcast %add3A_364 : i32 to vector<16xi32>
          %add3A_370 = arith.addi %add3A_369, %masked_cumsum3A_368 : vector<16xi32>
          %sub3A_371 = arith.constant 1 : i32
          %sub3A_372 = vector.broadcast %sub3A_371 : i32 to vector<16xi32>
          %sub3A_373 = arith.subi %add3A_370, %sub3A_372 : vector<16xi32>
          %lt3A_374 = arith.constant 128 : i32
          %lt3A_375 = vector.broadcast %lt3A_374 : i32 to vector<16xi32>
          %lt3A_376 = arith.cmpi slt, %sub3A_373, %lt3A_375 : vector<16xi32>
          %and3A_377 = arith.andi %le3A_202, %lt3A_376 : vector<16xi1>
          %add3A_378 = vector.broadcast %mul3A_136 : i32 to vector<16xi32>
          %add3A_379 = arith.addi %add3A_378, %sub3A_373 : vector<16xi32>
          tpu.vector_store_idx %arg8[%add3A_379], %get3A_190 masked %and3A_377 : memref<2048xf32, #tpu.memory_space<vmem>>[vector<16xi32>], vector<16xf32>, vector<16xi1>
          %add3A_380 = vector.broadcast %mul3A_136 : i32 to vector<16xi32>
          %add3A_381 = arith.addi %add3A_380, %sub3A_373 : vector<16xi32>
          %add3A_382 = arith.constant 96 : i32
          %add3A_383 = arith.addi %mul3A_148, %add3A_382 : i32
          %add3A_384 = vector.broadcast %add3A_383 : i32 to vector<16xi32>
          %add3A_385 = arith.addi %add3A_384, %iota3A : vector<16xi32>
          tpu.vector_store_idx %arg9[%add3A_381], %add3A_385 masked %and3A_377 : memref<2048xi32, #tpu.memory_space<vmem>>[vector<16xi32>], vector<16xi32>, vector<16xi1>
          %reduce_sum3A_386 = arith.constant true
          %reduce_sum3A_387 = vector.broadcast %reduce_sum3A_386 : i1 to vector<16xi1>
          %reduce_sum3A_388 = tpu.scan <sum>, %convert_element_type3A_365 masked %reduce_sum3A_387 : vector<16xi32>, vector<16xi1> -> vector<16xi32>
          %reduce_sum3A_389 = vector.extract %reduce_sum3A_388[15] : i32 from vector<16xi32>
          %add3A_390 = arith.addi %add3A_364, %reduce_sum3A_389 : i32
          %convert_element_type3A_391 = arith.extui %le3A_203 : vector<16xi1> to vector<16xi32>
          %broadcast_in_dim3A_392 = arith.constant true
          %broadcast_in_dim3A_393 = vector.broadcast %broadcast_in_dim3A_392 : i1 to vector<16xi1>
          %masked_cumsum3A_394 = tpu.scan <sum>, %convert_element_type3A_391 masked %broadcast_in_dim3A_393 : vector<16xi32>, vector<16xi1> -> vector<16xi32>
          %add3A_395 = vector.broadcast %add3A_390 : i32 to vector<16xi32>
          %add3A_396 = arith.addi %add3A_395, %masked_cumsum3A_394 : vector<16xi32>
          %sub3A_397 = arith.constant 1 : i32
          %sub3A_398 = vector.broadcast %sub3A_397 : i32 to vector<16xi32>
          %sub3A_399 = arith.subi %add3A_396, %sub3A_398 : vector<16xi32>
          %lt3A_400 = arith.constant 128 : i32
          %lt3A_401 = vector.broadcast %lt3A_400 : i32 to vector<16xi32>
          %lt3A_402 = arith.cmpi slt, %sub3A_399, %lt3A_401 : vector<16xi32>
          %and3A_403 = arith.andi %le3A_203, %lt3A_402 : vector<16xi1>
          %add3A_404 = vector.broadcast %mul3A_136 : i32 to vector<16xi32>
          %add3A_405 = arith.addi %add3A_404, %sub3A_399 : vector<16xi32>
          tpu.vector_store_idx %arg8[%add3A_405], %get3A_196 masked %and3A_403 : memref<2048xf32, #tpu.memory_space<vmem>>[vector<16xi32>], vector<16xf32>, vector<16xi1>
          %add3A_406 = vector.broadcast %mul3A_136 : i32 to vector<16xi32>
          %add3A_407 = arith.addi %add3A_406, %sub3A_399 : vector<16xi32>
          %add3A_408 = arith.constant 112 : i32
          %add3A_409 = arith.addi %mul3A_148, %add3A_408 : i32
          %add3A_410 = vector.broadcast %add3A_409 : i32 to vector<16xi32>
          %add3A_411 = arith.addi %add3A_410, %iota3A : vector<16xi32>
          tpu.vector_store_idx %arg9[%add3A_407], %add3A_411 masked %and3A_403 : memref<2048xi32, #tpu.memory_space<vmem>>[vector<16xi32>], vector<16xi32>, vector<16xi1>
          %reduce_sum3A_412 = arith.constant true
          %reduce_sum3A_413 = vector.broadcast %reduce_sum3A_412 : i1 to vector<16xi1>
          %reduce_sum3A_414 = tpu.scan <sum>, %convert_element_type3A_391 masked %reduce_sum3A_413 : vector<16xi32>, vector<16xi1> -> vector<16xi32>
          %reduce_sum3A_415 = vector.extract %reduce_sum3A_414[15] : i32 from vector<16xi32>
          %add3A_416 = arith.addi %add3A_390, %reduce_sum3A_415 : i32
          scf.yield %add3A_416 : i32
        } else {
          scf.yield %scan3A_146 : i32
        }
        scf.yield %cond3A_212 : i32
      }
      %scan3A_143 = arith.constant 64 : i32
      %scan3A_144 = arith.constant 0 : i32
      scf.yield %scan3A_144 : i32
    }
    %scan3A_30 = arith.constant 8 : i32
    %dma_wait3A = arith.constant 0 : i32
    %dma_wait3A_31 = arith.constant 0 : i32
    %dma_wait3A_32 = tpu.memref_slice %arg6[%dma_wait3A, %dma_wait3A_31] : memref<2x8192xf32, #tpu.memory_space<vmem>> -> memref<1x8192xf32, #tpu.memory_space<vmem>>
    %dma_wait3A_33 = tpu.memref_squeeze %dma_wait3A_32 : memref<1x8192xf32, #tpu.memory_space<vmem>> -> memref<8192xf32, #tpu.memory_space<vmem>>
    %dma_wait3A_34 = arith.constant 0 : i32
    %dma_wait3A_35 = tpu.memref_slice %arg2[%mul3A_2, %dma_wait3A_34] : memref<512x8192xf32, #tpu.memory_space<hbm>> -> memref<1x8192xf32, #tpu.memory_space<hbm>>
    %dma_wait3A_36 = tpu.memref_squeeze %dma_wait3A_35 : memref<1x8192xf32, #tpu.memory_space<hbm>> -> memref<8192xf32, #tpu.memory_space<hbm>>
    %dma_wait3A_37 = arith.constant 0 : i32
    %dma_wait3A_38 = tpu.memref_slice %arg6[%dma_wait3A, %dma_wait3A_37] : memref<2x8192xf32, #tpu.memory_space<vmem>> -> memref<1x8192xf32, #tpu.memory_space<vmem>>
    %dma_wait3A_39 = tpu.memref_squeeze %dma_wait3A_38 : memref<1x8192xf32, #tpu.memory_space<vmem>> -> memref<8192xf32, #tpu.memory_space<vmem>>
    %dma_wait3A_40 = arith.constant 0 : i32
    %dma_wait3A_41 = tpu.memref_slice %arg2[%mul3A_2, %dma_wait3A_40] : memref<512x8192xf32, #tpu.memory_space<hbm>> -> memref<1x8192xf32, #tpu.memory_space<hbm>>
    %dma_wait3A_42 = tpu.memref_squeeze %dma_wait3A_41 : memref<1x8192xf32, #tpu.memory_space<hbm>> -> memref<8192xf32, #tpu.memory_space<hbm>>
    tpu.wait_dma2 semaphore(%arg10 : memref<!tpu.dma_semaphore, #tpu.memory_space<semaphore_mem>>) src(%dma_wait3A_42 : memref<8192xf32, #tpu.memory_space<hbm>>) dst(%dma_wait3A_39 : memref<8192xf32, #tpu.memory_space<vmem>>)
    %mul3A_43 = arith.constant 128 : i32
    %mul3A_44 = arith.muli %mul3A_2, %mul3A_43 : i32
    "tpu.region"() ({
      %run_scoped3A = tpu.sem_alloc : memref<!tpu.dma_semaphore, #tpu.memory_space<semaphore_mem>>
      %dma_start3A_47 = tpu.memref_slice %arg4[%mul3A_44] : memref<65536xf32, #tpu.memory_space<hbm>> -> memref<2048xf32, #tpu.memory_space<hbm>>
      %dma_start3A_48 = tpu.memref_slice %arg4[%mul3A_44] : memref<65536xf32, #tpu.memory_space<hbm>> -> memref<2048xf32, #tpu.memory_space<hbm>>
      tpu.enqueue_dma source(%arg8 : memref<2048xf32, #tpu.memory_space<vmem>>) target(%dma_start3A_48 : memref<2048xf32, #tpu.memory_space<hbm>>) target_semaphore(%run_scoped3A : memref<!tpu.dma_semaphore, #tpu.memory_space<semaphore_mem>>)
      %dma_wait3A_49 = tpu.memref_slice %arg4[%mul3A_44] : memref<65536xf32, #tpu.memory_space<hbm>> -> memref<2048xf32, #tpu.memory_space<hbm>>
      %dma_wait3A_50 = tpu.memref_slice %arg4[%mul3A_44] : memref<65536xf32, #tpu.memory_space<hbm>> -> memref<2048xf32, #tpu.memory_space<hbm>>
      tpu.wait_dma2 semaphore(%run_scoped3A : memref<!tpu.dma_semaphore, #tpu.memory_space<semaphore_mem>>) src(%arg8 : memref<2048xf32, #tpu.memory_space<vmem>>) dst(%dma_wait3A_50 : memref<2048xf32, #tpu.memory_space<hbm>>)
      tpu.yield
    }) : () -> ()
    %mul3A_45 = arith.constant 128 : i32
    %mul3A_46 = arith.muli %mul3A_2, %mul3A_45 : i32
    "tpu.region"() ({
      %run_scoped3A = tpu.sem_alloc : memref<!tpu.dma_semaphore, #tpu.memory_space<semaphore_mem>>
      %dma_start3A_47 = tpu.memref_slice %arg5[%mul3A_46] : memref<65536xi32, #tpu.memory_space<hbm>> -> memref<2048xi32, #tpu.memory_space<hbm>>
      %dma_start3A_48 = tpu.memref_slice %arg5[%mul3A_46] : memref<65536xi32, #tpu.memory_space<hbm>> -> memref<2048xi32, #tpu.memory_space<hbm>>
      tpu.enqueue_dma source(%arg9 : memref<2048xi32, #tpu.memory_space<vmem>>) target(%dma_start3A_48 : memref<2048xi32, #tpu.memory_space<hbm>>) target_semaphore(%run_scoped3A : memref<!tpu.dma_semaphore, #tpu.memory_space<semaphore_mem>>)
      %dma_wait3A_49 = tpu.memref_slice %arg5[%mul3A_46] : memref<65536xi32, #tpu.memory_space<hbm>> -> memref<2048xi32, #tpu.memory_space<hbm>>
      %dma_wait3A_50 = tpu.memref_slice %arg5[%mul3A_46] : memref<65536xi32, #tpu.memory_space<hbm>> -> memref<2048xi32, #tpu.memory_space<hbm>>
      tpu.wait_dma2 semaphore(%run_scoped3A : memref<!tpu.dma_semaphore, #tpu.memory_space<semaphore_mem>>) src(%arg9 : memref<2048xi32, #tpu.memory_space<vmem>>) dst(%dma_wait3A_50 : memref<2048xi32, #tpu.memory_space<hbm>>)
      tpu.yield
    }) : () -> ()
    return
  }
}

#map = affine_map<(d0, d1) -> (0, 0)>
#map1 = affine_map<(d0, d1) -> (0)>
module attributes {stable_mosaic.version = 14 : i64} {
  func.func @_sc_filter_kernel(%arg0: i32, %arg1: i32, %arg2: memref<512x8192xf32, #tpu.memory_space<hbm>>, %arg3: memref<8192xf32, #tpu.memory_space<hbm>>, %arg4: memref<65536xf32, #tpu.memory_space<hbm>>, %arg5: memref<65536xi32, #tpu.memory_space<hbm>>, %arg6: memref<2x8192xf32, #tpu.memory_space<vmem>>, %arg7: memref<256xf32, #tpu.memory_space<vmem>>, %arg8: memref<2048xf32, #tpu.memory_space<vmem>>, %arg9: memref<2048xi32, #tpu.memory_space<vmem>>, %arg10: memref<!tpu.dma_semaphore, #tpu.memory_space<semaphore_mem>>, %arg11: memref<!tpu.dma_semaphore, #tpu.memory_space<semaphore_mem>>) attributes {dimension_semantics = [#tpu.dimension_semantics<core_parallel>, #tpu.dimension_semantics<subcore_parallel>], iteration_bounds = array<i64: 2, 16>, scalar_prefetch = 0 : i64, scratch_operands = 6 : i64, tpu.core_type = #tpu.core_type<sc_vector_subcore>, window_params = [{transform_indices = #map}, {transform_indices = #map1}, {transform_indices = #map1}, {transform_indices = #map1}]} {
    %mul3A = arith.constant 2 : i32
    %mul3A_0 = arith.muli %arg1, %mul3A : i32
    %add3A = arith.addi %mul3A_0, %arg0 : i32
    %mul3A_1 = arith.constant 16 : i32
    %mul3A_2 = arith.muli %add3A, %mul3A_1 : i32
    %broadcast_in_dim3A = arith.constant 3.000000e+38 : f32
    %broadcast_in_dim3A_3 = vector.broadcast %broadcast_in_dim3A : f32 to vector<16xf32>
    %iota3A = tpu.iota {dimensions = array<i32: 0>} : vector<16xi32>
    %mul3A_4 = arith.constant 16 : i32
    %mul3A_5 = arith.muli %mul3A_2, %mul3A_4 : i32
    "tpu.region"() ({
      %run_scoped3A = tpu.sem_alloc : memref<!tpu.dma_semaphore, #tpu.memory_space<semaphore_mem>>
      %dma_start3A_47 = tpu.memref_slice %arg3[%mul3A_5] : memref<8192xf32, #tpu.memory_space<hbm>> -> memref<256xf32, #tpu.memory_space<hbm>>
      %dma_start3A_48 = tpu.memref_slice %arg3[%mul3A_5] : memref<8192xf32, #tpu.memory_space<hbm>> -> memref<256xf32, #tpu.memory_space<hbm>>
      tpu.enqueue_dma source(%dma_start3A_48 : memref<256xf32, #tpu.memory_space<hbm>>) target(%arg7 : memref<256xf32, #tpu.memory_space<vmem>>) target_semaphore(%run_scoped3A : memref<!tpu.dma_semaphore, #tpu.memory_space<semaphore_mem>>)
      %dma_wait3A_49 = tpu.memref_slice %arg3[%mul3A_5] : memref<8192xf32, #tpu.memory_space<hbm>> -> memref<256xf32, #tpu.memory_space<hbm>>
      %dma_wait3A_50 = tpu.memref_slice %arg3[%mul3A_5] : memref<8192xf32, #tpu.memory_space<hbm>> -> memref<256xf32, #tpu.memory_space<hbm>>
      tpu.wait_dma2 semaphore(%run_scoped3A : memref<!tpu.dma_semaphore, #tpu.memory_space<semaphore_mem>>) src(%dma_wait3A_50 : memref<256xf32, #tpu.memory_space<hbm>>) dst(%arg7 : memref<256xf32, #tpu.memory_space<vmem>>)
      tpu.yield
    }) : () -> ()
    %scan3A = arith.constant 0 : i32
    %scan3A_6 = arith.constant 0 : i32
    %scan3A_7 = arith.constant 128 : i32
    %scan3A_8 = arith.addi %scan3A_6, %scan3A_7 : i32
    %scan3A_9 = arith.constant 1 : i32
    %scan3A_10 = scf.for %scan3A_47 = %scan3A_6 to %scan3A_8 step %scan3A_9 iter_args(%scan3A_48 = %scan3A) -> (i32)  : i32 {
      %mul3A_49 = arith.constant 16 : i32
      %mul3A_50 = arith.muli %scan3A_47, %mul3A_49 : i32
      %swap3A = arith.index_cast %mul3A_50 : i32 to index
      %swap3A_51 = tpu.vector_load %arg8[%swap3A] {strides = array<i32>} : memref<2048xf32, #tpu.memory_space<vmem>>, vector<16xf32>,
      tpu.vector_store %arg8[%swap3A], %broadcast_in_dim3A_3 {strides = array<i32>} : memref<2048xf32, #tpu.memory_space<vmem>>, vector<16xf32>,
      %scan3A_52 = arith.constant 0 : i32
      scf.yield %scan3A_52 : i32
    }
    %scan3A_11 = arith.constant 128 : i32
    %dma_start3A = arith.constant 0 : i32
    %dma_start3A_12 = arith.constant 0 : i32
    %dma_start3A_13 = tpu.memref_slice %arg6[%dma_start3A, %dma_start3A_12] : memref<2x8192xf32, #tpu.memory_space<vmem>> -> memref<1x8192xf32, #tpu.memory_space<vmem>>
    %dma_start3A_14 = tpu.memref_squeeze %dma_start3A_13 : memref<1x8192xf32, #tpu.memory_space<vmem>> -> memref<8192xf32, #tpu.memory_space<vmem>>
    %dma_start3A_15 = arith.constant 0 : i32
    %dma_start3A_16 = tpu.memref_slice %arg2[%mul3A_2, %dma_start3A_15] : memref<512x8192xf32, #tpu.memory_space<hbm>> -> memref<1x8192xf32, #tpu.memory_space<hbm>>
    %dma_start3A_17 = tpu.memref_squeeze %dma_start3A_16 : memref<1x8192xf32, #tpu.memory_space<hbm>> -> memref<8192xf32, #tpu.memory_space<hbm>>
    %dma_start3A_18 = arith.constant 0 : i32
    %dma_start3A_19 = tpu.memref_slice %arg6[%dma_start3A, %dma_start3A_18] : memref<2x8192xf32, #tpu.memory_space<vmem>> -> memref<1x8192xf32, #tpu.memory_space<vmem>>
    %dma_start3A_20 = tpu.memref_squeeze %dma_start3A_19 : memref<1x8192xf32, #tpu.memory_space<vmem>> -> memref<8192xf32, #tpu.memory_space<vmem>>
    %dma_start3A_21 = arith.constant 0 : i32
    %dma_start3A_22 = tpu.memref_slice %arg2[%mul3A_2, %dma_start3A_21] : memref<512x8192xf32, #tpu.memory_space<hbm>> -> memref<1x8192xf32, #tpu.memory_space<hbm>>
    %dma_start3A_23 = tpu.memref_squeeze %dma_start3A_22 : memref<1x8192xf32, #tpu.memory_space<hbm>> -> memref<8192xf32, #tpu.memory_space<hbm>>
    tpu.enqueue_dma source(%dma_start3A_23 : memref<8192xf32, #tpu.memory_space<hbm>>) target(%dma_start3A_20 : memref<8192xf32, #tpu.memory_space<vmem>>) target_semaphore(%arg10 : memref<!tpu.dma_semaphore, #tpu.memory_space<semaphore_mem>>)
    %scan3A_24 = arith.constant 0 : i32
    %scan3A_25 = arith.constant 0 : i32
    %scan3A_26 = arith.constant 8 : i32
    %scan3A_27 = arith.addi %scan3A_25, %scan3A_26 : i32
    %scan3A_28 = arith.constant 1 : i32
    %scan3A_29 = scf.for %scan3A_47 = %scan3A_25 to %scan3A_27 step %scan3A_28 iter_args(%scan3A_48 = %scan3A_24) -> (i32)  : i32 {
      %mul3A_49 = arith.constant 2 : i32
      %mul3A_50 = arith.muli %mul3A_49, %scan3A_47 : i32
      %add3A_51 = arith.addi %mul3A_2, %mul3A_50 : i32
      %add3A_52 = arith.constant 1 : i32
      %add3A_53 = arith.addi %add3A_51, %add3A_52 : i32
      %dma_start3A_54 = arith.constant 1 : i32
      %dma_start3A_55 = arith.constant 0 : i32
      %dma_start3A_56 = tpu.memref_slice %arg6[%dma_start3A_54, %dma_start3A_55] : memref<2x8192xf32, #tpu.memory_space<vmem>> -> memref<1x8192xf32, #tpu.memory_space<vmem>>
      %dma_start3A_57 = tpu.memref_squeeze %dma_start3A_56 : memref<1x8192xf32, #tpu.memory_space<vmem>> -> memref<8192xf32, #tpu.memory_space<vmem>>
      %dma_start3A_58 = arith.constant 0 : i32
      %dma_start3A_59 = tpu.memref_slice %arg2[%add3A_53, %dma_start3A_58] : memref<512x8192xf32, #tpu.memory_space<hbm>> -> memref<1x8192xf32, #tpu.memory_space<hbm>>
      %dma_start3A_60 = tpu.memref_squeeze %dma_start3A_59 : memref<1x8192xf32, #tpu.memory_space<hbm>> -> memref<8192xf32, #tpu.memory_space<hbm>>
      %dma_start3A_61 = arith.constant 0 : i32
      %dma_start3A_62 = tpu.memref_slice %arg6[%dma_start3A_54, %dma_start3A_61] : memref<2x8192xf32, #tpu.memory_space<vmem>> -> memref<1x8192xf32, #tpu.memory_space<vmem>>
      %dma_start3A_63 = tpu.memref_squeeze %dma_start3A_62 : memref<1x8192xf32, #tpu.memory_space<vmem>> -> memref<8192xf32, #tpu.memory_space<vmem>>
      %dma_start3A_64 = arith.constant 0 : i32
      %dma_start3A_65 = tpu.memref_slice %arg2[%add3A_53, %dma_start3A_64] : memref<512x8192xf32, #tpu.memory_space<hbm>> -> memref<1x8192xf32, #tpu.memory_space<hbm>>
      %dma_start3A_66 = tpu.memref_squeeze %dma_start3A_65 : memref<1x8192xf32, #tpu.memory_space<hbm>> -> memref<8192xf32, #tpu.memory_space<hbm>>
      tpu.enqueue_dma source(%dma_start3A_66 : memref<8192xf32, #tpu.memory_space<hbm>>) target(%dma_start3A_63 : memref<8192xf32, #tpu.memory_space<vmem>>) target_semaphore(%arg11 : memref<!tpu.dma_semaphore, #tpu.memory_space<semaphore_mem>>)
      %dma_wait3A_67 = arith.constant 0 : i32
      %dma_wait3A_68 = arith.constant 0 : i32
      %dma_wait3A_69 = tpu.memref_slice %arg6[%dma_wait3A_67, %dma_wait3A_68] : memref<2x8192xf32, #tpu.memory_space<vmem>> -> memref<1x8192xf32, #tpu.memory_space<vmem>>
      %dma_wait3A_70 = tpu.memref_squeeze %dma_wait3A_69 : memref<1x8192xf32, #tpu.memory_space<vmem>> -> memref<8192xf32, #tpu.memory_space<vmem>>
      %dma_wait3A_71 = arith.constant 0 : i32
      %dma_wait3A_72 = tpu.memref_slice %arg2[%add3A_51, %dma_wait3A_71] : memref<512x8192xf32, #tpu.memory_space<hbm>> -> memref<1x8192xf32, #tpu.memory_space<hbm>>
      %dma_wait3A_73 = tpu.memref_squeeze %dma_wait3A_72 : memref<1x8192xf32, #tpu.memory_space<hbm>> -> memref<8192xf32, #tpu.memory_space<hbm>>
      %dma_wait3A_74 = arith.constant 0 : i32
      %dma_wait3A_75 = tpu.memref_slice %arg6[%dma_wait3A_67, %dma_wait3A_74] : memref<2x8192xf32, #tpu.memory_space<vmem>> -> memref<1x8192xf32, #tpu.memory_space<vmem>>
      %dma_wait3A_76 = tpu.memref_squeeze %dma_wait3A_75 : memref<1x8192xf32, #tpu.memory_space<vmem>> -> memref<8192xf32, #tpu.memory_space<vmem>>
      %dma_wait3A_77 = arith.constant 0 : i32
      %dma_wait3A_78 = tpu.memref_slice %arg2[%add3A_51, %dma_wait3A_77] : memref<512x8192xf32, #tpu.memory_space<hbm>> -> memref<1x8192xf32, #tpu.memory_space<hbm>>
      %dma_wait3A_79 = tpu.memref_squeeze %dma_wait3A_78 : memref<1x8192xf32, #tpu.memory_space<hbm>> -> memref<8192xf32, #tpu.memory_space<hbm>>
      tpu.wait_dma2 semaphore(%arg10 : memref<!tpu.dma_semaphore, #tpu.memory_space<semaphore_mem>>) src(%dma_wait3A_79 : memref<8192xf32, #tpu.memory_space<hbm>>) dst(%dma_wait3A_76 : memref<8192xf32, #tpu.memory_space<vmem>>)
      %mul3A_80 = arith.constant 2 : i32
      %mul3A_81 = arith.muli %mul3A_80, %scan3A_47 : i32
      %mul3A_82 = arith.constant 16 : i32
      %mul3A_83 = arith.muli %mul3A_81, %mul3A_82 : i32
      %get3A = arith.index_cast %mul3A_83 : i32 to index
      %get3A_84 = tpu.vector_load %arg7[%get3A] {strides = array<i32>} : memref<256xf32, #tpu.memory_space<vmem>>, vector<16xf32>,
      %mul3A_85 = arith.constant 128 : i32
      %mul3A_86 = arith.muli %mul3A_81, %mul3A_85 : i32
      %scan3A_87 = arith.constant 0 : i32
      %scan3A_88 = arith.constant 0 : i32
      %scan3A_89 = arith.constant 64 : i32
      %scan3A_90 = arith.addi %scan3A_88, %scan3A_89 : i32
      %scan3A_91 = arith.constant 1 : i32
      %scan3A_92 = scf.for %scan3A_145 = %scan3A_88 to %scan3A_90 step %scan3A_91 iter_args(%scan3A_146 = %scan3A_87) -> (i32)  : i32 {
        %mul3A_147 = arith.constant 128 : i32
        %mul3A_148 = arith.muli %scan3A_145, %mul3A_147 : i32
        %add3A_149 = arith.constant 0 : i32
        %add3A_150 = arith.addi %mul3A_148, %add3A_149 : i32
        %get3A_151 = arith.constant 0 : i32
        %get3A_152 = arith.index_cast %get3A_151 : i32 to index
        %get3A_153 = arith.index_cast %add3A_150 : i32 to index
        %get3A_154 = tpu.vector_load %arg6[%get3A_152, %get3A_153] {strides = array<i32>} : memref<2x8192xf32, #tpu.memory_space<vmem>>, vector<16xf32>,
        %add3A_155 = arith.constant 16 : i32
        %add3A_156 = arith.addi %mul3A_148, %add3A_155 : i32
        %get3A_157 = arith.constant 0 : i32
        %get3A_158 = arith.index_cast %get3A_157 : i32 to index
        %get3A_159 = arith.index_cast %add3A_156 : i32 to index
        %get3A_160 = tpu.vector_load %arg6[%get3A_158, %get3A_159] {strides = array<i32>} : memref<2x8192xf32, #tpu.memory_space<vmem>>, vector<16xf32>,
        %add3A_161 = arith.constant 32 : i32
        %add3A_162 = arith.addi %mul3A_148, %add3A_161 : i32
        %get3A_163 = arith.constant 0 : i32
        %get3A_164 = arith.index_cast %get3A_163 : i32 to index
        %get3A_165 = arith.index_cast %add3A_162 : i32 to index
        %get3A_166 = tpu.vector_load %arg6[%get3A_164, %get3A_165] {strides = array<i32>} : memref<2x8192xf32, #tpu.memory_space<vmem>>, vector<16xf32>,
        %add3A_167 = arith.constant 48 : i32
        %add3A_168 = arith.addi %mul3A_148, %add3A_167 : i32
        %get3A_169 = arith.constant 0 : i32
        %get3A_170 = arith.index_cast %get3A_169 : i32 to index
        %get3A_171 = arith.index_cast %add3A_168 : i32 to index
        %get3A_172 = tpu.vector_load %arg6[%get3A_170, %get3A_171] {strides = array<i32>} : memref<2x8192xf32, #tpu.memory_space<vmem>>, vector<16xf32>,
        %add3A_173 = arith.constant 64 : i32
        %add3A_174 = arith.addi %mul3A_148, %add3A_173 : i32
        %get3A_175 = arith.constant 0 : i32
        %get3A_176 = arith.index_cast %get3A_175 : i32 to index
        %get3A_177 = arith.index_cast %add3A_174 : i32 to index
        %get3A_178 = tpu.vector_load %arg6[%get3A_176, %get3A_177] {strides = array<i32>} : memref<2x8192xf32, #tpu.memory_space<vmem>>, vector<16xf32>,
        %add3A_179 = arith.constant 80 : i32
        %add3A_180 = arith.addi %mul3A_148, %add3A_179 : i32
        %get3A_181 = arith.constant 0 : i32
        %get3A_182 = arith.index_cast %get3A_181 : i32 to index
        %get3A_183 = arith.index_cast %add3A_180 : i32 to index
        %get3A_184 = tpu.vector_load %arg6[%get3A_182, %get3A_183] {strides = array<i32>} : memref<2x8192xf32, #tpu.memory_space<vmem>>, vector<16xf32>,
        %add3A_185 = arith.constant 96 : i32
        %add3A_186 = arith.addi %mul3A_148, %add3A_185 : i32
        %get3A_187 = arith.constant 0 : i32
        %get3A_188 = arith.index_cast %get3A_187 : i32 to index
        %get3A_189 = arith.index_cast %add3A_186 : i32 to index
        %get3A_190 = tpu.vector_load %arg6[%get3A_188, %get3A_189] {strides = array<i32>} : memref<2x8192xf32, #tpu.memory_space<vmem>>, vector<16xf32>,
        %add3A_191 = arith.constant 112 : i32
        %add3A_192 = arith.addi %mul3A_148, %add3A_191 : i32
        %get3A_193 = arith.constant 0 : i32
        %get3A_194 = arith.index_cast %get3A_193 : i32 to index
        %get3A_195 = arith.index_cast %add3A_192 : i32 to index
        %get3A_196 = tpu.vector_load %arg6[%get3A_194, %get3A_195] {strides = array<i32>} : memref<2x8192xf32, #tpu.memory_space<vmem>>, vector<16xf32>,
        %le3A = arith.cmpf ole, %get3A_154, %get3A_84 : vector<16xf32>
        %le3A_197 = arith.cmpf ole, %get3A_160, %get3A_84 : vector<16xf32>
        %le3A_198 = arith.cmpf ole, %get3A_166, %get3A_84 : vector<16xf32>
        %le3A_199 = arith.cmpf ole, %get3A_172, %get3A_84 : vector<16xf32>
        %le3A_200 = arith.cmpf ole, %get3A_178, %get3A_84 : vector<16xf32>
        %le3A_201 = arith.cmpf ole, %get3A_184, %get3A_84 : vector<16xf32>
        %le3A_202 = arith.cmpf ole, %get3A_190, %get3A_84 : vector<16xf32>
        %le3A_203 = arith.cmpf ole, %get3A_196, %get3A_84 : vector<16xf32>
        %or3A = arith.ori %le3A, %le3A_197 : vector<16xi1>
        %or3A_204 = arith.ori %or3A, %le3A_198 : vector<16xi1>
        %or3A_205 = arith.ori %or3A_204, %le3A_199 : vector<16xi1>
        %or3A_206 = arith.ori %or3A_205, %le3A_200 : vector<16xi1>
        %or3A_207 = arith.ori %or3A_206, %le3A_201 : vector<16xi1>
        %or3A_208 = arith.ori %or3A_207, %le3A_202 : vector<16xi1>
        %or3A_209 = arith.ori %or3A_208, %le3A_203 : vector<16xi1>
        %all_reduce_population_count3A = tpu.all_reduce %or3A_209 {dim = 0 : i64, kind = #tpu.reduction_kind<sum>} : vector<16xi1> -> vector<16xi32>
        %slice3A = vector.extract_strided_slice %all_reduce_population_count3A {offsets = [0], sizes = [1], strides = [1]} : vector<16xi32> to vector<1xi32>
        %squeeze3A = vector.extract %slice3A[0] : i32 from vector<1xi32>
        %ne3A = arith.constant 0 : i32
        %ne3A_210 = arith.cmpi ne, %squeeze3A, %ne3A : i32
        %convert_element_type3A = arith.extui %ne3A_210 : i1 to i32
        %cond3A = arith.constant 0 : i32
        %cond3A_211 = arith.cmpi ne, %convert_element_type3A, %cond3A : i32
        %cond3A_212 = scf.if %cond3A_211 -> (i32) {
          %convert_element_type3A_213 = arith.extui %le3A : vector<16xi1> to vector<16xi32>
          %broadcast_in_dim3A_214 = arith.constant true
          %broadcast_in_dim3A_215 = vector.broadcast %broadcast_in_dim3A_214 : i1 to vector<16xi1>
          %masked_cumsum3A = tpu.scan <sum>, %convert_element_type3A_213 masked %broadcast_in_dim3A_215 : vector<16xi32>, vector<16xi1> -> vector<16xi32>
          %add3A_216 = vector.broadcast %scan3A_146 : i32 to vector<16xi32>
          %add3A_217 = arith.addi %add3A_216, %masked_cumsum3A : vector<16xi32>
          %sub3A_218 = arith.constant 1 : i32
          %sub3A_219 = vector.broadcast %sub3A_218 : i32 to vector<16xi32>
          %sub3A_220 = arith.subi %add3A_217, %sub3A_219 : vector<16xi32>
          %lt3A = arith.constant 128 : i32
          %lt3A_221 = vector.broadcast %lt3A : i32 to vector<16xi32>
          %lt3A_222 = arith.cmpi slt, %sub3A_220, %lt3A_221 : vector<16xi32>
          %and3A = arith.andi %le3A, %lt3A_222 : vector<16xi1>
          %add3A_223 = vector.broadcast %mul3A_86 : i32 to vector<16xi32>
          %add3A_224 = arith.addi %add3A_223, %sub3A_220 : vector<16xi32>
          tpu.vector_store_idx %arg8[%add3A_224], %get3A_154 masked %and3A : memref<2048xf32, #tpu.memory_space<vmem>>[vector<16xi32>], vector<16xf32>, vector<16xi1>
          %add3A_225 = vector.broadcast %mul3A_86 : i32 to vector<16xi32>
          %add3A_226 = arith.addi %add3A_225, %sub3A_220 : vector<16xi32>
          %add3A_227 = arith.constant 0 : i32
          %add3A_228 = arith.addi %mul3A_148, %add3A_227 : i32
          %add3A_229 = vector.broadcast %add3A_228 : i32 to vector<16xi32>
          %add3A_230 = arith.addi %add3A_229, %iota3A : vector<16xi32>
          tpu.vector_store_idx %arg9[%add3A_226], %add3A_230 masked %and3A : memref<2048xi32, #tpu.memory_space<vmem>>[vector<16xi32>], vector<16xi32>, vector<16xi1>
          %reduce_sum3A = arith.constant true
          %reduce_sum3A_231 = vector.broadcast %reduce_sum3A : i1 to vector<16xi1>
          %reduce_sum3A_232 = tpu.scan <sum>, %convert_element_type3A_213 masked %reduce_sum3A_231 : vector<16xi32>, vector<16xi1> -> vector<16xi32>
          %reduce_sum3A_233 = vector.extract %reduce_sum3A_232[15] : i32 from vector<16xi32>
          %add3A_234 = arith.addi %scan3A_146, %reduce_sum3A_233 : i32
          %convert_element_type3A_235 = arith.extui %le3A_197 : vector<16xi1> to vector<16xi32>
          %broadcast_in_dim3A_236 = arith.constant true
          %broadcast_in_dim3A_237 = vector.broadcast %broadcast_in_dim3A_236 : i1 to vector<16xi1>
          %masked_cumsum3A_238 = tpu.scan <sum>, %convert_element_type3A_235 masked %broadcast_in_dim3A_237 : vector<16xi32>, vector<16xi1> -> vector<16xi32>
          %add3A_239 = vector.broadcast %add3A_234 : i32 to vector<16xi32>
          %add3A_240 = arith.addi %add3A_239, %masked_cumsum3A_238 : vector<16xi32>
          %sub3A_241 = arith.constant 1 : i32
          %sub3A_242 = vector.broadcast %sub3A_241 : i32 to vector<16xi32>
          %sub3A_243 = arith.subi %add3A_240, %sub3A_242 : vector<16xi32>
          %lt3A_244 = arith.constant 128 : i32
          %lt3A_245 = vector.broadcast %lt3A_244 : i32 to vector<16xi32>
          %lt3A_246 = arith.cmpi slt, %sub3A_243, %lt3A_245 : vector<16xi32>
          %and3A_247 = arith.andi %le3A_197, %lt3A_246 : vector<16xi1>
          %add3A_248 = vector.broadcast %mul3A_86 : i32 to vector<16xi32>
          %add3A_249 = arith.addi %add3A_248, %sub3A_243 : vector<16xi32>
          tpu.vector_store_idx %arg8[%add3A_249], %get3A_160 masked %and3A_247 : memref<2048xf32, #tpu.memory_space<vmem>>[vector<16xi32>], vector<16xf32>, vector<16xi1>
          %add3A_250 = vector.broadcast %mul3A_86 : i32 to vector<16xi32>
          %add3A_251 = arith.addi %add3A_250, %sub3A_243 : vector<16xi32>
          %add3A_252 = arith.constant 16 : i32
          %add3A_253 = arith.addi %mul3A_148, %add3A_252 : i32
          %add3A_254 = vector.broadcast %add3A_253 : i32 to vector<16xi32>
          %add3A_255 = arith.addi %add3A_254, %iota3A : vector<16xi32>
          tpu.vector_store_idx %arg9[%add3A_251], %add3A_255 masked %and3A_247 : memref<2048xi32, #tpu.memory_space<vmem>>[vector<16xi32>], vector<16xi32>, vector<16xi1>
          %reduce_sum3A_256 = arith.constant true
          %reduce_sum3A_257 = vector.broadcast %reduce_sum3A_256 : i1 to vector<16xi1>
          %reduce_sum3A_258 = tpu.scan <sum>, %convert_element_type3A_235 masked %reduce_sum3A_257 : vector<16xi32>, vector<16xi1> -> vector<16xi32>
          %reduce_sum3A_259 = vector.extract %reduce_sum3A_258[15] : i32 from vector<16xi32>
          %add3A_260 = arith.addi %add3A_234, %reduce_sum3A_259 : i32
          %convert_element_type3A_261 = arith.extui %le3A_198 : vector<16xi1> to vector<16xi32>
          %broadcast_in_dim3A_262 = arith.constant true
          %broadcast_in_dim3A_263 = vector.broadcast %broadcast_in_dim3A_262 : i1 to vector<16xi1>
          %masked_cumsum3A_264 = tpu.scan <sum>, %convert_element_type3A_261 masked %broadcast_in_dim3A_263 : vector<16xi32>, vector<16xi1> -> vector<16xi32>
          %add3A_265 = vector.broadcast %add3A_260 : i32 to vector<16xi32>
          %add3A_266 = arith.addi %add3A_265, %masked_cumsum3A_264 : vector<16xi32>
          %sub3A_267 = arith.constant 1 : i32
          %sub3A_268 = vector.broadcast %sub3A_267 : i32 to vector<16xi32>
          %sub3A_269 = arith.subi %add3A_266, %sub3A_268 : vector<16xi32>
          %lt3A_270 = arith.constant 128 : i32
          %lt3A_271 = vector.broadcast %lt3A_270 : i32 to vector<16xi32>
          %lt3A_272 = arith.cmpi slt, %sub3A_269, %lt3A_271 : vector<16xi32>
          %and3A_273 = arith.andi %le3A_198, %lt3A_272 : vector<16xi1>
          %add3A_274 = vector.broadcast %mul3A_86 : i32 to vector<16xi32>
          %add3A_275 = arith.addi %add3A_274, %sub3A_269 : vector<16xi32>
          tpu.vector_store_idx %arg8[%add3A_275], %get3A_166 masked %and3A_273 : memref<2048xf32, #tpu.memory_space<vmem>>[vector<16xi32>], vector<16xf32>, vector<16xi1>
          %add3A_276 = vector.broadcast %mul3A_86 : i32 to vector<16xi32>
          %add3A_277 = arith.addi %add3A_276, %sub3A_269 : vector<16xi32>
          %add3A_278 = arith.constant 32 : i32
          %add3A_279 = arith.addi %mul3A_148, %add3A_278 : i32
          %add3A_280 = vector.broadcast %add3A_279 : i32 to vector<16xi32>
          %add3A_281 = arith.addi %add3A_280, %iota3A : vector<16xi32>
          tpu.vector_store_idx %arg9[%add3A_277], %add3A_281 masked %and3A_273 : memref<2048xi32, #tpu.memory_space<vmem>>[vector<16xi32>], vector<16xi32>, vector<16xi1>
          %reduce_sum3A_282 = arith.constant true
          %reduce_sum3A_283 = vector.broadcast %reduce_sum3A_282 : i1 to vector<16xi1>
          %reduce_sum3A_284 = tpu.scan <sum>, %convert_element_type3A_261 masked %reduce_sum3A_283 : vector<16xi32>, vector<16xi1> -> vector<16xi32>
          %reduce_sum3A_285 = vector.extract %reduce_sum3A_284[15] : i32 from vector<16xi32>
          %add3A_286 = arith.addi %add3A_260, %reduce_sum3A_285 : i32
          %convert_element_type3A_287 = arith.extui %le3A_199 : vector<16xi1> to vector<16xi32>
          %broadcast_in_dim3A_288 = arith.constant true
          %broadcast_in_dim3A_289 = vector.broadcast %broadcast_in_dim3A_288 : i1 to vector<16xi1>
          %masked_cumsum3A_290 = tpu.scan <sum>, %convert_element_type3A_287 masked %broadcast_in_dim3A_289 : vector<16xi32>, vector<16xi1> -> vector<16xi32>
          %add3A_291 = vector.broadcast %add3A_286 : i32 to vector<16xi32>
          %add3A_292 = arith.addi %add3A_291, %masked_cumsum3A_290 : vector<16xi32>
          %sub3A_293 = arith.constant 1 : i32
          %sub3A_294 = vector.broadcast %sub3A_293 : i32 to vector<16xi32>
          %sub3A_295 = arith.subi %add3A_292, %sub3A_294 : vector<16xi32>
          %lt3A_296 = arith.constant 128 : i32
          %lt3A_297 = vector.broadcast %lt3A_296 : i32 to vector<16xi32>
          %lt3A_298 = arith.cmpi slt, %sub3A_295, %lt3A_297 : vector<16xi32>
          %and3A_299 = arith.andi %le3A_199, %lt3A_298 : vector<16xi1>
          %add3A_300 = vector.broadcast %mul3A_86 : i32 to vector<16xi32>
          %add3A_301 = arith.addi %add3A_300, %sub3A_295 : vector<16xi32>
          tpu.vector_store_idx %arg8[%add3A_301], %get3A_172 masked %and3A_299 : memref<2048xf32, #tpu.memory_space<vmem>>[vector<16xi32>], vector<16xf32>, vector<16xi1>
          %add3A_302 = vector.broadcast %mul3A_86 : i32 to vector<16xi32>
          %add3A_303 = arith.addi %add3A_302, %sub3A_295 : vector<16xi32>
          %add3A_304 = arith.constant 48 : i32
          %add3A_305 = arith.addi %mul3A_148, %add3A_304 : i32
          %add3A_306 = vector.broadcast %add3A_305 : i32 to vector<16xi32>
          %add3A_307 = arith.addi %add3A_306, %iota3A : vector<16xi32>
          tpu.vector_store_idx %arg9[%add3A_303], %add3A_307 masked %and3A_299 : memref<2048xi32, #tpu.memory_space<vmem>>[vector<16xi32>], vector<16xi32>, vector<16xi1>
          %reduce_sum3A_308 = arith.constant true
          %reduce_sum3A_309 = vector.broadcast %reduce_sum3A_308 : i1 to vector<16xi1>
          %reduce_sum3A_310 = tpu.scan <sum>, %convert_element_type3A_287 masked %reduce_sum3A_309 : vector<16xi32>, vector<16xi1> -> vector<16xi32>
          %reduce_sum3A_311 = vector.extract %reduce_sum3A_310[15] : i32 from vector<16xi32>
          %add3A_312 = arith.addi %add3A_286, %reduce_sum3A_311 : i32
          %convert_element_type3A_313 = arith.extui %le3A_200 : vector<16xi1> to vector<16xi32>
          %broadcast_in_dim3A_314 = arith.constant true
          %broadcast_in_dim3A_315 = vector.broadcast %broadcast_in_dim3A_314 : i1 to vector<16xi1>
          %masked_cumsum3A_316 = tpu.scan <sum>, %convert_element_type3A_313 masked %broadcast_in_dim3A_315 : vector<16xi32>, vector<16xi1> -> vector<16xi32>
          %add3A_317 = vector.broadcast %add3A_312 : i32 to vector<16xi32>
          %add3A_318 = arith.addi %add3A_317, %masked_cumsum3A_316 : vector<16xi32>
          %sub3A_319 = arith.constant 1 : i32
          %sub3A_320 = vector.broadcast %sub3A_319 : i32 to vector<16xi32>
          %sub3A_321 = arith.subi %add3A_318, %sub3A_320 : vector<16xi32>
          %lt3A_322 = arith.constant 128 : i32
          %lt3A_323 = vector.broadcast %lt3A_322 : i32 to vector<16xi32>
          %lt3A_324 = arith.cmpi slt, %sub3A_321, %lt3A_323 : vector<16xi32>
          %and3A_325 = arith.andi %le3A_200, %lt3A_324 : vector<16xi1>
          %add3A_326 = vector.broadcast %mul3A_86 : i32 to vector<16xi32>
          %add3A_327 = arith.addi %add3A_326, %sub3A_321 : vector<16xi32>
          tpu.vector_store_idx %arg8[%add3A_327], %get3A_178 masked %and3A_325 : memref<2048xf32, #tpu.memory_space<vmem>>[vector<16xi32>], vector<16xf32>, vector<16xi1>
          %add3A_328 = vector.broadcast %mul3A_86 : i32 to vector<16xi32>
          %add3A_329 = arith.addi %add3A_328, %sub3A_321 : vector<16xi32>
          %add3A_330 = arith.constant 64 : i32
          %add3A_331 = arith.addi %mul3A_148, %add3A_330 : i32
          %add3A_332 = vector.broadcast %add3A_331 : i32 to vector<16xi32>
          %add3A_333 = arith.addi %add3A_332, %iota3A : vector<16xi32>
          tpu.vector_store_idx %arg9[%add3A_329], %add3A_333 masked %and3A_325 : memref<2048xi32, #tpu.memory_space<vmem>>[vector<16xi32>], vector<16xi32>, vector<16xi1>
          %reduce_sum3A_334 = arith.constant true
          %reduce_sum3A_335 = vector.broadcast %reduce_sum3A_334 : i1 to vector<16xi1>
          %reduce_sum3A_336 = tpu.scan <sum>, %convert_element_type3A_313 masked %reduce_sum3A_335 : vector<16xi32>, vector<16xi1> -> vector<16xi32>
          %reduce_sum3A_337 = vector.extract %reduce_sum3A_336[15] : i32 from vector<16xi32>
          %add3A_338 = arith.addi %add3A_312, %reduce_sum3A_337 : i32
          %convert_element_type3A_339 = arith.extui %le3A_201 : vector<16xi1> to vector<16xi32>
          %broadcast_in_dim3A_340 = arith.constant true
          %broadcast_in_dim3A_341 = vector.broadcast %broadcast_in_dim3A_340 : i1 to vector<16xi1>
          %masked_cumsum3A_342 = tpu.scan <sum>, %convert_element_type3A_339 masked %broadcast_in_dim3A_341 : vector<16xi32>, vector<16xi1> -> vector<16xi32>
          %add3A_343 = vector.broadcast %add3A_338 : i32 to vector<16xi32>
          %add3A_344 = arith.addi %add3A_343, %masked_cumsum3A_342 : vector<16xi32>
          %sub3A_345 = arith.constant 1 : i32
          %sub3A_346 = vector.broadcast %sub3A_345 : i32 to vector<16xi32>
          %sub3A_347 = arith.subi %add3A_344, %sub3A_346 : vector<16xi32>
          %lt3A_348 = arith.constant 128 : i32
          %lt3A_349 = vector.broadcast %lt3A_348 : i32 to vector<16xi32>
          %lt3A_350 = arith.cmpi slt, %sub3A_347, %lt3A_349 : vector<16xi32>
          %and3A_351 = arith.andi %le3A_201, %lt3A_350 : vector<16xi1>
          %add3A_352 = vector.broadcast %mul3A_86 : i32 to vector<16xi32>
          %add3A_353 = arith.addi %add3A_352, %sub3A_347 : vector<16xi32>
          tpu.vector_store_idx %arg8[%add3A_353], %get3A_184 masked %and3A_351 : memref<2048xf32, #tpu.memory_space<vmem>>[vector<16xi32>], vector<16xf32>, vector<16xi1>
          %add3A_354 = vector.broadcast %mul3A_86 : i32 to vector<16xi32>
          %add3A_355 = arith.addi %add3A_354, %sub3A_347 : vector<16xi32>
          %add3A_356 = arith.constant 80 : i32
          %add3A_357 = arith.addi %mul3A_148, %add3A_356 : i32
          %add3A_358 = vector.broadcast %add3A_357 : i32 to vector<16xi32>
          %add3A_359 = arith.addi %add3A_358, %iota3A : vector<16xi32>
          tpu.vector_store_idx %arg9[%add3A_355], %add3A_359 masked %and3A_351 : memref<2048xi32, #tpu.memory_space<vmem>>[vector<16xi32>], vector<16xi32>, vector<16xi1>
          %reduce_sum3A_360 = arith.constant true
          %reduce_sum3A_361 = vector.broadcast %reduce_sum3A_360 : i1 to vector<16xi1>
          %reduce_sum3A_362 = tpu.scan <sum>, %convert_element_type3A_339 masked %reduce_sum3A_361 : vector<16xi32>, vector<16xi1> -> vector<16xi32>
          %reduce_sum3A_363 = vector.extract %reduce_sum3A_362[15] : i32 from vector<16xi32>
          %add3A_364 = arith.addi %add3A_338, %reduce_sum3A_363 : i32
          %convert_element_type3A_365 = arith.extui %le3A_202 : vector<16xi1> to vector<16xi32>
          %broadcast_in_dim3A_366 = arith.constant true
          %broadcast_in_dim3A_367 = vector.broadcast %broadcast_in_dim3A_366 : i1 to vector<16xi1>
          %masked_cumsum3A_368 = tpu.scan <sum>, %convert_element_type3A_365 masked %broadcast_in_dim3A_367 : vector<16xi32>, vector<16xi1> -> vector<16xi32>
          %add3A_369 = vector.broadcast %add3A_364 : i32 to vector<16xi32>
          %add3A_370 = arith.addi %add3A_369, %masked_cumsum3A_368 : vector<16xi32>
          %sub3A_371 = arith.constant 1 : i32
          %sub3A_372 = vector.broadcast %sub3A_371 : i32 to vector<16xi32>
          %sub3A_373 = arith.subi %add3A_370, %sub3A_372 : vector<16xi32>
          %lt3A_374 = arith.constant 128 : i32
          %lt3A_375 = vector.broadcast %lt3A_374 : i32 to vector<16xi32>
          %lt3A_376 = arith.cmpi slt, %sub3A_373, %lt3A_375 : vector<16xi32>
          %and3A_377 = arith.andi %le3A_202, %lt3A_376 : vector<16xi1>
          %add3A_378 = vector.broadcast %mul3A_86 : i32 to vector<16xi32>
          %add3A_379 = arith.addi %add3A_378, %sub3A_373 : vector<16xi32>
          tpu.vector_store_idx %arg8[%add3A_379], %get3A_190 masked %and3A_377 : memref<2048xf32, #tpu.memory_space<vmem>>[vector<16xi32>], vector<16xf32>, vector<16xi1>
          %add3A_380 = vector.broadcast %mul3A_86 : i32 to vector<16xi32>
          %add3A_381 = arith.addi %add3A_380, %sub3A_373 : vector<16xi32>
          %add3A_382 = arith.constant 96 : i32
          %add3A_383 = arith.addi %mul3A_148, %add3A_382 : i32
          %add3A_384 = vector.broadcast %add3A_383 : i32 to vector<16xi32>
          %add3A_385 = arith.addi %add3A_384, %iota3A : vector<16xi32>
          tpu.vector_store_idx %arg9[%add3A_381], %add3A_385 masked %and3A_377 : memref<2048xi32, #tpu.memory_space<vmem>>[vector<16xi32>], vector<16xi32>, vector<16xi1>
          %reduce_sum3A_386 = arith.constant true
          %reduce_sum3A_387 = vector.broadcast %reduce_sum3A_386 : i1 to vector<16xi1>
          %reduce_sum3A_388 = tpu.scan <sum>, %convert_element_type3A_365 masked %reduce_sum3A_387 : vector<16xi32>, vector<16xi1> -> vector<16xi32>
          %reduce_sum3A_389 = vector.extract %reduce_sum3A_388[15] : i32 from vector<16xi32>
          %add3A_390 = arith.addi %add3A_364, %reduce_sum3A_389 : i32
          %convert_element_type3A_391 = arith.extui %le3A_203 : vector<16xi1> to vector<16xi32>
          %broadcast_in_dim3A_392 = arith.constant true
          %broadcast_in_dim3A_393 = vector.broadcast %broadcast_in_dim3A_392 : i1 to vector<16xi1>
          %masked_cumsum3A_394 = tpu.scan <sum>, %convert_element_type3A_391 masked %broadcast_in_dim3A_393 : vector<16xi32>, vector<16xi1> -> vector<16xi32>
          %add3A_395 = vector.broadcast %add3A_390 : i32 to vector<16xi32>
          %add3A_396 = arith.addi %add3A_395, %masked_cumsum3A_394 : vector<16xi32>
          %sub3A_397 = arith.constant 1 : i32
          %sub3A_398 = vector.broadcast %sub3A_397 : i32 to vector<16xi32>
          %sub3A_399 = arith.subi %add3A_396, %sub3A_398 : vector<16xi32>
          %lt3A_400 = arith.constant 128 : i32
          %lt3A_401 = vector.broadcast %lt3A_400 : i32 to vector<16xi32>
          %lt3A_402 = arith.cmpi slt, %sub3A_399, %lt3A_401 : vector<16xi32>
          %and3A_403 = arith.andi %le3A_203, %lt3A_402 : vector<16xi1>
          %add3A_404 = vector.broadcast %mul3A_86 : i32 to vector<16xi32>
          %add3A_405 = arith.addi %add3A_404, %sub3A_399 : vector<16xi32>
          tpu.vector_store_idx %arg8[%add3A_405], %get3A_196 masked %and3A_403 : memref<2048xf32, #tpu.memory_space<vmem>>[vector<16xi32>], vector<16xf32>, vector<16xi1>
          %add3A_406 = vector.broadcast %mul3A_86 : i32 to vector<16xi32>
          %add3A_407 = arith.addi %add3A_406, %sub3A_399 : vector<16xi32>
          %add3A_408 = arith.constant 112 : i32
          %add3A_409 = arith.addi %mul3A_148, %add3A_408 : i32
          %add3A_410 = vector.broadcast %add3A_409 : i32 to vector<16xi32>
          %add3A_411 = arith.addi %add3A_410, %iota3A : vector<16xi32>
          tpu.vector_store_idx %arg9[%add3A_407], %add3A_411 masked %and3A_403 : memref<2048xi32, #tpu.memory_space<vmem>>[vector<16xi32>], vector<16xi32>, vector<16xi1>
          %reduce_sum3A_412 = arith.constant true
          %reduce_sum3A_413 = vector.broadcast %reduce_sum3A_412 : i1 to vector<16xi1>
          %reduce_sum3A_414 = tpu.scan <sum>, %convert_element_type3A_391 masked %reduce_sum3A_413 : vector<16xi32>, vector<16xi1> -> vector<16xi32>
          %reduce_sum3A_415 = vector.extract %reduce_sum3A_414[15] : i32 from vector<16xi32>
          %add3A_416 = arith.addi %add3A_390, %reduce_sum3A_415 : i32
          scf.yield %add3A_416 : i32
        } else {
          scf.yield %scan3A_146 : i32
        }
        scf.yield %cond3A_212 : i32
      }
      %scan3A_93 = arith.constant 64 : i32
      %add3A_94 = arith.constant 2 : i32
      %add3A_95 = arith.addi %add3A_51, %add3A_94 : i32
      %add3A_96 = arith.constant 16 : i32
      %add3A_97 = arith.addi %mul3A_2, %add3A_96 : i32
      %sub3A = arith.constant 1 : i32
      %sub3A_98 = arith.subi %add3A_97, %sub3A : i32
      %min3A = arith.minsi %add3A_95, %sub3A_98 : i32
      %dma_start3A_99 = arith.constant 0 : i32
      %dma_start3A_100 = arith.constant 0 : i32
      %dma_start3A_101 = tpu.memref_slice %arg6[%dma_start3A_99, %dma_start3A_100] : memref<2x8192xf32, #tpu.memory_space<vmem>> -> memref<1x8192xf32, #tpu.memory_space<vmem>>
      %dma_start3A_102 = tpu.memref_squeeze %dma_start3A_101 : memref<1x8192xf32, #tpu.memory_space<vmem>> -> memref<8192xf32, #tpu.memory_space<vmem>>
      %dma_start3A_103 = arith.constant 0 : i32
      %dma_start3A_104 = tpu.memref_slice %arg2[%min3A, %dma_start3A_103] : memref<512x8192xf32, #tpu.memory_space<hbm>> -> memref<1x8192xf32, #tpu.memory_space<hbm>>
      %dma_start3A_105 = tpu.memref_squeeze %dma_start3A_104 : memref<1x8192xf32, #tpu.memory_space<hbm>> -> memref<8192xf32, #tpu.memory_space<hbm>>
      %dma_start3A_106 = arith.constant 0 : i32
      %dma_start3A_107 = tpu.memref_slice %arg6[%dma_start3A_99, %dma_start3A_106] : memref<2x8192xf32, #tpu.memory_space<vmem>> -> memref<1x8192xf32, #tpu.memory_space<vmem>>
      %dma_start3A_108 = tpu.memref_squeeze %dma_start3A_107 : memref<1x8192xf32, #tpu.memory_space<vmem>> -> memref<8192xf32, #tpu.memory_space<vmem>>
      %dma_start3A_109 = arith.constant 0 : i32
      %dma_start3A_110 = tpu.memref_slice %arg2[%min3A, %dma_start3A_109] : memref<512x8192xf32, #tpu.memory_space<hbm>> -> memref<1x8192xf32, #tpu.memory_space<hbm>>
      %dma_start3A_111 = tpu.memref_squeeze %dma_start3A_110 : memref<1x8192xf32, #tpu.memory_space<hbm>> -> memref<8192xf32, #tpu.memory_space<hbm>>
      tpu.enqueue_dma source(%dma_start3A_111 : memref<8192xf32, #tpu.memory_space<hbm>>) target(%dma_start3A_108 : memref<8192xf32, #tpu.memory_space<vmem>>) target_semaphore(%arg10 : memref<!tpu.dma_semaphore, #tpu.memory_space<semaphore_mem>>)
      %add3A_112 = arith.constant 1 : i32
      %add3A_113 = arith.addi %add3A_51, %add3A_112 : i32
      %dma_wait3A_114 = arith.constant 1 : i32
      %dma_wait3A_115 = arith.constant 0 : i32
      %dma_wait3A_116 = tpu.memref_slice %arg6[%dma_wait3A_114, %dma_wait3A_115] : memref<2x8192xf32, #tpu.memory_space<vmem>> -> memref<1x8192xf32, #tpu.memory_space<vmem>>
      %dma_wait3A_117 = tpu.memref_squeeze %dma_wait3A_116 : memref<1x8192xf32, #tpu.memory_space<vmem>> -> memref<8192xf32, #tpu.memory_space<vmem>>
      %dma_wait3A_118 = arith.constant 0 : i32
      %dma_wait3A_119 = tpu.memref_slice %arg2[%add3A_113, %dma_wait3A_118] : memref<512x8192xf32, #tpu.memory_space<hbm>> -> memref<1x8192xf32, #tpu.memory_space<hbm>>
      %dma_wait3A_120 = tpu.memref_squeeze %dma_wait3A_119 : memref<1x8192xf32, #tpu.memory_space<hbm>> -> memref<8192xf32, #tpu.memory_space<hbm>>
      %dma_wait3A_121 = arith.constant 0 : i32
      %dma_wait3A_122 = tpu.memref_slice %arg6[%dma_wait3A_114, %dma_wait3A_121] : memref<2x8192xf32, #tpu.memory_space<vmem>> -> memref<1x8192xf32, #tpu.memory_space<vmem>>
      %dma_wait3A_123 = tpu.memref_squeeze %dma_wait3A_122 : memref<1x8192xf32, #tpu.memory_space<vmem>> -> memref<8192xf32, #tpu.memory_space<vmem>>
      %dma_wait3A_124 = arith.constant 0 : i32
      %dma_wait3A_125 = tpu.memref_slice %arg2[%add3A_113, %dma_wait3A_124] : memref<512x8192xf32, #tpu.memory_space<hbm>> -> memref<1x8192xf32, #tpu.memory_space<hbm>>
      %dma_wait3A_126 = tpu.memref_squeeze %dma_wait3A_125 : memref<1x8192xf32, #tpu.memory_space<hbm>> -> memref<8192xf32, #tpu.memory_space<hbm>>
      tpu.wait_dma2 semaphore(%arg11 : memref<!tpu.dma_semaphore, #tpu.memory_space<semaphore_mem>>) src(%dma_wait3A_126 : memref<8192xf32, #tpu.memory_space<hbm>>) dst(%dma_wait3A_123 : memref<8192xf32, #tpu.memory_space<vmem>>)
      %mul3A_127 = arith.constant 2 : i32
      %mul3A_128 = arith.muli %mul3A_127, %scan3A_47 : i32
      %add3A_129 = arith.constant 1 : i32
      %add3A_130 = arith.addi %mul3A_128, %add3A_129 : i32
      %mul3A_131 = arith.constant 16 : i32
      %mul3A_132 = arith.muli %add3A_130, %mul3A_131 : i32
      %get3A_133 = arith.index_cast %mul3A_132 : i32 to index
      %get3A_134 = tpu.vector_load %arg7[%get3A_133] {strides = array<i32>} : memref<256xf32, #tpu.memory_space<vmem>>, vector<16xf32>,
      %mul3A_135 = arith.constant 128 : i32
      %mul3A_136 = arith.muli %add3A_130, %mul3A_135 : i32
      %scan3A_137 = arith.constant 0 : i32
      %scan3A_138 = arith.constant 0 : i32
      %scan3A_139 = arith.constant 64 : i32
      %scan3A_140 = arith.addi %scan3A_138, %scan3A_139 : i32
      %scan3A_141 = arith.constant 1 : i32
      %scan3A_142 = scf.for %scan3A_145 = %scan3A_138 to %scan3A_140 step %scan3A_141 iter_args(%scan3A_146 = %scan3A_137) -> (i32)  : i32 {
        %mul3A_147 = arith.constant 128 : i32
        %mul3A_148 = arith.muli %scan3A_145, %mul3A_147 : i32
        %add3A_149 = arith.constant 0 : i32
        %add3A_150 = arith.addi %mul3A_148, %add3A_149 : i32
        %get3A_151 = arith.constant 1 : i32
        %get3A_152 = arith.index_cast %get3A_151 : i32 to index
        %get3A_153 = arith.index_cast %add3A_150 : i32 to index
        %get3A_154 = tpu.vector_load %arg6[%get3A_152, %get3A_153] {strides = array<i32>} : memref<2x8192xf32, #tpu.memory_space<vmem>>, vector<16xf32>,
        %add3A_155 = arith.constant 16 : i32
        %add3A_156 = arith.addi %mul3A_148, %add3A_155 : i32
        %get3A_157 = arith.constant 1 : i32
        %get3A_158 = arith.index_cast %get3A_157 : i32 to index
        %get3A_159 = arith.index_cast %add3A_156 : i32 to index
        %get3A_160 = tpu.vector_load %arg6[%get3A_158, %get3A_159] {strides = array<i32>} : memref<2x8192xf32, #tpu.memory_space<vmem>>, vector<16xf32>,
        %add3A_161 = arith.constant 32 : i32
        %add3A_162 = arith.addi %mul3A_148, %add3A_161 : i32
        %get3A_163 = arith.constant 1 : i32
        %get3A_164 = arith.index_cast %get3A_163 : i32 to index
        %get3A_165 = arith.index_cast %add3A_162 : i32 to index
        %get3A_166 = tpu.vector_load %arg6[%get3A_164, %get3A_165] {strides = array<i32>} : memref<2x8192xf32, #tpu.memory_space<vmem>>, vector<16xf32>,
        %add3A_167 = arith.constant 48 : i32
        %add3A_168 = arith.addi %mul3A_148, %add3A_167 : i32
        %get3A_169 = arith.constant 1 : i32
        %get3A_170 = arith.index_cast %get3A_169 : i32 to index
        %get3A_171 = arith.index_cast %add3A_168 : i32 to index
        %get3A_172 = tpu.vector_load %arg6[%get3A_170, %get3A_171] {strides = array<i32>} : memref<2x8192xf32, #tpu.memory_space<vmem>>, vector<16xf32>,
        %add3A_173 = arith.constant 64 : i32
        %add3A_174 = arith.addi %mul3A_148, %add3A_173 : i32
        %get3A_175 = arith.constant 1 : i32
        %get3A_176 = arith.index_cast %get3A_175 : i32 to index
        %get3A_177 = arith.index_cast %add3A_174 : i32 to index
        %get3A_178 = tpu.vector_load %arg6[%get3A_176, %get3A_177] {strides = array<i32>} : memref<2x8192xf32, #tpu.memory_space<vmem>>, vector<16xf32>,
        %add3A_179 = arith.constant 80 : i32
        %add3A_180 = arith.addi %mul3A_148, %add3A_179 : i32
        %get3A_181 = arith.constant 1 : i32
        %get3A_182 = arith.index_cast %get3A_181 : i32 to index
        %get3A_183 = arith.index_cast %add3A_180 : i32 to index
        %get3A_184 = tpu.vector_load %arg6[%get3A_182, %get3A_183] {strides = array<i32>} : memref<2x8192xf32, #tpu.memory_space<vmem>>, vector<16xf32>,
        %add3A_185 = arith.constant 96 : i32
        %add3A_186 = arith.addi %mul3A_148, %add3A_185 : i32
        %get3A_187 = arith.constant 1 : i32
        %get3A_188 = arith.index_cast %get3A_187 : i32 to index
        %get3A_189 = arith.index_cast %add3A_186 : i32 to index
        %get3A_190 = tpu.vector_load %arg6[%get3A_188, %get3A_189] {strides = array<i32>} : memref<2x8192xf32, #tpu.memory_space<vmem>>, vector<16xf32>,
        %add3A_191 = arith.constant 112 : i32
        %add3A_192 = arith.addi %mul3A_148, %add3A_191 : i32
        %get3A_193 = arith.constant 1 : i32
        %get3A_194 = arith.index_cast %get3A_193 : i32 to index
        %get3A_195 = arith.index_cast %add3A_192 : i32 to index
        %get3A_196 = tpu.vector_load %arg6[%get3A_194, %get3A_195] {strides = array<i32>} : memref<2x8192xf32, #tpu.memory_space<vmem>>, vector<16xf32>,
        %le3A = arith.cmpf ole, %get3A_154, %get3A_134 : vector<16xf32>
        %le3A_197 = arith.cmpf ole, %get3A_160, %get3A_134 : vector<16xf32>
        %le3A_198 = arith.cmpf ole, %get3A_166, %get3A_134 : vector<16xf32>
        %le3A_199 = arith.cmpf ole, %get3A_172, %get3A_134 : vector<16xf32>
        %le3A_200 = arith.cmpf ole, %get3A_178, %get3A_134 : vector<16xf32>
        %le3A_201 = arith.cmpf ole, %get3A_184, %get3A_134 : vector<16xf32>
        %le3A_202 = arith.cmpf ole, %get3A_190, %get3A_134 : vector<16xf32>
        %le3A_203 = arith.cmpf ole, %get3A_196, %get3A_134 : vector<16xf32>
        %or3A = arith.ori %le3A, %le3A_197 : vector<16xi1>
        %or3A_204 = arith.ori %or3A, %le3A_198 : vector<16xi1>
        %or3A_205 = arith.ori %or3A_204, %le3A_199 : vector<16xi1>
        %or3A_206 = arith.ori %or3A_205, %le3A_200 : vector<16xi1>
        %or3A_207 = arith.ori %or3A_206, %le3A_201 : vector<16xi1>
        %or3A_208 = arith.ori %or3A_207, %le3A_202 : vector<16xi1>
        %or3A_209 = arith.ori %or3A_208, %le3A_203 : vector<16xi1>
        %all_reduce_population_count3A = tpu.all_reduce %or3A_209 {dim = 0 : i64, kind = #tpu.reduction_kind<sum>} : vector<16xi1> -> vector<16xi32>
        %slice3A = vector.extract_strided_slice %all_reduce_population_count3A {offsets = [0], sizes = [1], strides = [1]} : vector<16xi32> to vector<1xi32>
        %squeeze3A = vector.extract %slice3A[0] : i32 from vector<1xi32>
        %ne3A = arith.constant 0 : i32
        %ne3A_210 = arith.cmpi ne, %squeeze3A, %ne3A : i32
        %convert_element_type3A = arith.extui %ne3A_210 : i1 to i32
        %cond3A = arith.constant 0 : i32
        %cond3A_211 = arith.cmpi ne, %convert_element_type3A, %cond3A : i32
        %cond3A_212 = scf.if %cond3A_211 -> (i32) {
          %convert_element_type3A_213 = arith.extui %le3A : vector<16xi1> to vector<16xi32>
          %broadcast_in_dim3A_214 = arith.constant true
          %broadcast_in_dim3A_215 = vector.broadcast %broadcast_in_dim3A_214 : i1 to vector<16xi1>
          %masked_cumsum3A = tpu.scan <sum>, %convert_element_type3A_213 masked %broadcast_in_dim3A_215 : vector<16xi32>, vector<16xi1> -> vector<16xi32>
          %add3A_216 = vector.broadcast %scan3A_146 : i32 to vector<16xi32>
          %add3A_217 = arith.addi %add3A_216, %masked_cumsum3A : vector<16xi32>
          %sub3A_218 = arith.constant 1 : i32
          %sub3A_219 = vector.broadcast %sub3A_218 : i32 to vector<16xi32>
          %sub3A_220 = arith.subi %add3A_217, %sub3A_219 : vector<16xi32>
          %lt3A = arith.constant 128 : i32
          %lt3A_221 = vector.broadcast %lt3A : i32 to vector<16xi32>
          %lt3A_222 = arith.cmpi slt, %sub3A_220, %lt3A_221 : vector<16xi32>
          %and3A = arith.andi %le3A, %lt3A_222 : vector<16xi1>
          %add3A_223 = vector.broadcast %mul3A_136 : i32 to vector<16xi32>
          %add3A_224 = arith.addi %add3A_223, %sub3A_220 : vector<16xi32>
          tpu.vector_store_idx %arg8[%add3A_224], %get3A_154 masked %and3A : memref<2048xf32, #tpu.memory_space<vmem>>[vector<16xi32>], vector<16xf32>, vector<16xi1>
          %add3A_225 = vector.broadcast %mul3A_136 : i32 to vector<16xi32>
          %add3A_226 = arith.addi %add3A_225, %sub3A_220 : vector<16xi32>
          %add3A_227 = arith.constant 0 : i32
          %add3A_228 = arith.addi %mul3A_148, %add3A_227 : i32
          %add3A_229 = vector.broadcast %add3A_228 : i32 to vector<16xi32>
          %add3A_230 = arith.addi %add3A_229, %iota3A : vector<16xi32>
          tpu.vector_store_idx %arg9[%add3A_226], %add3A_230 masked %and3A : memref<2048xi32, #tpu.memory_space<vmem>>[vector<16xi32>], vector<16xi32>, vector<16xi1>
          %reduce_sum3A = arith.constant true
          %reduce_sum3A_231 = vector.broadcast %reduce_sum3A : i1 to vector<16xi1>
          %reduce_sum3A_232 = tpu.scan <sum>, %convert_element_type3A_213 masked %reduce_sum3A_231 : vector<16xi32>, vector<16xi1> -> vector<16xi32>
          %reduce_sum3A_233 = vector.extract %reduce_sum3A_232[15] : i32 from vector<16xi32>
          %add3A_234 = arith.addi %scan3A_146, %reduce_sum3A_233 : i32
          %convert_element_type3A_235 = arith.extui %le3A_197 : vector<16xi1> to vector<16xi32>
          %broadcast_in_dim3A_236 = arith.constant true
          %broadcast_in_dim3A_237 = vector.broadcast %broadcast_in_dim3A_236 : i1 to vector<16xi1>
          %masked_cumsum3A_238 = tpu.scan <sum>, %convert_element_type3A_235 masked %broadcast_in_dim3A_237 : vector<16xi32>, vector<16xi1> -> vector<16xi32>
          %add3A_239 = vector.broadcast %add3A_234 : i32 to vector<16xi32>
          %add3A_240 = arith.addi %add3A_239, %masked_cumsum3A_238 : vector<16xi32>
          %sub3A_241 = arith.constant 1 : i32
          %sub3A_242 = vector.broadcast %sub3A_241 : i32 to vector<16xi32>
          %sub3A_243 = arith.subi %add3A_240, %sub3A_242 : vector<16xi32>
          %lt3A_244 = arith.constant 128 : i32
          %lt3A_245 = vector.broadcast %lt3A_244 : i32 to vector<16xi32>
          %lt3A_246 = arith.cmpi slt, %sub3A_243, %lt3A_245 : vector<16xi32>
          %and3A_247 = arith.andi %le3A_197, %lt3A_246 : vector<16xi1>
          %add3A_248 = vector.broadcast %mul3A_136 : i32 to vector<16xi32>
          %add3A_249 = arith.addi %add3A_248, %sub3A_243 : vector<16xi32>
          tpu.vector_store_idx %arg8[%add3A_249], %get3A_160 masked %and3A_247 : memref<2048xf32, #tpu.memory_space<vmem>>[vector<16xi32>], vector<16xf32>, vector<16xi1>
          %add3A_250 = vector.broadcast %mul3A_136 : i32 to vector<16xi32>
          %add3A_251 = arith.addi %add3A_250, %sub3A_243 : vector<16xi32>
          %add3A_252 = arith.constant 16 : i32
          %add3A_253 = arith.addi %mul3A_148, %add3A_252 : i32
          %add3A_254 = vector.broadcast %add3A_253 : i32 to vector<16xi32>
          %add3A_255 = arith.addi %add3A_254, %iota3A : vector<16xi32>
          tpu.vector_store_idx %arg9[%add3A_251], %add3A_255 masked %and3A_247 : memref<2048xi32, #tpu.memory_space<vmem>>[vector<16xi32>], vector<16xi32>, vector<16xi1>
          %reduce_sum3A_256 = arith.constant true
          %reduce_sum3A_257 = vector.broadcast %reduce_sum3A_256 : i1 to vector<16xi1>
          %reduce_sum3A_258 = tpu.scan <sum>, %convert_element_type3A_235 masked %reduce_sum3A_257 : vector<16xi32>, vector<16xi1> -> vector<16xi32>
          %reduce_sum3A_259 = vector.extract %reduce_sum3A_258[15] : i32 from vector<16xi32>
          %add3A_260 = arith.addi %add3A_234, %reduce_sum3A_259 : i32
          %convert_element_type3A_261 = arith.extui %le3A_198 : vector<16xi1> to vector<16xi32>
          %broadcast_in_dim3A_262 = arith.constant true
          %broadcast_in_dim3A_263 = vector.broadcast %broadcast_in_dim3A_262 : i1 to vector<16xi1>
          %masked_cumsum3A_264 = tpu.scan <sum>, %convert_element_type3A_261 masked %broadcast_in_dim3A_263 : vector<16xi32>, vector<16xi1> -> vector<16xi32>
          %add3A_265 = vector.broadcast %add3A_260 : i32 to vector<16xi32>
          %add3A_266 = arith.addi %add3A_265, %masked_cumsum3A_264 : vector<16xi32>
          %sub3A_267 = arith.constant 1 : i32
          %sub3A_268 = vector.broadcast %sub3A_267 : i32 to vector<16xi32>
          %sub3A_269 = arith.subi %add3A_266, %sub3A_268 : vector<16xi32>
          %lt3A_270 = arith.constant 128 : i32
          %lt3A_271 = vector.broadcast %lt3A_270 : i32 to vector<16xi32>
          %lt3A_272 = arith.cmpi slt, %sub3A_269, %lt3A_271 : vector<16xi32>
          %and3A_273 = arith.andi %le3A_198, %lt3A_272 : vector<16xi1>
          %add3A_274 = vector.broadcast %mul3A_136 : i32 to vector<16xi32>
          %add3A_275 = arith.addi %add3A_274, %sub3A_269 : vector<16xi32>
          tpu.vector_store_idx %arg8[%add3A_275], %get3A_166 masked %and3A_273 : memref<2048xf32, #tpu.memory_space<vmem>>[vector<16xi32>], vector<16xf32>, vector<16xi1>
          %add3A_276 = vector.broadcast %mul3A_136 : i32 to vector<16xi32>
          %add3A_277 = arith.addi %add3A_276, %sub3A_269 : vector<16xi32>
          %add3A_278 = arith.constant 32 : i32
          %add3A_279 = arith.addi %mul3A_148, %add3A_278 : i32
          %add3A_280 = vector.broadcast %add3A_279 : i32 to vector<16xi32>
          %add3A_281 = arith.addi %add3A_280, %iota3A : vector<16xi32>
          tpu.vector_store_idx %arg9[%add3A_277], %add3A_281 masked %and3A_273 : memref<2048xi32, #tpu.memory_space<vmem>>[vector<16xi32>], vector<16xi32>, vector<16xi1>
          %reduce_sum3A_282 = arith.constant true
          %reduce_sum3A_283 = vector.broadcast %reduce_sum3A_282 : i1 to vector<16xi1>
          %reduce_sum3A_284 = tpu.scan <sum>, %convert_element_type3A_261 masked %reduce_sum3A_283 : vector<16xi32>, vector<16xi1> -> vector<16xi32>
          %reduce_sum3A_285 = vector.extract %reduce_sum3A_284[15] : i32 from vector<16xi32>
          %add3A_286 = arith.addi %add3A_260, %reduce_sum3A_285 : i32
          %convert_element_type3A_287 = arith.extui %le3A_199 : vector<16xi1> to vector<16xi32>
          %broadcast_in_dim3A_288 = arith.constant true
          %broadcast_in_dim3A_289 = vector.broadcast %broadcast_in_dim3A_288 : i1 to vector<16xi1>
          %masked_cumsum3A_290 = tpu.scan <sum>, %convert_element_type3A_287 masked %broadcast_in_dim3A_289 : vector<16xi32>, vector<16xi1> -> vector<16xi32>
          %add3A_291 = vector.broadcast %add3A_286 : i32 to vector<16xi32>
          %add3A_292 = arith.addi %add3A_291, %masked_cumsum3A_290 : vector<16xi32>
          %sub3A_293 = arith.constant 1 : i32
          %sub3A_294 = vector.broadcast %sub3A_293 : i32 to vector<16xi32>
          %sub3A_295 = arith.subi %add3A_292, %sub3A_294 : vector<16xi32>
          %lt3A_296 = arith.constant 128 : i32
          %lt3A_297 = vector.broadcast %lt3A_296 : i32 to vector<16xi32>
          %lt3A_298 = arith.cmpi slt, %sub3A_295, %lt3A_297 : vector<16xi32>
          %and3A_299 = arith.andi %le3A_199, %lt3A_298 : vector<16xi1>
          %add3A_300 = vector.broadcast %mul3A_136 : i32 to vector<16xi32>
          %add3A_301 = arith.addi %add3A_300, %sub3A_295 : vector<16xi32>
          tpu.vector_store_idx %arg8[%add3A_301], %get3A_172 masked %and3A_299 : memref<2048xf32, #tpu.memory_space<vmem>>[vector<16xi32>], vector<16xf32>, vector<16xi1>
          %add3A_302 = vector.broadcast %mul3A_136 : i32 to vector<16xi32>
          %add3A_303 = arith.addi %add3A_302, %sub3A_295 : vector<16xi32>
          %add3A_304 = arith.constant 48 : i32
          %add3A_305 = arith.addi %mul3A_148, %add3A_304 : i32
          %add3A_306 = vector.broadcast %add3A_305 : i32 to vector<16xi32>
          %add3A_307 = arith.addi %add3A_306, %iota3A : vector<16xi32>
          tpu.vector_store_idx %arg9[%add3A_303], %add3A_307 masked %and3A_299 : memref<2048xi32, #tpu.memory_space<vmem>>[vector<16xi32>], vector<16xi32>, vector<16xi1>
          %reduce_sum3A_308 = arith.constant true
          %reduce_sum3A_309 = vector.broadcast %reduce_sum3A_308 : i1 to vector<16xi1>
          %reduce_sum3A_310 = tpu.scan <sum>, %convert_element_type3A_287 masked %reduce_sum3A_309 : vector<16xi32>, vector<16xi1> -> vector<16xi32>
          %reduce_sum3A_311 = vector.extract %reduce_sum3A_310[15] : i32 from vector<16xi32>
          %add3A_312 = arith.addi %add3A_286, %reduce_sum3A_311 : i32
          %convert_element_type3A_313 = arith.extui %le3A_200 : vector<16xi1> to vector<16xi32>
          %broadcast_in_dim3A_314 = arith.constant true
          %broadcast_in_dim3A_315 = vector.broadcast %broadcast_in_dim3A_314 : i1 to vector<16xi1>
          %masked_cumsum3A_316 = tpu.scan <sum>, %convert_element_type3A_313 masked %broadcast_in_dim3A_315 : vector<16xi32>, vector<16xi1> -> vector<16xi32>
          %add3A_317 = vector.broadcast %add3A_312 : i32 to vector<16xi32>
          %add3A_318 = arith.addi %add3A_317, %masked_cumsum3A_316 : vector<16xi32>
          %sub3A_319 = arith.constant 1 : i32
          %sub3A_320 = vector.broadcast %sub3A_319 : i32 to vector<16xi32>
          %sub3A_321 = arith.subi %add3A_318, %sub3A_320 : vector<16xi32>
          %lt3A_322 = arith.constant 128 : i32
          %lt3A_323 = vector.broadcast %lt3A_322 : i32 to vector<16xi32>
          %lt3A_324 = arith.cmpi slt, %sub3A_321, %lt3A_323 : vector<16xi32>
          %and3A_325 = arith.andi %le3A_200, %lt3A_324 : vector<16xi1>
          %add3A_326 = vector.broadcast %mul3A_136 : i32 to vector<16xi32>
          %add3A_327 = arith.addi %add3A_326, %sub3A_321 : vector<16xi32>
          tpu.vector_store_idx %arg8[%add3A_327], %get3A_178 masked %and3A_325 : memref<2048xf32, #tpu.memory_space<vmem>>[vector<16xi32>], vector<16xf32>, vector<16xi1>
          %add3A_328 = vector.broadcast %mul3A_136 : i32 to vector<16xi32>
          %add3A_329 = arith.addi %add3A_328, %sub3A_321 : vector<16xi32>
          %add3A_330 = arith.constant 64 : i32
          %add3A_331 = arith.addi %mul3A_148, %add3A_330 : i32
          %add3A_332 = vector.broadcast %add3A_331 : i32 to vector<16xi32>
          %add3A_333 = arith.addi %add3A_332, %iota3A : vector<16xi32>
          tpu.vector_store_idx %arg9[%add3A_329], %add3A_333 masked %and3A_325 : memref<2048xi32, #tpu.memory_space<vmem>>[vector<16xi32>], vector<16xi32>, vector<16xi1>
          %reduce_sum3A_334 = arith.constant true
          %reduce_sum3A_335 = vector.broadcast %reduce_sum3A_334 : i1 to vector<16xi1>
          %reduce_sum3A_336 = tpu.scan <sum>, %convert_element_type3A_313 masked %reduce_sum3A_335 : vector<16xi32>, vector<16xi1> -> vector<16xi32>
          %reduce_sum3A_337 = vector.extract %reduce_sum3A_336[15] : i32 from vector<16xi32>
          %add3A_338 = arith.addi %add3A_312, %reduce_sum3A_337 : i32
          %convert_element_type3A_339 = arith.extui %le3A_201 : vector<16xi1> to vector<16xi32>
          %broadcast_in_dim3A_340 = arith.constant true
          %broadcast_in_dim3A_341 = vector.broadcast %broadcast_in_dim3A_340 : i1 to vector<16xi1>
          %masked_cumsum3A_342 = tpu.scan <sum>, %convert_element_type3A_339 masked %broadcast_in_dim3A_341 : vector<16xi32>, vector<16xi1> -> vector<16xi32>
          %add3A_343 = vector.broadcast %add3A_338 : i32 to vector<16xi32>
          %add3A_344 = arith.addi %add3A_343, %masked_cumsum3A_342 : vector<16xi32>
          %sub3A_345 = arith.constant 1 : i32
          %sub3A_346 = vector.broadcast %sub3A_345 : i32 to vector<16xi32>
          %sub3A_347 = arith.subi %add3A_344, %sub3A_346 : vector<16xi32>
          %lt3A_348 = arith.constant 128 : i32
          %lt3A_349 = vector.broadcast %lt3A_348 : i32 to vector<16xi32>
          %lt3A_350 = arith.cmpi slt, %sub3A_347, %lt3A_349 : vector<16xi32>
          %and3A_351 = arith.andi %le3A_201, %lt3A_350 : vector<16xi1>
          %add3A_352 = vector.broadcast %mul3A_136 : i32 to vector<16xi32>
          %add3A_353 = arith.addi %add3A_352, %sub3A_347 : vector<16xi32>
          tpu.vector_store_idx %arg8[%add3A_353], %get3A_184 masked %and3A_351 : memref<2048xf32, #tpu.memory_space<vmem>>[vector<16xi32>], vector<16xf32>, vector<16xi1>
          %add3A_354 = vector.broadcast %mul3A_136 : i32 to vector<16xi32>
          %add3A_355 = arith.addi %add3A_354, %sub3A_347 : vector<16xi32>
          %add3A_356 = arith.constant 80 : i32
          %add3A_357 = arith.addi %mul3A_148, %add3A_356 : i32
          %add3A_358 = vector.broadcast %add3A_357 : i32 to vector<16xi32>
          %add3A_359 = arith.addi %add3A_358, %iota3A : vector<16xi32>
          tpu.vector_store_idx %arg9[%add3A_355], %add3A_359 masked %and3A_351 : memref<2048xi32, #tpu.memory_space<vmem>>[vector<16xi32>], vector<16xi32>, vector<16xi1>
          %reduce_sum3A_360 = arith.constant true
          %reduce_sum3A_361 = vector.broadcast %reduce_sum3A_360 : i1 to vector<16xi1>
          %reduce_sum3A_362 = tpu.scan <sum>, %convert_element_type3A_339 masked %reduce_sum3A_361 : vector<16xi32>, vector<16xi1> -> vector<16xi32>
          %reduce_sum3A_363 = vector.extract %reduce_sum3A_362[15] : i32 from vector<16xi32>
          %add3A_364 = arith.addi %add3A_338, %reduce_sum3A_363 : i32
          %convert_element_type3A_365 = arith.extui %le3A_202 : vector<16xi1> to vector<16xi32>
          %broadcast_in_dim3A_366 = arith.constant true
          %broadcast_in_dim3A_367 = vector.broadcast %broadcast_in_dim3A_366 : i1 to vector<16xi1>
          %masked_cumsum3A_368 = tpu.scan <sum>, %convert_element_type3A_365 masked %broadcast_in_dim3A_367 : vector<16xi32>, vector<16xi1> -> vector<16xi32>
          %add3A_369 = vector.broadcast %add3A_364 : i32 to vector<16xi32>
          %add3A_370 = arith.addi %add3A_369, %masked_cumsum3A_368 : vector<16xi32>
          %sub3A_371 = arith.constant 1 : i32
          %sub3A_372 = vector.broadcast %sub3A_371 : i32 to vector<16xi32>
          %sub3A_373 = arith.subi %add3A_370, %sub3A_372 : vector<16xi32>
          %lt3A_374 = arith.constant 128 : i32
          %lt3A_375 = vector.broadcast %lt3A_374 : i32 to vector<16xi32>
          %lt3A_376 = arith.cmpi slt, %sub3A_373, %lt3A_375 : vector<16xi32>
          %and3A_377 = arith.andi %le3A_202, %lt3A_376 : vector<16xi1>
          %add3A_378 = vector.broadcast %mul3A_136 : i32 to vector<16xi32>
          %add3A_379 = arith.addi %add3A_378, %sub3A_373 : vector<16xi32>
          tpu.vector_store_idx %arg8[%add3A_379], %get3A_190 masked %and3A_377 : memref<2048xf32, #tpu.memory_space<vmem>>[vector<16xi32>], vector<16xf32>, vector<16xi1>
          %add3A_380 = vector.broadcast %mul3A_136 : i32 to vector<16xi32>
          %add3A_381 = arith.addi %add3A_380, %sub3A_373 : vector<16xi32>
          %add3A_382 = arith.constant 96 : i32
          %add3A_383 = arith.addi %mul3A_148, %add3A_382 : i32
          %add3A_384 = vector.broadcast %add3A_383 : i32 to vector<16xi32>
          %add3A_385 = arith.addi %add3A_384, %iota3A : vector<16xi32>
          tpu.vector_store_idx %arg9[%add3A_381], %add3A_385 masked %and3A_377 : memref<2048xi32, #tpu.memory_space<vmem>>[vector<16xi32>], vector<16xi32>, vector<16xi1>
          %reduce_sum3A_386 = arith.constant true
          %reduce_sum3A_387 = vector.broadcast %reduce_sum3A_386 : i1 to vector<16xi1>
          %reduce_sum3A_388 = tpu.scan <sum>, %convert_element_type3A_365 masked %reduce_sum3A_387 : vector<16xi32>, vector<16xi1> -> vector<16xi32>
          %reduce_sum3A_389 = vector.extract %reduce_sum3A_388[15] : i32 from vector<16xi32>
          %add3A_390 = arith.addi %add3A_364, %reduce_sum3A_389 : i32
          %convert_element_type3A_391 = arith.extui %le3A_203 : vector<16xi1> to vector<16xi32>
          %broadcast_in_dim3A_392 = arith.constant true
          %broadcast_in_dim3A_393 = vector.broadcast %broadcast_in_dim3A_392 : i1 to vector<16xi1>
          %masked_cumsum3A_394 = tpu.scan <sum>, %convert_element_type3A_391 masked %broadcast_in_dim3A_393 : vector<16xi32>, vector<16xi1> -> vector<16xi32>
          %add3A_395 = vector.broadcast %add3A_390 : i32 to vector<16xi32>
          %add3A_396 = arith.addi %add3A_395, %masked_cumsum3A_394 : vector<16xi32>
          %sub3A_397 = arith.constant 1 : i32
          %sub3A_398 = vector.broadcast %sub3A_397 : i32 to vector<16xi32>
          %sub3A_399 = arith.subi %add3A_396, %sub3A_398 : vector<16xi32>
          %lt3A_400 = arith.constant 128 : i32
          %lt3A_401 = vector.broadcast %lt3A_400 : i32 to vector<16xi32>
          %lt3A_402 = arith.cmpi slt, %sub3A_399, %lt3A_401 : vector<16xi32>
          %and3A_403 = arith.andi %le3A_203, %lt3A_402 : vector<16xi1>
          %add3A_404 = vector.broadcast %mul3A_136 : i32 to vector<16xi32>
          %add3A_405 = arith.addi %add3A_404, %sub3A_399 : vector<16xi32>
          tpu.vector_store_idx %arg8[%add3A_405], %get3A_196 masked %and3A_403 : memref<2048xf32, #tpu.memory_space<vmem>>[vector<16xi32>], vector<16xf32>, vector<16xi1>
          %add3A_406 = vector.broadcast %mul3A_136 : i32 to vector<16xi32>
          %add3A_407 = arith.addi %add3A_406, %sub3A_399 : vector<16xi32>
          %add3A_408 = arith.constant 112 : i32
          %add3A_409 = arith.addi %mul3A_148, %add3A_408 : i32
          %add3A_410 = vector.broadcast %add3A_409 : i32 to vector<16xi32>
          %add3A_411 = arith.addi %add3A_410, %iota3A : vector<16xi32>
          tpu.vector_store_idx %arg9[%add3A_407], %add3A_411 masked %and3A_403 : memref<2048xi32, #tpu.memory_space<vmem>>[vector<16xi32>], vector<16xi32>, vector<16xi1>
          %reduce_sum3A_412 = arith.constant true
          %reduce_sum3A_413 = vector.broadcast %reduce_sum3A_412 : i1 to vector<16xi1>
          %reduce_sum3A_414 = tpu.scan <sum>, %convert_element_type3A_391 masked %reduce_sum3A_413 : vector<16xi32>, vector<16xi1> -> vector<16xi32>
          %reduce_sum3A_415 = vector.extract %reduce_sum3A_414[15] : i32 from vector<16xi32>
          %add3A_416 = arith.addi %add3A_390, %reduce_sum3A_415 : i32
          scf.yield %add3A_416 : i32
        } else {
          scf.yield %scan3A_146 : i32
        }
        scf.yield %cond3A_212 : i32
      }
      %scan3A_143 = arith.constant 64 : i32
      %scan3A_144 = arith.constant 0 : i32
      scf.yield %scan3A_144 : i32
    }
    %scan3A_30 = arith.constant 8 : i32
    %dma_wait3A = arith.constant 0 : i32
    %dma_wait3A_31 = arith.constant 0 : i32
    %dma_wait3A_32 = tpu.memref_slice %arg6[%dma_wait3A, %dma_wait3A_31] : memref<2x8192xf32, #tpu.memory_space<vmem>> -> memref<1x8192xf32, #tpu.memory_space<vmem>>
    %dma_wait3A_33 = tpu.memref_squeeze %dma_wait3A_32 : memref<1x8192xf32, #tpu.memory_space<vmem>> -> memref<8192xf32, #tpu.memory_space<vmem>>
    %dma_wait3A_34 = arith.constant 0 : i32
    %dma_wait3A_35 = tpu.memref_slice %arg2[%mul3A_2, %dma_wait3A_34] : memref<512x8192xf32, #tpu.memory_space<hbm>> -> memref<1x8192xf32, #tpu.memory_space<hbm>>
    %dma_wait3A_36 = tpu.memref_squeeze %dma_wait3A_35 : memref<1x8192xf32, #tpu.memory_space<hbm>> -> memref<8192xf32, #tpu.memory_space<hbm>>
    %dma_wait3A_37 = arith.constant 0 : i32
    %dma_wait3A_38 = tpu.memref_slice %arg6[%dma_wait3A, %dma_wait3A_37] : memref<2x8192xf32, #tpu.memory_space<vmem>> -> memref<1x8192xf32, #tpu.memory_space<vmem>>
    %dma_wait3A_39 = tpu.memref_squeeze %dma_wait3A_38 : memref<1x8192xf32, #tpu.memory_space<vmem>> -> memref<8192xf32, #tpu.memory_space<vmem>>
    %dma_wait3A_40 = arith.constant 0 : i32
    %dma_wait3A_41 = tpu.memref_slice %arg2[%mul3A_2, %dma_wait3A_40] : memref<512x8192xf32, #tpu.memory_space<hbm>> -> memref<1x8192xf32, #tpu.memory_space<hbm>>
    %dma_wait3A_42 = tpu.memref_squeeze %dma_wait3A_41 : memref<1x8192xf32, #tpu.memory_space<hbm>> -> memref<8192xf32, #tpu.memory_space<hbm>>
    tpu.wait_dma2 semaphore(%arg10 : memref<!tpu.dma_semaphore, #tpu.memory_space<semaphore_mem>>) src(%dma_wait3A_42 : memref<8192xf32, #tpu.memory_space<hbm>>) dst(%dma_wait3A_39 : memref<8192xf32, #tpu.memory_space<vmem>>)
    %mul3A_43 = arith.constant 128 : i32
    %mul3A_44 = arith.muli %mul3A_2, %mul3A_43 : i32
    "tpu.region"() ({
      %run_scoped3A = tpu.sem_alloc : memref<!tpu.dma_semaphore, #tpu.memory_space<semaphore_mem>>
      %dma_start3A_47 = tpu.memref_slice %arg4[%mul3A_44] : memref<65536xf32, #tpu.memory_space<hbm>> -> memref<2048xf32, #tpu.memory_space<hbm>>
      %dma_start3A_48 = tpu.memref_slice %arg4[%mul3A_44] : memref<65536xf32, #tpu.memory_space<hbm>> -> memref<2048xf32, #tpu.memory_space<hbm>>
      tpu.enqueue_dma source(%arg8 : memref<2048xf32, #tpu.memory_space<vmem>>) target(%dma_start3A_48 : memref<2048xf32, #tpu.memory_space<hbm>>) target_semaphore(%run_scoped3A : memref<!tpu.dma_semaphore, #tpu.memory_space<semaphore_mem>>)
      %dma_wait3A_49 = tpu.memref_slice %arg4[%mul3A_44] : memref<65536xf32, #tpu.memory_space<hbm>> -> memref<2048xf32, #tpu.memory_space<hbm>>
      %dma_wait3A_50 = tpu.memref_slice %arg4[%mul3A_44] : memref<65536xf32, #tpu.memory_space<hbm>> -> memref<2048xf32, #tpu.memory_space<hbm>>
      tpu.wait_dma2 semaphore(%run_scoped3A : memref<!tpu.dma_semaphore, #tpu.memory_space<semaphore_mem>>) src(%arg8 : memref<2048xf32, #tpu.memory_space<vmem>>) dst(%dma_wait3A_50 : memref<2048xf32, #tpu.memory_space<hbm>>)
      tpu.yield
    }) : () -> ()
    %mul3A_45 = arith.constant 128 : i32
    %mul3A_46 = arith.muli %mul3A_2, %mul3A_45 : i32
    "tpu.region"() ({
      %run_scoped3A = tpu.sem_alloc : memref<!tpu.dma_semaphore, #tpu.memory_space<semaphore_mem>>
      %dma_start3A_47 = tpu.memref_slice %arg5[%mul3A_46] : memref<65536xi32, #tpu.memory_space<hbm>> -> memref<2048xi32, #tpu.memory_space<hbm>>
      %dma_start3A_48 = tpu.memref_slice %arg5[%mul3A_46] : memref<65536xi32, #tpu.memory_space<hbm>> -> memref<2048xi32, #tpu.memory_space<hbm>>
      tpu.enqueue_dma source(%arg9 : memref<2048xi32, #tpu.memory_space<vmem>>) target(%dma_start3A_48 : memref<2048xi32, #tpu.memory_space<hbm>>) target_semaphore(%run_scoped3A : memref<!tpu.dma_semaphore, #tpu.memory_space<semaphore_mem>>)
      %dma_wait3A_49 = tpu.memref_slice %arg5[%mul3A_46] : memref<65536xi32, #tpu.memory_space<hbm>> -> memref<2048xi32, #tpu.memory_space<hbm>>
      %dma_wait3A_50 = tpu.memref_slice %arg5[%mul3A_46] : memref<65536xi32, #tpu.memory_space<hbm>> -> memref<2048xi32, #tpu.memory_space<hbm>>
      tpu.wait_dma2 semaphore(%run_scoped3A : memref<!tpu.dma_semaphore, #tpu.memory_space<semaphore_mem>>) src(%arg9 : memref<2048xi32, #tpu.memory_space<vmem>>) dst(%dma_wait3A_50 : memref<2048xi32, #tpu.memory_space<hbm>>)
      tpu.yield
    }) : () -> ()
    return
  }
}

#map = affine_map<(d0, d1) -> (0, 0)>
#map1 = affine_map<(d0, d1) -> (0)>
module attributes {stable_mosaic.version = 14 : i64} {
  func.func @_sc_filter_kernel(%arg0: i32, %arg1: i32, %arg2: memref<512x8192xf32, #tpu.memory_space<hbm>>, %arg3: memref<8192xf32, #tpu.memory_space<hbm>>, %arg4: memref<65536xf32, #tpu.memory_space<hbm>>, %arg5: memref<65536xi32, #tpu.memory_space<hbm>>, %arg6: memref<2x8192xf32, #tpu.memory_space<vmem>>, %arg7: memref<256xf32, #tpu.memory_space<vmem>>, %arg8: memref<2048xf32, #tpu.memory_space<vmem>>, %arg9: memref<2048xi32, #tpu.memory_space<vmem>>, %arg10: memref<!tpu.dma_semaphore, #tpu.memory_space<semaphore_mem>>, %arg11: memref<!tpu.dma_semaphore, #tpu.memory_space<semaphore_mem>>) attributes {dimension_semantics = [#tpu.dimension_semantics<core_parallel>, #tpu.dimension_semantics<subcore_parallel>], iteration_bounds = array<i64: 2, 16>, scalar_prefetch = 0 : i64, scratch_operands = 6 : i64, tpu.core_type = #tpu.core_type<sc_vector_subcore>, window_params = [{transform_indices = #map}, {transform_indices = #map1}, {transform_indices = #map1}, {transform_indices = #map1}]} {
    %mul3A = arith.constant 2 : i32
    %mul3A_0 = arith.muli %arg1, %mul3A : i32
    %add3A = arith.addi %mul3A_0, %arg0 : i32
    %mul3A_1 = arith.constant 16 : i32
    %mul3A_2 = arith.muli %add3A, %mul3A_1 : i32
    %broadcast_in_dim3A = arith.constant 3.000000e+38 : f32
    %broadcast_in_dim3A_3 = vector.broadcast %broadcast_in_dim3A : f32 to vector<16xf32>
    %iota3A = tpu.iota {dimensions = array<i32: 0>} : vector<16xi32>
    %mul3A_4 = arith.constant 16 : i32
    %mul3A_5 = arith.muli %mul3A_2, %mul3A_4 : i32
    "tpu.region"() ({
      %run_scoped3A = tpu.sem_alloc : memref<!tpu.dma_semaphore, #tpu.memory_space<semaphore_mem>>
      %dma_start3A_47 = tpu.memref_slice %arg3[%mul3A_5] : memref<8192xf32, #tpu.memory_space<hbm>> -> memref<256xf32, #tpu.memory_space<hbm>>
      %dma_start3A_48 = tpu.memref_slice %arg3[%mul3A_5] : memref<8192xf32, #tpu.memory_space<hbm>> -> memref<256xf32, #tpu.memory_space<hbm>>
      tpu.enqueue_dma source(%dma_start3A_48 : memref<256xf32, #tpu.memory_space<hbm>>) target(%arg7 : memref<256xf32, #tpu.memory_space<vmem>>) target_semaphore(%run_scoped3A : memref<!tpu.dma_semaphore, #tpu.memory_space<semaphore_mem>>)
      %dma_wait3A_49 = tpu.memref_slice %arg3[%mul3A_5] : memref<8192xf32, #tpu.memory_space<hbm>> -> memref<256xf32, #tpu.memory_space<hbm>>
      %dma_wait3A_50 = tpu.memref_slice %arg3[%mul3A_5] : memref<8192xf32, #tpu.memory_space<hbm>> -> memref<256xf32, #tpu.memory_space<hbm>>
      tpu.wait_dma2 semaphore(%run_scoped3A : memref<!tpu.dma_semaphore, #tpu.memory_space<semaphore_mem>>) src(%dma_wait3A_50 : memref<256xf32, #tpu.memory_space<hbm>>) dst(%arg7 : memref<256xf32, #tpu.memory_space<vmem>>)
      tpu.yield
    }) : () -> ()
    %scan3A = arith.constant 0 : i32
    %scan3A_6 = arith.constant 0 : i32
    %scan3A_7 = arith.constant 128 : i32
    %scan3A_8 = arith.addi %scan3A_6, %scan3A_7 : i32
    %scan3A_9 = arith.constant 1 : i32
    %scan3A_10 = scf.for %scan3A_47 = %scan3A_6 to %scan3A_8 step %scan3A_9 iter_args(%scan3A_48 = %scan3A) -> (i32)  : i32 {
      %mul3A_49 = arith.constant 16 : i32
      %mul3A_50 = arith.muli %scan3A_47, %mul3A_49 : i32
      %swap3A = arith.index_cast %mul3A_50 : i32 to index
      %swap3A_51 = tpu.vector_load %arg8[%swap3A] {strides = array<i32>} : memref<2048xf32, #tpu.memory_space<vmem>>, vector<16xf32>,
      tpu.vector_store %arg8[%swap3A], %broadcast_in_dim3A_3 {strides = array<i32>} : memref<2048xf32, #tpu.memory_space<vmem>>, vector<16xf32>,
      %scan3A_52 = arith.constant 0 : i32
      scf.yield %scan3A_52 : i32
    }
    %scan3A_11 = arith.constant 128 : i32
    %dma_start3A = arith.constant 0 : i32
    %dma_start3A_12 = arith.constant 0 : i32
    %dma_start3A_13 = tpu.memref_slice %arg6[%dma_start3A, %dma_start3A_12] : memref<2x8192xf32, #tpu.memory_space<vmem>> -> memref<1x8192xf32, #tpu.memory_space<vmem>>
    %dma_start3A_14 = tpu.memref_squeeze %dma_start3A_13 : memref<1x8192xf32, #tpu.memory_space<vmem>> -> memref<8192xf32, #tpu.memory_space<vmem>>
    %dma_start3A_15 = arith.constant 0 : i32
    %dma_start3A_16 = tpu.memref_slice %arg2[%mul3A_2, %dma_start3A_15] : memref<512x8192xf32, #tpu.memory_space<hbm>> -> memref<1x8192xf32, #tpu.memory_space<hbm>>
    %dma_start3A_17 = tpu.memref_squeeze %dma_start3A_16 : memref<1x8192xf32, #tpu.memory_space<hbm>> -> memref<8192xf32, #tpu.memory_space<hbm>>
    %dma_start3A_18 = arith.constant 0 : i32
    %dma_start3A_19 = tpu.memref_slice %arg6[%dma_start3A, %dma_start3A_18] : memref<2x8192xf32, #tpu.memory_space<vmem>> -> memref<1x8192xf32, #tpu.memory_space<vmem>>
    %dma_start3A_20 = tpu.memref_squeeze %dma_start3A_19 : memref<1x8192xf32, #tpu.memory_space<vmem>> -> memref<8192xf32, #tpu.memory_space<vmem>>
    %dma_start3A_21 = arith.constant 0 : i32
    %dma_start3A_22 = tpu.memref_slice %arg2[%mul3A_2, %dma_start3A_21] : memref<512x8192xf32, #tpu.memory_space<hbm>> -> memref<1x8192xf32, #tpu.memory_space<hbm>>
    %dma_start3A_23 = tpu.memref_squeeze %dma_start3A_22 : memref<1x8192xf32, #tpu.memory_space<hbm>> -> memref<8192xf32, #tpu.memory_space<hbm>>
    tpu.enqueue_dma source(%dma_start3A_23 : memref<8192xf32, #tpu.memory_space<hbm>>) target(%dma_start3A_20 : memref<8192xf32, #tpu.memory_space<vmem>>) target_semaphore(%arg10 : memref<!tpu.dma_semaphore, #tpu.memory_space<semaphore_mem>>)
    %scan3A_24 = arith.constant 0 : i32
    %scan3A_25 = arith.constant 0 : i32
    %scan3A_26 = arith.constant 8 : i32
    %scan3A_27 = arith.addi %scan3A_25, %scan3A_26 : i32
    %scan3A_28 = arith.constant 1 : i32
    %scan3A_29 = scf.for %scan3A_47 = %scan3A_25 to %scan3A_27 step %scan3A_28 iter_args(%scan3A_48 = %scan3A_24) -> (i32)  : i32 {
      %mul3A_49 = arith.constant 2 : i32
      %mul3A_50 = arith.muli %mul3A_49, %scan3A_47 : i32
      %add3A_51 = arith.addi %mul3A_2, %mul3A_50 : i32
      %add3A_52 = arith.constant 1 : i32
      %add3A_53 = arith.addi %add3A_51, %add3A_52 : i32
      %dma_start3A_54 = arith.constant 1 : i32
      %dma_start3A_55 = arith.constant 0 : i32
      %dma_start3A_56 = tpu.memref_slice %arg6[%dma_start3A_54, %dma_start3A_55] : memref<2x8192xf32, #tpu.memory_space<vmem>> -> memref<1x8192xf32, #tpu.memory_space<vmem>>
      %dma_start3A_57 = tpu.memref_squeeze %dma_start3A_56 : memref<1x8192xf32, #tpu.memory_space<vmem>> -> memref<8192xf32, #tpu.memory_space<vmem>>
      %dma_start3A_58 = arith.constant 0 : i32
      %dma_start3A_59 = tpu.memref_slice %arg2[%add3A_53, %dma_start3A_58] : memref<512x8192xf32, #tpu.memory_space<hbm>> -> memref<1x8192xf32, #tpu.memory_space<hbm>>
      %dma_start3A_60 = tpu.memref_squeeze %dma_start3A_59 : memref<1x8192xf32, #tpu.memory_space<hbm>> -> memref<8192xf32, #tpu.memory_space<hbm>>
      %dma_start3A_61 = arith.constant 0 : i32
      %dma_start3A_62 = tpu.memref_slice %arg6[%dma_start3A_54, %dma_start3A_61] : memref<2x8192xf32, #tpu.memory_space<vmem>> -> memref<1x8192xf32, #tpu.memory_space<vmem>>
      %dma_start3A_63 = tpu.memref_squeeze %dma_start3A_62 : memref<1x8192xf32, #tpu.memory_space<vmem>> -> memref<8192xf32, #tpu.memory_space<vmem>>
      %dma_start3A_64 = arith.constant 0 : i32
      %dma_start3A_65 = tpu.memref_slice %arg2[%add3A_53, %dma_start3A_64] : memref<512x8192xf32, #tpu.memory_space<hbm>> -> memref<1x8192xf32, #tpu.memory_space<hbm>>
      %dma_start3A_66 = tpu.memref_squeeze %dma_start3A_65 : memref<1x8192xf32, #tpu.memory_space<hbm>> -> memref<8192xf32, #tpu.memory_space<hbm>>
      tpu.enqueue_dma source(%dma_start3A_66 : memref<8192xf32, #tpu.memory_space<hbm>>) target(%dma_start3A_63 : memref<8192xf32, #tpu.memory_space<vmem>>) target_semaphore(%arg11 : memref<!tpu.dma_semaphore, #tpu.memory_space<semaphore_mem>>)
      %dma_wait3A_67 = arith.constant 0 : i32
      %dma_wait3A_68 = arith.constant 0 : i32
      %dma_wait3A_69 = tpu.memref_slice %arg6[%dma_wait3A_67, %dma_wait3A_68] : memref<2x8192xf32, #tpu.memory_space<vmem>> -> memref<1x8192xf32, #tpu.memory_space<vmem>>
      %dma_wait3A_70 = tpu.memref_squeeze %dma_wait3A_69 : memref<1x8192xf32, #tpu.memory_space<vmem>> -> memref<8192xf32, #tpu.memory_space<vmem>>
      %dma_wait3A_71 = arith.constant 0 : i32
      %dma_wait3A_72 = tpu.memref_slice %arg2[%add3A_51, %dma_wait3A_71] : memref<512x8192xf32, #tpu.memory_space<hbm>> -> memref<1x8192xf32, #tpu.memory_space<hbm>>
      %dma_wait3A_73 = tpu.memref_squeeze %dma_wait3A_72 : memref<1x8192xf32, #tpu.memory_space<hbm>> -> memref<8192xf32, #tpu.memory_space<hbm>>
      %dma_wait3A_74 = arith.constant 0 : i32
      %dma_wait3A_75 = tpu.memref_slice %arg6[%dma_wait3A_67, %dma_wait3A_74] : memref<2x8192xf32, #tpu.memory_space<vmem>> -> memref<1x8192xf32, #tpu.memory_space<vmem>>
      %dma_wait3A_76 = tpu.memref_squeeze %dma_wait3A_75 : memref<1x8192xf32, #tpu.memory_space<vmem>> -> memref<8192xf32, #tpu.memory_space<vmem>>
      %dma_wait3A_77 = arith.constant 0 : i32
      %dma_wait3A_78 = tpu.memref_slice %arg2[%add3A_51, %dma_wait3A_77] : memref<512x8192xf32, #tpu.memory_space<hbm>> -> memref<1x8192xf32, #tpu.memory_space<hbm>>
      %dma_wait3A_79 = tpu.memref_squeeze %dma_wait3A_78 : memref<1x8192xf32, #tpu.memory_space<hbm>> -> memref<8192xf32, #tpu.memory_space<hbm>>
      tpu.wait_dma2 semaphore(%arg10 : memref<!tpu.dma_semaphore, #tpu.memory_space<semaphore_mem>>) src(%dma_wait3A_79 : memref<8192xf32, #tpu.memory_space<hbm>>) dst(%dma_wait3A_76 : memref<8192xf32, #tpu.memory_space<vmem>>)
      %mul3A_80 = arith.constant 2 : i32
      %mul3A_81 = arith.muli %mul3A_80, %scan3A_47 : i32
      %mul3A_82 = arith.constant 16 : i32
      %mul3A_83 = arith.muli %mul3A_81, %mul3A_82 : i32
      %get3A = arith.index_cast %mul3A_83 : i32 to index
      %get3A_84 = tpu.vector_load %arg7[%get3A] {strides = array<i32>} : memref<256xf32, #tpu.memory_space<vmem>>, vector<16xf32>,
      %mul3A_85 = arith.constant 128 : i32
      %mul3A_86 = arith.muli %mul3A_81, %mul3A_85 : i32
      %scan3A_87 = arith.constant 0 : i32
      %scan3A_88 = arith.constant 0 : i32
      %scan3A_89 = arith.constant 64 : i32
      %scan3A_90 = arith.addi %scan3A_88, %scan3A_89 : i32
      %scan3A_91 = arith.constant 1 : i32
      %scan3A_92 = scf.for %scan3A_145 = %scan3A_88 to %scan3A_90 step %scan3A_91 iter_args(%scan3A_146 = %scan3A_87) -> (i32)  : i32 {
        %mul3A_147 = arith.constant 128 : i32
        %mul3A_148 = arith.muli %scan3A_145, %mul3A_147 : i32
        %add3A_149 = arith.constant 0 : i32
        %add3A_150 = arith.addi %mul3A_148, %add3A_149 : i32
        %get3A_151 = arith.constant 0 : i32
        %get3A_152 = arith.index_cast %get3A_151 : i32 to index
        %get3A_153 = arith.index_cast %add3A_150 : i32 to index
        %get3A_154 = tpu.vector_load %arg6[%get3A_152, %get3A_153] {strides = array<i32>} : memref<2x8192xf32, #tpu.memory_space<vmem>>, vector<16xf32>,
        %add3A_155 = arith.constant 16 : i32
        %add3A_156 = arith.addi %mul3A_148, %add3A_155 : i32
        %get3A_157 = arith.constant 0 : i32
        %get3A_158 = arith.index_cast %get3A_157 : i32 to index
        %get3A_159 = arith.index_cast %add3A_156 : i32 to index
        %get3A_160 = tpu.vector_load %arg6[%get3A_158, %get3A_159] {strides = array<i32>} : memref<2x8192xf32, #tpu.memory_space<vmem>>, vector<16xf32>,
        %add3A_161 = arith.constant 32 : i32
        %add3A_162 = arith.addi %mul3A_148, %add3A_161 : i32
        %get3A_163 = arith.constant 0 : i32
        %get3A_164 = arith.index_cast %get3A_163 : i32 to index
        %get3A_165 = arith.index_cast %add3A_162 : i32 to index
        %get3A_166 = tpu.vector_load %arg6[%get3A_164, %get3A_165] {strides = array<i32>} : memref<2x8192xf32, #tpu.memory_space<vmem>>, vector<16xf32>,
        %add3A_167 = arith.constant 48 : i32
        %add3A_168 = arith.addi %mul3A_148, %add3A_167 : i32
        %get3A_169 = arith.constant 0 : i32
        %get3A_170 = arith.index_cast %get3A_169 : i32 to index
        %get3A_171 = arith.index_cast %add3A_168 : i32 to index
        %get3A_172 = tpu.vector_load %arg6[%get3A_170, %get3A_171] {strides = array<i32>} : memref<2x8192xf32, #tpu.memory_space<vmem>>, vector<16xf32>,
        %add3A_173 = arith.constant 64 : i32
        %add3A_174 = arith.addi %mul3A_148, %add3A_173 : i32
        %get3A_175 = arith.constant 0 : i32
        %get3A_176 = arith.index_cast %get3A_175 : i32 to index
        %get3A_177 = arith.index_cast %add3A_174 : i32 to index
        %get3A_178 = tpu.vector_load %arg6[%get3A_176, %get3A_177] {strides = array<i32>} : memref<2x8192xf32, #tpu.memory_space<vmem>>, vector<16xf32>,
        %add3A_179 = arith.constant 80 : i32
        %add3A_180 = arith.addi %mul3A_148, %add3A_179 : i32
        %get3A_181 = arith.constant 0 : i32
        %get3A_182 = arith.index_cast %get3A_181 : i32 to index
        %get3A_183 = arith.index_cast %add3A_180 : i32 to index
        %get3A_184 = tpu.vector_load %arg6[%get3A_182, %get3A_183] {strides = array<i32>} : memref<2x8192xf32, #tpu.memory_space<vmem>>, vector<16xf32>,
        %add3A_185 = arith.constant 96 : i32
        %add3A_186 = arith.addi %mul3A_148, %add3A_185 : i32
        %get3A_187 = arith.constant 0 : i32
        %get3A_188 = arith.index_cast %get3A_187 : i32 to index
        %get3A_189 = arith.index_cast %add3A_186 : i32 to index
        %get3A_190 = tpu.vector_load %arg6[%get3A_188, %get3A_189] {strides = array<i32>} : memref<2x8192xf32, #tpu.memory_space<vmem>>, vector<16xf32>,
        %add3A_191 = arith.constant 112 : i32
        %add3A_192 = arith.addi %mul3A_148, %add3A_191 : i32
        %get3A_193 = arith.constant 0 : i32
        %get3A_194 = arith.index_cast %get3A_193 : i32 to index
        %get3A_195 = arith.index_cast %add3A_192 : i32 to index
        %get3A_196 = tpu.vector_load %arg6[%get3A_194, %get3A_195] {strides = array<i32>} : memref<2x8192xf32, #tpu.memory_space<vmem>>, vector<16xf32>,
        %le3A = arith.cmpf ole, %get3A_154, %get3A_84 : vector<16xf32>
        %le3A_197 = arith.cmpf ole, %get3A_160, %get3A_84 : vector<16xf32>
        %le3A_198 = arith.cmpf ole, %get3A_166, %get3A_84 : vector<16xf32>
        %le3A_199 = arith.cmpf ole, %get3A_172, %get3A_84 : vector<16xf32>
        %le3A_200 = arith.cmpf ole, %get3A_178, %get3A_84 : vector<16xf32>
        %le3A_201 = arith.cmpf ole, %get3A_184, %get3A_84 : vector<16xf32>
        %le3A_202 = arith.cmpf ole, %get3A_190, %get3A_84 : vector<16xf32>
        %le3A_203 = arith.cmpf ole, %get3A_196, %get3A_84 : vector<16xf32>
        %or3A = arith.ori %le3A, %le3A_197 : vector<16xi1>
        %or3A_204 = arith.ori %or3A, %le3A_198 : vector<16xi1>
        %or3A_205 = arith.ori %or3A_204, %le3A_199 : vector<16xi1>
        %or3A_206 = arith.ori %or3A_205, %le3A_200 : vector<16xi1>
        %or3A_207 = arith.ori %or3A_206, %le3A_201 : vector<16xi1>
        %or3A_208 = arith.ori %or3A_207, %le3A_202 : vector<16xi1>
        %or3A_209 = arith.ori %or3A_208, %le3A_203 : vector<16xi1>
        %all_reduce_population_count3A = tpu.all_reduce %or3A_209 {dim = 0 : i64, kind = #tpu.reduction_kind<sum>} : vector<16xi1> -> vector<16xi32>
        %slice3A = vector.extract_strided_slice %all_reduce_population_count3A {offsets = [0], sizes = [1], strides = [1]} : vector<16xi32> to vector<1xi32>
        %squeeze3A = vector.extract %slice3A[0] : i32 from vector<1xi32>
        %ne3A = arith.constant 0 : i32
        %ne3A_210 = arith.cmpi ne, %squeeze3A, %ne3A : i32
        %convert_element_type3A = arith.extui %ne3A_210 : i1 to i32
        %cond3A = arith.constant 0 : i32
        %cond3A_211 = arith.cmpi ne, %convert_element_type3A, %cond3A : i32
        %cond3A_212 = scf.if %cond3A_211 -> (i32) {
          %convert_element_type3A_213 = arith.extui %le3A : vector<16xi1> to vector<16xi32>
          %broadcast_in_dim3A_214 = arith.constant true
          %broadcast_in_dim3A_215 = vector.broadcast %broadcast_in_dim3A_214 : i1 to vector<16xi1>
          %masked_cumsum3A = tpu.scan <sum>, %convert_element_type3A_213 masked %broadcast_in_dim3A_215 : vector<16xi32>, vector<16xi1> -> vector<16xi32>
          %add3A_216 = vector.broadcast %scan3A_146 : i32 to vector<16xi32>
          %add3A_217 = arith.addi %add3A_216, %masked_cumsum3A : vector<16xi32>
          %sub3A_218 = arith.constant 1 : i32
          %sub3A_219 = vector.broadcast %sub3A_218 : i32 to vector<16xi32>
          %sub3A_220 = arith.subi %add3A_217, %sub3A_219 : vector<16xi32>
          %lt3A = arith.constant 128 : i32
          %lt3A_221 = vector.broadcast %lt3A : i32 to vector<16xi32>
          %lt3A_222 = arith.cmpi slt, %sub3A_220, %lt3A_221 : vector<16xi32>
          %and3A = arith.andi %le3A, %lt3A_222 : vector<16xi1>
          %add3A_223 = vector.broadcast %mul3A_86 : i32 to vector<16xi32>
          %add3A_224 = arith.addi %add3A_223, %sub3A_220 : vector<16xi32>
          tpu.vector_store_idx %arg8[%add3A_224], %get3A_154 masked %and3A : memref<2048xf32, #tpu.memory_space<vmem>>[vector<16xi32>], vector<16xf32>, vector<16xi1>
          %add3A_225 = vector.broadcast %mul3A_86 : i32 to vector<16xi32>
          %add3A_226 = arith.addi %add3A_225, %sub3A_220 : vector<16xi32>
          %add3A_227 = arith.constant 0 : i32
          %add3A_228 = arith.addi %mul3A_148, %add3A_227 : i32
          %add3A_229 = vector.broadcast %add3A_228 : i32 to vector<16xi32>
          %add3A_230 = arith.addi %add3A_229, %iota3A : vector<16xi32>
          tpu.vector_store_idx %arg9[%add3A_226], %add3A_230 masked %and3A : memref<2048xi32, #tpu.memory_space<vmem>>[vector<16xi32>], vector<16xi32>, vector<16xi1>
          %reduce_sum3A = arith.constant true
          %reduce_sum3A_231 = vector.broadcast %reduce_sum3A : i1 to vector<16xi1>
          %reduce_sum3A_232 = tpu.scan <sum>, %convert_element_type3A_213 masked %reduce_sum3A_231 : vector<16xi32>, vector<16xi1> -> vector<16xi32>
          %reduce_sum3A_233 = vector.extract %reduce_sum3A_232[15] : i32 from vector<16xi32>
          %add3A_234 = arith.addi %scan3A_146, %reduce_sum3A_233 : i32
          %convert_element_type3A_235 = arith.extui %le3A_197 : vector<16xi1> to vector<16xi32>
          %broadcast_in_dim3A_236 = arith.constant true
          %broadcast_in_dim3A_237 = vector.broadcast %broadcast_in_dim3A_236 : i1 to vector<16xi1>
          %masked_cumsum3A_238 = tpu.scan <sum>, %convert_element_type3A_235 masked %broadcast_in_dim3A_237 : vector<16xi32>, vector<16xi1> -> vector<16xi32>
          %add3A_239 = vector.broadcast %add3A_234 : i32 to vector<16xi32>
          %add3A_240 = arith.addi %add3A_239, %masked_cumsum3A_238 : vector<16xi32>
          %sub3A_241 = arith.constant 1 : i32
          %sub3A_242 = vector.broadcast %sub3A_241 : i32 to vector<16xi32>
          %sub3A_243 = arith.subi %add3A_240, %sub3A_242 : vector<16xi32>
          %lt3A_244 = arith.constant 128 : i32
          %lt3A_245 = vector.broadcast %lt3A_244 : i32 to vector<16xi32>
          %lt3A_246 = arith.cmpi slt, %sub3A_243, %lt3A_245 : vector<16xi32>
          %and3A_247 = arith.andi %le3A_197, %lt3A_246 : vector<16xi1>
          %add3A_248 = vector.broadcast %mul3A_86 : i32 to vector<16xi32>
          %add3A_249 = arith.addi %add3A_248, %sub3A_243 : vector<16xi32>
          tpu.vector_store_idx %arg8[%add3A_249], %get3A_160 masked %and3A_247 : memref<2048xf32, #tpu.memory_space<vmem>>[vector<16xi32>], vector<16xf32>, vector<16xi1>
          %add3A_250 = vector.broadcast %mul3A_86 : i32 to vector<16xi32>
          %add3A_251 = arith.addi %add3A_250, %sub3A_243 : vector<16xi32>
          %add3A_252 = arith.constant 16 : i32
          %add3A_253 = arith.addi %mul3A_148, %add3A_252 : i32
          %add3A_254 = vector.broadcast %add3A_253 : i32 to vector<16xi32>
          %add3A_255 = arith.addi %add3A_254, %iota3A : vector<16xi32>
          tpu.vector_store_idx %arg9[%add3A_251], %add3A_255 masked %and3A_247 : memref<2048xi32, #tpu.memory_space<vmem>>[vector<16xi32>], vector<16xi32>, vector<16xi1>
          %reduce_sum3A_256 = arith.constant true
          %reduce_sum3A_257 = vector.broadcast %reduce_sum3A_256 : i1 to vector<16xi1>
          %reduce_sum3A_258 = tpu.scan <sum>, %convert_element_type3A_235 masked %reduce_sum3A_257 : vector<16xi32>, vector<16xi1> -> vector<16xi32>
          %reduce_sum3A_259 = vector.extract %reduce_sum3A_258[15] : i32 from vector<16xi32>
          %add3A_260 = arith.addi %add3A_234, %reduce_sum3A_259 : i32
          %convert_element_type3A_261 = arith.extui %le3A_198 : vector<16xi1> to vector<16xi32>
          %broadcast_in_dim3A_262 = arith.constant true
          %broadcast_in_dim3A_263 = vector.broadcast %broadcast_in_dim3A_262 : i1 to vector<16xi1>
          %masked_cumsum3A_264 = tpu.scan <sum>, %convert_element_type3A_261 masked %broadcast_in_dim3A_263 : vector<16xi32>, vector<16xi1> -> vector<16xi32>
          %add3A_265 = vector.broadcast %add3A_260 : i32 to vector<16xi32>
          %add3A_266 = arith.addi %add3A_265, %masked_cumsum3A_264 : vector<16xi32>
          %sub3A_267 = arith.constant 1 : i32
          %sub3A_268 = vector.broadcast %sub3A_267 : i32 to vector<16xi32>
          %sub3A_269 = arith.subi %add3A_266, %sub3A_268 : vector<16xi32>
          %lt3A_270 = arith.constant 128 : i32
          %lt3A_271 = vector.broadcast %lt3A_270 : i32 to vector<16xi32>
          %lt3A_272 = arith.cmpi slt, %sub3A_269, %lt3A_271 : vector<16xi32>
          %and3A_273 = arith.andi %le3A_198, %lt3A_272 : vector<16xi1>
          %add3A_274 = vector.broadcast %mul3A_86 : i32 to vector<16xi32>
          %add3A_275 = arith.addi %add3A_274, %sub3A_269 : vector<16xi32>
          tpu.vector_store_idx %arg8[%add3A_275], %get3A_166 masked %and3A_273 : memref<2048xf32, #tpu.memory_space<vmem>>[vector<16xi32>], vector<16xf32>, vector<16xi1>
          %add3A_276 = vector.broadcast %mul3A_86 : i32 to vector<16xi32>
          %add3A_277 = arith.addi %add3A_276, %sub3A_269 : vector<16xi32>
          %add3A_278 = arith.constant 32 : i32
          %add3A_279 = arith.addi %mul3A_148, %add3A_278 : i32
          %add3A_280 = vector.broadcast %add3A_279 : i32 to vector<16xi32>
          %add3A_281 = arith.addi %add3A_280, %iota3A : vector<16xi32>
          tpu.vector_store_idx %arg9[%add3A_277], %add3A_281 masked %and3A_273 : memref<2048xi32, #tpu.memory_space<vmem>>[vector<16xi32>], vector<16xi32>, vector<16xi1>
          %reduce_sum3A_282 = arith.constant true
          %reduce_sum3A_283 = vector.broadcast %reduce_sum3A_282 : i1 to vector<16xi1>
          %reduce_sum3A_284 = tpu.scan <sum>, %convert_element_type3A_261 masked %reduce_sum3A_283 : vector<16xi32>, vector<16xi1> -> vector<16xi32>
          %reduce_sum3A_285 = vector.extract %reduce_sum3A_284[15] : i32 from vector<16xi32>
          %add3A_286 = arith.addi %add3A_260, %reduce_sum3A_285 : i32
          %convert_element_type3A_287 = arith.extui %le3A_199 : vector<16xi1> to vector<16xi32>
          %broadcast_in_dim3A_288 = arith.constant true
          %broadcast_in_dim3A_289 = vector.broadcast %broadcast_in_dim3A_288 : i1 to vector<16xi1>
          %masked_cumsum3A_290 = tpu.scan <sum>, %convert_element_type3A_287 masked %broadcast_in_dim3A_289 : vector<16xi32>, vector<16xi1> -> vector<16xi32>
          %add3A_291 = vector.broadcast %add3A_286 : i32 to vector<16xi32>
          %add3A_292 = arith.addi %add3A_291, %masked_cumsum3A_290 : vector<16xi32>
          %sub3A_293 = arith.constant 1 : i32
          %sub3A_294 = vector.broadcast %sub3A_293 : i32 to vector<16xi32>
          %sub3A_295 = arith.subi %add3A_292, %sub3A_294 : vector<16xi32>
          %lt3A_296 = arith.constant 128 : i32
          %lt3A_297 = vector.broadcast %lt3A_296 : i32 to vector<16xi32>
          %lt3A_298 = arith.cmpi slt, %sub3A_295, %lt3A_297 : vector<16xi32>
          %and3A_299 = arith.andi %le3A_199, %lt3A_298 : vector<16xi1>
          %add3A_300 = vector.broadcast %mul3A_86 : i32 to vector<16xi32>
          %add3A_301 = arith.addi %add3A_300, %sub3A_295 : vector<16xi32>
          tpu.vector_store_idx %arg8[%add3A_301], %get3A_172 masked %and3A_299 : memref<2048xf32, #tpu.memory_space<vmem>>[vector<16xi32>], vector<16xf32>, vector<16xi1>
          %add3A_302 = vector.broadcast %mul3A_86 : i32 to vector<16xi32>
          %add3A_303 = arith.addi %add3A_302, %sub3A_295 : vector<16xi32>
          %add3A_304 = arith.constant 48 : i32
          %add3A_305 = arith.addi %mul3A_148, %add3A_304 : i32
          %add3A_306 = vector.broadcast %add3A_305 : i32 to vector<16xi32>
          %add3A_307 = arith.addi %add3A_306, %iota3A : vector<16xi32>
          tpu.vector_store_idx %arg9[%add3A_303], %add3A_307 masked %and3A_299 : memref<2048xi32, #tpu.memory_space<vmem>>[vector<16xi32>], vector<16xi32>, vector<16xi1>
          %reduce_sum3A_308 = arith.constant true
          %reduce_sum3A_309 = vector.broadcast %reduce_sum3A_308 : i1 to vector<16xi1>
          %reduce_sum3A_310 = tpu.scan <sum>, %convert_element_type3A_287 masked %reduce_sum3A_309 : vector<16xi32>, vector<16xi1> -> vector<16xi32>
          %reduce_sum3A_311 = vector.extract %reduce_sum3A_310[15] : i32 from vector<16xi32>
          %add3A_312 = arith.addi %add3A_286, %reduce_sum3A_311 : i32
          %convert_element_type3A_313 = arith.extui %le3A_200 : vector<16xi1> to vector<16xi32>
          %broadcast_in_dim3A_314 = arith.constant true
          %broadcast_in_dim3A_315 = vector.broadcast %broadcast_in_dim3A_314 : i1 to vector<16xi1>
          %masked_cumsum3A_316 = tpu.scan <sum>, %convert_element_type3A_313 masked %broadcast_in_dim3A_315 : vector<16xi32>, vector<16xi1> -> vector<16xi32>
          %add3A_317 = vector.broadcast %add3A_312 : i32 to vector<16xi32>
          %add3A_318 = arith.addi %add3A_317, %masked_cumsum3A_316 : vector<16xi32>
          %sub3A_319 = arith.constant 1 : i32
          %sub3A_320 = vector.broadcast %sub3A_319 : i32 to vector<16xi32>
          %sub3A_321 = arith.subi %add3A_318, %sub3A_320 : vector<16xi32>
          %lt3A_322 = arith.constant 128 : i32
          %lt3A_323 = vector.broadcast %lt3A_322 : i32 to vector<16xi32>
          %lt3A_324 = arith.cmpi slt, %sub3A_321, %lt3A_323 : vector<16xi32>
          %and3A_325 = arith.andi %le3A_200, %lt3A_324 : vector<16xi1>
          %add3A_326 = vector.broadcast %mul3A_86 : i32 to vector<16xi32>
          %add3A_327 = arith.addi %add3A_326, %sub3A_321 : vector<16xi32>
          tpu.vector_store_idx %arg8[%add3A_327], %get3A_178 masked %and3A_325 : memref<2048xf32, #tpu.memory_space<vmem>>[vector<16xi32>], vector<16xf32>, vector<16xi1>
          %add3A_328 = vector.broadcast %mul3A_86 : i32 to vector<16xi32>
          %add3A_329 = arith.addi %add3A_328, %sub3A_321 : vector<16xi32>
          %add3A_330 = arith.constant 64 : i32
          %add3A_331 = arith.addi %mul3A_148, %add3A_330 : i32
          %add3A_332 = vector.broadcast %add3A_331 : i32 to vector<16xi32>
          %add3A_333 = arith.addi %add3A_332, %iota3A : vector<16xi32>
          tpu.vector_store_idx %arg9[%add3A_329], %add3A_333 masked %and3A_325 : memref<2048xi32, #tpu.memory_space<vmem>>[vector<16xi32>], vector<16xi32>, vector<16xi1>
          %reduce_sum3A_334 = arith.constant true
          %reduce_sum3A_335 = vector.broadcast %reduce_sum3A_334 : i1 to vector<16xi1>
          %reduce_sum3A_336 = tpu.scan <sum>, %convert_element_type3A_313 masked %reduce_sum3A_335 : vector<16xi32>, vector<16xi1> -> vector<16xi32>
          %reduce_sum3A_337 = vector.extract %reduce_sum3A_336[15] : i32 from vector<16xi32>
          %add3A_338 = arith.addi %add3A_312, %reduce_sum3A_337 : i32
          %convert_element_type3A_339 = arith.extui %le3A_201 : vector<16xi1> to vector<16xi32>
          %broadcast_in_dim3A_340 = arith.constant true
          %broadcast_in_dim3A_341 = vector.broadcast %broadcast_in_dim3A_340 : i1 to vector<16xi1>
          %masked_cumsum3A_342 = tpu.scan <sum>, %convert_element_type3A_339 masked %broadcast_in_dim3A_341 : vector<16xi32>, vector<16xi1> -> vector<16xi32>
          %add3A_343 = vector.broadcast %add3A_338 : i32 to vector<16xi32>
          %add3A_344 = arith.addi %add3A_343, %masked_cumsum3A_342 : vector<16xi32>
          %sub3A_345 = arith.constant 1 : i32
          %sub3A_346 = vector.broadcast %sub3A_345 : i32 to vector<16xi32>
          %sub3A_347 = arith.subi %add3A_344, %sub3A_346 : vector<16xi32>
          %lt3A_348 = arith.constant 128 : i32
          %lt3A_349 = vector.broadcast %lt3A_348 : i32 to vector<16xi32>
          %lt3A_350 = arith.cmpi slt, %sub3A_347, %lt3A_349 : vector<16xi32>
          %and3A_351 = arith.andi %le3A_201, %lt3A_350 : vector<16xi1>
          %add3A_352 = vector.broadcast %mul3A_86 : i32 to vector<16xi32>
          %add3A_353 = arith.addi %add3A_352, %sub3A_347 : vector<16xi32>
          tpu.vector_store_idx %arg8[%add3A_353], %get3A_184 masked %and3A_351 : memref<2048xf32, #tpu.memory_space<vmem>>[vector<16xi32>], vector<16xf32>, vector<16xi1>
          %add3A_354 = vector.broadcast %mul3A_86 : i32 to vector<16xi32>
          %add3A_355 = arith.addi %add3A_354, %sub3A_347 : vector<16xi32>
          %add3A_356 = arith.constant 80 : i32
          %add3A_357 = arith.addi %mul3A_148, %add3A_356 : i32
          %add3A_358 = vector.broadcast %add3A_357 : i32 to vector<16xi32>
          %add3A_359 = arith.addi %add3A_358, %iota3A : vector<16xi32>
          tpu.vector_store_idx %arg9[%add3A_355], %add3A_359 masked %and3A_351 : memref<2048xi32, #tpu.memory_space<vmem>>[vector<16xi32>], vector<16xi32>, vector<16xi1>
          %reduce_sum3A_360 = arith.constant true
          %reduce_sum3A_361 = vector.broadcast %reduce_sum3A_360 : i1 to vector<16xi1>
          %reduce_sum3A_362 = tpu.scan <sum>, %convert_element_type3A_339 masked %reduce_sum3A_361 : vector<16xi32>, vector<16xi1> -> vector<16xi32>
          %reduce_sum3A_363 = vector.extract %reduce_sum3A_362[15] : i32 from vector<16xi32>
          %add3A_364 = arith.addi %add3A_338, %reduce_sum3A_363 : i32
          %convert_element_type3A_365 = arith.extui %le3A_202 : vector<16xi1> to vector<16xi32>
          %broadcast_in_dim3A_366 = arith.constant true
          %broadcast_in_dim3A_367 = vector.broadcast %broadcast_in_dim3A_366 : i1 to vector<16xi1>
          %masked_cumsum3A_368 = tpu.scan <sum>, %convert_element_type3A_365 masked %broadcast_in_dim3A_367 : vector<16xi32>, vector<16xi1> -> vector<16xi32>
          %add3A_369 = vector.broadcast %add3A_364 : i32 to vector<16xi32>
          %add3A_370 = arith.addi %add3A_369, %masked_cumsum3A_368 : vector<16xi32>
          %sub3A_371 = arith.constant 1 : i32
          %sub3A_372 = vector.broadcast %sub3A_371 : i32 to vector<16xi32>
          %sub3A_373 = arith.subi %add3A_370, %sub3A_372 : vector<16xi32>
          %lt3A_374 = arith.constant 128 : i32
          %lt3A_375 = vector.broadcast %lt3A_374 : i32 to vector<16xi32>
          %lt3A_376 = arith.cmpi slt, %sub3A_373, %lt3A_375 : vector<16xi32>
          %and3A_377 = arith.andi %le3A_202, %lt3A_376 : vector<16xi1>
          %add3A_378 = vector.broadcast %mul3A_86 : i32 to vector<16xi32>
          %add3A_379 = arith.addi %add3A_378, %sub3A_373 : vector<16xi32>
          tpu.vector_store_idx %arg8[%add3A_379], %get3A_190 masked %and3A_377 : memref<2048xf32, #tpu.memory_space<vmem>>[vector<16xi32>], vector<16xf32>, vector<16xi1>
          %add3A_380 = vector.broadcast %mul3A_86 : i32 to vector<16xi32>
          %add3A_381 = arith.addi %add3A_380, %sub3A_373 : vector<16xi32>
          %add3A_382 = arith.constant 96 : i32
          %add3A_383 = arith.addi %mul3A_148, %add3A_382 : i32
          %add3A_384 = vector.broadcast %add3A_383 : i32 to vector<16xi32>
          %add3A_385 = arith.addi %add3A_384, %iota3A : vector<16xi32>
          tpu.vector_store_idx %arg9[%add3A_381], %add3A_385 masked %and3A_377 : memref<2048xi32, #tpu.memory_space<vmem>>[vector<16xi32>], vector<16xi32>, vector<16xi1>
          %reduce_sum3A_386 = arith.constant true
          %reduce_sum3A_387 = vector.broadcast %reduce_sum3A_386 : i1 to vector<16xi1>
          %reduce_sum3A_388 = tpu.scan <sum>, %convert_element_type3A_365 masked %reduce_sum3A_387 : vector<16xi32>, vector<16xi1> -> vector<16xi32>
          %reduce_sum3A_389 = vector.extract %reduce_sum3A_388[15] : i32 from vector<16xi32>
          %add3A_390 = arith.addi %add3A_364, %reduce_sum3A_389 : i32
          %convert_element_type3A_391 = arith.extui %le3A_203 : vector<16xi1> to vector<16xi32>
          %broadcast_in_dim3A_392 = arith.constant true
          %broadcast_in_dim3A_393 = vector.broadcast %broadcast_in_dim3A_392 : i1 to vector<16xi1>
          %masked_cumsum3A_394 = tpu.scan <sum>, %convert_element_type3A_391 masked %broadcast_in_dim3A_393 : vector<16xi32>, vector<16xi1> -> vector<16xi32>
          %add3A_395 = vector.broadcast %add3A_390 : i32 to vector<16xi32>
          %add3A_396 = arith.addi %add3A_395, %masked_cumsum3A_394 : vector<16xi32>
          %sub3A_397 = arith.constant 1 : i32
          %sub3A_398 = vector.broadcast %sub3A_397 : i32 to vector<16xi32>
          %sub3A_399 = arith.subi %add3A_396, %sub3A_398 : vector<16xi32>
          %lt3A_400 = arith.constant 128 : i32
          %lt3A_401 = vector.broadcast %lt3A_400 : i32 to vector<16xi32>
          %lt3A_402 = arith.cmpi slt, %sub3A_399, %lt3A_401 : vector<16xi32>
          %and3A_403 = arith.andi %le3A_203, %lt3A_402 : vector<16xi1>
          %add3A_404 = vector.broadcast %mul3A_86 : i32 to vector<16xi32>
          %add3A_405 = arith.addi %add3A_404, %sub3A_399 : vector<16xi32>
          tpu.vector_store_idx %arg8[%add3A_405], %get3A_196 masked %and3A_403 : memref<2048xf32, #tpu.memory_space<vmem>>[vector<16xi32>], vector<16xf32>, vector<16xi1>
          %add3A_406 = vector.broadcast %mul3A_86 : i32 to vector<16xi32>
          %add3A_407 = arith.addi %add3A_406, %sub3A_399 : vector<16xi32>
          %add3A_408 = arith.constant 112 : i32
          %add3A_409 = arith.addi %mul3A_148, %add3A_408 : i32
          %add3A_410 = vector.broadcast %add3A_409 : i32 to vector<16xi32>
          %add3A_411 = arith.addi %add3A_410, %iota3A : vector<16xi32>
          tpu.vector_store_idx %arg9[%add3A_407], %add3A_411 masked %and3A_403 : memref<2048xi32, #tpu.memory_space<vmem>>[vector<16xi32>], vector<16xi32>, vector<16xi1>
          %reduce_sum3A_412 = arith.constant true
          %reduce_sum3A_413 = vector.broadcast %reduce_sum3A_412 : i1 to vector<16xi1>
          %reduce_sum3A_414 = tpu.scan <sum>, %convert_element_type3A_391 masked %reduce_sum3A_413 : vector<16xi32>, vector<16xi1> -> vector<16xi32>
          %reduce_sum3A_415 = vector.extract %reduce_sum3A_414[15] : i32 from vector<16xi32>
          %add3A_416 = arith.addi %add3A_390, %reduce_sum3A_415 : i32
          scf.yield %add3A_416 : i32
        } else {
          scf.yield %scan3A_146 : i32
        }
        scf.yield %cond3A_212 : i32
      }
      %scan3A_93 = arith.constant 64 : i32
      %add3A_94 = arith.constant 2 : i32
      %add3A_95 = arith.addi %add3A_51, %add3A_94 : i32
      %add3A_96 = arith.constant 16 : i32
      %add3A_97 = arith.addi %mul3A_2, %add3A_96 : i32
      %sub3A = arith.constant 1 : i32
      %sub3A_98 = arith.subi %add3A_97, %sub3A : i32
      %min3A = arith.minsi %add3A_95, %sub3A_98 : i32
      %dma_start3A_99 = arith.constant 0 : i32
      %dma_start3A_100 = arith.constant 0 : i32
      %dma_start3A_101 = tpu.memref_slice %arg6[%dma_start3A_99, %dma_start3A_100] : memref<2x8192xf32, #tpu.memory_space<vmem>> -> memref<1x8192xf32, #tpu.memory_space<vmem>>
      %dma_start3A_102 = tpu.memref_squeeze %dma_start3A_101 : memref<1x8192xf32, #tpu.memory_space<vmem>> -> memref<8192xf32, #tpu.memory_space<vmem>>
      %dma_start3A_103 = arith.constant 0 : i32
      %dma_start3A_104 = tpu.memref_slice %arg2[%min3A, %dma_start3A_103] : memref<512x8192xf32, #tpu.memory_space<hbm>> -> memref<1x8192xf32, #tpu.memory_space<hbm>>
      %dma_start3A_105 = tpu.memref_squeeze %dma_start3A_104 : memref<1x8192xf32, #tpu.memory_space<hbm>> -> memref<8192xf32, #tpu.memory_space<hbm>>
      %dma_start3A_106 = arith.constant 0 : i32
      %dma_start3A_107 = tpu.memref_slice %arg6[%dma_start3A_99, %dma_start3A_106] : memref<2x8192xf32, #tpu.memory_space<vmem>> -> memref<1x8192xf32, #tpu.memory_space<vmem>>
      %dma_start3A_108 = tpu.memref_squeeze %dma_start3A_107 : memref<1x8192xf32, #tpu.memory_space<vmem>> -> memref<8192xf32, #tpu.memory_space<vmem>>
      %dma_start3A_109 = arith.constant 0 : i32
      %dma_start3A_110 = tpu.memref_slice %arg2[%min3A, %dma_start3A_109] : memref<512x8192xf32, #tpu.memory_space<hbm>> -> memref<1x8192xf32, #tpu.memory_space<hbm>>
      %dma_start3A_111 = tpu.memref_squeeze %dma_start3A_110 : memref<1x8192xf32, #tpu.memory_space<hbm>> -> memref<8192xf32, #tpu.memory_space<hbm>>
      tpu.enqueue_dma source(%dma_start3A_111 : memref<8192xf32, #tpu.memory_space<hbm>>) target(%dma_start3A_108 : memref<8192xf32, #tpu.memory_space<vmem>>) target_semaphore(%arg10 : memref<!tpu.dma_semaphore, #tpu.memory_space<semaphore_mem>>)
      %add3A_112 = arith.constant 1 : i32
      %add3A_113 = arith.addi %add3A_51, %add3A_112 : i32
      %dma_wait3A_114 = arith.constant 1 : i32
      %dma_wait3A_115 = arith.constant 0 : i32
      %dma_wait3A_116 = tpu.memref_slice %arg6[%dma_wait3A_114, %dma_wait3A_115] : memref<2x8192xf32, #tpu.memory_space<vmem>> -> memref<1x8192xf32, #tpu.memory_space<vmem>>
      %dma_wait3A_117 = tpu.memref_squeeze %dma_wait3A_116 : memref<1x8192xf32, #tpu.memory_space<vmem>> -> memref<8192xf32, #tpu.memory_space<vmem>>
      %dma_wait3A_118 = arith.constant 0 : i32
      %dma_wait3A_119 = tpu.memref_slice %arg2[%add3A_113, %dma_wait3A_118] : memref<512x8192xf32, #tpu.memory_space<hbm>> -> memref<1x8192xf32, #tpu.memory_space<hbm>>
      %dma_wait3A_120 = tpu.memref_squeeze %dma_wait3A_119 : memref<1x8192xf32, #tpu.memory_space<hbm>> -> memref<8192xf32, #tpu.memory_space<hbm>>
      %dma_wait3A_121 = arith.constant 0 : i32
      %dma_wait3A_122 = tpu.memref_slice %arg6[%dma_wait3A_114, %dma_wait3A_121] : memref<2x8192xf32, #tpu.memory_space<vmem>> -> memref<1x8192xf32, #tpu.memory_space<vmem>>
      %dma_wait3A_123 = tpu.memref_squeeze %dma_wait3A_122 : memref<1x8192xf32, #tpu.memory_space<vmem>> -> memref<8192xf32, #tpu.memory_space<vmem>>
      %dma_wait3A_124 = arith.constant 0 : i32
      %dma_wait3A_125 = tpu.memref_slice %arg2[%add3A_113, %dma_wait3A_124] : memref<512x8192xf32, #tpu.memory_space<hbm>> -> memref<1x8192xf32, #tpu.memory_space<hbm>>
      %dma_wait3A_126 = tpu.memref_squeeze %dma_wait3A_125 : memref<1x8192xf32, #tpu.memory_space<hbm>> -> memref<8192xf32, #tpu.memory_space<hbm>>
      tpu.wait_dma2 semaphore(%arg11 : memref<!tpu.dma_semaphore, #tpu.memory_space<semaphore_mem>>) src(%dma_wait3A_126 : memref<8192xf32, #tpu.memory_space<hbm>>) dst(%dma_wait3A_123 : memref<8192xf32, #tpu.memory_space<vmem>>)
      %mul3A_127 = arith.constant 2 : i32
      %mul3A_128 = arith.muli %mul3A_127, %scan3A_47 : i32
      %add3A_129 = arith.constant 1 : i32
      %add3A_130 = arith.addi %mul3A_128, %add3A_129 : i32
      %mul3A_131 = arith.constant 16 : i32
      %mul3A_132 = arith.muli %add3A_130, %mul3A_131 : i32
      %get3A_133 = arith.index_cast %mul3A_132 : i32 to index
      %get3A_134 = tpu.vector_load %arg7[%get3A_133] {strides = array<i32>} : memref<256xf32, #tpu.memory_space<vmem>>, vector<16xf32>,
      %mul3A_135 = arith.constant 128 : i32
      %mul3A_136 = arith.muli %add3A_130, %mul3A_135 : i32
      %scan3A_137 = arith.constant 0 : i32
      %scan3A_138 = arith.constant 0 : i32
      %scan3A_139 = arith.constant 64 : i32
      %scan3A_140 = arith.addi %scan3A_138, %scan3A_139 : i32
      %scan3A_141 = arith.constant 1 : i32
      %scan3A_142 = scf.for %scan3A_145 = %scan3A_138 to %scan3A_140 step %scan3A_141 iter_args(%scan3A_146 = %scan3A_137) -> (i32)  : i32 {
        %mul3A_147 = arith.constant 128 : i32
        %mul3A_148 = arith.muli %scan3A_145, %mul3A_147 : i32
        %add3A_149 = arith.constant 0 : i32
        %add3A_150 = arith.addi %mul3A_148, %add3A_149 : i32
        %get3A_151 = arith.constant 1 : i32
        %get3A_152 = arith.index_cast %get3A_151 : i32 to index
        %get3A_153 = arith.index_cast %add3A_150 : i32 to index
        %get3A_154 = tpu.vector_load %arg6[%get3A_152, %get3A_153] {strides = array<i32>} : memref<2x8192xf32, #tpu.memory_space<vmem>>, vector<16xf32>,
        %add3A_155 = arith.constant 16 : i32
        %add3A_156 = arith.addi %mul3A_148, %add3A_155 : i32
        %get3A_157 = arith.constant 1 : i32
        %get3A_158 = arith.index_cast %get3A_157 : i32 to index
        %get3A_159 = arith.index_cast %add3A_156 : i32 to index
        %get3A_160 = tpu.vector_load %arg6[%get3A_158, %get3A_159] {strides = array<i32>} : memref<2x8192xf32, #tpu.memory_space<vmem>>, vector<16xf32>,
        %add3A_161 = arith.constant 32 : i32
        %add3A_162 = arith.addi %mul3A_148, %add3A_161 : i32
        %get3A_163 = arith.constant 1 : i32
        %get3A_164 = arith.index_cast %get3A_163 : i32 to index
        %get3A_165 = arith.index_cast %add3A_162 : i32 to index
        %get3A_166 = tpu.vector_load %arg6[%get3A_164, %get3A_165] {strides = array<i32>} : memref<2x8192xf32, #tpu.memory_space<vmem>>, vector<16xf32>,
        %add3A_167 = arith.constant 48 : i32
        %add3A_168 = arith.addi %mul3A_148, %add3A_167 : i32
        %get3A_169 = arith.constant 1 : i32
        %get3A_170 = arith.index_cast %get3A_169 : i32 to index
        %get3A_171 = arith.index_cast %add3A_168 : i32 to index
        %get3A_172 = tpu.vector_load %arg6[%get3A_170, %get3A_171] {strides = array<i32>} : memref<2x8192xf32, #tpu.memory_space<vmem>>, vector<16xf32>,
        %add3A_173 = arith.constant 64 : i32
        %add3A_174 = arith.addi %mul3A_148, %add3A_173 : i32
        %get3A_175 = arith.constant 1 : i32
        %get3A_176 = arith.index_cast %get3A_175 : i32 to index
        %get3A_177 = arith.index_cast %add3A_174 : i32 to index
        %get3A_178 = tpu.vector_load %arg6[%get3A_176, %get3A_177] {strides = array<i32>} : memref<2x8192xf32, #tpu.memory_space<vmem>>, vector<16xf32>,
        %add3A_179 = arith.constant 80 : i32
        %add3A_180 = arith.addi %mul3A_148, %add3A_179 : i32
        %get3A_181 = arith.constant 1 : i32
        %get3A_182 = arith.index_cast %get3A_181 : i32 to index
        %get3A_183 = arith.index_cast %add3A_180 : i32 to index
        %get3A_184 = tpu.vector_load %arg6[%get3A_182, %get3A_183] {strides = array<i32>} : memref<2x8192xf32, #tpu.memory_space<vmem>>, vector<16xf32>,
        %add3A_185 = arith.constant 96 : i32
        %add3A_186 = arith.addi %mul3A_148, %add3A_185 : i32
        %get3A_187 = arith.constant 1 : i32
        %get3A_188 = arith.index_cast %get3A_187 : i32 to index
        %get3A_189 = arith.index_cast %add3A_186 : i32 to index
        %get3A_190 = tpu.vector_load %arg6[%get3A_188, %get3A_189] {strides = array<i32>} : memref<2x8192xf32, #tpu.memory_space<vmem>>, vector<16xf32>,
        %add3A_191 = arith.constant 112 : i32
        %add3A_192 = arith.addi %mul3A_148, %add3A_191 : i32
        %get3A_193 = arith.constant 1 : i32
        %get3A_194 = arith.index_cast %get3A_193 : i32 to index
        %get3A_195 = arith.index_cast %add3A_192 : i32 to index
        %get3A_196 = tpu.vector_load %arg6[%get3A_194, %get3A_195] {strides = array<i32>} : memref<2x8192xf32, #tpu.memory_space<vmem>>, vector<16xf32>,
        %le3A = arith.cmpf ole, %get3A_154, %get3A_134 : vector<16xf32>
        %le3A_197 = arith.cmpf ole, %get3A_160, %get3A_134 : vector<16xf32>
        %le3A_198 = arith.cmpf ole, %get3A_166, %get3A_134 : vector<16xf32>
        %le3A_199 = arith.cmpf ole, %get3A_172, %get3A_134 : vector<16xf32>
        %le3A_200 = arith.cmpf ole, %get3A_178, %get3A_134 : vector<16xf32>
        %le3A_201 = arith.cmpf ole, %get3A_184, %get3A_134 : vector<16xf32>
        %le3A_202 = arith.cmpf ole, %get3A_190, %get3A_134 : vector<16xf32>
        %le3A_203 = arith.cmpf ole, %get3A_196, %get3A_134 : vector<16xf32>
        %or3A = arith.ori %le3A, %le3A_197 : vector<16xi1>
        %or3A_204 = arith.ori %or3A, %le3A_198 : vector<16xi1>
        %or3A_205 = arith.ori %or3A_204, %le3A_199 : vector<16xi1>
        %or3A_206 = arith.ori %or3A_205, %le3A_200 : vector<16xi1>
        %or3A_207 = arith.ori %or3A_206, %le3A_201 : vector<16xi1>
        %or3A_208 = arith.ori %or3A_207, %le3A_202 : vector<16xi1>
        %or3A_209 = arith.ori %or3A_208, %le3A_203 : vector<16xi1>
        %all_reduce_population_count3A = tpu.all_reduce %or3A_209 {dim = 0 : i64, kind = #tpu.reduction_kind<sum>} : vector<16xi1> -> vector<16xi32>
        %slice3A = vector.extract_strided_slice %all_reduce_population_count3A {offsets = [0], sizes = [1], strides = [1]} : vector<16xi32> to vector<1xi32>
        %squeeze3A = vector.extract %slice3A[0] : i32 from vector<1xi32>
        %ne3A = arith.constant 0 : i32
        %ne3A_210 = arith.cmpi ne, %squeeze3A, %ne3A : i32
        %convert_element_type3A = arith.extui %ne3A_210 : i1 to i32
        %cond3A = arith.constant 0 : i32
        %cond3A_211 = arith.cmpi ne, %convert_element_type3A, %cond3A : i32
        %cond3A_212 = scf.if %cond3A_211 -> (i32) {
          %convert_element_type3A_213 = arith.extui %le3A : vector<16xi1> to vector<16xi32>
          %broadcast_in_dim3A_214 = arith.constant true
          %broadcast_in_dim3A_215 = vector.broadcast %broadcast_in_dim3A_214 : i1 to vector<16xi1>
          %masked_cumsum3A = tpu.scan <sum>, %convert_element_type3A_213 masked %broadcast_in_dim3A_215 : vector<16xi32>, vector<16xi1> -> vector<16xi32>
          %add3A_216 = vector.broadcast %scan3A_146 : i32 to vector<16xi32>
          %add3A_217 = arith.addi %add3A_216, %masked_cumsum3A : vector<16xi32>
          %sub3A_218 = arith.constant 1 : i32
          %sub3A_219 = vector.broadcast %sub3A_218 : i32 to vector<16xi32>
          %sub3A_220 = arith.subi %add3A_217, %sub3A_219 : vector<16xi32>
          %lt3A = arith.constant 128 : i32
          %lt3A_221 = vector.broadcast %lt3A : i32 to vector<16xi32>
          %lt3A_222 = arith.cmpi slt, %sub3A_220, %lt3A_221 : vector<16xi32>
          %and3A = arith.andi %le3A, %lt3A_222 : vector<16xi1>
          %add3A_223 = vector.broadcast %mul3A_136 : i32 to vector<16xi32>
          %add3A_224 = arith.addi %add3A_223, %sub3A_220 : vector<16xi32>
          tpu.vector_store_idx %arg8[%add3A_224], %get3A_154 masked %and3A : memref<2048xf32, #tpu.memory_space<vmem>>[vector<16xi32>], vector<16xf32>, vector<16xi1>
          %add3A_225 = vector.broadcast %mul3A_136 : i32 to vector<16xi32>
          %add3A_226 = arith.addi %add3A_225, %sub3A_220 : vector<16xi32>
          %add3A_227 = arith.constant 0 : i32
          %add3A_228 = arith.addi %mul3A_148, %add3A_227 : i32
          %add3A_229 = vector.broadcast %add3A_228 : i32 to vector<16xi32>
          %add3A_230 = arith.addi %add3A_229, %iota3A : vector<16xi32>
          tpu.vector_store_idx %arg9[%add3A_226], %add3A_230 masked %and3A : memref<2048xi32, #tpu.memory_space<vmem>>[vector<16xi32>], vector<16xi32>, vector<16xi1>
          %reduce_sum3A = arith.constant true
          %reduce_sum3A_231 = vector.broadcast %reduce_sum3A : i1 to vector<16xi1>
          %reduce_sum3A_232 = tpu.scan <sum>, %convert_element_type3A_213 masked %reduce_sum3A_231 : vector<16xi32>, vector<16xi1> -> vector<16xi32>
          %reduce_sum3A_233 = vector.extract %reduce_sum3A_232[15] : i32 from vector<16xi32>
          %add3A_234 = arith.addi %scan3A_146, %reduce_sum3A_233 : i32
          %convert_element_type3A_235 = arith.extui %le3A_197 : vector<16xi1> to vector<16xi32>
          %broadcast_in_dim3A_236 = arith.constant true
          %broadcast_in_dim3A_237 = vector.broadcast %broadcast_in_dim3A_236 : i1 to vector<16xi1>
          %masked_cumsum3A_238 = tpu.scan <sum>, %convert_element_type3A_235 masked %broadcast_in_dim3A_237 : vector<16xi32>, vector<16xi1> -> vector<16xi32>
          %add3A_239 = vector.broadcast %add3A_234 : i32 to vector<16xi32>
          %add3A_240 = arith.addi %add3A_239, %masked_cumsum3A_238 : vector<16xi32>
          %sub3A_241 = arith.constant 1 : i32
          %sub3A_242 = vector.broadcast %sub3A_241 : i32 to vector<16xi32>
          %sub3A_243 = arith.subi %add3A_240, %sub3A_242 : vector<16xi32>
          %lt3A_244 = arith.constant 128 : i32
          %lt3A_245 = vector.broadcast %lt3A_244 : i32 to vector<16xi32>
          %lt3A_246 = arith.cmpi slt, %sub3A_243, %lt3A_245 : vector<16xi32>
          %and3A_247 = arith.andi %le3A_197, %lt3A_246 : vector<16xi1>
          %add3A_248 = vector.broadcast %mul3A_136 : i32 to vector<16xi32>
          %add3A_249 = arith.addi %add3A_248, %sub3A_243 : vector<16xi32>
          tpu.vector_store_idx %arg8[%add3A_249], %get3A_160 masked %and3A_247 : memref<2048xf32, #tpu.memory_space<vmem>>[vector<16xi32>], vector<16xf32>, vector<16xi1>
          %add3A_250 = vector.broadcast %mul3A_136 : i32 to vector<16xi32>
          %add3A_251 = arith.addi %add3A_250, %sub3A_243 : vector<16xi32>
          %add3A_252 = arith.constant 16 : i32
          %add3A_253 = arith.addi %mul3A_148, %add3A_252 : i32
          %add3A_254 = vector.broadcast %add3A_253 : i32 to vector<16xi32>
          %add3A_255 = arith.addi %add3A_254, %iota3A : vector<16xi32>
          tpu.vector_store_idx %arg9[%add3A_251], %add3A_255 masked %and3A_247 : memref<2048xi32, #tpu.memory_space<vmem>>[vector<16xi32>], vector<16xi32>, vector<16xi1>
          %reduce_sum3A_256 = arith.constant true
          %reduce_sum3A_257 = vector.broadcast %reduce_sum3A_256 : i1 to vector<16xi1>
          %reduce_sum3A_258 = tpu.scan <sum>, %convert_element_type3A_235 masked %reduce_sum3A_257 : vector<16xi32>, vector<16xi1> -> vector<16xi32>
          %reduce_sum3A_259 = vector.extract %reduce_sum3A_258[15] : i32 from vector<16xi32>
          %add3A_260 = arith.addi %add3A_234, %reduce_sum3A_259 : i32
          %convert_element_type3A_261 = arith.extui %le3A_198 : vector<16xi1> to vector<16xi32>
          %broadcast_in_dim3A_262 = arith.constant true
          %broadcast_in_dim3A_263 = vector.broadcast %broadcast_in_dim3A_262 : i1 to vector<16xi1>
          %masked_cumsum3A_264 = tpu.scan <sum>, %convert_element_type3A_261 masked %broadcast_in_dim3A_263 : vector<16xi32>, vector<16xi1> -> vector<16xi32>
          %add3A_265 = vector.broadcast %add3A_260 : i32 to vector<16xi32>
          %add3A_266 = arith.addi %add3A_265, %masked_cumsum3A_264 : vector<16xi32>
          %sub3A_267 = arith.constant 1 : i32
          %sub3A_268 = vector.broadcast %sub3A_267 : i32 to vector<16xi32>
          %sub3A_269 = arith.subi %add3A_266, %sub3A_268 : vector<16xi32>
          %lt3A_270 = arith.constant 128 : i32
          %lt3A_271 = vector.broadcast %lt3A_270 : i32 to vector<16xi32>
          %lt3A_272 = arith.cmpi slt, %sub3A_269, %lt3A_271 : vector<16xi32>
          %and3A_273 = arith.andi %le3A_198, %lt3A_272 : vector<16xi1>
          %add3A_274 = vector.broadcast %mul3A_136 : i32 to vector<16xi32>
          %add3A_275 = arith.addi %add3A_274, %sub3A_269 : vector<16xi32>
          tpu.vector_store_idx %arg8[%add3A_275], %get3A_166 masked %and3A_273 : memref<2048xf32, #tpu.memory_space<vmem>>[vector<16xi32>], vector<16xf32>, vector<16xi1>
          %add3A_276 = vector.broadcast %mul3A_136 : i32 to vector<16xi32>
          %add3A_277 = arith.addi %add3A_276, %sub3A_269 : vector<16xi32>
          %add3A_278 = arith.constant 32 : i32
          %add3A_279 = arith.addi %mul3A_148, %add3A_278 : i32
          %add3A_280 = vector.broadcast %add3A_279 : i32 to vector<16xi32>
          %add3A_281 = arith.addi %add3A_280, %iota3A : vector<16xi32>
          tpu.vector_store_idx %arg9[%add3A_277], %add3A_281 masked %and3A_273 : memref<2048xi32, #tpu.memory_space<vmem>>[vector<16xi32>], vector<16xi32>, vector<16xi1>
          %reduce_sum3A_282 = arith.constant true
          %reduce_sum3A_283 = vector.broadcast %reduce_sum3A_282 : i1 to vector<16xi1>
          %reduce_sum3A_284 = tpu.scan <sum>, %convert_element_type3A_261 masked %reduce_sum3A_283 : vector<16xi32>, vector<16xi1> -> vector<16xi32>
          %reduce_sum3A_285 = vector.extract %reduce_sum3A_284[15] : i32 from vector<16xi32>
          %add3A_286 = arith.addi %add3A_260, %reduce_sum3A_285 : i32
          %convert_element_type3A_287 = arith.extui %le3A_199 : vector<16xi1> to vector<16xi32>
          %broadcast_in_dim3A_288 = arith.constant true
          %broadcast_in_dim3A_289 = vector.broadcast %broadcast_in_dim3A_288 : i1 to vector<16xi1>
          %masked_cumsum3A_290 = tpu.scan <sum>, %convert_element_type3A_287 masked %broadcast_in_dim3A_289 : vector<16xi32>, vector<16xi1> -> vector<16xi32>
          %add3A_291 = vector.broadcast %add3A_286 : i32 to vector<16xi32>
          %add3A_292 = arith.addi %add3A_291, %masked_cumsum3A_290 : vector<16xi32>
          %sub3A_293 = arith.constant 1 : i32
          %sub3A_294 = vector.broadcast %sub3A_293 : i32 to vector<16xi32>
          %sub3A_295 = arith.subi %add3A_292, %sub3A_294 : vector<16xi32>
          %lt3A_296 = arith.constant 128 : i32
          %lt3A_297 = vector.broadcast %lt3A_296 : i32 to vector<16xi32>
          %lt3A_298 = arith.cmpi slt, %sub3A_295, %lt3A_297 : vector<16xi32>
          %and3A_299 = arith.andi %le3A_199, %lt3A_298 : vector<16xi1>
          %add3A_300 = vector.broadcast %mul3A_136 : i32 to vector<16xi32>
          %add3A_301 = arith.addi %add3A_300, %sub3A_295 : vector<16xi32>
          tpu.vector_store_idx %arg8[%add3A_301], %get3A_172 masked %and3A_299 : memref<2048xf32, #tpu.memory_space<vmem>>[vector<16xi32>], vector<16xf32>, vector<16xi1>
          %add3A_302 = vector.broadcast %mul3A_136 : i32 to vector<16xi32>
          %add3A_303 = arith.addi %add3A_302, %sub3A_295 : vector<16xi32>
          %add3A_304 = arith.constant 48 : i32
          %add3A_305 = arith.addi %mul3A_148, %add3A_304 : i32
          %add3A_306 = vector.broadcast %add3A_305 : i32 to vector<16xi32>
          %add3A_307 = arith.addi %add3A_306, %iota3A : vector<16xi32>
          tpu.vector_store_idx %arg9[%add3A_303], %add3A_307 masked %and3A_299 : memref<2048xi32, #tpu.memory_space<vmem>>[vector<16xi32>], vector<16xi32>, vector<16xi1>
          %reduce_sum3A_308 = arith.constant true
          %reduce_sum3A_309 = vector.broadcast %reduce_sum3A_308 : i1 to vector<16xi1>
          %reduce_sum3A_310 = tpu.scan <sum>, %convert_element_type3A_287 masked %reduce_sum3A_309 : vector<16xi32>, vector<16xi1> -> vector<16xi32>
          %reduce_sum3A_311 = vector.extract %reduce_sum3A_310[15] : i32 from vector<16xi32>
          %add3A_312 = arith.addi %add3A_286, %reduce_sum3A_311 : i32
          %convert_element_type3A_313 = arith.extui %le3A_200 : vector<16xi1> to vector<16xi32>
          %broadcast_in_dim3A_314 = arith.constant true
          %broadcast_in_dim3A_315 = vector.broadcast %broadcast_in_dim3A_314 : i1 to vector<16xi1>
          %masked_cumsum3A_316 = tpu.scan <sum>, %convert_element_type3A_313 masked %broadcast_in_dim3A_315 : vector<16xi32>, vector<16xi1> -> vector<16xi32>
          %add3A_317 = vector.broadcast %add3A_312 : i32 to vector<16xi32>
          %add3A_318 = arith.addi %add3A_317, %masked_cumsum3A_316 : vector<16xi32>
          %sub3A_319 = arith.constant 1 : i32
          %sub3A_320 = vector.broadcast %sub3A_319 : i32 to vector<16xi32>
          %sub3A_321 = arith.subi %add3A_318, %sub3A_320 : vector<16xi32>
          %lt3A_322 = arith.constant 128 : i32
          %lt3A_323 = vector.broadcast %lt3A_322 : i32 to vector<16xi32>
          %lt3A_324 = arith.cmpi slt, %sub3A_321, %lt3A_323 : vector<16xi32>
          %and3A_325 = arith.andi %le3A_200, %lt3A_324 : vector<16xi1>
          %add3A_326 = vector.broadcast %mul3A_136 : i32 to vector<16xi32>
          %add3A_327 = arith.addi %add3A_326, %sub3A_321 : vector<16xi32>
          tpu.vector_store_idx %arg8[%add3A_327], %get3A_178 masked %and3A_325 : memref<2048xf32, #tpu.memory_space<vmem>>[vector<16xi32>], vector<16xf32>, vector<16xi1>
          %add3A_328 = vector.broadcast %mul3A_136 : i32 to vector<16xi32>
          %add3A_329 = arith.addi %add3A_328, %sub3A_321 : vector<16xi32>
          %add3A_330 = arith.constant 64 : i32
          %add3A_331 = arith.addi %mul3A_148, %add3A_330 : i32
          %add3A_332 = vector.broadcast %add3A_331 : i32 to vector<16xi32>
          %add3A_333 = arith.addi %add3A_332, %iota3A : vector<16xi32>
          tpu.vector_store_idx %arg9[%add3A_329], %add3A_333 masked %and3A_325 : memref<2048xi32, #tpu.memory_space<vmem>>[vector<16xi32>], vector<16xi32>, vector<16xi1>
          %reduce_sum3A_334 = arith.constant true
          %reduce_sum3A_335 = vector.broadcast %reduce_sum3A_334 : i1 to vector<16xi1>
          %reduce_sum3A_336 = tpu.scan <sum>, %convert_element_type3A_313 masked %reduce_sum3A_335 : vector<16xi32>, vector<16xi1> -> vector<16xi32>
          %reduce_sum3A_337 = vector.extract %reduce_sum3A_336[15] : i32 from vector<16xi32>
          %add3A_338 = arith.addi %add3A_312, %reduce_sum3A_337 : i32
          %convert_element_type3A_339 = arith.extui %le3A_201 : vector<16xi1> to vector<16xi32>
          %broadcast_in_dim3A_340 = arith.constant true
          %broadcast_in_dim3A_341 = vector.broadcast %broadcast_in_dim3A_340 : i1 to vector<16xi1>
          %masked_cumsum3A_342 = tpu.scan <sum>, %convert_element_type3A_339 masked %broadcast_in_dim3A_341 : vector<16xi32>, vector<16xi1> -> vector<16xi32>
          %add3A_343 = vector.broadcast %add3A_338 : i32 to vector<16xi32>
          %add3A_344 = arith.addi %add3A_343, %masked_cumsum3A_342 : vector<16xi32>
          %sub3A_345 = arith.constant 1 : i32
          %sub3A_346 = vector.broadcast %sub3A_345 : i32 to vector<16xi32>
          %sub3A_347 = arith.subi %add3A_344, %sub3A_346 : vector<16xi32>
          %lt3A_348 = arith.constant 128 : i32
          %lt3A_349 = vector.broadcast %lt3A_348 : i32 to vector<16xi32>
          %lt3A_350 = arith.cmpi slt, %sub3A_347, %lt3A_349 : vector<16xi32>
          %and3A_351 = arith.andi %le3A_201, %lt3A_350 : vector<16xi1>
          %add3A_352 = vector.broadcast %mul3A_136 : i32 to vector<16xi32>
          %add3A_353 = arith.addi %add3A_352, %sub3A_347 : vector<16xi32>
          tpu.vector_store_idx %arg8[%add3A_353], %get3A_184 masked %and3A_351 : memref<2048xf32, #tpu.memory_space<vmem>>[vector<16xi32>], vector<16xf32>, vector<16xi1>
          %add3A_354 = vector.broadcast %mul3A_136 : i32 to vector<16xi32>
          %add3A_355 = arith.addi %add3A_354, %sub3A_347 : vector<16xi32>
          %add3A_356 = arith.constant 80 : i32
          %add3A_357 = arith.addi %mul3A_148, %add3A_356 : i32
          %add3A_358 = vector.broadcast %add3A_357 : i32 to vector<16xi32>
          %add3A_359 = arith.addi %add3A_358, %iota3A : vector<16xi32>
          tpu.vector_store_idx %arg9[%add3A_355], %add3A_359 masked %and3A_351 : memref<2048xi32, #tpu.memory_space<vmem>>[vector<16xi32>], vector<16xi32>, vector<16xi1>
          %reduce_sum3A_360 = arith.constant true
          %reduce_sum3A_361 = vector.broadcast %reduce_sum3A_360 : i1 to vector<16xi1>
          %reduce_sum3A_362 = tpu.scan <sum>, %convert_element_type3A_339 masked %reduce_sum3A_361 : vector<16xi32>, vector<16xi1> -> vector<16xi32>
          %reduce_sum3A_363 = vector.extract %reduce_sum3A_362[15] : i32 from vector<16xi32>
          %add3A_364 = arith.addi %add3A_338, %reduce_sum3A_363 : i32
          %convert_element_type3A_365 = arith.extui %le3A_202 : vector<16xi1> to vector<16xi32>
          %broadcast_in_dim3A_366 = arith.constant true
          %broadcast_in_dim3A_367 = vector.broadcast %broadcast_in_dim3A_366 : i1 to vector<16xi1>
          %masked_cumsum3A_368 = tpu.scan <sum>, %convert_element_type3A_365 masked %broadcast_in_dim3A_367 : vector<16xi32>, vector<16xi1> -> vector<16xi32>
          %add3A_369 = vector.broadcast %add3A_364 : i32 to vector<16xi32>
          %add3A_370 = arith.addi %add3A_369, %masked_cumsum3A_368 : vector<16xi32>
          %sub3A_371 = arith.constant 1 : i32
          %sub3A_372 = vector.broadcast %sub3A_371 : i32 to vector<16xi32>
          %sub3A_373 = arith.subi %add3A_370, %sub3A_372 : vector<16xi32>
          %lt3A_374 = arith.constant 128 : i32
          %lt3A_375 = vector.broadcast %lt3A_374 : i32 to vector<16xi32>
          %lt3A_376 = arith.cmpi slt, %sub3A_373, %lt3A_375 : vector<16xi32>
          %and3A_377 = arith.andi %le3A_202, %lt3A_376 : vector<16xi1>
          %add3A_378 = vector.broadcast %mul3A_136 : i32 to vector<16xi32>
          %add3A_379 = arith.addi %add3A_378, %sub3A_373 : vector<16xi32>
          tpu.vector_store_idx %arg8[%add3A_379], %get3A_190 masked %and3A_377 : memref<2048xf32, #tpu.memory_space<vmem>>[vector<16xi32>], vector<16xf32>, vector<16xi1>
          %add3A_380 = vector.broadcast %mul3A_136 : i32 to vector<16xi32>
          %add3A_381 = arith.addi %add3A_380, %sub3A_373 : vector<16xi32>
          %add3A_382 = arith.constant 96 : i32
          %add3A_383 = arith.addi %mul3A_148, %add3A_382 : i32
          %add3A_384 = vector.broadcast %add3A_383 : i32 to vector<16xi32>
          %add3A_385 = arith.addi %add3A_384, %iota3A : vector<16xi32>
          tpu.vector_store_idx %arg9[%add3A_381], %add3A_385 masked %and3A_377 : memref<2048xi32, #tpu.memory_space<vmem>>[vector<16xi32>], vector<16xi32>, vector<16xi1>
          %reduce_sum3A_386 = arith.constant true
          %reduce_sum3A_387 = vector.broadcast %reduce_sum3A_386 : i1 to vector<16xi1>
          %reduce_sum3A_388 = tpu.scan <sum>, %convert_element_type3A_365 masked %reduce_sum3A_387 : vector<16xi32>, vector<16xi1> -> vector<16xi32>
          %reduce_sum3A_389 = vector.extract %reduce_sum3A_388[15] : i32 from vector<16xi32>
          %add3A_390 = arith.addi %add3A_364, %reduce_sum3A_389 : i32
          %convert_element_type3A_391 = arith.extui %le3A_203 : vector<16xi1> to vector<16xi32>
          %broadcast_in_dim3A_392 = arith.constant true
          %broadcast_in_dim3A_393 = vector.broadcast %broadcast_in_dim3A_392 : i1 to vector<16xi1>
          %masked_cumsum3A_394 = tpu.scan <sum>, %convert_element_type3A_391 masked %broadcast_in_dim3A_393 : vector<16xi32>, vector<16xi1> -> vector<16xi32>
          %add3A_395 = vector.broadcast %add3A_390 : i32 to vector<16xi32>
          %add3A_396 = arith.addi %add3A_395, %masked_cumsum3A_394 : vector<16xi32>
          %sub3A_397 = arith.constant 1 : i32
          %sub3A_398 = vector.broadcast %sub3A_397 : i32 to vector<16xi32>
          %sub3A_399 = arith.subi %add3A_396, %sub3A_398 : vector<16xi32>
          %lt3A_400 = arith.constant 128 : i32
          %lt3A_401 = vector.broadcast %lt3A_400 : i32 to vector<16xi32>
          %lt3A_402 = arith.cmpi slt, %sub3A_399, %lt3A_401 : vector<16xi32>
          %and3A_403 = arith.andi %le3A_203, %lt3A_402 : vector<16xi1>
          %add3A_404 = vector.broadcast %mul3A_136 : i32 to vector<16xi32>
          %add3A_405 = arith.addi %add3A_404, %sub3A_399 : vector<16xi32>
          tpu.vector_store_idx %arg8[%add3A_405], %get3A_196 masked %and3A_403 : memref<2048xf32, #tpu.memory_space<vmem>>[vector<16xi32>], vector<16xf32>, vector<16xi1>
          %add3A_406 = vector.broadcast %mul3A_136 : i32 to vector<16xi32>
          %add3A_407 = arith.addi %add3A_406, %sub3A_399 : vector<16xi32>
          %add3A_408 = arith.constant 112 : i32
          %add3A_409 = arith.addi %mul3A_148, %add3A_408 : i32
          %add3A_410 = vector.broadcast %add3A_409 : i32 to vector<16xi32>
          %add3A_411 = arith.addi %add3A_410, %iota3A : vector<16xi32>
          tpu.vector_store_idx %arg9[%add3A_407], %add3A_411 masked %and3A_403 : memref<2048xi32, #tpu.memory_space<vmem>>[vector<16xi32>], vector<16xi32>, vector<16xi1>
          %reduce_sum3A_412 = arith.constant true
          %reduce_sum3A_413 = vector.broadcast %reduce_sum3A_412 : i1 to vector<16xi1>
          %reduce_sum3A_414 = tpu.scan <sum>, %convert_element_type3A_391 masked %reduce_sum3A_413 : vector<16xi32>, vector<16xi1> -> vector<16xi32>
          %reduce_sum3A_415 = vector.extract %reduce_sum3A_414[15] : i32 from vector<16xi32>
          %add3A_416 = arith.addi %add3A_390, %reduce_sum3A_415 : i32
          scf.yield %add3A_416 : i32
        } else {
          scf.yield %scan3A_146 : i32
        }
        scf.yield %cond3A_212 : i32
      }
      %scan3A_143 = arith.constant 64 : i32
      %scan3A_144 = arith.constant 0 : i32
      scf.yield %scan3A_144 : i32
    }
    %scan3A_30 = arith.constant 8 : i32
    %dma_wait3A = arith.constant 0 : i32
    %dma_wait3A_31 = arith.constant 0 : i32
    %dma_wait3A_32 = tpu.memref_slice %arg6[%dma_wait3A, %dma_wait3A_31] : memref<2x8192xf32, #tpu.memory_space<vmem>> -> memref<1x8192xf32, #tpu.memory_space<vmem>>
    %dma_wait3A_33 = tpu.memref_squeeze %dma_wait3A_32 : memref<1x8192xf32, #tpu.memory_space<vmem>> -> memref<8192xf32, #tpu.memory_space<vmem>>
    %dma_wait3A_34 = arith.constant 0 : i32
    %dma_wait3A_35 = tpu.memref_slice %arg2[%mul3A_2, %dma_wait3A_34] : memref<512x8192xf32, #tpu.memory_space<hbm>> -> memref<1x8192xf32, #tpu.memory_space<hbm>>
    %dma_wait3A_36 = tpu.memref_squeeze %dma_wait3A_35 : memref<1x8192xf32, #tpu.memory_space<hbm>> -> memref<8192xf32, #tpu.memory_space<hbm>>
    %dma_wait3A_37 = arith.constant 0 : i32
    %dma_wait3A_38 = tpu.memref_slice %arg6[%dma_wait3A, %dma_wait3A_37] : memref<2x8192xf32, #tpu.memory_space<vmem>> -> memref<1x8192xf32, #tpu.memory_space<vmem>>
    %dma_wait3A_39 = tpu.memref_squeeze %dma_wait3A_38 : memref<1x8192xf32, #tpu.memory_space<vmem>> -> memref<8192xf32, #tpu.memory_space<vmem>>
    %dma_wait3A_40 = arith.constant 0 : i32
    %dma_wait3A_41 = tpu.memref_slice %arg2[%mul3A_2, %dma_wait3A_40] : memref<512x8192xf32, #tpu.memory_space<hbm>> -> memref<1x8192xf32, #tpu.memory_space<hbm>>
    %dma_wait3A_42 = tpu.memref_squeeze %dma_wait3A_41 : memref<1x8192xf32, #tpu.memory_space<hbm>> -> memref<8192xf32, #tpu.memory_space<hbm>>
    tpu.wait_dma2 semaphore(%arg10 : memref<!tpu.dma_semaphore, #tpu.memory_space<semaphore_mem>>) src(%dma_wait3A_42 : memref<8192xf32, #tpu.memory_space<hbm>>) dst(%dma_wait3A_39 : memref<8192xf32, #tpu.memory_space<vmem>>)
    %mul3A_43 = arith.constant 128 : i32
    %mul3A_44 = arith.muli %mul3A_2, %mul3A_43 : i32
    "tpu.region"() ({
      %run_scoped3A = tpu.sem_alloc : memref<!tpu.dma_semaphore, #tpu.memory_space<semaphore_mem>>
      %dma_start3A_47 = tpu.memref_slice %arg4[%mul3A_44] : memref<65536xf32, #tpu.memory_space<hbm>> -> memref<2048xf32, #tpu.memory_space<hbm>>
      %dma_start3A_48 = tpu.memref_slice %arg4[%mul3A_44] : memref<65536xf32, #tpu.memory_space<hbm>> -> memref<2048xf32, #tpu.memory_space<hbm>>
      tpu.enqueue_dma source(%arg8 : memref<2048xf32, #tpu.memory_space<vmem>>) target(%dma_start3A_48 : memref<2048xf32, #tpu.memory_space<hbm>>) target_semaphore(%run_scoped3A : memref<!tpu.dma_semaphore, #tpu.memory_space<semaphore_mem>>)
      %dma_wait3A_49 = tpu.memref_slice %arg4[%mul3A_44] : memref<65536xf32, #tpu.memory_space<hbm>> -> memref<2048xf32, #tpu.memory_space<hbm>>
      %dma_wait3A_50 = tpu.memref_slice %arg4[%mul3A_44] : memref<65536xf32, #tpu.memory_space<hbm>> -> memref<2048xf32, #tpu.memory_space<hbm>>
      tpu.wait_dma2 semaphore(%run_scoped3A : memref<!tpu.dma_semaphore, #tpu.memory_space<semaphore_mem>>) src(%arg8 : memref<2048xf32, #tpu.memory_space<vmem>>) dst(%dma_wait3A_50 : memref<2048xf32, #tpu.memory_space<hbm>>)
      tpu.yield
    }) : () -> ()
    %mul3A_45 = arith.constant 128 : i32
    %mul3A_46 = arith.muli %mul3A_2, %mul3A_45 : i32
    "tpu.region"() ({
      %run_scoped3A = tpu.sem_alloc : memref<!tpu.dma_semaphore, #tpu.memory_space<semaphore_mem>>
      %dma_start3A_47 = tpu.memref_slice %arg5[%mul3A_46] : memref<65536xi32, #tpu.memory_space<hbm>> -> memref<2048xi32, #tpu.memory_space<hbm>>
      %dma_start3A_48 = tpu.memref_slice %arg5[%mul3A_46] : memref<65536xi32, #tpu.memory_space<hbm>> -> memref<2048xi32, #tpu.memory_space<hbm>>
      tpu.enqueue_dma source(%arg9 : memref<2048xi32, #tpu.memory_space<vmem>>) target(%dma_start3A_48 : memref<2048xi32, #tpu.memory_space<hbm>>) target_semaphore(%run_scoped3A : memref<!tpu.dma_semaphore, #tpu.memory_space<semaphore_mem>>)
      %dma_wait3A_49 = tpu.memref_slice %arg5[%mul3A_46] : memref<65536xi32, #tpu.memory_space<hbm>> -> memref<2048xi32, #tpu.memory_space<hbm>>
      %dma_wait3A_50 = tpu.memref_slice %arg5[%mul3A_46] : memref<65536xi32, #tpu.memory_space<hbm>> -> memref<2048xi32, #tpu.memory_space<hbm>>
      tpu.wait_dma2 semaphore(%run_scoped3A : memref<!tpu.dma_semaphore, #tpu.memory_space<semaphore_mem>>) src(%arg9 : memref<2048xi32, #tpu.memory_space<vmem>>) dst(%dma_wait3A_50 : memref<2048xi32, #tpu.memory_space<hbm>>)
      tpu.yield
    }) : () -> ()
    return
  }
}

#map = affine_map<(d0, d1) -> (0, 0)>
#map1 = affine_map<(d0, d1) -> (0)>
module attributes {stable_mosaic.version = 14 : i64} {
  func.func @_sc_gather_kernel(%arg0: i32, %arg1: i32, %arg2: memref<65536x16xf32, #tpu.memory_space<hbm>>, %arg3: memref<65536xi32, #tpu.memory_space<hbm>>, %arg4: memref<65536x16xf32, #tpu.memory_space<hbm>>, %arg5: memref<2048xi32, #tpu.memory_space<vmem>>, %arg6: memref<2048x16xf32, #tpu.memory_space<vmem>>, %arg7: memref<!tpu.dma_semaphore, #tpu.memory_space<semaphore_mem>>) attributes {dimension_semantics = [#tpu.dimension_semantics<core_parallel>, #tpu.dimension_semantics<subcore_parallel>], iteration_bounds = array<i64: 2, 16>, scalar_prefetch = 0 : i64, scratch_operands = 3 : i64, tpu.core_type = #tpu.core_type<sc_vector_subcore>, window_params = [{transform_indices = #map}, {transform_indices = #map1}, {transform_indices = #map}]} {
    %mul3A = arith.constant 2 : i32
    %mul3A_0 = arith.muli %arg1, %mul3A : i32
    %add3A = arith.addi %mul3A_0, %arg0 : i32
    %jit3A = arith.constant 4 : i32
    %div3A = arith.divsi %add3A, %jit3A : i32
    %sign3A = arith.constant 0 : i32
    %sign3A_1 = arith.cmpi sgt, %add3A, %sign3A : i32
    %sign3A_2 = arith.extui %sign3A_1 : i1 to i32
    %sign3A_3 = arith.constant 0 : i32
    %sign3A_4 = arith.cmpi slt, %add3A, %sign3A_3 : i32
    %sign3A_5 = arith.extui %sign3A_4 : i1 to i32
    %sign3A_6 = arith.subi %sign3A_2, %sign3A_5 : i32
    %sign3A_7 = arith.constant 0 : i32
    %sign3A_8 = arith.cmpi sgt, %jit3A, %sign3A_7 : i32
    %sign3A_9 = arith.extui %sign3A_8 : i1 to i32
    %sign3A_10 = arith.constant 0 : i32
    %sign3A_11 = arith.cmpi slt, %jit3A, %sign3A_10 : i32
    %sign3A_12 = arith.extui %sign3A_11 : i1 to i32
    %sign3A_13 = arith.subi %sign3A_9, %sign3A_12 : i32
    %ne3A = arith.cmpi ne, %sign3A_6, %sign3A_13 : i32
    %rem3A = arith.remsi %add3A, %jit3A : i32
    %ne3A_14 = arith.constant 0 : i32
    %ne3A_15 = arith.cmpi ne, %rem3A, %ne3A_14 : i32
    %and3A = arith.andi %ne3A, %ne3A_15 : i1
    %sub3A = arith.constant 1 : i32
    %sub3A_16 = arith.subi %div3A, %sub3A : i32
    %select_n3A = arith.select %and3A, %sub3A_16, %div3A : i32
    %mul3A_17 = arith.constant 8192 : i32
    %mul3A_18 = arith.muli %select_n3A, %mul3A_17 : i32
    %jit3A_19 = arith.constant 4 : i32
    %eq3A = arith.constant 0 : i32
    %eq3A_20 = arith.cmpi eq, %jit3A_19, %eq3A : i32
    %jit3A_21 = arith.constant 1 : i32
    %select_n3A_22 = arith.select %eq3A_20, %jit3A_21, %jit3A_19 : i32
    %rem3A_23 = arith.remsi %add3A, %select_n3A_22 : i32
    %ne3A_24 = arith.constant 0 : i32
    %ne3A_25 = arith.cmpi ne, %rem3A_23, %ne3A_24 : i32
    %lt3A = arith.constant 0 : i32
    %lt3A_26 = arith.cmpi slt, %rem3A_23, %lt3A : i32
    %lt3A_27 = arith.constant 0 : i32
    %lt3A_28 = arith.cmpi slt, %select_n3A_22, %lt3A_27 : i32
    %ne3A_29 = arith.xori %lt3A_26, %lt3A_28 : i1
    %and3A_30 = arith.andi %ne3A_29, %ne3A_25 : i1
    %add3A_31 = arith.addi %rem3A_23, %select_n3A_22 : i32
    %select_n3A_32 = arith.select %and3A_30, %add3A_31, %rem3A_23 : i32
    %mul3A_33 = arith.constant 2048 : i32
    %mul3A_34 = arith.muli %select_n3A_32, %mul3A_33 : i32
    %add3A_35 = arith.addi %mul3A_18, %mul3A_34 : i32
    "tpu.region"() ({
      %run_scoped3A = tpu.sem_alloc : memref<!tpu.dma_semaphore, #tpu.memory_space<semaphore_mem>>
      %dma_start3A_48 = tpu.memref_slice %arg3[%add3A_35] : memref<65536xi32, #tpu.memory_space<hbm>> -> memref<2048xi32, #tpu.memory_space<hbm>>
      %dma_start3A_49 = tpu.memref_slice %arg3[%add3A_35] : memref<65536xi32, #tpu.memory_space<hbm>> -> memref<2048xi32, #tpu.memory_space<hbm>>
      tpu.enqueue_dma source(%dma_start3A_49 : memref<2048xi32, #tpu.memory_space<hbm>>) target(%arg5 : memref<2048xi32, #tpu.memory_space<vmem>>) target_semaphore(%run_scoped3A : memref<!tpu.dma_semaphore, #tpu.memory_space<semaphore_mem>>)
      %dma_wait3A_50 = tpu.memref_slice %arg3[%add3A_35] : memref<65536xi32, #tpu.memory_space<hbm>> -> memref<2048xi32, #tpu.memory_space<hbm>>
      %dma_wait3A_51 = tpu.memref_slice %arg3[%add3A_35] : memref<65536xi32, #tpu.memory_space<hbm>> -> memref<2048xi32, #tpu.memory_space<hbm>>
      tpu.wait_dma2 semaphore(%run_scoped3A : memref<!tpu.dma_semaphore, #tpu.memory_space<semaphore_mem>>) src(%dma_wait3A_51 : memref<2048xi32, #tpu.memory_space<hbm>>) dst(%arg5 : memref<2048xi32, #tpu.memory_space<vmem>>)
      tpu.yield
    }) : () -> ()
    %mul3A_36 = arith.constant 8192 : i32
    %mul3A_37 = arith.muli %select_n3A, %mul3A_36 : i32
    %scan3A = arith.constant 0 : i32
    %scan3A_38 = arith.constant 0 : i32
    %scan3A_39 = arith.constant 128 : i32
    %scan3A_40 = arith.addi %scan3A_38, %scan3A_39 : i32
    %scan3A_41 = arith.constant 1 : i32
    %scan3A_42 = scf.for %scan3A_48 = %scan3A_38 to %scan3A_40 step %scan3A_41 iter_args(%scan3A_49 = %scan3A) -> (i32)  : i32 {
      %mul3A_50 = arith.constant 16 : i32
      %mul3A_51 = arith.muli %scan3A_48, %mul3A_50 : i32
      %get3A = arith.index_cast %mul3A_51 : i32 to index
      %get3A_52 = tpu.vector_load %arg5[%get3A] {strides = array<i32>} : memref<2048xi32, #tpu.memory_space<vmem>>, vector<16xi32>,
      %get3A_53 = vector.shape_cast %get3A_52 : vector<16xi32> to vector<16xi32>
      %add3A_54 = vector.broadcast %mul3A_37 : i32 to vector<16xi32>
      %add3A_55 = arith.addi %get3A_53, %add3A_54 : vector<16xi32>
      %mul3A_56 = arith.constant 16 : i32
      %mul3A_57 = arith.muli %scan3A_48, %mul3A_56 : i32
      %swap3A = arith.index_cast %mul3A_57 : i32 to index
      %swap3A_58 = tpu.vector_load %arg5[%swap3A] {strides = array<i32>} : memref<2048xi32, #tpu.memory_space<vmem>>, vector<16xi32>,
      %swap3A_59 = vector.shape_cast %swap3A_58 : vector<16xi32> to vector<16xi32>
      %swap3A_60 = vector.shape_cast %add3A_55 : vector<16xi32> to vector<16xi32>
      tpu.vector_store %arg5[%swap3A], %swap3A_60 {strides = array<i32>} : memref<2048xi32, #tpu.memory_space<vmem>>, vector<16xi32>,
      %scan3A_61 = arith.constant 0 : i32
      scf.yield %scan3A_61 : i32
    }
    %scan3A_43 = arith.constant 128 : i32
    %dma_start3A = arith.constant 0 : i32
    %dma_start3A_44 = arith.constant 0 : i32
    %dma_start3A_45 = tpu.memref_slice %arg2[%dma_start3A, %dma_start3A_44] : memref<65536x16xf32, #tpu.memory_space<hbm>> -> memref<65536x16xf32, #tpu.memory_space<hbm>>
    tpu.enqueue_indirect_dma source(%dma_start3A_45 : memref<65536x16xf32, #tpu.memory_space<hbm>>) target(%arg6 : memref<2048x16xf32, #tpu.memory_space<vmem>>) offsets(%arg5 : memref<2048xi32, #tpu.memory_space<vmem>>) semaphore(%arg7 : memref<!tpu.dma_semaphore, #tpu.memory_space<semaphore_mem>>)
    %dma_wait3A = arith.constant 0 : i32
    %dma_wait3A_46 = arith.constant 0 : i32
    %dma_wait3A_47 = tpu.memref_slice %arg2[%dma_wait3A, %dma_wait3A_46] : memref<65536x16xf32, #tpu.memory_space<hbm>> -> memref<65536x16xf32, #tpu.memory_space<hbm>>
    tpu.wait_indirect_dma semaphore(%arg7 : memref<!tpu.dma_semaphore, #tpu.memory_space<semaphore_mem>>) src(%dma_wait3A_47 : memref<65536x16xf32, #tpu.memory_space<hbm>>) dst(%arg6 : memref<2048x16xf32, #tpu.memory_space<vmem>>)
    "tpu.region"() ({
      %run_scoped3A = tpu.sem_alloc : memref<!tpu.dma_semaphore, #tpu.memory_space<semaphore_mem>>
      %dma_start3A_48 = arith.constant 0 : i32
      %dma_start3A_49 = tpu.memref_slice %arg4[%add3A_35, %dma_start3A_48] : memref<65536x16xf32, #tpu.memory_space<hbm>> -> memref<2048x16xf32, #tpu.memory_space<hbm>>
      %dma_start3A_50 = arith.constant 0 : i32
      %dma_start3A_51 = tpu.memref_slice %arg4[%add3A_35, %dma_start3A_50] : memref<65536x16xf32, #tpu.memory_space<hbm>> -> memref<2048x16xf32, #tpu.memory_space<hbm>>
      tpu.enqueue_dma source(%arg6 : memref<2048x16xf32, #tpu.memory_space<vmem>>) target(%dma_start3A_51 : memref<2048x16xf32, #tpu.memory_space<hbm>>) target_semaphore(%run_scoped3A : memref<!tpu.dma_semaphore, #tpu.memory_space<semaphore_mem>>)
      %dma_wait3A_52 = arith.constant 0 : i32
      %dma_wait3A_53 = tpu.memref_slice %arg4[%add3A_35, %dma_wait3A_52] : memref<65536x16xf32, #tpu.memory_space<hbm>> -> memref<2048x16xf32, #tpu.memory_space<hbm>>
      %dma_wait3A_54 = arith.constant 0 : i32
      %dma_wait3A_55 = tpu.memref_slice %arg4[%add3A_35, %dma_wait3A_54] : memref<65536x16xf32, #tpu.memory_space<hbm>> -> memref<2048x16xf32, #tpu.memory_space<hbm>>
      tpu.wait_dma2 semaphore(%run_scoped3A : memref<!tpu.dma_semaphore, #tpu.memory_space<semaphore_mem>>) src(%arg6 : memref<2048x16xf32, #tpu.memory_space<vmem>>) dst(%dma_wait3A_55 : memref<2048x16xf32, #tpu.memory_space<hbm>>)
      tpu.yield
    }) : () -> ()
    return
  }
}

module attributes {stable_mosaic.version = 14 : i64} {
  func.func @_fps_kernel(%arg0: memref<8x8192xf32, #tpu.memory_space<vmem>>, %arg1: memref<8x8192xf32, #tpu.memory_space<vmem>>, %arg2: memref<8x8192xf32, #tpu.memory_space<vmem>>, %arg3: memref<8x256xf32, #tpu.memory_space<vmem>>, %arg4: memref<8x256xf32, #tpu.memory_space<vmem>>, %arg5: memref<8x256xf32, #tpu.memory_space<vmem>>, %arg6: memref<8x8192xf32, #tpu.memory_space<vmem>>) attributes {dimension_semantics = [], scalar_prefetch = 0 : i64, scratch_operands = 1 : i64, tpu.core_type = #tpu.core_type<tc>} {
    %get3A = arith.constant 0 : index
    %get3A_0 = arith.constant 0 : index
    %get3A_1 = vector.load %arg0[%get3A, %get3A_0] : memref<8x8192xf32, #tpu.memory_space<vmem>>, vector<8x8192xf32>
    %get3A_2 = arith.constant 0 : index
    %get3A_3 = arith.constant 0 : index
    %get3A_4 = vector.load %arg1[%get3A_2, %get3A_3] : memref<8x8192xf32, #tpu.memory_space<vmem>>, vector<8x8192xf32>
    %get3A_5 = arith.constant 0 : index
    %get3A_6 = arith.constant 0 : index
    %get3A_7 = vector.load %arg2[%get3A_5, %get3A_6] : memref<8x8192xf32, #tpu.memory_space<vmem>>, vector<8x8192xf32>
    %iota3A = tpu.iota {dimensions = array<i32: 1>} : vector<8x8192xi32>
    %iota3A_8 = tpu.iota {dimensions = array<i32: 1>} : vector<8x256xi32>
    %broadcast_in_dim3A = arith.constant 1.000000e+10 : f32
    %broadcast_in_dim3A_9 = vector.broadcast %broadcast_in_dim3A : f32 to vector<8x8192xf32>
    %swap3A = arith.constant 0 : index
    %swap3A_10 = arith.constant 0 : index
    %swap3A_11 = vector.load %arg6[%swap3A, %swap3A_10] : memref<8x8192xf32, #tpu.memory_space<vmem>>, vector<8x8192xf32>
    tpu.vector_store %arg6[%swap3A, %swap3A_10], %broadcast_in_dim3A_9 {strides = array<i32>} : memref<8x8192xf32, #tpu.memory_space<vmem>>, vector<8x8192xf32>,
    %broadcast_in_dim3A_12 = arith.constant 0 : i32
    %broadcast_in_dim3A_13 = vector.broadcast %broadcast_in_dim3A_12 : i32 to vector<8x1xi32>
    %scan3A = arith.constant 0 : i32
    %scan3A_14 = arith.constant 256 : i32
    %scan3A_15 = arith.addi %scan3A, %scan3A_14 : i32
    %scan3A_16 = arith.constant 1 : i32
    %scan3A_17 = scf.for %scan3A_19 = %scan3A to %scan3A_15 step %scan3A_16 iter_args(%scan3A_20 = %broadcast_in_dim3A_13) -> (vector<8x1xi32>)  : i32 {
      %eq3A = vector.broadcast %scan3A_20 : vector<8x1xi32> to vector<8x8192xi32>
      %eq3A_21 = arith.cmpi eq, %iota3A, %eq3A : vector<8x8192xi32>
      %jit3A = arith.constant 0.000000e+00 : f32
      %broadcast_in_dim3A_22 = vector.broadcast %jit3A : f32 to vector<8x8192xf32>
      %select_n3A = arith.select %eq3A_21, %get3A_1, %broadcast_in_dim3A_22 : vector<8x8192xi1>, vector<8x8192xf32>
      %reduce_sum3A = arith.constant dense<0.000000e+00> : vector<8xf32>
      %reduce_sum3A_23 = vector.multi_reduction <add>, %select_n3A, %reduce_sum3A [1] : vector<8x8192xf32> to vector<8xf32>
      %broadcast_in_dim3A_24 = vector.shape_cast %reduce_sum3A_23 : vector<8xf32> to vector<8x1xf32>
      %jit3A_25 = arith.constant 0.000000e+00 : f32
      %broadcast_in_dim3A_26 = vector.broadcast %jit3A_25 : f32 to vector<8x8192xf32>
      %select_n3A_27 = arith.select %eq3A_21, %get3A_4, %broadcast_in_dim3A_26 : vector<8x8192xi1>, vector<8x8192xf32>
      %reduce_sum3A_28 = arith.constant dense<0.000000e+00> : vector<8xf32>
      %reduce_sum3A_29 = vector.multi_reduction <add>, %select_n3A_27, %reduce_sum3A_28 [1] : vector<8x8192xf32> to vector<8xf32>
      %broadcast_in_dim3A_30 = vector.shape_cast %reduce_sum3A_29 : vector<8xf32> to vector<8x1xf32>
      %jit3A_31 = arith.constant 0.000000e+00 : f32
      %broadcast_in_dim3A_32 = vector.broadcast %jit3A_31 : f32 to vector<8x8192xf32>
      %select_n3A_33 = arith.select %eq3A_21, %get3A_7, %broadcast_in_dim3A_32 : vector<8x8192xi1>, vector<8x8192xf32>
      %reduce_sum3A_34 = arith.constant dense<0.000000e+00> : vector<8xf32>
      %reduce_sum3A_35 = vector.multi_reduction <add>, %select_n3A_33, %reduce_sum3A_34 [1] : vector<8x8192xf32> to vector<8xf32>
      %broadcast_in_dim3A_36 = vector.shape_cast %reduce_sum3A_35 : vector<8xf32> to vector<8x1xf32>
      %eq3A_37 = vector.broadcast %scan3A_19 : i32 to vector<8x256xi32>
      %eq3A_38 = arith.cmpi eq, %iota3A_8, %eq3A_37 : vector<8x256xi32>
      %get3A_39 = arith.constant 0 : index
      %get3A_40 = arith.constant 0 : index
      %get3A_41 = vector.load %arg3[%get3A_39, %get3A_40] : memref<8x256xf32, #tpu.memory_space<vmem>>, vector<8x256xf32>
      %broadcast_in_dim3A_42 = vector.shape_cast %broadcast_in_dim3A_24 : vector<8x1xf32> to vector<8x1xf32>
      %broadcast_in_dim3A_43 = vector.broadcast %broadcast_in_dim3A_42 : vector<8x1xf32> to vector<8x256xf32>
      %select_n3A_44 = arith.select %eq3A_38, %broadcast_in_dim3A_43, %get3A_41 : vector<8x256xi1>, vector<8x256xf32>
      %swap3A_45 = arith.constant 0 : index
      %swap3A_46 = arith.constant 0 : index
      %swap3A_47 = vector.load %arg3[%swap3A_45, %swap3A_46] : memref<8x256xf32, #tpu.memory_space<vmem>>, vector<8x256xf32>
      tpu.vector_store %arg3[%swap3A_45, %swap3A_46], %select_n3A_44 {strides = array<i32>} : memref<8x256xf32, #tpu.memory_space<vmem>>, vector<8x256xf32>,
      %get3A_48 = arith.constant 0 : index
      %get3A_49 = arith.constant 0 : index
      %get3A_50 = vector.load %arg4[%get3A_48, %get3A_49] : memref<8x256xf32, #tpu.memory_space<vmem>>, vector<8x256xf32>
      %broadcast_in_dim3A_51 = vector.shape_cast %broadcast_in_dim3A_30 : vector<8x1xf32> to vector<8x1xf32>
      %broadcast_in_dim3A_52 = vector.broadcast %broadcast_in_dim3A_51 : vector<8x1xf32> to vector<8x256xf32>
      %select_n3A_53 = arith.select %eq3A_38, %broadcast_in_dim3A_52, %get3A_50 : vector<8x256xi1>, vector<8x256xf32>
      %swap3A_54 = arith.constant 0 : index
      %swap3A_55 = arith.constant 0 : index
      %swap3A_56 = vector.load %arg4[%swap3A_54, %swap3A_55] : memref<8x256xf32, #tpu.memory_space<vmem>>, vector<8x256xf32>
      tpu.vector_store %arg4[%swap3A_54, %swap3A_55], %select_n3A_53 {strides = array<i32>} : memref<8x256xf32, #tpu.memory_space<vmem>>, vector<8x256xf32>,
      %get3A_57 = arith.constant 0 : index
      %get3A_58 = arith.constant 0 : index
      %get3A_59 = vector.load %arg5[%get3A_57, %get3A_58] : memref<8x256xf32, #tpu.memory_space<vmem>>, vector<8x256xf32>
      %broadcast_in_dim3A_60 = vector.shape_cast %broadcast_in_dim3A_36 : vector<8x1xf32> to vector<8x1xf32>
      %broadcast_in_dim3A_61 = vector.broadcast %broadcast_in_dim3A_60 : vector<8x1xf32> to vector<8x256xf32>
      %select_n3A_62 = arith.select %eq3A_38, %broadcast_in_dim3A_61, %get3A_59 : vector<8x256xi1>, vector<8x256xf32>
      %swap3A_63 = arith.constant 0 : index
      %swap3A_64 = arith.constant 0 : index
      %swap3A_65 = vector.load %arg5[%swap3A_63, %swap3A_64] : memref<8x256xf32, #tpu.memory_space<vmem>>, vector<8x256xf32>
      tpu.vector_store %arg5[%swap3A_63, %swap3A_64], %select_n3A_62 {strides = array<i32>} : memref<8x256xf32, #tpu.memory_space<vmem>>, vector<8x256xf32>,
      %sub3A = vector.broadcast %broadcast_in_dim3A_24 : vector<8x1xf32> to vector<8x8192xf32>
      %sub3A_66 = arith.subf %get3A_1, %sub3A : vector<8x8192xf32>
      %integer_pow3A = arith.mulf %sub3A_66, %sub3A_66 : vector<8x8192xf32>
      %sub3A_67 = vector.broadcast %broadcast_in_dim3A_30 : vector<8x1xf32> to vector<8x8192xf32>
      %sub3A_68 = arith.subf %get3A_4, %sub3A_67 : vector<8x8192xf32>
      %integer_pow3A_69 = arith.mulf %sub3A_68, %sub3A_68 : vector<8x8192xf32>
      %add3A = arith.addf %integer_pow3A, %integer_pow3A_69 : vector<8x8192xf32>
      %sub3A_70 = vector.broadcast %broadcast_in_dim3A_36 : vector<8x1xf32> to vector<8x8192xf32>
      %sub3A_71 = arith.subf %get3A_7, %sub3A_70 : vector<8x8192xf32>
      %integer_pow3A_72 = arith.mulf %sub3A_71, %sub3A_71 : vector<8x8192xf32>
      %add3A_73 = arith.addf %add3A, %integer_pow3A_72 : vector<8x8192xf32>
      %get3A_74 = arith.constant 0 : index
      %get3A_75 = arith.constant 0 : index
      %get3A_76 = vector.load %arg6[%get3A_74, %get3A_75] : memref<8x8192xf32, #tpu.memory_space<vmem>>, vector<8x8192xf32>
      %min3A = arith.minimumf %get3A_76, %add3A_73 : vector<8x8192xf32>
      %swap3A_77 = arith.constant 0 : index
      %swap3A_78 = arith.constant 0 : index
      %swap3A_79 = vector.load %arg6[%swap3A_77, %swap3A_78] : memref<8x8192xf32, #tpu.memory_space<vmem>>, vector<8x8192xf32>
      tpu.vector_store %arg6[%swap3A_77, %swap3A_78], %min3A {strides = array<i32>} : memref<8x8192xf32, #tpu.memory_space<vmem>>, vector<8x8192xf32>,
      %reduce_max3A = arith.constant dense<0xFF800000> : vector<8xf32>
      %reduce_max3A_80 = vector.multi_reduction <maximumf>, %min3A, %reduce_max3A [1] : vector<8x8192xf32> to vector<8xf32>
      %broadcast_in_dim3A_81 = vector.shape_cast %reduce_max3A_80 : vector<8xf32> to vector<8x1xf32>
      %eq3A_82 = vector.broadcast %broadcast_in_dim3A_81 : vector<8x1xf32> to vector<8x8192xf32>
      %eq3A_83 = arith.cmpf oeq, %min3A, %eq3A_82 : vector<8x8192xf32>
      %jit3A_84 = arith.constant 8192 : i32
      %broadcast_in_dim3A_85 = vector.broadcast %jit3A_84 : i32 to vector<8x8192xi32>
      %select_n3A_86 = arith.select %eq3A_83, %iota3A, %broadcast_in_dim3A_85 : vector<8x8192xi1>, vector<8x8192xi32>
      %reduce_min3A = arith.constant dense<2147483647> : vector<8xi32>
      %reduce_min3A_87 = vector.multi_reduction <minsi>, %select_n3A_86, %reduce_min3A [1] : vector<8x8192xi32> to vector<8xi32>
      %broadcast_in_dim3A_88 = vector.shape_cast %reduce_min3A_87 : vector<8xi32> to vector<8x1xi32>
      scf.yield %broadcast_in_dim3A_88 : vector<8x1xi32>
    }
    %scan3A_18 = arith.constant 256 : i32
    return
  }
}

module attributes {stable_mosaic.version = 14 : i64} {
  func.func @_dist_kernel(%arg0: i32, %arg1: memref<1x1x8192xf32, #tpu.memory_space<vmem>>, %arg2: memref<1x1x8192xf32, #tpu.memory_space<vmem>>, %arg3: memref<1x1x8192xf32, #tpu.memory_space<vmem>>, %arg4: memref<1x256x1xf32, #tpu.memory_space<vmem>>, %arg5: memref<1x256x1xf32, #tpu.memory_space<vmem>>, %arg6: memref<1x256x1xf32, #tpu.memory_space<vmem>>, %arg7: memref<1x256x8192xf32, #tpu.memory_space<vmem>>, %arg8: memref<1x256x16xf32, #tpu.memory_space<vmem>>) attributes {dimension_semantics = [#tpu.dimension_semantics<arbitrary>], iteration_bounds = array<i64: 2>, scalar_prefetch = 0 : i64, scratch_operands = 0 : i64, tpu.core_type = #tpu.core_type<tc>, window_params = [{transform_indices = @transform_0, window_bounds = array<i64: 1, 1, 8192>}, {transform_indices = @transform_1, window_bounds = array<i64: 1, 1, 8192>}, {transform_indices = @transform_2, window_bounds = array<i64: 1, 1, 8192>}, {transform_indices = @transform_3, window_bounds = array<i64: 1, 256, 1>}, {transform_indices = @transform_4, window_bounds = array<i64: 1, 256, 1>}, {transform_indices = @transform_5, window_bounds = array<i64: 1, 256, 1>}, {transform_indices = @transform_6, window_bounds = array<i64: 1, 256, 8192>}, {transform_indices = @transform_7, window_bounds = array<i64: 1, 256, 16>}]} {
    %get3A = arith.constant 0 : index
    %get3A_0 = arith.constant 0 : index
    %get3A_1 = arith.constant 0 : index
    %get3A_2 = vector.load %arg1[%get3A, %get3A_0, %get3A_1] : memref<1x1x8192xf32, #tpu.memory_space<vmem>>, vector<1x1x8192xf32>
    %get3A_3 = vector.shape_cast %get3A_2 : vector<1x1x8192xf32> to vector<1x8192xf32>
    %get3A_4 = arith.constant 0 : index
    %get3A_5 = arith.constant 0 : index
    %get3A_6 = arith.constant 0 : index
    %get3A_7 = vector.load %arg2[%get3A_4, %get3A_5, %get3A_6] : memref<1x1x8192xf32, #tpu.memory_space<vmem>>, vector<1x1x8192xf32>
    %get3A_8 = vector.shape_cast %get3A_7 : vector<1x1x8192xf32> to vector<1x8192xf32>
    %get3A_9 = arith.constant 0 : index
    %get3A_10 = arith.constant 0 : index
    %get3A_11 = arith.constant 0 : index
    %get3A_12 = vector.load %arg3[%get3A_9, %get3A_10, %get3A_11] : memref<1x1x8192xf32, #tpu.memory_space<vmem>>, vector<1x1x8192xf32>
    %get3A_13 = vector.shape_cast %get3A_12 : vector<1x1x8192xf32> to vector<1x8192xf32>
    %get3A_14 = arith.constant 0 : index
    %get3A_15 = arith.constant 0 : index
    %get3A_16 = arith.constant 0 : index
    %get3A_17 = vector.load %arg4[%get3A_14, %get3A_15, %get3A_16] : memref<1x256x1xf32, #tpu.memory_space<vmem>>, vector<1x256x1xf32>
    %get3A_18 = vector.shape_cast %get3A_17 : vector<1x256x1xf32> to vector<256x1xf32>
    %get3A_19 = arith.constant 0 : index
    %get3A_20 = arith.constant 0 : index
    %get3A_21 = arith.constant 0 : index
    %get3A_22 = vector.load %arg5[%get3A_19, %get3A_20, %get3A_21] : memref<1x256x1xf32, #tpu.memory_space<vmem>>, vector<1x256x1xf32>
    %get3A_23 = vector.shape_cast %get3A_22 : vector<1x256x1xf32> to vector<256x1xf32>
    %get3A_24 = arith.constant 0 : index
    %get3A_25 = arith.constant 0 : index
    %get3A_26 = arith.constant 0 : index
    %get3A_27 = vector.load %arg6[%get3A_24, %get3A_25, %get3A_26] : memref<1x256x1xf32, #tpu.memory_space<vmem>>, vector<1x256x1xf32>
    %get3A_28 = vector.shape_cast %get3A_27 : vector<1x256x1xf32> to vector<256x1xf32>
    %sub3A = vector.broadcast %get3A_18 : vector<256x1xf32> to vector<256x8192xf32>
    %sub3A_29 = vector.broadcast %get3A_3 : vector<1x8192xf32> to vector<256x8192xf32>
    %sub3A_30 = arith.subf %sub3A, %sub3A_29 : vector<256x8192xf32>
    %integer_pow3A = arith.mulf %sub3A_30, %sub3A_30 : vector<256x8192xf32>
    %sub3A_31 = vector.broadcast %get3A_23 : vector<256x1xf32> to vector<256x8192xf32>
    %sub3A_32 = vector.broadcast %get3A_8 : vector<1x8192xf32> to vector<256x8192xf32>
    %sub3A_33 = arith.subf %sub3A_31, %sub3A_32 : vector<256x8192xf32>
    %integer_pow3A_34 = arith.mulf %sub3A_33, %sub3A_33 : vector<256x8192xf32>
    %add3A = arith.addf %integer_pow3A, %integer_pow3A_34 : vector<256x8192xf32>
    %sub3A_35 = vector.broadcast %get3A_28 : vector<256x1xf32> to vector<256x8192xf32>
    %sub3A_36 = vector.broadcast %get3A_13 : vector<1x8192xf32> to vector<256x8192xf32>
    %sub3A_37 = arith.subf %sub3A_35, %sub3A_36 : vector<256x8192xf32>
    %integer_pow3A_38 = arith.mulf %sub3A_37, %sub3A_37 : vector<256x8192xf32>
    %add3A_39 = arith.addf %add3A, %integer_pow3A_38 : vector<256x8192xf32>
    %swap3A = arith.constant 0 : index
    %swap3A_40 = arith.constant 0 : index
    %swap3A_41 = arith.constant 0 : index
    %swap3A_42 = vector.load %arg7[%swap3A, %swap3A_40, %swap3A_41] : memref<1x256x8192xf32, #tpu.memory_space<vmem>>, vector<1x256x8192xf32>
    %swap3A_43 = vector.shape_cast %swap3A_42 : vector<1x256x8192xf32> to vector<256x8192xf32>
    %swap3A_44 = vector.shape_cast %add3A_39 : vector<256x8192xf32> to vector<1x256x8192xf32>
    tpu.vector_store %arg7[%swap3A, %swap3A_40, %swap3A_41], %swap3A_44 {strides = array<i32>} : memref<1x256x8192xf32, #tpu.memory_space<vmem>>, vector<1x256x8192xf32>,
    %reshape3A = vector.shape_cast %add3A_39 : vector<256x8192xf32> to vector<256x64x128xf32>
    %reduce_min3A = arith.constant dense<0x7F800000> : vector<256x64xf32>
    %reduce_min3A_45 = vector.multi_reduction <minimumf>, %reshape3A, %reduce_min3A [2] : vector<256x64x128xf32> to vector<256x64xf32>
    %iota3A = tpu.iota {dimensions = array<i32: 1>} : vector<256x64xi32>
    %broadcast_in_dim3A = arith.constant 0.000000e+00 : f32
    %broadcast_in_dim3A_46 = vector.broadcast %broadcast_in_dim3A : f32 to vector<256x1xf32>
    %scan3A = arith.constant 0 : i32
    %scan3A_47 = arith.constant 32 : i32
    %scan3A_48 = arith.addi %scan3A, %scan3A_47 : i32
    %scan3A_49 = arith.constant 1 : i32
    %scan3A_50:2 = scf.for %scan3A_59 = %scan3A to %scan3A_48 step %scan3A_49 iter_args(%scan3A_60 = %reduce_min3A_45, %scan3A_61 = %broadcast_in_dim3A_46) -> (vector<256x64xf32>, vector<256x1xf32>)  : i32 {
      %reduce_min3A_62 = arith.constant dense<0x7F800000> : vector<256xf32>
      %reduce_min3A_63 = vector.multi_reduction <minimumf>, %scan3A_60, %reduce_min3A_62 [1] : vector<256x64xf32> to vector<256xf32>
      %broadcast_in_dim3A_64 = vector.shape_cast %reduce_min3A_63 : vector<256xf32> to vector<256x1xf32>
      %eq3A = vector.broadcast %broadcast_in_dim3A_64 : vector<256x1xf32> to vector<256x64xf32>
      %eq3A_65 = arith.cmpf oeq, %scan3A_60, %eq3A : vector<256x64xf32>
      %jit3A = arith.constant 64 : i32
      %broadcast_in_dim3A_66 = vector.broadcast %jit3A : i32 to vector<256x64xi32>
      %select_n3A = arith.select %eq3A_65, %iota3A, %broadcast_in_dim3A_66 : vector<256x64xi1>, vector<256x64xi32>
      %reduce_min3A_67 = arith.constant dense<2147483647> : vector<256xi32>
      %reduce_min3A_68 = vector.multi_reduction <minsi>, %select_n3A, %reduce_min3A_67 [1] : vector<256x64xi32> to vector<256xi32>
      %broadcast_in_dim3A_69 = vector.shape_cast %reduce_min3A_68 : vector<256xi32> to vector<256x1xi32>
      %eq3A_70 = vector.broadcast %broadcast_in_dim3A_69 : vector<256x1xi32> to vector<256x64xi32>
      %eq3A_71 = arith.cmpi eq, %iota3A, %eq3A_70 : vector<256x64xi32>
      %jit3A_72 = arith.constant 3.000000e+38 : f32
      %broadcast_in_dim3A_73 = vector.broadcast %jit3A_72 : f32 to vector<256x64xf32>
      %select_n3A_74 = arith.select %eq3A_71, %broadcast_in_dim3A_73, %scan3A_60 : vector<256x64xi1>, vector<256x64xf32>
      scf.yield %select_n3A_74, %broadcast_in_dim3A_64 : vector<256x64xf32>, vector<256x1xf32>
    }
    %broadcast_in_dim3A_51 = vector.shape_cast %scan3A_50#1 : vector<256x1xf32> to vector<256x1xf32>
    %broadcast_in_dim3A_52 = vector.broadcast %broadcast_in_dim3A_51 : vector<256x1xf32> to vector<256x16xf32>
    %swap3A_53 = arith.constant 0 : index
    %swap3A_54 = arith.constant 0 : index
    %swap3A_55 = arith.constant 0 : index
    %swap3A_56 = vector.load %arg8[%swap3A_53, %swap3A_54, %swap3A_55] : memref<1x256x16xf32, #tpu.memory_space<vmem>>, vector<1x256x16xf32>
    %swap3A_57 = vector.shape_cast %swap3A_56 : vector<1x256x16xf32> to vector<256x16xf32>
    %swap3A_58 = vector.shape_cast %broadcast_in_dim3A_52 : vector<256x16xf32> to vector<1x256x16xf32>
    tpu.vector_store %arg8[%swap3A_53, %swap3A_54, %swap3A_55], %swap3A_58 {strides = array<i32>} : memref<1x256x16xf32, #tpu.memory_space<vmem>>, vector<1x256x16xf32>,
    return
  }
  func.func @transform_0(%arg0: i32) -> (i32, i32, i32) {
    %c0_i32 = arith.constant 0 : i32
    %c0_i32_0 = arith.constant 0 : i32
    %c0_i32_1 = arith.constant 0 : i32
    return %arg0, %c0_i32, %c0_i32_0 : i32, i32, i32
  }
  func.func @transform_1(%arg0: i32) -> (i32, i32, i32) {
    %c0_i32 = arith.constant 0 : i32
    %c0_i32_0 = arith.constant 0 : i32
    %c0_i32_1 = arith.constant 0 : i32
    return %arg0, %c0_i32, %c0_i32_0 : i32, i32, i32
  }
  func.func @transform_2(%arg0: i32) -> (i32, i32, i32) {
    %c0_i32 = arith.constant 0 : i32
    %c0_i32_0 = arith.constant 0 : i32
    %c0_i32_1 = arith.constant 0 : i32
    return %arg0, %c0_i32, %c0_i32_0 : i32, i32, i32
  }
  func.func @transform_3(%arg0: i32) -> (i32, i32, i32) {
    %c0_i32 = arith.constant 0 : i32
    %c0_i32_0 = arith.constant 0 : i32
    %c0_i32_1 = arith.constant 0 : i32
    return %arg0, %c0_i32, %c0_i32_0 : i32, i32, i32
  }
  func.func @transform_4(%arg0: i32) -> (i32, i32, i32) {
    %c0_i32 = arith.constant 0 : i32
    %c0_i32_0 = arith.constant 0 : i32
    %c0_i32_1 = arith.constant 0 : i32
    return %arg0, %c0_i32, %c0_i32_0 : i32, i32, i32
  }
  func.func @transform_5(%arg0: i32) -> (i32, i32, i32) {
    %c0_i32 = arith.constant 0 : i32
    %c0_i32_0 = arith.constant 0 : i32
    %c0_i32_1 = arith.constant 0 : i32
    return %arg0, %c0_i32, %c0_i32_0 : i32, i32, i32
  }
  func.func @transform_6(%arg0: i32) -> (i32, i32, i32) {
    %c0_i32 = arith.constant 0 : i32
    %c0_i32_0 = arith.constant 0 : i32
    %c0_i32_1 = arith.constant 0 : i32
    return %arg0, %c0_i32, %c0_i32_0 : i32, i32, i32
  }
  func.func @transform_7(%arg0: i32) -> (i32, i32, i32) {
    %c0_i32 = arith.constant 0 : i32
    %c0_i32_0 = arith.constant 0 : i32
    %c0_i32_1 = arith.constant 0 : i32
    return %arg0, %c0_i32, %c0_i32_0 : i32, i32, i32
  }
}

module attributes {stable_mosaic.version = 14 : i64} {
  func.func @_sel_kernel(%arg0: i32, %arg1: memref<1x256x128xf32, #tpu.memory_space<vmem>>, %arg2: memref<1x256x128xi32, #tpu.memory_space<vmem>>, %arg3: memref<1x256x32xi32, #tpu.memory_space<vmem>>) attributes {dimension_semantics = [#tpu.dimension_semantics<arbitrary>], iteration_bounds = array<i64: 8>, scalar_prefetch = 0 : i64, scratch_operands = 0 : i64, tpu.core_type = #tpu.core_type<tc>, window_params = [{transform_indices = @transform_0, window_bounds = array<i64: 1, 256, 128>}, {transform_indices = @transform_1, window_bounds = array<i64: 1, 256, 128>}, {transform_indices = @transform_2, window_bounds = array<i64: 1, 256, 32>}]} {
    %get3A = arith.constant 0 : index
    %get3A_0 = arith.constant 0 : index
    %get3A_1 = arith.constant 0 : index
    %get3A_2 = vector.load %arg2[%get3A, %get3A_0, %get3A_1] : memref<1x256x128xi32, #tpu.memory_space<vmem>>, vector<1x256x128xi32>
    %get3A_3 = vector.shape_cast %get3A_2 : vector<1x256x128xi32> to vector<256x128xi32>
    %iota3A = tpu.iota {dimensions = array<i32: 1>} : vector<256x32xi32>
    %get3A_4 = arith.constant 0 : index
    %get3A_5 = arith.constant 0 : index
    %get3A_6 = arith.constant 0 : index
    %get3A_7 = vector.load %arg1[%get3A_4, %get3A_5, %get3A_6] : memref<1x256x128xf32, #tpu.memory_space<vmem>>, vector<1x256x128xf32>
    %get3A_8 = vector.shape_cast %get3A_7 : vector<1x256x128xf32> to vector<256x128xf32>
    %scan3A = arith.constant 0 : i32
    %scan3A_9 = arith.constant 32 : i32
    %scan3A_10 = arith.addi %scan3A, %scan3A_9 : i32
    %scan3A_11 = arith.constant 1 : i32
    %scan3A_12 = scf.for %scan3A_14 = %scan3A to %scan3A_10 step %scan3A_11 iter_args(%scan3A_15 = %get3A_8) -> (vector<256x128xf32>)  : i32 {
      %reduce_min3A = arith.constant dense<0x7F800000> : vector<256xf32>
      %reduce_min3A_16 = vector.multi_reduction <minimumf>, %scan3A_15, %reduce_min3A [1] : vector<256x128xf32> to vector<256xf32>
      %broadcast_in_dim3A = vector.shape_cast %reduce_min3A_16 : vector<256xf32> to vector<256x1xf32>
      %eq3A = vector.broadcast %broadcast_in_dim3A : vector<256x1xf32> to vector<256x128xf32>
      %eq3A_17 = arith.cmpf oeq, %scan3A_15, %eq3A : vector<256x128xf32>
      %jit3A = arith.constant 8192 : i32
      %broadcast_in_dim3A_18 = vector.broadcast %jit3A : i32 to vector<256x128xi32>
      %select_n3A = arith.select %eq3A_17, %get3A_3, %broadcast_in_dim3A_18 : vector<256x128xi1>, vector<256x128xi32>
      %reduce_min3A_19 = arith.constant dense<2147483647> : vector<256xi32>
      %reduce_min3A_20 = vector.multi_reduction <minsi>, %select_n3A, %reduce_min3A_19 [1] : vector<256x128xi32> to vector<256xi32>
      %broadcast_in_dim3A_21 = vector.shape_cast %reduce_min3A_20 : vector<256xi32> to vector<256x1xi32>
      %eq3A_22 = vector.broadcast %broadcast_in_dim3A : vector<256x1xf32> to vector<256x128xf32>
      %eq3A_23 = arith.cmpf oeq, %scan3A_15, %eq3A_22 : vector<256x128xf32>
      %eq3A_24 = vector.broadcast %broadcast_in_dim3A_21 : vector<256x1xi32> to vector<256x128xi32>
      %eq3A_25 = arith.cmpi eq, %get3A_3, %eq3A_24 : vector<256x128xi32>
      %and3A = arith.andi %eq3A_23, %eq3A_25 : vector<256x128xi1>
      %jit3A_26 = arith.constant 3.000000e+38 : f32
      %broadcast_in_dim3A_27 = vector.broadcast %jit3A_26 : f32 to vector<256x128xf32>
      %select_n3A_28 = arith.select %and3A, %broadcast_in_dim3A_27, %scan3A_15 : vector<256x128xi1>, vector<256x128xf32>
      %eq3A_29 = vector.broadcast %scan3A_14 : i32 to vector<256x32xi32>
      %eq3A_30 = arith.cmpi eq, %iota3A, %eq3A_29 : vector<256x32xi32>
      %get3A_31 = arith.constant 0 : index
      %get3A_32 = arith.constant 0 : index
      %get3A_33 = arith.constant 0 : index
      %get3A_34 = vector.load %arg3[%get3A_31, %get3A_32, %get3A_33] : memref<1x256x32xi32, #tpu.memory_space<vmem>>, vector<1x256x32xi32>
      %get3A_35 = vector.shape_cast %get3A_34 : vector<1x256x32xi32> to vector<256x32xi32>
      %broadcast_in_dim3A_36 = vector.shape_cast %broadcast_in_dim3A_21 : vector<256x1xi32> to vector<256x1xi32>
      %broadcast_in_dim3A_37 = vector.broadcast %broadcast_in_dim3A_36 : vector<256x1xi32> to vector<256x32xi32>
      %select_n3A_38 = arith.select %eq3A_30, %broadcast_in_dim3A_37, %get3A_35 : vector<256x32xi1>, vector<256x32xi32>
      %swap3A = arith.constant 0 : index
      %swap3A_39 = arith.constant 0 : index
      %swap3A_40 = arith.constant 0 : index
      %swap3A_41 = vector.load %arg3[%swap3A, %swap3A_39, %swap3A_40] : memref<1x256x32xi32, #tpu.memory_space<vmem>>, vector<1x256x32xi32>
      %swap3A_42 = vector.shape_cast %swap3A_41 : vector<1x256x32xi32> to vector<256x32xi32>
      %swap3A_43 = vector.shape_cast %select_n3A_38 : vector<256x32xi32> to vector<1x256x32xi32>
      tpu.vector_store %arg3[%swap3A, %swap3A_39, %swap3A_40], %swap3A_43 {strides = array<i32>} : memref<1x256x32xi32, #tpu.memory_space<vmem>>, vector<1x256x32xi32>,
      scf.yield %select_n3A_28 : vector<256x128xf32>
    }
    %scan3A_13 = arith.constant 32 : i32
    return
  }
  func.func @transform_0(%arg0: i32) -> (i32, i32, i32) {
    %c0_i32 = arith.constant 0 : i32
    %c0_i32_0 = arith.constant 0 : i32
    %c0_i32_1 = arith.constant 0 : i32
    return %arg0, %c0_i32, %c0_i32_0 : i32, i32, i32
  }
  func.func @transform_1(%arg0: i32) -> (i32, i32, i32) {
    %c0_i32 = arith.constant 0 : i32
    %c0_i32_0 = arith.constant 0 : i32
    %c0_i32_1 = arith.constant 0 : i32
    return %arg0, %c0_i32, %c0_i32_0 : i32, i32, i32
  }
  func.func @transform_2(%arg0: i32) -> (i32, i32, i32) {
    %c0_i32 = arith.constant 0 : i32
    %c0_i32_0 = arith.constant 0 : i32
    %c0_i32_1 = arith.constant 0 : i32
    return %arg0, %c0_i32, %c0_i32_0 : i32, i32, i32
  }
}

</mosaic_0001>

<sc_bundles>
// kernel: kernel.13.cloned.1.call-start
scs
__scs_entry_jumppad:
0x0: {  	(pc) =	sbr.rel $0x88, $3  }
0x1: {  	(tag) =	ssettag $0x0;
	lr =	simm.s32 $0x1  }
0x2: {  	[smem:$0x3FA0] =	sst lr;
	_ =	strace $0xD0000000  }
0x3: {  	_ = 	snop  }
0x4: {  	_ = 	snop  }
0x5: {  	_ = 	snop  }
0x6: {  	_ = 	snop  }
0x7: {  	_ = 	snop  }
__scs_overlays_trampoline_lowered:
0x8: {  	[smem:$0x3FAF] =	sst s0  }
0x9: {  	[smem:$0x3FB0] =	sst s1  }
0xa: {  	[smem:$0x3FB1] =	sst s2  }
0xb: {  	[smem:$0x3FB2] =	sst s3  }
0xc: {  	[smem:$0x3FB3] =	sst s4  }
0xd: {  	[smem:$0x3FB4] =	sst s5  }
0xe: {  	[smem:$0x3FB5] =	sst s6  }
0xf: {  	[smem:$0x3FB6] =	sst s7  }
0x10: {  	[smem:$0x3FB7] =	sst s8  }
0x11: {  	[smem:$0x3FB8] =	sst s9;
	s0 =	simm.s32 @!p0 $0x0  }
0x12: {  	s1 =	sld [smem:$0x3F9E];
	s0 =	simm.s32 @p0 $0x1  }
0x13: {  	[smem:$0x3FB9] =	sst s0;
	s0 =	simm.s32 @!p1 $0x0  }
0x14: {  	s2 =	sld [smem:$0x3F9D];
	s0 =	simm.s32 @p1 $0x1  }
0x15: {  	[smem:$0x3FBA] =	sst s0;
	s0 =	simm.s32 @!p2 $0x0  }
0x16: {  	s3 =	sld [smem:$0x3FDB];
	s0 =	simm.s32 @p2 $0x1  }
0x17: {  	s4 =	simm.s32 $0x1BF5;
	[smem:$0x3FBC] =	sst s0  }
0x18: {  	s0 =	sld [smem:$0x3F9F];
	_ =	swait.ge [sflag:s4], $0x0  }
0x19: {  	s7 =	sld [smem:$0x3FA0]  }
0x1a: {  	s8 =	sadd.s32 $0xFFFFE003, lr  }
0x1b: {  	s9 =	sadd.s32 $0xFFFFFEF7, lr;
	s5 =	simm.s32 $0xFFFFFFFF;
	p2 =	slt.u32 s8, $0xFFFFF086  }
0x1c: {  	p1 =	slt.u32 s9, $0xF7A;
	s5 =	simm.s32 @!p2 $0x0  }
0x1d: {  	s5 =	simm.s32 @p1 $0x1;
	p0 =	seq.s32 s7, s2  }
0x1e: {  	s7 =	smul.u32 @!p0 $0xF7A, s2;
	p2 =	seq.s32 @!p0 s5, $0x0  }
0x1f: {  	s9 =	smul.u32 $0xF7A, s1;
	s8 =	simm.s32 @!p0 $0x1BF5;
	p2 =	por !p2, p0  }
0x20: {  	[sflag:s8] =	ssyncset.s32 @!p0 $0xFFFFF086;
	s6 =	sadd.s32 @!p0 s3, s7;
	s7 =	simm.s32 @!p0 $0x108  }
0x21: {  	s3 =	sadd.s32 s3, s9;
	s6 =	sadd.s32 @!p0 $0x88, s6;
	s7 =	simm.s32 @p2 $0x1082  }
0x22: {  	[simem:s7], [sflag:s8] =	dma.local @!p0 [hbm:s6], $0xF7A  }
0x23: {  	s9 =	sor.u32 $0xD0000000, s2;
	s6 =	simm.s32 $0x108;
	_ =	swait.ge @!p0 [sflag:s8], $0x0  }
0x24: {  	s3 =	sadd.s32 $0x88, s3;
	s6 =	simm.s32 @!p1 $0x1082;
	[sflag:s4] =	ssyncset.s32 $0xFFFFF086  }
0x25: {  	[simem:s6], [sflag:s4] =	dma.local [hbm:s3], $0xF7A  }
0x26: {  	[smem:$0x3FA0] =	sst s1;
	(tag) =	ssettag s2;
	_ =	strace s9  }
0x27: {  	s1 =	sld [smem:$0x3FB0]  }
0x28: {  	s2 =	sld [smem:$0x3FB1]  }
0x29: {  	s4 =	sld [smem:$0x3FB3]  }
0x2a: {  	p0 =	seq.s32 s5, $0x0;
	s5 =	sld [smem:$0x3FB4]  }
0x2b: {  	s6 =	sld [smem:$0x3FB5]  }
0x2c: {  	s7 =	sld [smem:$0x3FB6]  }
0x2d: {  	s3 =	simm.s32 $0x108;
	s8 =	sld [smem:$0x3FB7]  }
0x2e: {  	s3 =	simm.s32 @!p0 $0x1082;
	s9 =	sld [smem:$0x3FB8]  }
0x2f: {  	lr =	sadd.s32 s0, s3;
	s0 =	sld [smem:$0x3FAF]  }
0x30: {  	s3 =	sld [smem:$0x3FB2]  }
0x31: {  	[smem:$0x3FBB] =	sst s10  }
0x32: {  	s10 =	sld [smem:$0x3FB9];
	_ =	sdelay $0x3  }
0x33: {  	p0 =	seq.s32 s10, $0x1;
	s10 =	sld [smem:$0x3FBB];
	_ =	sdelay $0x3  }
0x34: {  	[smem:$0x3FBB] =	sst s10  }
0x35: {  	s10 =	sld [smem:$0x3FBA];
	_ =	sdelay $0x3  }
0x36: {  	p1 =	seq.s32 s10, $0x1;
	s10 =	sld [smem:$0x3FBB];
	_ =	sdelay $0x3  }
0x37: {  	[smem:$0x3FBB] =	sst s10  }
0x38: {  	s10 =	sld [smem:$0x3FBC]  }
0x39: {  	_ = 	snop;
	(pc) =	sbr.ind lr, $3  }
0x3a: {  	_ = 	snop  }
0x3b: {  	_ = 	snop  }
0x3c: {  	p2 =	seq.s32 s10, $0x1;
	s10 =	sld [smem:$0x3FBB]  }
0x3d: {  	_ =	shalt  }
0x3e: {  	_ =	shalt  }
0x3f: {  	_ =	shalt  }
0x40: {  	_ =	shalt  }
0x41: {  	_ =	shalt  }
0x42: {  	_ =	shalt  }
0x43: {  	_ =	shalt  }
0x44: {  	_ =	shalt  }
0x45: {  	_ =	shalt  }
0x46: {  	_ =	shalt  }
0x47: {  	_ =	shalt  }
0x48: {  	_ =	shalt  }
0x49: {  	_ =	shalt  }
0x4a: {  	_ =	shalt  }
0x4b: {  	_ =	shalt  }
0x4c: {  	_ =	shalt  }
0x4d: {  	_ =	shalt  }
0x4e: {  	_ =	shalt  }
0x4f: {  	_ =	shalt  }
0x50: {  	_ =	shalt  }
0x51: {  	_ =	shalt  }
0x52: {  	_ =	shalt  }
0x53: {  	_ =	shalt  }
0x54: {  	_ =	shalt  }
0x55: {  	_ =	shalt  }
0x56: {  	_ =	shalt  }
0x57: {  	_ =	shalt  }
0x58: {  	_ =	shalt  }
0x59: {  	_ =	shalt  }
0x5a: {  	_ =	shalt  }
0x5b: {  	_ =	shalt  }
0x5c: {  	_ =	shalt  }
0x5d: {  	_ =	shalt  }
0x5e: {  	_ =	shalt  }
0x5f: {  	_ =	shalt  }
0x60: {  	_ =	shalt  }
0x61: {  	_ =	shalt  }
0x62: {  	_ =	shalt  }
0x63: {  	_ =	shalt  }
0x64: {  	_ =	shalt  }
0x65: {  	_ =	shalt  }
0x66: {  	_ =	shalt  }
0x67: {  	_ =	shalt  }
0x68: {  	_ =	shalt  }
0x69: {  	_ =	shalt  }
0x6a: {  	_ =	shalt  }
0x6b: {  	_ =	shalt  }
0x6c: {  	_ =	shalt  }
0x6d: {  	_ =	shalt  }
0x6e: {  	_ =	shalt  }
0x6f: {  	_ =	shalt  }
0x70: {  	_ =	shalt  }
0x71: {  	_ =	shalt  }
0x72: {  	_ =	shalt  }
0x73: {  	_ =	shalt  }
0x74: {  	_ =	shalt  }
0x75: {  	_ =	shalt  }
0x76: {  	_ =	shalt  }
0x77: {  	_ =	shalt  }
0x78: {  	_ =	shalt  }
0x79: {  	_ =	shalt  }
0x7a: {  	_ =	shalt  }
0x7b: {  	_ =	shalt  }
0x7c: {  	_ =	shalt  }
0x7d: {  	_ =	shalt  }
0x7e: {  	_ =	shalt  }
0x7f: {  	_ =	shalt  }
0x80: {  	_ =	shalt  }
0x81: {  	_ =	shalt  }
0x82: {  	_ =	shalt  }
0x83: {  	_ =	shalt  }
0x84: {  	_ =	shalt  }
0x85: {  	_ =	shalt  }
0x86: {  	_ =	shalt  }
0x87: {  	_ =	shalt  }
.Lfunc_end0:
.L_simem_size_0:
called_computation_lowered:
.L_overlay_start_0:
0x88: {  	s2 =	sld [smem:$0x3FD9]  }
0x89: {  	s3 =	sld [smem:$0x3FFE];
	_ =	sdelay $0x1  }
0x8a: {  	s1 =	srdreg.scid  }
0x8b: {  	s0 =	sand.u32 $0x1, s1  }
0x8c: {  	s17 =	sshll.u32 s0, $0xA;
	s2 =	sadd.s32 s3, s2  }
0x8d: {  	s2 =	sadd.s32 s2, s17  }
0x8e: {  	[smem:$0x3FC7] =	sst s2  }
0x8f: {  	_ = 	snop  }
0x90: {  	s18 =	sld [smem:$0x3FD0];
	(tm) =	ssettm $0x1  }
0x91: {  	s19 =	sld [smem:$0x3FFB];
	_ =	sdelay $0x3  }
0x92: {  	_ =	strace s19  }
0x93: {  	s2 =	sld [smem:$0x3FFC];
	_ =	sdelay $0x3  }
0x94: {  	_ =	strace s2  }
0x95: {  	s2 =	sld [smem:$0x3FFD];
	_ =	sdelay $0x3  }
0x96: {  	_ =	strace s2  }
0x97: {  	_ =	strace $0x8FFFFFFF  }
0x98: {  	s20 =	sld [smem:$0x3FDB];
	_ =	sdelay $0x1  }
0x99: {  	s4 =	simm.s32 $_scs_section_size  }
0x9a: {  	s5 =	simm.s32 $_size__tile_overlayer_lowered;
	s6 =	simm.s32 $_tile_overlayer_lowered  }
0x9b: {  	s7 =	simm.s32 $0x1BFF;
	s21 =	sshll.u32 s6, $0x1;
	s4 =	sadd.s32 s4, s20  }
0x9c: {  	s22 =	simm.s32 $0x0;
	s5 =	sshll.u32 s5, $0x1;
	s6 =	sadd.s32 s21, s4  }
0x9d: {  	[timem:s22], [sflag:s7] =	dma.local [hbm:s6], s5  }
0x9e: {  	_ =	swait.ge [sflag:s7], s5  }
0x9f: {  	s5 =	ssub.s32 $0x0, s5;
	[sflag:s7] =	ssyncset.done $0x0  }
0xa0: {  	[sflag:s7] =	ssyncadd.s32 s5;
	_ =	sdelay $0x1  }
0xa1: {  	s23 =	simm.s32 $0x1B8B  }
0xa2: {  	_ =	swait.ge [sflag:s23], $0x1  }
0xa3: {  	[sflag:s23] =	ssyncset.done $0x0  }
0xa4: {  	[sflag:s23] =	ssyncadd.s32 $0xFFFFFFFF  }
0xa5: {  	s5 =	sld [smem:$0x0]  }
0xa6: {  	s6 =	sand.u32 $0xFFFFFFFE, s1  }
0xa7: {  	p0 =	sne.s32 s1, s6  }
0xa8: {  	s6 =	sshll.u32 @p0 s6, $0xE  }
0xa9: {  	s6 =	sadd.s32 @p0 $0x11B8D, s6;
	s7 =	sshll.u32 @p0 s5, $0x11  }
0xaa: {  	s6 =	sor.u32 @p0 s7, s6  }
0xab: {  	[sflag:s6] =	ssyncadd.remote.s32 @p0 $0x1;
	_ =	sdelay $0x1  }
0xac: {  	s6 =	simm.s32 @p0 $0x1B8D  }
0xad: {  	_ =	swait.eq @p0 [sflag:s6], $0x1  }
0xae: {  	[sflag:s6] =	ssyncadd.s32 @p0 $0xFFFFFFFF  }
0xaf: {  	s7 =	sshll.u32 @!p0 s1, $0xE  }
0xb0: {  	s7 =	sor.u32 @!p0 $0x4000, s7;
	s6 =	simm.s32 @!p0 $0x1B8D  }
0xb1: {  	s5 =	sshll.u32 @!p0 s5, $0x11;
	s7 =	sadd.s32 @!p0 $0x11B8D, s7;
	_ =	swait.eq @!p0 [sflag:s6], $0x1  }
0xb2: {  	s5 =	sor.u32 @!p0 s5, s7;
	[sflag:s6] =	ssyncadd.s32 @!p0 $0xFFFFFFFF  }
0xb3: {  	s25 =	simm.s32 $0x1B8E;
	s24 =	sld [smem:$0x3FFE];
	[sflag:s5] =	ssyncadd.remote.s32 @!p0 $0x1  }
0xb4: {  	s26 =	simm.s32 $execute0_lowered;
	[smem:$0x3FD2] =	sst s25  }
0xb5: {  	s6 =	sshll.u32 s26, $0x1;
	_ =	strace $0x8000004F;
	[dreg:$0x1] =	wrdreg $0xFFFFFFFF  }
0xb6: {  	s28 =	simm.s32 $_size_execute0_lowered;
	s4 =	sadd.s32 s4, s6;
	[dreg:$0x0] =	wrdreg $0x0  }
0xb7: {  	s6 =	sshll.u32 s28, $0x1;
	[dreg:$0x2] =	wrdreg s4  }
0xb8: {  	[dreg:$0x3] =	wrdreg s6  }
0xb9: {  	[dreg:$0x4] =	wrdreg $0xC0  }
0xba: {  	_ =	task [dreg:s22], $0x5FFFF  }
0xbb: {  	[dreg:$0x1] =	wrdreg $0xFFFFFFFF  }
0xbc: {  	[dreg:$0x0] =	wrdreg $0x60  }
0xbd: {  	[dreg:$0x2] =	wrdreg s24  }
0xbe: {  	[dreg:$0x3] =	wrdreg s18  }
0xbf: {  	[dreg:$0x4] =	wrdreg $0x9  }
0xc0: {  	_ =	task.clear_ibuf [dreg:s22], $0x5FFFF;
	_ =	strace $0x9000004F  }
0xc1: {  	s29 =	simm.s32 $0x9;
	_ =	strace $0x80000051  }
0xc2: {  	_ =	swait.ge [sflag:s29], $0x1  }
0xc3: {  	[sflag:s29] =	ssyncadd.s32 $0xFFFFFFFF  }
0xc4: {  	_ =	strace $0x90000051  }
0xc5: {  	_ =	sfence  }
0xc6: {  	s30 =	sld [smem:$0x0];
	_ =	sdelay $0x2  }
0xc7: {  	s31 =	sshll.u32 s1, $0xD;
	s1 =	sshrl.u32 s1, $0x2  }
0xc8: {  	s4 =	sand.u32 $0x4000, s31;
	s1 =	sadd.s32 s1, s30  }
0xc9: {  	s0 =	sor.u32 s4, s0;
	s1 =	sshll.u32 s1, $0x11  }
0xca: {  	s0 =	sor.u32 s1, s0  }
0xcb: {  	s0 =	sadd.s32 $0x8F2B, s0  }
0xcc: {  	[sflag:s0] =	ssyncadd.remote.s32 $0x1  }
0xcd: {  	_ =	sfence.sel $0xFFFF  }
0xce: {  	[dreg:$0x0] =	wrdreg $0xFFFFFFFF;
	(pc) =	sbr.abs _section_cstart, $3  }
0xcf: {  	[dreg:$0x1] =	wrdreg $0xFFFFFFFF  }
0xd0: {  	_ =	task.clear_ibuf [dreg:s22], $0x2FFFF;
	_ =	strace $0x9FFFFFFF  }
0xd1: {  	(tm) =	ssettm $0x7FFFFFFF  }
tec
execute0_lowered:
.L_overlay_start_1:
0x0: {  	(tag) =	ssettag $0x1  }
0x1: {  	s4 =	rddreg [dreg:$0x0]  }
0x2: {  	s8 =	rddreg [dreg:$0x1]  }
0x3: {  	s0 =	rddreg [dreg:$0x2];
	s2 =	simm.s32 $0x0;
	s3 =	srdreg.scid  }
0x4: {  	s1 =	stileid.u32;
	s12 =	simm.s32 $0x3;
	s13 =	simm.s32 $0x1  }
0x5: {  	s14 =	simm.s32 $0x2;
	s15 =	simm.s32 $0x4100;
	s16 =	simm.s32 $0x4900  }
0x6: {  	s17 =	simm.s32 $0x0;
	s5 =	sand.u32 $0x1, s3;
	s6 =	sshll.u32 s1, $0x1  }
0x7: {  	[smem:$0x7FF] =	sst s2;
	s3 =	sadd.s32 $0x191200, s4;
	s7 =	sor.u32 s5, s6  }
0x8: {  	_ =	strace $0x80000050;
	s5 =	ssub.s32 $0x2, s5;
	s6 =	sshll.u32 s7, $0x5  }
.Ltmp0:
0x9: {  	s9 =	sshll.u32 s7, $0x8;
	s10 =	sshrl.u32 s5, $0x1;
	(pc) =	sbr.rel .LBB2_1-.Ltmp0, $4  }
0xa: {  	s31 =	sshll.u32 s7, $0xE;
	s6 =	sadd.s32 s6, s4;
	s11 =	sadd.s32 s9, s4  }
0xb: {  	s10 =	ssub.s32 s5, s10;
	s4 =	sshll.u32 s7, $0x4;
	s7 =	sshllo.u32 s7, $0x4  }
0xc: {  	s8 =	sadd.s32 s8, s9;
	s5 =	sadd.s32 $0x211200, s6;
	s6 =	sadd.s32 s3, s31  }
0xd: {  	v0 =	vimm.f32 $3.000000010e+38;
	v1 =	vimm.s32 $0x0;
	v2 =	vlaneseq.u32;
	s9 =	sadd.s32 $0x211600, s11;
	s10 =	smax.u32 s10, $0x1;
	s11 =	simm.s32 $0x4000  }
.LBB2_19:
0xe: {  	_ =	swait.ge [sflag:s13], $0x2000  }
0xf: {  	[sflag:s13] =	ssyncset.done $0x0  }
0x10: {  	[sflag:s13] =	ssyncadd.s32 $0xFFFFE000  }
0x11: {  	[hbm4b:s8+s2] =	stream.linear.scatter [tilespmem:s15], [sflag:$0x3], $0x800, $0x38;
	[tilespmem:$0x5100] =	vst v63  }
0x12: {  	s17 =	sadd.s32 $0x1, s17;
	_ =	swait.ge [sflag:s12], $0x800  }
0x13: {  	p0 =	sne.s32 s17, s10;
	[sflag:s12] =	ssyncset.done $0x0  }
.Ltmp1:
0x14: {  	[sflag:s12] =	ssyncadd.s32 $0xFFFFF800;
	(pc) =	sbr.rel @!p0 .LBB2_20-.Ltmp1, $4  }
0x15: {  	[hbm4b:s9+s2] =	stream.linear.scatter [tilespmem:s16], [sflag:$0x3], $0x800, $0x38;
	[tilespmem:$0x5100] =	vst v63  }
0x16: {  	_ =	swait.ge [sflag:s12], $0x800  }
0x17: {  	[sflag:s12] =	ssyncset.done $0x0  }
0x18: {  	[sflag:s12] =	ssyncadd.s32 $0xFFFFF800  }
.LBB2_1:
0x19: {  	[tilespmem:s11], [sflag:$0x3] =	stream.linear.gather [hbm4b:s5+s2], $0x100, $0x38;
	[tilespmem:$0x5100] =	vst v63  }
0x1a: {  	_ =	swait.ge [sflag:s12], $0x100  }
0x1b: {  	[sflag:s12] =	ssyncset.done $0x0  }
0x1c: {  	s18 =	simm.s32 $0x40;
	s20 =	simm.s32 $0x0;
	[sflag:s12] =	ssyncadd.s32 $0xFFFFFF00  }
.LBB2_2:
0x1d: {  	p0 =	sne.s32 s18, $0x1FC0;
	[tilespmem:s20+$0x4100] =	vst v0;
	s19 =	smov.u32 s18;
	s18 =	sadd.s32 $0x40, s18  }
.Ltmp2:
0x1e: {  	(pc) =	sbr.rel @p0 .LBB2_2-.Ltmp2, $2  }
0x1f: {  	_ =	sdelay $0x2  }
0x20: {  	s20 =	sshra.s32 s19, $0x2  }
0x21: {  	s18 =	simm.s32 $0x0;
	s19 =	simm.s32 $0x80  }
0x22: {  	[tilespmem:s20+$0x4100] =	vst v0;
	s22 =	sadd.s32 $0x0, s6;
	s20 =	simm.s32 $0x100;
	s21 =	simm.s32 $0x0  }
.LBB2_4:
0x23: {  	[tilespmem:s21], [sflag:$0x1] =	stream.linear.gather [hbm4b:s22+s18], $0x80, $0x38;
	[tilespmem:$0x5100] =	vst v63  }
0x24: {  	s22 =	smov.u32 s19;
	s21 =	smov.u32 s20;
	p0 =	sne.s32 s19, $0x1F80  }
.Ltmp3:
0x25: {  	s19 =	sadd.s32 $0x80, s19;
	(pc) =	sbr.rel @p0 .LBB2_4-.Ltmp3, $2  }
0x26: {  	_ =	sdelay $0x2  }
0x27: {  	s20 =	sadd.s32 $0x100, s20;
	s22 =	sadd.s32 s22, s6  }
.Ltmp4:
0x28: {  	(pc) =	sbr.rel .LBB2_6-.Ltmp4, $2  }
0x29: {  	_ =	sdelay $0x2  }
0x2a: {  	[tilespmem:s21], [sflag:$0x1] =	stream.linear.gather [hbm4b:s22+s18], $0x80, $0x38;
	[tilespmem:$0x5100] =	vst v63  }
.LBB2_18:
0x2b: {  	s18 =	sadd.s32 $0x1, s18  }
0x2c: {  	p0 =	sne.s32 s18, $0x8  }
.Ltmp5:
0x2d: {  	_ = 	snop;
	(pc) =	sbr.rel @!p0 .LBB2_19-.Ltmp5, $1  }
0x2e: {  	_ =	sdelay $0x3  }
.LBB2_6:
0x2f: {  	s19 =	sshll.u32 s18, $0x1  }
0x30: {  	s21 =	sshll.u32 s18, $0x5;
	s20 =	sor.u32 s4, s19  }
0x31: {  	s23 =	sand.u32 $0x60, s21;
	s22 =	sshll.u32 s20, $0xA  }
0x32: {  	s23 =	sadd.s32 s23, s3;
	s22 =	sand.u32 $0xFFFE000, s22  }
0x33: {  	s22 =	sadd.s32 s22, s23  }
0x34: {  	s24 =	simm.s32 $0x80;
	s22 =	sadd.s32 $0x10, s22  }
0x35: {  	s25 =	simm.s32 $0x180;
	s23 =	simm.s32 $0x80;
	s26 =	sadd.s32 $0x0, s22  }
.LBB2_7:
0x36: {  	[tilespmem:s23], [sflag:$0x2] =	stream.linear.gather [hbm4b:s26+s2], $0x80, $0x38;
	[tilespmem:$0x5100] =	vst v63  }
0x37: {  	s26 =	smov.u32 s24;
	s23 =	smov.u32 s25;
	p0 =	sne.s32 s24, $0x1F80  }
.Ltmp6:
0x38: {  	s24 =	sadd.s32 $0x80, s24;
	(pc) =	sbr.rel @p0 .LBB2_7-.Ltmp6, $2  }
0x39: {  	_ =	sdelay $0x2  }
0x3a: {  	s25 =	sadd.s32 $0x100, s25;
	s26 =	sadd.s32 s26, s22  }
0x3b: {  	[tilespmem:s23], [sflag:$0x2] =	stream.linear.gather [hbm4b:s26+s2], $0x80, $0x38;
	[tilespmem:$0x5100] =	vst v63  }
.Ltmp7:
0x3c: {  	_ = 	snop;
	(pc) =	sbr.rel .LBB2_9-.Ltmp7, $4  }
0x3d: {  	_ =	swait.ge [sflag:s13], $0x2000  }
0x3e: {  	[sflag:s13] =	ssyncset.done $0x0  }
0x3f: {  	s21 =	sand.u32 $0x3FFFFFE0, s21;
	s22 =	sshll.u32 s18, $0x8;
	[sflag:s13] =	ssyncadd.s32 $0xFFFFE000  }
0x40: {  	s23 =	simm.s32 $0x0;
	v4 =	vmov s22;
	s22 =	simm.s32 $0x40;
	v3 =	vld [tilespmem:s21+$0x4000];
	s21 =	simm.s32 $0x70  }
.LBB2_11:
0x41: {  	s21 =	sadd.s32 $0x80, s21  }
0x42: {  	p0 =	sne.s32 s21, $0x2070  }
.Ltmp8:
0x43: {  	_ = 	snop;
	(pc) =	sbr.rel @!p0 .LBB2_12-.Ltmp8, $2  }
0x44: {  	_ =	sdelay $0x2  }
0x45: {  	s22 =	sadd.s32 $0x100, s22  }
.LBB2_9:
0x46: {  	v12 =	vld [tilespmem:s22+$0xFFFFFFC0]  }
0x47: {  	v11 =	vld [tilespmem:s22+$0xFFFFFFD0]  }
0x48: {  	v10 =	vld [tilespmem:s22+$0xFFFFFFE0]  }
0x49: {  	v9 =	vld [tilespmem:s22+$0xFFFFFFF0]  }
0x4a: {  	v8 =	vld [tilespmem:s22+$0x0]  }
0x4b: {  	v7 =	vld [tilespmem:s22+$0x10]  }
0x4c: {  	v5 =	vld [tilespmem:s22+$0x20];
	vm7 =	vle.f32 v12, v3;
	vm6 =	vle.f32 v11, v3  }
0x4d: {  	v6 =	vld [tilespmem:s22+$0x30];
	vm5 =	vle.f32 v10, v3;
	vm0 =	vmor vm7, vm6  }
0x4e: {  	vm4 =	vle.f32 v9, v3;
	vm0 =	vmor vm0, vm5  }
0x4f: {  	vm3 =	vle.f32 v8, v3;
	vm0 =	vmor vm0, vm4  }
0x50: {  	vm2 =	vle.f32 v7, v3;
	vm0 =	vmor vm0, vm3  }
0x51: {  	vm1 =	vle.f32 v5, v3;
	vm8 =	vmor vm0, vm2  }
0x52: {  	vm0 =	vle.f32 v6, v3;
	vm8 =	vmor vm8, vm1  }
0x53: {  	vm8 =	vmor vm8, vm0  }
0x54: {  	v13 =	vmpcnt.ones.xlane vm8;
	_ =	sdelay $0x1  }
0x55: {  	(v2sf) =	vpush v13, $0x0;
	_ =	sdelay $0xe  }
0x56: {  	s24 =	spop (v2sf)  }
0x57: {  	p0 =	seq.s32 s24, $0x0  }
.Ltmp9:
0x58: {  	_ = 	snop;
	(pc) =	sbr.rel @p0 .LBB2_11-.Ltmp9, $1  }
0x59: {  	_ =	sdelay $0x3  }
0x5a: {  	v13 =	vsel vm7, $0x1, v1  }
0x5b: {  	(xrf0) =	vadd.scan.msk.s32 $0xffff, v13;
	_ =	sdelay $0x1  }
0x5c: {  	v33 =	vsel vm6, $0x1, v1  }
0x5d: {  	(xrf0) =	vadd.scan.msk.s32 $0xffff, v33  }
0x5e: {  	v34 =	vsel vm5, $0x1, v1  }
0x5f: {  	(xrf0) =	vadd.scan.msk.s32 $0xffff, v34  }
0x60: {  	v14 =	vsel vm4, $0x1, v1;
	v35, _, _ =	vpop (xrf0)  }
0x61: {  	(xrf0) =	vadd.scan.msk.s32 $0xffff, v14;
	(v2sf) =	vpush v35, $0xF  }
0x62: {  	v36 =	vsel vm3, $0x1, v1  }
0x63: {  	v15, _, _ =	vpop (xrf0);
	(xrf0) =	vadd.scan.msk.s32 $0xffff, v36;
	_ =	sdelay $0x1  }
0x64: {  	(v2sf) =	vpush v15, $0xF;
	v37, _, _ =	vpop (xrf0)  }
0x65: {  	v16 =	vsel vm2, $0x1, v1;
	(v2sf) =	vpush v37, $0xF  }
0x66: {  	v17, _, _ =	vpop (xrf0);
	(xrf0) =	vadd.scan.msk.s32 $0xffff, v16  }
0x67: {  	v38 =	vsel vm1, $0x1, v1  }
0x68: {  	v18, _, _ =	vpop (xrf0);
	(xrf0) =	vadd.scan.msk.s32 $0xffff, v38  }
0x69: {  	(v2sf) =	vpush v17, $0xF  }
0x6a: {  	(v2sf) =	vpush v18, $0xF;
	_ =	sdelay $0x1  }
0x6b: {  	v39, _, _ =	vpop (xrf0)  }
0x6c: {  	v43 =	vsel vm0, $0x1, v1;
	(v2sf) =	vpush v39, $0xF  }
0x6d: {  	v19 =	vmov s23;
	(xrf0) =	vadd.scan.msk.s32 $0xffff, v43;
	v20, _, _ =	vpop (xrf0)  }
0x6e: {  	v19 =	vadd.s32 $0xFFFFFFFF, v19;
	s24 =	spop (v2sf);
	(v2sf) =	vpush v20, $0xF  }
0x6f: {  	v19 =	vbroadcast v19, $0x0;
	_ =	sdelay $0x1  }
0x70: {  	s29 =	sadd.s32 $0xFFFFFFA0, s21;
	v13 =	vadd.s32 v35, v19;
	s30 =	sadd.s32 s23, s24  }
0x71: {  	v23 =	vor.u32 s29, v2;
	vm8 =	vlt.s32 v13, $0x80;
	s31 =	spop (v2sf);
	v21 =	vmov s30  }
0x72: {  	v13 =	vadd.s32 v4, v13;
	vm7 =	vmand vm7, vm8;
	s23 =	sadd.s32 s31, s30;
	s25 =	spop (v2sf);
	v50, _, _ =	vpop (xrf0);
	v40 =	vadd.s32 $0xFFFFFFFF, v21  }
0x73: {  	v41 =	vmov s23;
	s23 =	sadd.s32 s25, s23;
	s25 =	sadd.s32 $0xFFFFFF90, s21;
	(v2sf) =	vpush v50, $0xF;
	v19 =	vbroadcast v40, $0x0  }
0x74: {  	v42 =	vadd.s32 $0xFFFFFFFF, v41;
	v22 =	vmov s23;
	v44 =	vor.u32 s25, v2  }
0x75: {  	s25 =	sadd.s32 $0xFFFFFFB0, s21;
	v22 =	vadd.s32 $0xFFFFFFFF, v22;
	v15 =	vadd.s32 v15, v19;
	v19 =	vbroadcast v42, $0x0  }
0x76: {  	v58 =	vor.u32 s25, v2;
	s26 =	spop (v2sf);
	v45 =	vbroadcast v22, $0x0;
	vm14 =	vlt.s32 v15, $0x80  }
0x77: {  	s23 =	sadd.s32 s26, s23;
	s28 =	spop (v2sf);
	v15 =	vadd.s32 v4, v15;
	vm6 =	vmand vm6, vm14;
	v14 =	vadd.s32 v37, v19  }
0x78: {  	v46 =	vmov s23;
	s23 =	sadd.s32 s28, s23;
	v17 =	vadd.s32 v17, v45;
	vm15 =	vlt.s32 v14, $0x80  }
0x79: {  	v22 =	vadd.s32 $0xFFFFFFFF, v46;
	v48 =	vmov s23;
	vm13 =	vlt.s32 v17, $0x80  }
0x7a: {  	v47 =	vbroadcast v22, $0x0;
	vm12 =	vmand vm5, vm15;
	v22 =	vadd.s32 $0xFFFFFFFF, v48;
	s30 =	spop (v2sf)  }
0x7b: {  	v14 =	vadd.s32 v4, v14;
	v53 =	vadd.s32 v4, v17;
	v49 =	vbroadcast v22, $0x0;
	s23 =	sadd.s32 s30, s23  }
0x7c: {  	[tilespmem:v13+s15+$0x0] =	vst.idx.msk vm7, v12;
	vm14 =	vmand vm4, vm13;
	v18 =	vadd.s32 v18, v47;
	v52 =	vmov s23;
	s31 =	spop (v2sf)  }
0x7d: {  	[tilespmem:v13+s16+$0x0] =	vst.idx.msk vm7, v44;
	vm15 =	vlt.s32 v18, $0x80;
	v51 =	vadd.s32 v39, v49;
	v16 =	vadd.s32 $0xFFFFFFFF, v52;
	s23 =	sadd.s32 s31, s23  }
0x7e: {  	vm9 =	vmand vm3, vm15;
	[tilespmem:v15+s15+$0x0] =	vst.idx.msk vm6, v11;
	v54 =	vbroadcast v16, $0x0;
	v55 =	vmov s23  }
0x7f: {  	v56 =	vadd.s32 v4, v18;
	vm10 =	vlt.s32 v51, $0x80;
	[tilespmem:v15+s16+$0x0] =	vst.idx.msk vm6, v23;
	v16 =	vadd.s32 $0xFFFFFFFF, v55  }
0x80: {  	vm11 =	vmand vm2, vm10;
	[tilespmem:v14+s15+$0x0] =	vst.idx.msk vm12, v10;
	v57 =	vadd.s32 v20, v54;
	v16 =	vbroadcast v16, $0x0  }
0x81: {  	s26 =	sadd.s32 $0xFFFFFFC0, s21;
	v59 =	vadd.s32 v4, v51;
	[tilespmem:v14+s16+$0x0] =	vst.idx.msk vm12, v58;
	vm12 =	vlt.s32 v57, $0x80  }
0x82: {  	v61 =	vor.u32 s26, v2;
	[tilespmem:v53+s15+$0x0] =	vst.idx.msk vm14, v9;
	vm13 =	vmand vm1, vm12;
	v60 =	vadd.s32 v50, v16  }
0x83: {  	s28 =	sadd.s32 $0xFFFFFFD0, s21;
	[tilespmem:v53+s16+$0x0] =	vst.idx.msk vm14, v61;
	v10 =	vadd.s32 v4, v57;
	vm14 =	vlt.s32 v60, $0x80  }
0x84: {  	v62 =	vor.u32 s28, v2;
	[tilespmem:v56+s15+$0x0] =	vst.idx.msk vm9, v8;
	vm15 =	vmand vm0, vm14  }
0x85: {  	s29 =	sadd.s32 $0xFFFFFFE0, s21;
	[tilespmem:v56+s16+$0x0] =	vst.idx.msk vm9, v62;
	v63 =	vadd.s32 v4, v60  }
0x86: {  	[tilespmem:v59+s15+$0x0] =	vst.idx.msk vm11, v7;
	v7 =	vor.u32 s29, v2  }
.Ltmp10:
0x87: {  	s30 =	sadd.s32 $0xFFFFFFF0, s21;
	[tilespmem:v59+s16+$0x0] =	vst.idx.msk vm11, v7;
	(pc) =	sbr.rel .LBB2_11-.Ltmp10, $4  }
0x88: {  	[tilespmem:v10+s15+$0x0] =	vst.idx.msk vm13, v5;
	v5 =	vor.u32 s30, v2  }
0x89: {  	[tilespmem:v10+s16+$0x0] =	vst.idx.msk vm13, v5  }
0x8a: {  	s31 =	spop (v2sf);
	v5 =	vor.u32 s21, v2;
	[tilespmem:v63+s15+$0x0] =	vst.idx.msk vm15, v6  }
0x8b: {  	s23 =	sadd.s32 s31, s23;
	[tilespmem:v63+s16+$0x0] =	vst.idx.msk vm15, v5  }
.LBB2_12:
0x8c: {  	s20 =	sadd.s32 $0x2, s20  }
0x8d: {  	s20 =	smin.u32 s20, s7  }
0x8e: {  	s21 =	sshll.u32 s20, $0x4  }
0x8f: {  	s20 =	sshll.u32 s20, $0xA;
	s21 =	sand.u32 $0x70, s21  }
0x90: {  	s20 =	sand.u32 $0x7E000, s20;
	s21 =	sadd.s32 s3, s21  }
0x91: {  	s22 =	simm.s32 $0x80;
	s20 =	sadd.s32 s20, s21  }
0x92: {  	s23 =	simm.s32 $0x100;
	s21 =	simm.s32 $0x0;
	s24 =	sadd.s32 $0x0, s20  }
.LBB2_13:
0x93: {  	[tilespmem:s21], [sflag:$0x1] =	stream.linear.gather [hbm4b:s24+s2], $0x80, $0x38;
	[tilespmem:$0x5100] =	vst v63  }
0x94: {  	s24 =	smov.u32 s22;
	s21 =	smov.u32 s23;
	p0 =	sne.s32 s22, $0x1F80  }
.Ltmp11:
0x95: {  	s22 =	sadd.s32 $0x80, s22;
	(pc) =	sbr.rel @p0 .LBB2_13-.Ltmp11, $2  }
0x96: {  	_ =	sdelay $0x2  }
0x97: {  	s23 =	sadd.s32 $0x100, s23;
	s24 =	sadd.s32 s24, s20  }
0x98: {  	[tilespmem:s21], [sflag:$0x1] =	stream.linear.gather [hbm4b:s24+s2], $0x80, $0x38;
	[tilespmem:$0x5100] =	vst v63  }
.Ltmp12:
0x99: {  	_ = 	snop;
	(pc) =	sbr.rel .LBB2_15-.Ltmp12, $4  }
0x9a: {  	s19 =	sor.u32 $0x1, s19;
	_ =	swait.ge [sflag:s14], $0x2000  }
0x9b: {  	s20 =	sshll.u32 s19, $0x4;
	[sflag:s14] =	ssyncset.done $0x0  }
0x9c: {  	s19 =	sshll.u32 s19, $0x7;
	s20 =	sand.u32 $0x3FFFFFF0, s20;
	[sflag:s14] =	ssyncadd.s32 $0xFFFFE000  }
0x9d: {  	s21 =	simm.s32 $0x0;
	v4 =	vmov s19;
	s19 =	simm.s32 $0x70;
	v3 =	vld [tilespmem:s20+$0x4000];
	s20 =	simm.s32 $0xF0  }
.LBB2_17:
0x9e: {  	s19 =	sadd.s32 $0x80, s19  }
0x9f: {  	p0 =	sne.s32 s19, $0x2070  }
.Ltmp13:
0xa0: {  	_ = 	snop;
	(pc) =	sbr.rel @!p0 .LBB2_18-.Ltmp13, $2  }
0xa1: {  	_ =	sdelay $0x2  }
0xa2: {  	s20 =	sadd.s32 $0x100, s20  }
.LBB2_15:
0xa3: {  	v12 =	vld [tilespmem:s20+$0xFFFFFF90]  }
0xa4: {  	v11 =	vld [tilespmem:s20+$0xFFFFFFA0]  }
0xa5: {  	v10 =	vld [tilespmem:s20+$0xFFFFFFB0]  }
0xa6: {  	v9 =	vld [tilespmem:s20+$0xFFFFFFC0]  }
0xa7: {  	v8 =	vld [tilespmem:s20+$0xFFFFFFD0]  }
0xa8: {  	v7 =	vld [tilespmem:s20+$0xFFFFFFE0]  }
0xa9: {  	v5 =	vld [tilespmem:s20+$0xFFFFFFF0];
	vm7 =	vle.f32 v12, v3;
	vm6 =	vle.f32 v11, v3  }
0xaa: {  	v6 =	vld [tilespmem:s20+$0x0];
	vm5 =	vle.f32 v10, v3;
	vm0 =	vmor vm7, vm6  }
0xab: {  	vm4 =	vle.f32 v9, v3;
	vm0 =	vmor vm0, vm5  }
0xac: {  	vm3 =	vle.f32 v8, v3;
	vm0 =	vmor vm0, vm4  }
0xad: {  	vm2 =	vle.f32 v7, v3;
	vm0 =	vmor vm0, vm3  }
0xae: {  	vm1 =	vle.f32 v5, v3;
	vm8 =	vmor vm0, vm2  }
0xaf: {  	vm0 =	vle.f32 v6, v3;
	vm8 =	vmor vm8, vm1  }
0xb0: {  	vm8 =	vmor vm8, vm0  }
0xb1: {  	v13 =	vmpcnt.ones.xlane vm8;
	_ =	sdelay $0x1  }
0xb2: {  	(v2sf) =	vpush v13, $0x0;
	_ =	sdelay $0xe  }
0xb3: {  	s22 =	spop (v2sf)  }
0xb4: {  	p0 =	seq.s32 s22, $0x0  }
.Ltmp14:
0xb5: {  	_ = 	snop;
	(pc) =	sbr.rel @p0 .LBB2_17-.Ltmp14, $1  }
0xb6: {  	_ =	sdelay $0x3  }
0xb7: {  	v13 =	vsel vm7, $0x1, v1  }
0xb8: {  	(xrf0) =	vadd.scan.msk.s32 $0xffff, v13;
	_ =	sdelay $0x1  }
0xb9: {  	v33 =	vsel vm6, $0x1, v1  }
0xba: {  	(xrf0) =	vadd.scan.msk.s32 $0xffff, v33  }
0xbb: {  	v34 =	vsel vm5, $0x1, v1  }
0xbc: {  	(xrf0) =	vadd.scan.msk.s32 $0xffff, v34  }
0xbd: {  	v14 =	vsel vm4, $0x1, v1;
	v35, _, _ =	vpop (xrf0)  }
0xbe: {  	(xrf0) =	vadd.scan.msk.s32 $0xffff, v14;
	(v2sf) =	vpush v35, $0xF  }
0xbf: {  	v36 =	vsel vm3, $0x1, v1  }
0xc0: {  	v15, _, _ =	vpop (xrf0);
	(xrf0) =	vadd.scan.msk.s32 $0xffff, v36;
	_ =	sdelay $0x1  }
0xc1: {  	(v2sf) =	vpush v15, $0xF;
	v37, _, _ =	vpop (xrf0)  }
0xc2: {  	v16 =	vsel vm2, $0x1, v1;
	(v2sf) =	vpush v37, $0xF  }
0xc3: {  	v17, _, _ =	vpop (xrf0);
	(xrf0) =	vadd.scan.msk.s32 $0xffff, v16  }
0xc4: {  	v38 =	vsel vm1, $0x1, v1  }
0xc5: {  	v18, _, _ =	vpop (xrf0);
	(xrf0) =	vadd.scan.msk.s32 $0xffff, v38  }
0xc6: {  	(v2sf) =	vpush v17, $0xF  }
0xc7: {  	(v2sf) =	vpush v18, $0xF;
	_ =	sdelay $0x1  }
0xc8: {  	v39, _, _ =	vpop (xrf0)  }
0xc9: {  	(v2sf) =	vpush v39, $0xF  }
0xca: {  	v43 =	vsel vm0, $0x1, v1;
	v20, _, _ =	vpop (xrf0)  }
0xcb: {  	v19 =	vmov s21;
	(xrf0) =	vadd.scan.msk.s32 $0xffff, v43;
	s22 =	spop (v2sf);
	(v2sf) =	vpush v20, $0xF  }
0xcc: {  	v19 =	vadd.s32 $0xFFFFFFFF, v19  }
0xcd: {  	s23 =	sadd.s32 $0xFFFFFF90, s19;
	v19 =	vbroadcast v19, $0x0  }
0xce: {  	s30 =	sadd.s32 $0xFFFFFFA0, s19;
	v44 =	vor.u32 s23, v2;
	s24 =	sadd.s32 s21, s22  }
0xcf: {  	v23 =	vor.u32 s30, v2;
	v13 =	vadd.s32 v35, v19;
	s25 =	spop (v2sf);
	v21 =	vmov s24  }
0xd0: {  	vm8 =	vlt.s32 v13, $0x80;
	v13 =	vadd.s32 v4, v13;
	s21 =	sadd.s32 s25, s24;
	s26 =	spop (v2sf);
	v40 =	vadd.s32 $0xFFFFFFFF, v21  }
0xd1: {  	vm7 =	vmand vm7, vm8;
	v50, _, _ =	vpop (xrf0);
	v41 =	vmov s21;
	s21 =	sadd.s32 s26, s21;
	v19 =	vbroadcast v40, $0x0  }
0xd2: {  	(v2sf) =	vpush v50, $0xF;
	v42 =	vadd.s32 $0xFFFFFFFF, v41;
	v22 =	vmov s21  }
0xd3: {  	s25 =	sadd.s32 $0xFFFFFFB0, s19;
	v22 =	vadd.s32 $0xFFFFFFFF, v22;
	v15 =	vadd.s32 v15, v19;
	v19 =	vbroadcast v42, $0x0  }
0xd4: {  	v58 =	vor.u32 s25, v2;
	s28 =	spop (v2sf);
	v45 =	vbroadcast v22, $0x0;
	vm14 =	vlt.s32 v15, $0x80  }
0xd5: {  	s21 =	sadd.s32 s28, s21;
	s29 =	spop (v2sf);
	v15 =	vadd.s32 v4, v15;
	vm6 =	vmand vm6, vm14;
	v14 =	vadd.s32 v37, v19  }
0xd6: {  	v46 =	vmov s21;
	s21 =	sadd.s32 s29, s21;
	v17 =	vadd.s32 v17, v45;
	vm15 =	vlt.s32 v14, $0x80  }
0xd7: {  	v22 =	vadd.s32 $0xFFFFFFFF, v46;
	v48 =	vmov s21;
	vm13 =	vlt.s32 v17, $0x80  }
0xd8: {  	v47 =	vbroadcast v22, $0x0;
	vm12 =	vmand vm5, vm15;
	v22 =	vadd.s32 $0xFFFFFFFF, v48;
	s31 =	spop (v2sf)  }
0xd9: {  	v14 =	vadd.s32 v4, v14;
	v53 =	vadd.s32 v4, v17;
	v49 =	vbroadcast v22, $0x0;
	s21 =	sadd.s32 s31, s21  }
0xda: {  	[tilespmem:v13+s15+$0x0] =	vst.idx.msk vm7, v12;
	vm14 =	vmand vm4, vm13;
	v18 =	vadd.s32 v18, v47;
	v52 =	vmov s21;
	s24 =	spop (v2sf)  }
0xdb: {  	[tilespmem:v13+s16+$0x0] =	vst.idx.msk vm7, v44;
	vm15 =	vlt.s32 v18, $0x80;
	v51 =	vadd.s32 v39, v49;
	v16 =	vadd.s32 $0xFFFFFFFF, v52;
	s21 =	sadd.s32 s24, s21  }
0xdc: {  	vm9 =	vmand vm3, vm15;
	[tilespmem:v15+s15+$0x0] =	vst.idx.msk vm6, v11;
	v54 =	vbroadcast v16, $0x0;
	v55 =	vmov s21  }
0xdd: {  	v56 =	vadd.s32 v4, v18;
	vm10 =	vlt.s32 v51, $0x80;
	[tilespmem:v15+s16+$0x0] =	vst.idx.msk vm6, v23;
	v16 =	vadd.s32 $0xFFFFFFFF, v55  }
0xde: {  	vm11 =	vmand vm2, vm10;
	[tilespmem:v14+s15+$0x0] =	vst.idx.msk vm12, v10;
	v57 =	vadd.s32 v20, v54;
	v16 =	vbroadcast v16, $0x0  }
0xdf: {  	s26 =	sadd.s32 $0xFFFFFFC0, s19;
	v59 =	vadd.s32 v4, v51;
	[tilespmem:v14+s16+$0x0] =	vst.idx.msk vm12, v58;
	vm12 =	vlt.s32 v57, $0x80  }
0xe0: {  	v61 =	vor.u32 s26, v2;
	[tilespmem:v53+s15+$0x0] =	vst.idx.msk vm14, v9;
	vm13 =	vmand vm1, vm12;
	v60 =	vadd.s32 v50, v16  }
0xe1: {  	s28 =	sadd.s32 $0xFFFFFFD0, s19;
	[tilespmem:v53+s16+$0x0] =	vst.idx.msk vm14, v61;
	v10 =	vadd.s32 v4, v57;
	vm14 =	vlt.s32 v60, $0x80  }
0xe2: {  	v62 =	vor.u32 s28, v2;
	[tilespmem:v56+s15+$0x0] =	vst.idx.msk vm9, v8;
	vm15 =	vmand vm0, vm14  }
0xe3: {  	s29 =	sadd.s32 $0xFFFFFFE0, s19;
	[tilespmem:v56+s16+$0x0] =	vst.idx.msk vm9, v62;
	v63 =	vadd.s32 v4, v60  }
0xe4: {  	[tilespmem:v59+s15+$0x0] =	vst.idx.msk vm11, v7;
	v7 =	vor.u32 s29, v2  }
.Ltmp15:
0xe5: {  	s30 =	sadd.s32 $0xFFFFFFF0, s19;
	[tilespmem:v59+s16+$0x0] =	vst.idx.msk vm11, v7;
	(pc) =	sbr.rel .LBB2_17-.Ltmp15, $4  }
0xe6: {  	[tilespmem:v10+s15+$0x0] =	vst.idx.msk vm13, v5;
	v5 =	vor.u32 s30, v2  }
0xe7: {  	[tilespmem:v10+s16+$0x0] =	vst.idx.msk vm13, v5  }
0xe8: {  	s31 =	spop (v2sf);
	v5 =	vor.u32 s19, v2;
	[tilespmem:v63+s15+$0x0] =	vst.idx.msk vm15, v6  }
0xe9: {  	s21 =	sadd.s32 s31, s21;
	[tilespmem:v63+s16+$0x0] =	vst.idx.msk vm15, v5  }
.LBB2_20:
0xea: {  	_ =	sfence.sel $0x180000  }
0xeb: {  	[bflag:$0x0] =	sbarrier.arrive $0xFFFF  }
0xec: {  	p0 =	sne.s32 s1, $0x0;
	_ =	strace $0x90000050  }
0xed: {  	s0 =	sadd.s32 @!p0 $0x100000, s0;
	[bflag:$0x2] =	sbarrier.arrive $0xFFFF  }
0xee: {  	[sflag:s0] =	ssyncadd.tile.s32 @!p0 $0x1;
	_ =	shalt  }
.Lfunc_end2:
_tile_overlayer_lowered:
.L_overlay_start_2:
0xef: {  	(tag) =	ssettag $0x2  }
0xf0: {  	s0 =	rddreg [dreg:$0x0];
	s2 =	stileid.u32  }
0xf1: {  	s1 =	rddreg [dreg:$0x1];
	p0 =	sne.s32 s2, $0x0  }
0xf2: {  	s3 =	rddreg [dreg:$0x2];
	[bflag:$0x3] =	sbarrier.arrive $0xFFFF;
	s2 =	simm.s32 @!p0 $0x1C03  }
0xf3: {  	[timem:s3], [sflag:s2] =	dma.local @!p0 [hbm:s0], s1  }
0xf4: {  	s0 =	simm.s32 @!p0 $0x3  }
0xf5: {  	_ =	swait.ge @!p0 [sflag:s0], s1  }
0xf6: {  	s1 =	ssub.s32 @!p0 $0x0, s1;
	[sflag:s0] =	ssyncset.done @!p0 $0x0  }
0xf7: {  	[sflag:s0] =	ssyncadd.s32 @!p0 s1  }
0xf8: {  	[bflag:$0x3] =	sbarrier.arrive $0xFFFF  }
0xf9: {  	_ =	shalt  }

// kernel: kernel.16.cloned.1.call-start
scs
__scs_entry_jumppad:
0x0: {  	(pc) =	sbr.rel $0x88, $3  }
0x1: {  	(tag) =	ssettag $0x0;
	lr =	simm.s32 $0x1  }
0x2: {  	[smem:$0x3FA0] =	sst lr;
	_ =	strace $0xD0000000  }
0x3: {  	_ = 	snop  }
0x4: {  	_ = 	snop  }
0x5: {  	_ = 	snop  }
0x6: {  	_ = 	snop  }
0x7: {  	_ = 	snop  }
__scs_overlays_trampoline_lowered:
0x8: {  	[smem:$0x3FAF] =	sst s0  }
0x9: {  	[smem:$0x3FB0] =	sst s1  }
0xa: {  	[smem:$0x3FB1] =	sst s2  }
0xb: {  	[smem:$0x3FB2] =	sst s3  }
0xc: {  	[smem:$0x3FB3] =	sst s4  }
0xd: {  	[smem:$0x3FB4] =	sst s5  }
0xe: {  	[smem:$0x3FB5] =	sst s6  }
0xf: {  	[smem:$0x3FB6] =	sst s7  }
0x10: {  	[smem:$0x3FB7] =	sst s8  }
0x11: {  	[smem:$0x3FB8] =	sst s9;
	s0 =	simm.s32 @!p0 $0x0  }
0x12: {  	s1 =	sld [smem:$0x3F9E];
	s0 =	simm.s32 @p0 $0x1  }
0x13: {  	[smem:$0x3FB9] =	sst s0;
	s0 =	simm.s32 @!p1 $0x0  }
0x14: {  	s2 =	sld [smem:$0x3F9D];
	s0 =	simm.s32 @p1 $0x1  }
0x15: {  	[smem:$0x3FBA] =	sst s0;
	s0 =	simm.s32 @!p2 $0x0  }
0x16: {  	s3 =	sld [smem:$0x3FDB];
	s0 =	simm.s32 @p2 $0x1  }
0x17: {  	s4 =	simm.s32 $0x1BF5;
	[smem:$0x3FBC] =	sst s0  }
0x18: {  	s0 =	sld [smem:$0x3F9F];
	_ =	swait.ge [sflag:s4], $0x0  }
0x19: {  	s7 =	sld [smem:$0x3FA0]  }
0x1a: {  	s8 =	sadd.s32 $0xFFFFE003, lr  }
0x1b: {  	s9 =	sadd.s32 $0xFFFFFEF7, lr;
	s5 =	simm.s32 $0xFFFFFFFF;
	p2 =	slt.u32 s8, $0xFFFFF086  }
0x1c: {  	p1 =	slt.u32 s9, $0xF7A;
	s5 =	simm.s32 @!p2 $0x0  }
0x1d: {  	s5 =	simm.s32 @p1 $0x1;
	p0 =	seq.s32 s7, s2  }
0x1e: {  	s7 =	smul.u32 @!p0 $0xF7A, s2;
	p2 =	seq.s32 @!p0 s5, $0x0  }
0x1f: {  	s9 =	smul.u32 $0xF7A, s1;
	s8 =	simm.s32 @!p0 $0x1BF5;
	p2 =	por !p2, p0  }
0x20: {  	[sflag:s8] =	ssyncset.s32 @!p0 $0xFFFFF086;
	s6 =	sadd.s32 @!p0 s3, s7;
	s7 =	simm.s32 @!p0 $0x108  }
0x21: {  	s3 =	sadd.s32 s3, s9;
	s6 =	sadd.s32 @!p0 $0x88, s6;
	s7 =	simm.s32 @p2 $0x1082  }
0x22: {  	[simem:s7], [sflag:s8] =	dma.local @!p0 [hbm:s6], $0xF7A  }
0x23: {  	s9 =	sor.u32 $0xD0000000, s2;
	s6 =	simm.s32 $0x108;
	_ =	swait.ge @!p0 [sflag:s8], $0x0  }
0x24: {  	s3 =	sadd.s32 $0x88, s3;
	s6 =	simm.s32 @!p1 $0x1082;
	[sflag:s4] =	ssyncset.s32 $0xFFFFF086  }
0x25: {  	[simem:s6], [sflag:s4] =	dma.local [hbm:s3], $0xF7A  }
0x26: {  	[smem:$0x3FA0] =	sst s1;
	(tag) =	ssettag s2;
	_ =	strace s9  }
0x27: {  	s1 =	sld [smem:$0x3FB0]  }
0x28: {  	s2 =	sld [smem:$0x3FB1]  }
0x29: {  	s4 =	sld [smem:$0x3FB3]  }
0x2a: {  	p0 =	seq.s32 s5, $0x0;
	s5 =	sld [smem:$0x3FB4]  }
0x2b: {  	s6 =	sld [smem:$0x3FB5]  }
0x2c: {  	s7 =	sld [smem:$0x3FB6]  }
0x2d: {  	s3 =	simm.s32 $0x108;
	s8 =	sld [smem:$0x3FB7]  }
0x2e: {  	s3 =	simm.s32 @!p0 $0x1082;
	s9 =	sld [smem:$0x3FB8]  }
0x2f: {  	lr =	sadd.s32 s0, s3;
	s0 =	sld [smem:$0x3FAF]  }
0x30: {  	s3 =	sld [smem:$0x3FB2]  }
0x31: {  	[smem:$0x3FBB] =	sst s10  }
0x32: {  	s10 =	sld [smem:$0x3FB9];
	_ =	sdelay $0x3  }
0x33: {  	p0 =	seq.s32 s10, $0x1;
	s10 =	sld [smem:$0x3FBB];
	_ =	sdelay $0x3  }
0x34: {  	[smem:$0x3FBB] =	sst s10  }
0x35: {  	s10 =	sld [smem:$0x3FBA];
	_ =	sdelay $0x3  }
0x36: {  	p1 =	seq.s32 s10, $0x1;
	s10 =	sld [smem:$0x3FBB];
	_ =	sdelay $0x3  }
0x37: {  	[smem:$0x3FBB] =	sst s10  }
0x38: {  	s10 =	sld [smem:$0x3FBC]  }
0x39: {  	_ = 	snop;
	(pc) =	sbr.ind lr, $3  }
0x3a: {  	_ = 	snop  }
0x3b: {  	_ = 	snop  }
0x3c: {  	p2 =	seq.s32 s10, $0x1;
	s10 =	sld [smem:$0x3FBB]  }
0x3d: {  	_ =	shalt  }
0x3e: {  	_ =	shalt  }
0x3f: {  	_ =	shalt  }
0x40: {  	_ =	shalt  }
0x41: {  	_ =	shalt  }
0x42: {  	_ =	shalt  }
0x43: {  	_ =	shalt  }
0x44: {  	_ =	shalt  }
0x45: {  	_ =	shalt  }
0x46: {  	_ =	shalt  }
0x47: {  	_ =	shalt  }
0x48: {  	_ =	shalt  }
0x49: {  	_ =	shalt  }
0x4a: {  	_ =	shalt  }
0x4b: {  	_ =	shalt  }
0x4c: {  	_ =	shalt  }
0x4d: {  	_ =	shalt  }
0x4e: {  	_ =	shalt  }
0x4f: {  	_ =	shalt  }
0x50: {  	_ =	shalt  }
0x51: {  	_ =	shalt  }
0x52: {  	_ =	shalt  }
0x53: {  	_ =	shalt  }
0x54: {  	_ =	shalt  }
0x55: {  	_ =	shalt  }
0x56: {  	_ =	shalt  }
0x57: {  	_ =	shalt  }
0x58: {  	_ =	shalt  }
0x59: {  	_ =	shalt  }
0x5a: {  	_ =	shalt  }
0x5b: {  	_ =	shalt  }
0x5c: {  	_ =	shalt  }
0x5d: {  	_ =	shalt  }
0x5e: {  	_ =	shalt  }
0x5f: {  	_ =	shalt  }
0x60: {  	_ =	shalt  }
0x61: {  	_ =	shalt  }
0x62: {  	_ =	shalt  }
0x63: {  	_ =	shalt  }
0x64: {  	_ =	shalt  }
0x65: {  	_ =	shalt  }
0x66: {  	_ =	shalt  }
0x67: {  	_ =	shalt  }
0x68: {  	_ =	shalt  }
0x69: {  	_ =	shalt  }
0x6a: {  	_ =	shalt  }
0x6b: {  	_ =	shalt  }
0x6c: {  	_ =	shalt  }
0x6d: {  	_ =	shalt  }
0x6e: {  	_ =	shalt  }
0x6f: {  	_ =	shalt  }
0x70: {  	_ =	shalt  }
0x71: {  	_ =	shalt  }
0x72: {  	_ =	shalt  }
0x73: {  	_ =	shalt  }
0x74: {  	_ =	shalt  }
0x75: {  	_ =	shalt  }
0x76: {  	_ =	shalt  }
0x77: {  	_ =	shalt  }
0x78: {  	_ =	shalt  }
0x79: {  	_ =	shalt  }
0x7a: {  	_ =	shalt  }
0x7b: {  	_ =	shalt  }
0x7c: {  	_ =	shalt  }
0x7d: {  	_ =	shalt  }
0x7e: {  	_ =	shalt  }
0x7f: {  	_ =	shalt  }
0x80: {  	_ =	shalt  }
0x81: {  	_ =	shalt  }
0x82: {  	_ =	shalt  }
0x83: {  	_ =	shalt  }
0x84: {  	_ =	shalt  }
0x85: {  	_ =	shalt  }
0x86: {  	_ =	shalt  }
0x87: {  	_ =	shalt  }
.Lfunc_end0:
.L_simem_size_0:
called_computation.1_lowered:
.L_overlay_start_0:
0x88: {  	s2 =	sld [smem:$0x3FD9]  }
0x89: {  	s3 =	sld [smem:$0x3FFE];
	_ =	sdelay $0x1  }
0x8a: {  	s1 =	srdreg.scid  }
0x8b: {  	s0 =	sand.u32 $0x1, s1  }
0x8c: {  	s17 =	sshll.u32 s0, $0xA;
	s2 =	sadd.s32 s3, s2  }
0x8d: {  	s2 =	sadd.s32 s2, s17  }
0x8e: {  	[smem:$0x3FC7] =	sst s2  }
0x8f: {  	_ = 	snop  }
0x90: {  	(tm) =	ssettm $0x1  }
0x91: {  	s18 =	sld [smem:$0x3FFB];
	_ =	sdelay $0x3  }
0x92: {  	_ =	strace s18  }
0x93: {  	s2 =	sld [smem:$0x3FFC];
	_ =	sdelay $0x3  }
0x94: {  	_ =	strace s2  }
0x95: {  	s2 =	sld [smem:$0x3FFD];
	_ =	sdelay $0x3  }
0x96: {  	_ =	strace s2  }
0x97: {  	_ =	strace $0x8FFFFFFF  }
0x98: {  	s19 =	sld [smem:$0x3FDB];
	_ =	sdelay $0x1  }
0x99: {  	s20 =	simm.s32 $_scs_section_size  }
0x9a: {  	s4 =	simm.s32 $_size__tile_overlayer_lowered;
	s5 =	simm.s32 $_tile_overlayer_lowered  }
0x9b: {  	s6 =	simm.s32 $0x1BFF;
	s21 =	sshll.u32 s5, $0x1;
	s3 =	sadd.s32 s20, s19  }
0x9c: {  	s22 =	simm.s32 $0x0;
	s4 =	sshll.u32 s4, $0x1;
	s5 =	sadd.s32 s21, s3  }
0x9d: {  	[timem:s22], [sflag:s6] =	dma.local [hbm:s5], s4  }
0x9e: {  	_ =	swait.ge [sflag:s6], s4  }
0x9f: {  	s4 =	ssub.s32 $0x0, s4;
	[sflag:s6] =	ssyncset.done $0x0  }
0xa0: {  	[sflag:s6] =	ssyncadd.s32 s4;
	_ =	sdelay $0x1  }
0xa1: {  	s23 =	simm.s32 $0x1B8B  }
0xa2: {  	_ =	swait.ge [sflag:s23], $0x1  }
0xa3: {  	[sflag:s23] =	ssyncset.done $0x0  }
0xa4: {  	[sflag:s23] =	ssyncadd.s32 $0xFFFFFFFF  }
0xa5: {  	s4 =	sld [smem:$0x0]  }
0xa6: {  	s5 =	sand.u32 $0xFFFFFFFE, s1  }
0xa7: {  	p0 =	sne.s32 s1, s5  }
0xa8: {  	s5 =	sshll.u32 @p0 s5, $0xE  }
0xa9: {  	s5 =	sadd.s32 @p0 $0x11B8D, s5;
	s6 =	sshll.u32 @p0 s4, $0x11  }
0xaa: {  	s5 =	sor.u32 @p0 s6, s5  }
0xab: {  	[sflag:s5] =	ssyncadd.remote.s32 @p0 $0x1;
	_ =	sdelay $0x1  }
0xac: {  	s5 =	simm.s32 @p0 $0x1B8D  }
0xad: {  	_ =	swait.eq @p0 [sflag:s5], $0x1  }
0xae: {  	[sflag:s5] =	ssyncadd.s32 @p0 $0xFFFFFFFF  }
0xaf: {  	s6 =	sshll.u32 @!p0 s1, $0xE  }
0xb0: {  	s6 =	sor.u32 @!p0 $0x4000, s6;
	s5 =	simm.s32 @!p0 $0x1B8D  }
0xb1: {  	s4 =	sshll.u32 @!p0 s4, $0x11;
	s6 =	sadd.s32 @!p0 $0x11B8D, s6;
	_ =	swait.eq @!p0 [sflag:s5], $0x1  }
0xb2: {  	s4 =	sor.u32 @!p0 s4, s6;
	[sflag:s5] =	ssyncadd.s32 @!p0 $0xFFFFFFFF  }
0xb3: {  	s25 =	simm.s32 $0x1B8E;
	s24 =	sld [smem:$0x3FFE];
	[sflag:s4] =	ssyncadd.remote.s32 @!p0 $0x1  }
0xb4: {  	s26 =	simm.s32 $execute0_lowered;
	[smem:$0x3FD2] =	sst s25  }
0xb5: {  	s5 =	sshll.u32 s26, $0x1;
	_ =	strace $0x8000004C;
	[dreg:$0x1] =	wrdreg $0xFFFFFFFF  }
0xb6: {  	s28 =	simm.s32 $_size_execute0_lowered;
	s3 =	sadd.s32 s3, s5;
	[dreg:$0x0] =	wrdreg $0x0  }
0xb7: {  	s5 =	sshll.u32 s28, $0x1;
	[dreg:$0x2] =	wrdreg s3  }
0xb8: {  	[dreg:$0x3] =	wrdreg s5  }
0xb9: {  	[dreg:$0x4] =	wrdreg $0xC0  }
0xba: {  	_ =	task [dreg:s22], $0x5FFFF  }
0xbb: {  	[dreg:$0x1] =	wrdreg $0xFFFFFFFF  }
0xbc: {  	[dreg:$0x0] =	wrdreg $0x60  }
0xbd: {  	[dreg:$0x2] =	wrdreg s24  }
0xbe: {  	[dreg:$0x3] =	wrdreg $0xA  }
0xbf: {  	_ =	task.clear_ibuf [dreg:s22], $0x4FFFF;
	_ =	strace $0x9000004C  }
0xc0: {  	s29 =	simm.s32 $0xA;
	_ =	strace $0x8000004E  }
0xc1: {  	_ =	swait.ge [sflag:s29], $0x1  }
0xc2: {  	[sflag:s29] =	ssyncadd.s32 $0xFFFFFFFF  }
0xc3: {  	_ =	strace $0x9000004E  }
0xc4: {  	_ =	sfence  }
0xc5: {  	s30 =	sld [smem:$0x0];
	_ =	sdelay $0x2  }
0xc6: {  	s31 =	sshll.u32 s1, $0xD;
	s1 =	sshrl.u32 s1, $0x2  }
0xc7: {  	s4 =	sand.u32 $0x4000, s31;
	s1 =	sadd.s32 s1, s30  }
0xc8: {  	s0 =	sor.u32 s4, s0;
	s1 =	sshll.u32 s1, $0x11  }
0xc9: {  	s0 =	sor.u32 s1, s0  }
0xca: {  	s0 =	sadd.s32 $0x8F2B, s0  }
0xcb: {  	[sflag:s0] =	ssyncadd.remote.s32 $0x1  }
0xcc: {  	_ =	sfence.sel $0xFFFF  }
0xcd: {  	[dreg:$0x0] =	wrdreg $0xFFFFFFFF;
	(pc) =	sbr.abs _section_cstart, $3  }
0xce: {  	[dreg:$0x1] =	wrdreg $0xFFFFFFFF  }
0xcf: {  	_ =	task.clear_ibuf [dreg:s22], $0x2FFFF;
	_ =	strace $0x9FFFFFFF  }
0xd0: {  	(tm) =	ssettm $0x7FFFFFFF  }
0xd1: {  	_ =	shalt  }
tec
execute0_lowered:
.L_overlay_start_1:
0x0: {  	(tag) =	ssettag $0x1  }
0x1: {  	s4 =	rddreg [dreg:$0x0]  }
0x2: {  	s0 =	rddreg [dreg:$0x1];
	s2 =	simm.s32 $0x0;
	s3 =	srdreg.scid  }
0x3: {  	s1 =	stileid.u32;
	s12 =	simm.s32 $0x3;
	s13 =	simm.s32 $0x1  }
0x4: {  	s14 =	simm.s32 $0x2;
	s15 =	simm.s32 $0x4100;
	s16 =	simm.s32 $0x4900  }
0x5: {  	s17 =	simm.s32 $0x0;
	s5 =	sand.u32 $0x1, s3;
	s6 =	sshll.u32 s1, $0x1  }
0x6: {  	[smem:$0x7FF] =	sst s2;
	s3 =	sadd.s32 $0x10CE00, s4;
	s7 =	sor.u32 s5, s6  }
0x7: {  	_ =	strace $0x8000004D;
	s5 =	ssub.s32 $0x2, s5;
	s6 =	sshll.u32 s7, $0x5  }
.Ltmp0:
0x8: {  	s8 =	sshll.u32 s7, $0x8;
	s9 =	sshrl.u32 s5, $0x1;
	(pc) =	sbr.rel .LBB2_1-.Ltmp0, $4  }
0x9: {  	s31 =	sshll.u32 s7, $0xE;
	s6 =	sadd.s32 s6, s4;
	s10 =	sadd.s32 s8, s4  }
0xa: {  	s11 =	ssub.s32 s5, s9;
	s4 =	sshll.u32 s7, $0x4;
	s7 =	sshllo.u32 s7, $0x4  }
0xb: {  	s5 =	sadd.s32 $0x18CE00, s6;
	s6 =	sadd.s32 s3, s31;
	s8 =	sadd.s32 $0x18D200, s10  }
0xc: {  	v0 =	vimm.f32 $3.000000010e+38;
	v1 =	vimm.s32 $0x0;
	v2 =	vlaneseq.u32;
	s9 =	sadd.s32 $0x18F200, s10;
	s10 =	smax.u32 s11, $0x1;
	s11 =	simm.s32 $0x4000  }
.LBB2_19:
0xd: {  	_ =	swait.ge [sflag:s13], $0x2000  }
0xe: {  	[sflag:s13] =	ssyncset.done $0x0  }
0xf: {  	[sflag:s13] =	ssyncadd.s32 $0xFFFFE000  }
0x10: {  	[hbm4b:s8+s2] =	stream.linear.scatter [tilespmem:s15], [sflag:$0x3], $0x800, $0x38;
	[tilespmem:$0x5100] =	vst v63  }
0x11: {  	s17 =	sadd.s32 $0x1, s17;
	_ =	swait.ge [sflag:s12], $0x800  }
0x12: {  	p0 =	sne.s32 s17, s10;
	[sflag:s12] =	ssyncset.done $0x0  }
.Ltmp1:
0x13: {  	[sflag:s12] =	ssyncadd.s32 $0xFFFFF800;
	(pc) =	sbr.rel @!p0 .LBB2_20-.Ltmp1, $4  }
0x14: {  	[hbm4b:s9+s2] =	stream.linear.scatter [tilespmem:s16], [sflag:$0x3], $0x800, $0x38;
	[tilespmem:$0x5100] =	vst v63  }
0x15: {  	_ =	swait.ge [sflag:s12], $0x800  }
0x16: {  	[sflag:s12] =	ssyncset.done $0x0  }
0x17: {  	[sflag:s12] =	ssyncadd.s32 $0xFFFFF800  }
.LBB2_1:
0x18: {  	[tilespmem:s11], [sflag:$0x3] =	stream.linear.gather [hbm4b:s5+s2], $0x100, $0x38;
	[tilespmem:$0x5100] =	vst v63  }
0x19: {  	_ =	swait.ge [sflag:s12], $0x100  }
0x1a: {  	[sflag:s12] =	ssyncset.done $0x0  }
0x1b: {  	s18 =	simm.s32 $0x40;
	s20 =	simm.s32 $0x0;
	[sflag:s12] =	ssyncadd.s32 $0xFFFFFF00  }
.LBB2_2:
0x1c: {  	p0 =	sne.s32 s18, $0x1FC0;
	[tilespmem:s20+$0x4100] =	vst v0;
	s19 =	smov.u32 s18;
	s18 =	sadd.s32 $0x40, s18  }
.Ltmp2:
0x1d: {  	(pc) =	sbr.rel @p0 .LBB2_2-.Ltmp2, $2  }
0x1e: {  	_ =	sdelay $0x2  }
0x1f: {  	s20 =	sshra.s32 s19, $0x2  }
0x20: {  	s18 =	simm.s32 $0x0;
	s19 =	simm.s32 $0x80  }
0x21: {  	[tilespmem:s20+$0x4100] =	vst v0;
	s22 =	sadd.s32 $0x0, s6;
	s20 =	simm.s32 $0x100;
	s21 =	simm.s32 $0x0  }
.LBB2_4:
0x22: {  	[tilespmem:s21], [sflag:$0x1] =	stream.linear.gather [hbm4b:s22+s18], $0x80, $0x38;
	[tilespmem:$0x5100] =	vst v63  }
0x23: {  	s22 =	smov.u32 s19;
	s21 =	smov.u32 s20;
	p0 =	sne.s32 s19, $0x1F80  }
.Ltmp3:
0x24: {  	s19 =	sadd.s32 $0x80, s19;
	(pc) =	sbr.rel @p0 .LBB2_4-.Ltmp3, $2  }
0x25: {  	_ =	sdelay $0x2  }
0x26: {  	s20 =	sadd.s32 $0x100, s20;
	s22 =	sadd.s32 s22, s6  }
.Ltmp4:
0x27: {  	(pc) =	sbr.rel .LBB2_6-.Ltmp4, $2  }
0x28: {  	_ =	sdelay $0x2  }
0x29: {  	[tilespmem:s21], [sflag:$0x1] =	stream.linear.gather [hbm4b:s22+s18], $0x80, $0x38;
	[tilespmem:$0x5100] =	vst v63  }
.LBB2_18:
0x2a: {  	s18 =	sadd.s32 $0x1, s18  }
0x2b: {  	p0 =	sne.s32 s18, $0x8  }
.Ltmp5:
0x2c: {  	_ = 	snop;
	(pc) =	sbr.rel @!p0 .LBB2_19-.Ltmp5, $1  }
0x2d: {  	_ =	sdelay $0x3  }
.LBB2_6:
0x2e: {  	s19 =	sshll.u32 s18, $0x1  }
0x2f: {  	s21 =	sshll.u32 s18, $0x5;
	s20 =	sor.u32 s4, s19  }
0x30: {  	s23 =	sand.u32 $0x60, s21;
	s22 =	sshll.u32 s20, $0xA  }
0x31: {  	s23 =	sadd.s32 s23, s3;
	s22 =	sand.u32 $0xFFFE000, s22  }
0x32: {  	s22 =	sadd.s32 s22, s23  }
0x33: {  	s24 =	simm.s32 $0x80;
	s22 =	sadd.s32 $0x10, s22  }
0x34: {  	s25 =	simm.s32 $0x180;
	s23 =	simm.s32 $0x80;
	s26 =	sadd.s32 $0x0, s22  }
.LBB2_7:
0x35: {  	[tilespmem:s23], [sflag:$0x2] =	stream.linear.gather [hbm4b:s26+s2], $0x80, $0x38;
	[tilespmem:$0x5100] =	vst v63  }
0x36: {  	s26 =	smov.u32 s24;
	s23 =	smov.u32 s25;
	p0 =	sne.s32 s24, $0x1F80  }
.Ltmp6:
0x37: {  	s24 =	sadd.s32 $0x80, s24;
	(pc) =	sbr.rel @p0 .LBB2_7-.Ltmp6, $2  }
0x38: {  	_ =	sdelay $0x2  }
0x39: {  	s25 =	sadd.s32 $0x100, s25;
	s26 =	sadd.s32 s26, s22  }
0x3a: {  	[tilespmem:s23], [sflag:$0x2] =	stream.linear.gather [hbm4b:s26+s2], $0x80, $0x38;
	[tilespmem:$0x5100] =	vst v63  }
.Ltmp7:
0x3b: {  	_ = 	snop;
	(pc) =	sbr.rel .LBB2_9-.Ltmp7, $4  }
0x3c: {  	_ =	swait.ge [sflag:s13], $0x2000  }
0x3d: {  	[sflag:s13] =	ssyncset.done $0x0  }
0x3e: {  	s21 =	sand.u32 $0x3FFFFFE0, s21;
	s22 =	sshll.u32 s18, $0x8;
	[sflag:s13] =	ssyncadd.s32 $0xFFFFE000  }
0x3f: {  	s23 =	simm.s32 $0x0;
	v4 =	vmov s22;
	s22 =	simm.s32 $0x40;
	v3 =	vld [tilespmem:s21+$0x4000];
	s21 =	simm.s32 $0x70  }
.LBB2_11:
0x40: {  	s21 =	sadd.s32 $0x80, s21  }
0x41: {  	p0 =	sne.s32 s21, $0x2070  }
.Ltmp8:
0x42: {  	_ = 	snop;
	(pc) =	sbr.rel @!p0 .LBB2_12-.Ltmp8, $2  }
0x43: {  	_ =	sdelay $0x2  }
0x44: {  	s22 =	sadd.s32 $0x100, s22  }
.LBB2_9:
0x45: {  	v12 =	vld [tilespmem:s22+$0xFFFFFFC0]  }
0x46: {  	v11 =	vld [tilespmem:s22+$0xFFFFFFD0]  }
0x47: {  	v10 =	vld [tilespmem:s22+$0xFFFFFFE0]  }
0x48: {  	v9 =	vld [tilespmem:s22+$0xFFFFFFF0]  }
0x49: {  	v8 =	vld [tilespmem:s22+$0x0]  }
0x4a: {  	v7 =	vld [tilespmem:s22+$0x10]  }
0x4b: {  	v5 =	vld [tilespmem:s22+$0x20];
	vm7 =	vle.f32 v12, v3;
	vm6 =	vle.f32 v11, v3  }
0x4c: {  	v6 =	vld [tilespmem:s22+$0x30];
	vm5 =	vle.f32 v10, v3;
	vm0 =	vmor vm7, vm6  }
0x4d: {  	vm4 =	vle.f32 v9, v3;
	vm0 =	vmor vm0, vm5  }
0x4e: {  	vm3 =	vle.f32 v8, v3;
	vm0 =	vmor vm0, vm4  }
0x4f: {  	vm2 =	vle.f32 v7, v3;
	vm0 =	vmor vm0, vm3  }
0x50: {  	vm1 =	vle.f32 v5, v3;
	vm8 =	vmor vm0, vm2  }
0x51: {  	vm0 =	vle.f32 v6, v3;
	vm8 =	vmor vm8, vm1  }
0x52: {  	vm8 =	vmor vm8, vm0  }
0x53: {  	v13 =	vmpcnt.ones.xlane vm8;
	_ =	sdelay $0x1  }
0x54: {  	(v2sf) =	vpush v13, $0x0;
	_ =	sdelay $0xe  }
0x55: {  	s24 =	spop (v2sf)  }
0x56: {  	p0 =	seq.s32 s24, $0x0  }
.Ltmp9:
0x57: {  	_ = 	snop;
	(pc) =	sbr.rel @p0 .LBB2_11-.Ltmp9, $1  }
0x58: {  	_ =	sdelay $0x3  }
0x59: {  	v13 =	vsel vm7, $0x1, v1  }
0x5a: {  	(xrf0) =	vadd.scan.msk.s32 $0xffff, v13;
	_ =	sdelay $0x1  }
0x5b: {  	v33 =	vsel vm6, $0x1, v1  }
0x5c: {  	(xrf0) =	vadd.scan.msk.s32 $0xffff, v33  }
0x5d: {  	v34 =	vsel vm5, $0x1, v1  }
0x5e: {  	(xrf0) =	vadd.scan.msk.s32 $0xffff, v34  }
0x5f: {  	v14 =	vsel vm4, $0x1, v1;
	v35, _, _ =	vpop (xrf0)  }
0x60: {  	(xrf0) =	vadd.scan.msk.s32 $0xffff, v14;
	(v2sf) =	vpush v35, $0xF  }
0x61: {  	v36 =	vsel vm3, $0x1, v1  }
0x62: {  	v15, _, _ =	vpop (xrf0);
	(xrf0) =	vadd.scan.msk.s32 $0xffff, v36;
	_ =	sdelay $0x1  }
0x63: {  	(v2sf) =	vpush v15, $0xF;
	v37, _, _ =	vpop (xrf0)  }
0x64: {  	v16 =	vsel vm2, $0x1, v1;
	(v2sf) =	vpush v37, $0xF  }
0x65: {  	v17, _, _ =	vpop (xrf0);
	(xrf0) =	vadd.scan.msk.s32 $0xffff, v16  }
0x66: {  	v38 =	vsel vm1, $0x1, v1  }
0x67: {  	v18, _, _ =	vpop (xrf0);
	(xrf0) =	vadd.scan.msk.s32 $0xffff, v38  }
0x68: {  	(v2sf) =	vpush v17, $0xF  }
0x69: {  	(v2sf) =	vpush v18, $0xF;
	_ =	sdelay $0x1  }
0x6a: {  	v39, _, _ =	vpop (xrf0)  }
0x6b: {  	v43 =	vsel vm0, $0x1, v1;
	(v2sf) =	vpush v39, $0xF  }
0x6c: {  	v19 =	vmov s23;
	(xrf0) =	vadd.scan.msk.s32 $0xffff, v43;
	v20, _, _ =	vpop (xrf0)  }
0x6d: {  	v19 =	vadd.s32 $0xFFFFFFFF, v19;
	s24 =	spop (v2sf);
	(v2sf) =	vpush v20, $0xF  }
0x6e: {  	v19 =	vbroadcast v19, $0x0;
	_ =	sdelay $0x1  }
0x6f: {  	s29 =	sadd.s32 $0xFFFFFFA0, s21;
	v13 =	vadd.s32 v35, v19;
	s30 =	sadd.s32 s23, s24  }
0x70: {  	v23 =	vor.u32 s29, v2;
	vm8 =	vlt.s32 v13, $0x80;
	s31 =	spop (v2sf);
	v21 =	vmov s30  }
0x71: {  	v13 =	vadd.s32 v4, v13;
	vm7 =	vmand vm7, vm8;
	s23 =	sadd.s32 s31, s30;
	s25 =	spop (v2sf);
	v50, _, _ =	vpop (xrf0);
	v40 =	vadd.s32 $0xFFFFFFFF, v21  }
0x72: {  	v41 =	vmov s23;
	s23 =	sadd.s32 s25, s23;
	s25 =	sadd.s32 $0xFFFFFF90, s21;
	(v2sf) =	vpush v50, $0xF;
	v19 =	vbroadcast v40, $0x0  }
0x73: {  	v42 =	vadd.s32 $0xFFFFFFFF, v41;
	v22 =	vmov s23;
	v44 =	vor.u32 s25, v2  }
0x74: {  	s25 =	sadd.s32 $0xFFFFFFB0, s21;
	v22 =	vadd.s32 $0xFFFFFFFF, v22;
	v15 =	vadd.s32 v15, v19;
	v19 =	vbroadcast v42, $0x0  }
0x75: {  	v58 =	vor.u32 s25, v2;
	s26 =	spop (v2sf);
	v45 =	vbroadcast v22, $0x0;
	vm14 =	vlt.s32 v15, $0x80  }
0x76: {  	s23 =	sadd.s32 s26, s23;
	s28 =	spop (v2sf);
	v15 =	vadd.s32 v4, v15;
	vm6 =	vmand vm6, vm14;
	v14 =	vadd.s32 v37, v19  }
0x77: {  	v46 =	vmov s23;
	s23 =	sadd.s32 s28, s23;
	v17 =	vadd.s32 v17, v45;
	vm15 =	vlt.s32 v14, $0x80  }
0x78: {  	v22 =	vadd.s32 $0xFFFFFFFF, v46;
	v48 =	vmov s23;
	vm13 =	vlt.s32 v17, $0x80  }
0x79: {  	v47 =	vbroadcast v22, $0x0;
	vm12 =	vmand vm5, vm15;
	v22 =	vadd.s32 $0xFFFFFFFF, v48;
	s30 =	spop (v2sf)  }
0x7a: {  	v14 =	vadd.s32 v4, v14;
	v53 =	vadd.s32 v4, v17;
	v49 =	vbroadcast v22, $0x0;
	s23 =	sadd.s32 s30, s23  }
0x7b: {  	[tilespmem:v13+s15+$0x0] =	vst.idx.msk vm7, v12;
	vm14 =	vmand vm4, vm13;
	v18 =	vadd.s32 v18, v47;
	v52 =	vmov s23;
	s31 =	spop (v2sf)  }
0x7c: {  	[tilespmem:v13+s16+$0x0] =	vst.idx.msk vm7, v44;
	vm15 =	vlt.s32 v18, $0x80;
	v51 =	vadd.s32 v39, v49;
	v16 =	vadd.s32 $0xFFFFFFFF, v52;
	s23 =	sadd.s32 s31, s23  }
0x7d: {  	vm9 =	vmand vm3, vm15;
	[tilespmem:v15+s15+$0x0] =	vst.idx.msk vm6, v11;
	v54 =	vbroadcast v16, $0x0;
	v55 =	vmov s23  }
0x7e: {  	v56 =	vadd.s32 v4, v18;
	vm10 =	vlt.s32 v51, $0x80;
	[tilespmem:v15+s16+$0x0] =	vst.idx.msk vm6, v23;
	v16 =	vadd.s32 $0xFFFFFFFF, v55  }
0x7f: {  	vm11 =	vmand vm2, vm10;
	[tilespmem:v14+s15+$0x0] =	vst.idx.msk vm12, v10;
	v57 =	vadd.s32 v20, v54;
	v16 =	vbroadcast v16, $0x0  }
0x80: {  	s26 =	sadd.s32 $0xFFFFFFC0, s21;
	v59 =	vadd.s32 v4, v51;
	[tilespmem:v14+s16+$0x0] =	vst.idx.msk vm12, v58;
	vm12 =	vlt.s32 v57, $0x80  }
0x81: {  	v61 =	vor.u32 s26, v2;
	[tilespmem:v53+s15+$0x0] =	vst.idx.msk vm14, v9;
	vm13 =	vmand vm1, vm12;
	v60 =	vadd.s32 v50, v16  }
0x82: {  	s28 =	sadd.s32 $0xFFFFFFD0, s21;
	[tilespmem:v53+s16+$0x0] =	vst.idx.msk vm14, v61;
	v10 =	vadd.s32 v4, v57;
	vm14 =	vlt.s32 v60, $0x80  }
0x83: {  	v62 =	vor.u32 s28, v2;
	[tilespmem:v56+s15+$0x0] =	vst.idx.msk vm9, v8;
	vm15 =	vmand vm0, vm14  }
0x84: {  	s29 =	sadd.s32 $0xFFFFFFE0, s21;
	[tilespmem:v56+s16+$0x0] =	vst.idx.msk vm9, v62;
	v63 =	vadd.s32 v4, v60  }
0x85: {  	[tilespmem:v59+s15+$0x0] =	vst.idx.msk vm11, v7;
	v7 =	vor.u32 s29, v2  }
.Ltmp10:
0x86: {  	s30 =	sadd.s32 $0xFFFFFFF0, s21;
	[tilespmem:v59+s16+$0x0] =	vst.idx.msk vm11, v7;
	(pc) =	sbr.rel .LBB2_11-.Ltmp10, $4  }
0x87: {  	[tilespmem:v10+s15+$0x0] =	vst.idx.msk vm13, v5;
	v5 =	vor.u32 s30, v2  }
0x88: {  	[tilespmem:v10+s16+$0x0] =	vst.idx.msk vm13, v5  }
0x89: {  	s31 =	spop (v2sf);
	v5 =	vor.u32 s21, v2;
	[tilespmem:v63+s15+$0x0] =	vst.idx.msk vm15, v6  }
0x8a: {  	s23 =	sadd.s32 s31, s23;
	[tilespmem:v63+s16+$0x0] =	vst.idx.msk vm15, v5  }
.LBB2_12:
0x8b: {  	s20 =	sadd.s32 $0x2, s20  }
0x8c: {  	s20 =	smin.u32 s20, s7  }
0x8d: {  	s21 =	sshll.u32 s20, $0x4  }
0x8e: {  	s20 =	sshll.u32 s20, $0xA;
	s21 =	sand.u32 $0x70, s21  }
0x8f: {  	s20 =	sand.u32 $0x7E000, s20;
	s21 =	sadd.s32 s3, s21  }
0x90: {  	s22 =	simm.s32 $0x80;
	s20 =	sadd.s32 s20, s21  }
0x91: {  	s23 =	simm.s32 $0x100;
	s21 =	simm.s32 $0x0;
	s24 =	sadd.s32 $0x0, s20  }
.LBB2_13:
0x92: {  	[tilespmem:s21], [sflag:$0x1] =	stream.linear.gather [hbm4b:s24+s2], $0x80, $0x38;
	[tilespmem:$0x5100] =	vst v63  }
0x93: {  	s24 =	smov.u32 s22;
	s21 =	smov.u32 s23;
	p0 =	sne.s32 s22, $0x1F80  }
.Ltmp11:
0x94: {  	s22 =	sadd.s32 $0x80, s22;
	(pc) =	sbr.rel @p0 .LBB2_13-.Ltmp11, $2  }
0x95: {  	_ =	sdelay $0x2  }
0x96: {  	s23 =	sadd.s32 $0x100, s23;
	s24 =	sadd.s32 s24, s20  }
0x97: {  	[tilespmem:s21], [sflag:$0x1] =	stream.linear.gather [hbm4b:s24+s2], $0x80, $0x38;
	[tilespmem:$0x5100] =	vst v63  }
.Ltmp12:
0x98: {  	_ = 	snop;
	(pc) =	sbr.rel .LBB2_15-.Ltmp12, $4  }
0x99: {  	s19 =	sor.u32 $0x1, s19;
	_ =	swait.ge [sflag:s14], $0x2000  }
0x9a: {  	s20 =	sshll.u32 s19, $0x4;
	[sflag:s14] =	ssyncset.done $0x0  }
0x9b: {  	s19 =	sshll.u32 s19, $0x7;
	s20 =	sand.u32 $0x3FFFFFF0, s20;
	[sflag:s14] =	ssyncadd.s32 $0xFFFFE000  }
0x9c: {  	s21 =	simm.s32 $0x0;
	v4 =	vmov s19;
	s19 =	simm.s32 $0x70;
	v3 =	vld [tilespmem:s20+$0x4000];
	s20 =	simm.s32 $0xF0  }
.LBB2_17:
0x9d: {  	s19 =	sadd.s32 $0x80, s19  }
0x9e: {  	p0 =	sne.s32 s19, $0x2070  }
.Ltmp13:
0x9f: {  	_ = 	snop;
	(pc) =	sbr.rel @!p0 .LBB2_18-.Ltmp13, $2  }
0xa0: {  	_ =	sdelay $0x2  }
0xa1: {  	s20 =	sadd.s32 $0x100, s20  }
.LBB2_15:
0xa2: {  	v12 =	vld [tilespmem:s20+$0xFFFFFF90]  }
0xa3: {  	v11 =	vld [tilespmem:s20+$0xFFFFFFA0]  }
0xa4: {  	v10 =	vld [tilespmem:s20+$0xFFFFFFB0]  }
0xa5: {  	v9 =	vld [tilespmem:s20+$0xFFFFFFC0]  }
0xa6: {  	v8 =	vld [tilespmem:s20+$0xFFFFFFD0]  }
0xa7: {  	v7 =	vld [tilespmem:s20+$0xFFFFFFE0]  }
0xa8: {  	v5 =	vld [tilespmem:s20+$0xFFFFFFF0];
	vm7 =	vle.f32 v12, v3;
	vm6 =	vle.f32 v11, v3  }
0xa9: {  	v6 =	vld [tilespmem:s20+$0x0];
	vm5 =	vle.f32 v10, v3;
	vm0 =	vmor vm7, vm6  }
0xaa: {  	vm4 =	vle.f32 v9, v3;
	vm0 =	vmor vm0, vm5  }
0xab: {  	vm3 =	vle.f32 v8, v3;
	vm0 =	vmor vm0, vm4  }
0xac: {  	vm2 =	vle.f32 v7, v3;
	vm0 =	vmor vm0, vm3  }
0xad: {  	vm1 =	vle.f32 v5, v3;
	vm8 =	vmor vm0, vm2  }
0xae: {  	vm0 =	vle.f32 v6, v3;
	vm8 =	vmor vm8, vm1  }
0xaf: {  	vm8 =	vmor vm8, vm0  }
0xb0: {  	v13 =	vmpcnt.ones.xlane vm8;
	_ =	sdelay $0x1  }
0xb1: {  	(v2sf) =	vpush v13, $0x0;
	_ =	sdelay $0xe  }
0xb2: {  	s22 =	spop (v2sf)  }
0xb3: {  	p0 =	seq.s32 s22, $0x0  }
.Ltmp14:
0xb4: {  	_ = 	snop;
	(pc) =	sbr.rel @p0 .LBB2_17-.Ltmp14, $1  }
0xb5: {  	_ =	sdelay $0x3  }
0xb6: {  	v13 =	vsel vm7, $0x1, v1  }
0xb7: {  	(xrf0) =	vadd.scan.msk.s32 $0xffff, v13;
	_ =	sdelay $0x1  }
0xb8: {  	v33 =	vsel vm6, $0x1, v1  }
0xb9: {  	(xrf0) =	vadd.scan.msk.s32 $0xffff, v33  }
0xba: {  	v34 =	vsel vm5, $0x1, v1  }
0xbb: {  	(xrf0) =	vadd.scan.msk.s32 $0xffff, v34  }
0xbc: {  	v14 =	vsel vm4, $0x1, v1;
	v35, _, _ =	vpop (xrf0)  }
0xbd: {  	(xrf0) =	vadd.scan.msk.s32 $0xffff, v14;
	(v2sf) =	vpush v35, $0xF  }
0xbe: {  	v36 =	vsel vm3, $0x1, v1  }
0xbf: {  	v15, _, _ =	vpop (xrf0);
	(xrf0) =	vadd.scan.msk.s32 $0xffff, v36;
	_ =	sdelay $0x1  }
0xc0: {  	(v2sf) =	vpush v15, $0xF;
	v37, _, _ =	vpop (xrf0)  }
0xc1: {  	v16 =	vsel vm2, $0x1, v1;
	(v2sf) =	vpush v37, $0xF  }
0xc2: {  	v17, _, _ =	vpop (xrf0);
	(xrf0) =	vadd.scan.msk.s32 $0xffff, v16  }
0xc3: {  	v38 =	vsel vm1, $0x1, v1  }
0xc4: {  	v18, _, _ =	vpop (xrf0);
	(xrf0) =	vadd.scan.msk.s32 $0xffff, v38  }
0xc5: {  	(v2sf) =	vpush v17, $0xF  }
0xc6: {  	(v2sf) =	vpush v18, $0xF;
	_ =	sdelay $0x1  }
0xc7: {  	v39, _, _ =	vpop (xrf0)  }
0xc8: {  	(v2sf) =	vpush v39, $0xF  }
0xc9: {  	v43 =	vsel vm0, $0x1, v1;
	v20, _, _ =	vpop (xrf0)  }
0xca: {  	v19 =	vmov s21;
	(xrf0) =	vadd.scan.msk.s32 $0xffff, v43;
	s22 =	spop (v2sf);
	(v2sf) =	vpush v20, $0xF  }
0xcb: {  	v19 =	vadd.s32 $0xFFFFFFFF, v19  }
0xcc: {  	s23 =	sadd.s32 $0xFFFFFF90, s19;
	v19 =	vbroadcast v19, $0x0  }
0xcd: {  	s30 =	sadd.s32 $0xFFFFFFA0, s19;
	v44 =	vor.u32 s23, v2;
	s24 =	sadd.s32 s21, s22  }
0xce: {  	v23 =	vor.u32 s30, v2;
	v13 =	vadd.s32 v35, v19;
	s25 =	spop (v2sf);
	v21 =	vmov s24  }
0xcf: {  	vm8 =	vlt.s32 v13, $0x80;
	v13 =	vadd.s32 v4, v13;
	s21 =	sadd.s32 s25, s24;
	s26 =	spop (v2sf);
	v40 =	vadd.s32 $0xFFFFFFFF, v21  }
0xd0: {  	vm7 =	vmand vm7, vm8;
	v50, _, _ =	vpop (xrf0);
	v41 =	vmov s21;
	s21 =	sadd.s32 s26, s21;
	v19 =	vbroadcast v40, $0x0  }
0xd1: {  	(v2sf) =	vpush v50, $0xF;
	v42 =	vadd.s32 $0xFFFFFFFF, v41;
	v22 =	vmov s21  }
0xd2: {  	s25 =	sadd.s32 $0xFFFFFFB0, s19;
	v22 =	vadd.s32 $0xFFFFFFFF, v22;
	v15 =	vadd.s32 v15, v19;
	v19 =	vbroadcast v42, $0x0  }
0xd3: {  	v58 =	vor.u32 s25, v2;
	s28 =	spop (v2sf);
	v45 =	vbroadcast v22, $0x0;
	vm14 =	vlt.s32 v15, $0x80  }
0xd4: {  	s21 =	sadd.s32 s28, s21;
	s29 =	spop (v2sf);
	v15 =	vadd.s32 v4, v15;
	vm6 =	vmand vm6, vm14;
	v14 =	vadd.s32 v37, v19  }
0xd5: {  	v46 =	vmov s21;
	s21 =	sadd.s32 s29, s21;
	v17 =	vadd.s32 v17, v45;
	vm15 =	vlt.s32 v14, $0x80  }
0xd6: {  	v22 =	vadd.s32 $0xFFFFFFFF, v46;
	v48 =	vmov s21;
	vm13 =	vlt.s32 v17, $0x80  }
0xd7: {  	v47 =	vbroadcast v22, $0x0;
	vm12 =	vmand vm5, vm15;
	v22 =	vadd.s32 $0xFFFFFFFF, v48;
	s31 =	spop (v2sf)  }
0xd8: {  	v14 =	vadd.s32 v4, v14;
	v53 =	vadd.s32 v4, v17;
	v49 =	vbroadcast v22, $0x0;
	s21 =	sadd.s32 s31, s21  }
0xd9: {  	[tilespmem:v13+s15+$0x0] =	vst.idx.msk vm7, v12;
	vm14 =	vmand vm4, vm13;
	v18 =	vadd.s32 v18, v47;
	v52 =	vmov s21;
	s24 =	spop (v2sf)  }
0xda: {  	[tilespmem:v13+s16+$0x0] =	vst.idx.msk vm7, v44;
	vm15 =	vlt.s32 v18, $0x80;
	v51 =	vadd.s32 v39, v49;
	v16 =	vadd.s32 $0xFFFFFFFF, v52;
	s21 =	sadd.s32 s24, s21  }
0xdb: {  	vm9 =	vmand vm3, vm15;
	[tilespmem:v15+s15+$0x0] =	vst.idx.msk vm6, v11;
	v54 =	vbroadcast v16, $0x0;
	v55 =	vmov s21  }
0xdc: {  	v56 =	vadd.s32 v4, v18;
	vm10 =	vlt.s32 v51, $0x80;
	[tilespmem:v15+s16+$0x0] =	vst.idx.msk vm6, v23;
	v16 =	vadd.s32 $0xFFFFFFFF, v55  }
0xdd: {  	vm11 =	vmand vm2, vm10;
	[tilespmem:v14+s15+$0x0] =	vst.idx.msk vm12, v10;
	v57 =	vadd.s32 v20, v54;
	v16 =	vbroadcast v16, $0x0  }
0xde: {  	s26 =	sadd.s32 $0xFFFFFFC0, s19;
	v59 =	vadd.s32 v4, v51;
	[tilespmem:v14+s16+$0x0] =	vst.idx.msk vm12, v58;
	vm12 =	vlt.s32 v57, $0x80  }
0xdf: {  	v61 =	vor.u32 s26, v2;
	[tilespmem:v53+s15+$0x0] =	vst.idx.msk vm14, v9;
	vm13 =	vmand vm1, vm12;
	v60 =	vadd.s32 v50, v16  }
0xe0: {  	s28 =	sadd.s32 $0xFFFFFFD0, s19;
	[tilespmem:v53+s16+$0x0] =	vst.idx.msk vm14, v61;
	v10 =	vadd.s32 v4, v57;
	vm14 =	vlt.s32 v60, $0x80  }
0xe1: {  	v62 =	vor.u32 s28, v2;
	[tilespmem:v56+s15+$0x0] =	vst.idx.msk vm9, v8;
	vm15 =	vmand vm0, vm14  }
0xe2: {  	s29 =	sadd.s32 $0xFFFFFFE0, s19;
	[tilespmem:v56+s16+$0x0] =	vst.idx.msk vm9, v62;
	v63 =	vadd.s32 v4, v60  }
0xe3: {  	[tilespmem:v59+s15+$0x0] =	vst.idx.msk vm11, v7;
	v7 =	vor.u32 s29, v2  }
.Ltmp15:
0xe4: {  	s30 =	sadd.s32 $0xFFFFFFF0, s19;
	[tilespmem:v59+s16+$0x0] =	vst.idx.msk vm11, v7;
	(pc) =	sbr.rel .LBB2_17-.Ltmp15, $4  }
0xe5: {  	[tilespmem:v10+s15+$0x0] =	vst.idx.msk vm13, v5;
	v5 =	vor.u32 s30, v2  }
0xe6: {  	[tilespmem:v10+s16+$0x0] =	vst.idx.msk vm13, v5  }
0xe7: {  	s31 =	spop (v2sf);
	v5 =	vor.u32 s19, v2;
	[tilespmem:v63+s15+$0x0] =	vst.idx.msk vm15, v6  }
0xe8: {  	s21 =	sadd.s32 s31, s21;
	[tilespmem:v63+s16+$0x0] =	vst.idx.msk vm15, v5  }
.LBB2_20:
0xe9: {  	_ =	sfence.sel $0x180000  }
0xea: {  	[bflag:$0x0] =	sbarrier.arrive $0xFFFF  }
0xeb: {  	p0 =	sne.s32 s1, $0x0;
	_ =	strace $0x9000004D  }
0xec: {  	s0 =	sadd.s32 @!p0 $0x100000, s0;
	[bflag:$0x2] =	sbarrier.arrive $0xFFFF  }
0xed: {  	[sflag:s0] =	ssyncadd.tile.s32 @!p0 $0x1;
	_ =	shalt  }
.Lfunc_end2:
_tile_overlayer_lowered:
.L_overlay_start_2:
0xee: {  	(tag) =	ssettag $0x2  }
0xef: {  	s0 =	rddreg [dreg:$0x0];
	s2 =	stileid.u32  }
0xf0: {  	s1 =	rddreg [dreg:$0x1];
	p0 =	sne.s32 s2, $0x0  }
0xf1: {  	s3 =	rddreg [dreg:$0x2];
	[bflag:$0x3] =	sbarrier.arrive $0xFFFF;
	s2 =	simm.s32 @!p0 $0x1C03  }
0xf2: {  	[timem:s3], [sflag:s2] =	dma.local @!p0 [hbm:s0], s1  }
0xf3: {  	s0 =	simm.s32 @!p0 $0x3  }
0xf4: {  	_ =	swait.ge @!p0 [sflag:s0], s1  }
0xf5: {  	s1 =	ssub.s32 @!p0 $0x0, s1;
	[sflag:s0] =	ssyncset.done @!p0 $0x0  }
0xf6: {  	[sflag:s0] =	ssyncadd.s32 @!p0 s1  }
0xf7: {  	[bflag:$0x3] =	sbarrier.arrive $0xFFFF  }
0xf8: {  	_ =	shalt  }

// kernel: kernel.19.cloned.1.call-start
scs
__scs_entry_jumppad:
0x0: {  	(pc) =	sbr.rel $0x88, $3  }
0x1: {  	(tag) =	ssettag $0x0;
	lr =	simm.s32 $0x1  }
0x2: {  	[smem:$0x3FA0] =	sst lr;
	_ =	strace $0xD0000000  }
0x3: {  	_ = 	snop  }
0x4: {  	_ = 	snop  }
0x5: {  	_ = 	snop  }
0x6: {  	_ = 	snop  }
0x7: {  	_ = 	snop  }
__scs_overlays_trampoline_lowered:
0x8: {  	[smem:$0x3FAF] =	sst s0  }
0x9: {  	[smem:$0x3FB0] =	sst s1  }
0xa: {  	[smem:$0x3FB1] =	sst s2  }
0xb: {  	[smem:$0x3FB2] =	sst s3  }
0xc: {  	[smem:$0x3FB3] =	sst s4  }
0xd: {  	[smem:$0x3FB4] =	sst s5  }
0xe: {  	[smem:$0x3FB5] =	sst s6  }
0xf: {  	[smem:$0x3FB6] =	sst s7  }
0x10: {  	[smem:$0x3FB7] =	sst s8  }
0x11: {  	[smem:$0x3FB8] =	sst s9;
	s0 =	simm.s32 @!p0 $0x0  }
0x12: {  	s1 =	sld [smem:$0x3F9E];
	s0 =	simm.s32 @p0 $0x1  }
0x13: {  	[smem:$0x3FB9] =	sst s0;
	s0 =	simm.s32 @!p1 $0x0  }
0x14: {  	s2 =	sld [smem:$0x3F9D];
	s0 =	simm.s32 @p1 $0x1  }
0x15: {  	[smem:$0x3FBA] =	sst s0;
	s0 =	simm.s32 @!p2 $0x0  }
0x16: {  	s3 =	sld [smem:$0x3FDB];
	s0 =	simm.s32 @p2 $0x1  }
0x17: {  	s4 =	simm.s32 $0x1BF5;
	[smem:$0x3FBC] =	sst s0  }
0x18: {  	s0 =	sld [smem:$0x3F9F];
	_ =	swait.ge [sflag:s4], $0x0  }
0x19: {  	s7 =	sld [smem:$0x3FA0]  }
0x1a: {  	s8 =	sadd.s32 $0xFFFFE003, lr  }
0x1b: {  	s9 =	sadd.s32 $0xFFFFFEF7, lr;
	s5 =	simm.s32 $0xFFFFFFFF;
	p2 =	slt.u32 s8, $0xFFFFF086  }
0x1c: {  	p1 =	slt.u32 s9, $0xF7A;
	s5 =	simm.s32 @!p2 $0x0  }
0x1d: {  	s5 =	simm.s32 @p1 $0x1;
	p0 =	seq.s32 s7, s2  }
0x1e: {  	s7 =	smul.u32 @!p0 $0xF7A, s2;
	p2 =	seq.s32 @!p0 s5, $0x0  }
0x1f: {  	s9 =	smul.u32 $0xF7A, s1;
	s8 =	simm.s32 @!p0 $0x1BF5;
	p2 =	por !p2, p0  }
0x20: {  	[sflag:s8] =	ssyncset.s32 @!p0 $0xFFFFF086;
	s6 =	sadd.s32 @!p0 s3, s7;
	s7 =	simm.s32 @!p0 $0x108  }
0x21: {  	s3 =	sadd.s32 s3, s9;
	s6 =	sadd.s32 @!p0 $0x88, s6;
	s7 =	simm.s32 @p2 $0x1082  }
0x22: {  	[simem:s7], [sflag:s8] =	dma.local @!p0 [hbm:s6], $0xF7A  }
0x23: {  	s9 =	sor.u32 $0xD0000000, s2;
	s6 =	simm.s32 $0x108;
	_ =	swait.ge @!p0 [sflag:s8], $0x0  }
0x24: {  	s3 =	sadd.s32 $0x88, s3;
	s6 =	simm.s32 @!p1 $0x1082;
	[sflag:s4] =	ssyncset.s32 $0xFFFFF086  }
0x25: {  	[simem:s6], [sflag:s4] =	dma.local [hbm:s3], $0xF7A  }
0x26: {  	[smem:$0x3FA0] =	sst s1;
	(tag) =	ssettag s2;
	_ =	strace s9  }
0x27: {  	s1 =	sld [smem:$0x3FB0]  }
0x28: {  	s2 =	sld [smem:$0x3FB1]  }
0x29: {  	s4 =	sld [smem:$0x3FB3]  }
0x2a: {  	p0 =	seq.s32 s5, $0x0;
	s5 =	sld [smem:$0x3FB4]  }
0x2b: {  	s6 =	sld [smem:$0x3FB5]  }
0x2c: {  	s7 =	sld [smem:$0x3FB6]  }
0x2d: {  	s3 =	simm.s32 $0x108;
	s8 =	sld [smem:$0x3FB7]  }
0x2e: {  	s3 =	simm.s32 @!p0 $0x1082;
	s9 =	sld [smem:$0x3FB8]  }
0x2f: {  	lr =	sadd.s32 s0, s3;
	s0 =	sld [smem:$0x3FAF]  }
0x30: {  	s3 =	sld [smem:$0x3FB2]  }
0x31: {  	[smem:$0x3FBB] =	sst s10  }
0x32: {  	s10 =	sld [smem:$0x3FB9];
	_ =	sdelay $0x3  }
0x33: {  	p0 =	seq.s32 s10, $0x1;
	s10 =	sld [smem:$0x3FBB];
	_ =	sdelay $0x3  }
0x34: {  	[smem:$0x3FBB] =	sst s10  }
0x35: {  	s10 =	sld [smem:$0x3FBA];
	_ =	sdelay $0x3  }
0x36: {  	p1 =	seq.s32 s10, $0x1;
	s10 =	sld [smem:$0x3FBB];
	_ =	sdelay $0x3  }
0x37: {  	[smem:$0x3FBB] =	sst s10  }
0x38: {  	s10 =	sld [smem:$0x3FBC]  }
0x39: {  	_ = 	snop;
	(pc) =	sbr.ind lr, $3  }
0x3a: {  	_ = 	snop  }
0x3b: {  	_ = 	snop  }
0x3c: {  	p2 =	seq.s32 s10, $0x1;
	s10 =	sld [smem:$0x3FBB]  }
0x3d: {  	_ =	shalt  }
0x3e: {  	_ =	shalt  }
0x3f: {  	_ =	shalt  }
0x40: {  	_ =	shalt  }
0x41: {  	_ =	shalt  }
0x42: {  	_ =	shalt  }
0x43: {  	_ =	shalt  }
0x44: {  	_ =	shalt  }
0x45: {  	_ =	shalt  }
0x46: {  	_ =	shalt  }
0x47: {  	_ =	shalt  }
0x48: {  	_ =	shalt  }
0x49: {  	_ =	shalt  }
0x4a: {  	_ =	shalt  }
0x4b: {  	_ =	shalt  }
0x4c: {  	_ =	shalt  }
0x4d: {  	_ =	shalt  }
0x4e: {  	_ =	shalt  }
0x4f: {  	_ =	shalt  }
0x50: {  	_ =	shalt  }
0x51: {  	_ =	shalt  }
0x52: {  	_ =	shalt  }
0x53: {  	_ =	shalt  }
0x54: {  	_ =	shalt  }
0x55: {  	_ =	shalt  }
0x56: {  	_ =	shalt  }
0x57: {  	_ =	shalt  }
0x58: {  	_ =	shalt  }
0x59: {  	_ =	shalt  }
0x5a: {  	_ =	shalt  }
0x5b: {  	_ =	shalt  }
0x5c: {  	_ =	shalt  }
0x5d: {  	_ =	shalt  }
0x5e: {  	_ =	shalt  }
0x5f: {  	_ =	shalt  }
0x60: {  	_ =	shalt  }
0x61: {  	_ =	shalt  }
0x62: {  	_ =	shalt  }
0x63: {  	_ =	shalt  }
0x64: {  	_ =	shalt  }
0x65: {  	_ =	shalt  }
0x66: {  	_ =	shalt  }
0x67: {  	_ =	shalt  }
0x68: {  	_ =	shalt  }
0x69: {  	_ =	shalt  }
0x6a: {  	_ =	shalt  }
0x6b: {  	_ =	shalt  }
0x6c: {  	_ =	shalt  }
0x6d: {  	_ =	shalt  }
0x6e: {  	_ =	shalt  }
0x6f: {  	_ =	shalt  }
0x70: {  	_ =	shalt  }
0x71: {  	_ =	shalt  }
0x72: {  	_ =	shalt  }
0x73: {  	_ =	shalt  }
0x74: {  	_ =	shalt  }
0x75: {  	_ =	shalt  }
0x76: {  	_ =	shalt  }
0x77: {  	_ =	shalt  }
0x78: {  	_ =	shalt  }
0x79: {  	_ =	shalt  }
0x7a: {  	_ =	shalt  }
0x7b: {  	_ =	shalt  }
0x7c: {  	_ =	shalt  }
0x7d: {  	_ =	shalt  }
0x7e: {  	_ =	shalt  }
0x7f: {  	_ =	shalt  }
0x80: {  	_ =	shalt  }
0x81: {  	_ =	shalt  }
0x82: {  	_ =	shalt  }
0x83: {  	_ =	shalt  }
0x84: {  	_ =	shalt  }
0x85: {  	_ =	shalt  }
0x86: {  	_ =	shalt  }
0x87: {  	_ =	shalt  }
.Lfunc_end0:
.L_simem_size_0:
called_computation.2_lowered:
.L_overlay_start_0:
0x88: {  	s2 =	sld [smem:$0x3FD9]  }
0x89: {  	s3 =	sld [smem:$0x3FFE];
	_ =	sdelay $0x1  }
0x8a: {  	s1 =	srdreg.scid  }
0x8b: {  	s0 =	sand.u32 $0x1, s1  }
0x8c: {  	s17 =	sshll.u32 s0, $0xA;
	s2 =	sadd.s32 s3, s2  }
0x8d: {  	s2 =	sadd.s32 s2, s17  }
0x8e: {  	[smem:$0x3FC7] =	sst s2  }
0x8f: {  	_ = 	snop  }
0x90: {  	(tm) =	ssettm $0x1  }
0x91: {  	s18 =	sld [smem:$0x3FFB];
	_ =	sdelay $0x3  }
0x92: {  	_ =	strace s18  }
0x93: {  	s2 =	sld [smem:$0x3FFC];
	_ =	sdelay $0x3  }
0x94: {  	_ =	strace s2  }
0x95: {  	s2 =	sld [smem:$0x3FFD];
	_ =	sdelay $0x3  }
0x96: {  	_ =	strace s2  }
0x97: {  	_ =	strace $0x8FFFFFFF  }
0x98: {  	s19 =	sld [smem:$0x3FDB];
	_ =	sdelay $0x1  }
0x99: {  	s20 =	simm.s32 $_scs_section_size  }
0x9a: {  	s4 =	simm.s32 $_size__tile_overlayer_lowered;
	s5 =	simm.s32 $_tile_overlayer_lowered  }
0x9b: {  	s6 =	simm.s32 $0x1BFF;
	s21 =	sshll.u32 s5, $0x1;
	s3 =	sadd.s32 s20, s19  }
0x9c: {  	s22 =	simm.s32 $0x0;
	s4 =	sshll.u32 s4, $0x1;
	s5 =	sadd.s32 s21, s3  }
0x9d: {  	[timem:s22], [sflag:s6] =	dma.local [hbm:s5], s4  }
0x9e: {  	_ =	swait.ge [sflag:s6], s4  }
0x9f: {  	s4 =	ssub.s32 $0x0, s4;
	[sflag:s6] =	ssyncset.done $0x0  }
0xa0: {  	[sflag:s6] =	ssyncadd.s32 s4;
	_ =	sdelay $0x1  }
0xa1: {  	s23 =	simm.s32 $0x1B8B  }
0xa2: {  	_ =	swait.ge [sflag:s23], $0x1  }
0xa3: {  	[sflag:s23] =	ssyncset.done $0x0  }
0xa4: {  	[sflag:s23] =	ssyncadd.s32 $0xFFFFFFFF  }
0xa5: {  	s4 =	sld [smem:$0x0]  }
0xa6: {  	s5 =	sand.u32 $0xFFFFFFFE, s1  }
0xa7: {  	p0 =	sne.s32 s1, s5  }
0xa8: {  	s5 =	sshll.u32 @p0 s5, $0xE  }
0xa9: {  	s5 =	sadd.s32 @p0 $0x11B8D, s5;
	s6 =	sshll.u32 @p0 s4, $0x11  }
0xaa: {  	s5 =	sor.u32 @p0 s6, s5  }
0xab: {  	[sflag:s5] =	ssyncadd.remote.s32 @p0 $0x1;
	_ =	sdelay $0x1  }
0xac: {  	s5 =	simm.s32 @p0 $0x1B8D  }
0xad: {  	_ =	swait.eq @p0 [sflag:s5], $0x1  }
0xae: {  	[sflag:s5] =	ssyncadd.s32 @p0 $0xFFFFFFFF  }
0xaf: {  	s6 =	sshll.u32 @!p0 s1, $0xE  }
0xb0: {  	s6 =	sor.u32 @!p0 $0x4000, s6;
	s5 =	simm.s32 @!p0 $0x1B8D  }
0xb1: {  	s4 =	sshll.u32 @!p0 s4, $0x11;
	s6 =	sadd.s32 @!p0 $0x11B8D, s6;
	_ =	swait.eq @!p0 [sflag:s5], $0x1  }
0xb2: {  	s4 =	sor.u32 @!p0 s4, s6;
	[sflag:s5] =	ssyncadd.s32 @!p0 $0xFFFFFFFF  }
0xb3: {  	s25 =	simm.s32 $0x1B8E;
	s24 =	sld [smem:$0x3FFE];
	[sflag:s4] =	ssyncadd.remote.s32 @!p0 $0x1  }
0xb4: {  	s26 =	simm.s32 $execute0_lowered;
	[smem:$0x3FD2] =	sst s25  }
0xb5: {  	s5 =	sshll.u32 s26, $0x1;
	_ =	strace $0x80000049;
	[dreg:$0x1] =	wrdreg $0xFFFFFFFF  }
0xb6: {  	s28 =	simm.s32 $_size_execute0_lowered;
	s3 =	sadd.s32 s3, s5;
	[dreg:$0x0] =	wrdreg $0x0  }
0xb7: {  	s5 =	sshll.u32 s28, $0x1;
	[dreg:$0x2] =	wrdreg s3  }
0xb8: {  	[dreg:$0x3] =	wrdreg s5  }
0xb9: {  	[dreg:$0x4] =	wrdreg $0xC0  }
0xba: {  	_ =	task [dreg:s22], $0x5FFFF  }
0xbb: {  	[dreg:$0x1] =	wrdreg $0xFFFFFFFF  }
0xbc: {  	[dreg:$0x0] =	wrdreg $0x60  }
0xbd: {  	[dreg:$0x2] =	wrdreg s24  }
0xbe: {  	[dreg:$0x3] =	wrdreg $0xB  }
0xbf: {  	_ =	task.clear_ibuf [dreg:s22], $0x4FFFF;
	_ =	strace $0x90000049  }
0xc0: {  	s29 =	simm.s32 $0xB;
	_ =	strace $0x8000004B  }
0xc1: {  	_ =	swait.ge [sflag:s29], $0x1  }
0xc2: {  	[sflag:s29] =	ssyncadd.s32 $0xFFFFFFFF  }
0xc3: {  	_ =	strace $0x9000004B  }
0xc4: {  	_ =	sfence  }
0xc5: {  	s30 =	sld [smem:$0x0];
	_ =	sdelay $0x2  }
0xc6: {  	s31 =	sshll.u32 s1, $0xD;
	s1 =	sshrl.u32 s1, $0x2  }
0xc7: {  	s4 =	sand.u32 $0x4000, s31;
	s1 =	sadd.s32 s1, s30  }
0xc8: {  	s0 =	sor.u32 s4, s0;
	s1 =	sshll.u32 s1, $0x11  }
0xc9: {  	s0 =	sor.u32 s1, s0  }
0xca: {  	s0 =	sadd.s32 $0x8F2B, s0  }
0xcb: {  	[sflag:s0] =	ssyncadd.remote.s32 $0x1  }
0xcc: {  	_ =	sfence.sel $0xFFFF  }
0xcd: {  	[dreg:$0x0] =	wrdreg $0xFFFFFFFF;
	(pc) =	sbr.abs _section_cstart, $3  }
0xce: {  	[dreg:$0x1] =	wrdreg $0xFFFFFFFF  }
0xcf: {  	_ =	task.clear_ibuf [dreg:s22], $0x2FFFF;
	_ =	strace $0x9FFFFFFF  }
0xd0: {  	(tm) =	ssettm $0x7FFFFFFF  }
0xd1: {  	_ =	shalt  }
tec
execute0_lowered:
.L_overlay_start_1:
0x0: {  	(tag) =	ssettag $0x1  }
0x1: {  	s4 =	rddreg [dreg:$0x0]  }
0x2: {  	s0 =	rddreg [dreg:$0x1];
	s2 =	simm.s32 $0x0;
	s3 =	srdreg.scid  }
0x3: {  	s1 =	stileid.u32;
	s12 =	simm.s32 $0x3;
	s13 =	simm.s32 $0x1  }
0x4: {  	s14 =	simm.s32 $0x2;
	s15 =	simm.s32 $0x4100;
	s16 =	simm.s32 $0x4900  }
0x5: {  	s17 =	simm.s32 $0x0;
	s5 =	sand.u32 $0x1, s3;
	s6 =	sshll.u32 s1, $0x1  }
0x6: {  	[smem:$0x7FF] =	sst s2;
	s3 =	sadd.s32 $0x88A00, s4;
	s7 =	sor.u32 s5, s6  }
0x7: {  	_ =	strace $0x8000004A;
	s5 =	ssub.s32 $0x2, s5;
	s6 =	sshll.u32 s7, $0x5  }
.Ltmp0:
0x8: {  	s8 =	sshll.u32 s7, $0x8;
	s9 =	sshrl.u32 s5, $0x1;
	(pc) =	sbr.rel .LBB2_1-.Ltmp0, $4  }
0x9: {  	s31 =	sshll.u32 s7, $0xE;
	s6 =	sadd.s32 s6, s4;
	s10 =	sadd.s32 s8, s4  }
0xa: {  	s11 =	ssub.s32 s5, s9;
	s4 =	sshll.u32 s7, $0x4;
	s7 =	sshllo.u32 s7, $0x4  }
0xb: {  	s5 =	sadd.s32 $0x108A00, s6;
	s6 =	sadd.s32 s3, s31;
	s8 =	sadd.s32 $0x108E00, s10  }
0xc: {  	v0 =	vimm.f32 $3.000000010e+38;
	v1 =	vimm.s32 $0x0;
	v2 =	vlaneseq.u32;
	s9 =	sadd.s32 $0x10AE00, s10;
	s10 =	smax.u32 s11, $0x1;
	s11 =	simm.s32 $0x4000  }
.LBB2_19:
0xd: {  	_ =	swait.ge [sflag:s13], $0x2000  }
0xe: {  	[sflag:s13] =	ssyncset.done $0x0  }
0xf: {  	[sflag:s13] =	ssyncadd.s32 $0xFFFFE000  }
0x10: {  	[hbm4b:s8+s2] =	stream.linear.scatter [tilespmem:s15], [sflag:$0x3], $0x800, $0x38;
	[tilespmem:$0x5100] =	vst v63  }
0x11: {  	s17 =	sadd.s32 $0x1, s17;
	_ =	swait.ge [sflag:s12], $0x800  }
0x12: {  	p0 =	sne.s32 s17, s10;
	[sflag:s12] =	ssyncset.done $0x0  }
.Ltmp1:
0x13: {  	[sflag:s12] =	ssyncadd.s32 $0xFFFFF800;
	(pc) =	sbr.rel @!p0 .LBB2_20-.Ltmp1, $4  }
0x14: {  	[hbm4b:s9+s2] =	stream.linear.scatter [tilespmem:s16], [sflag:$0x3], $0x800, $0x38;
	[tilespmem:$0x5100] =	vst v63  }
0x15: {  	_ =	swait.ge [sflag:s12], $0x800  }
0x16: {  	[sflag:s12] =	ssyncset.done $0x0  }
0x17: {  	[sflag:s12] =	ssyncadd.s32 $0xFFFFF800  }
.LBB2_1:
0x18: {  	[tilespmem:s11], [sflag:$0x3] =	stream.linear.gather [hbm4b:s5+s2], $0x100, $0x38;
	[tilespmem:$0x5100] =	vst v63  }
0x19: {  	_ =	swait.ge [sflag:s12], $0x100  }
0x1a: {  	[sflag:s12] =	ssyncset.done $0x0  }
0x1b: {  	s18 =	simm.s32 $0x40;
	s20 =	simm.s32 $0x0;
	[sflag:s12] =	ssyncadd.s32 $0xFFFFFF00  }
.LBB2_2:
0x1c: {  	p0 =	sne.s32 s18, $0x1FC0;
	[tilespmem:s20+$0x4100] =	vst v0;
	s19 =	smov.u32 s18;
	s18 =	sadd.s32 $0x40, s18  }
.Ltmp2:
0x1d: {  	(pc) =	sbr.rel @p0 .LBB2_2-.Ltmp2, $2  }
0x1e: {  	_ =	sdelay $0x2  }
0x1f: {  	s20 =	sshra.s32 s19, $0x2  }
0x20: {  	s18 =	simm.s32 $0x0;
	s19 =	simm.s32 $0x80  }
0x21: {  	[tilespmem:s20+$0x4100] =	vst v0;
	s22 =	sadd.s32 $0x0, s6;
	s20 =	simm.s32 $0x100;
	s21 =	simm.s32 $0x0  }
.LBB2_4:
0x22: {  	[tilespmem:s21], [sflag:$0x1] =	stream.linear.gather [hbm4b:s22+s18], $0x80, $0x38;
	[tilespmem:$0x5100] =	vst v63  }
0x23: {  	s22 =	smov.u32 s19;
	s21 =	smov.u32 s20;
	p0 =	sne.s32 s19, $0x1F80  }
.Ltmp3:
0x24: {  	s19 =	sadd.s32 $0x80, s19;
	(pc) =	sbr.rel @p0 .LBB2_4-.Ltmp3, $2  }
0x25: {  	_ =	sdelay $0x2  }
0x26: {  	s20 =	sadd.s32 $0x100, s20;
	s22 =	sadd.s32 s22, s6  }
.Ltmp4:
0x27: {  	(pc) =	sbr.rel .LBB2_6-.Ltmp4, $2  }
0x28: {  	_ =	sdelay $0x2  }
0x29: {  	[tilespmem:s21], [sflag:$0x1] =	stream.linear.gather [hbm4b:s22+s18], $0x80, $0x38;
	[tilespmem:$0x5100] =	vst v63  }
.LBB2_18:
0x2a: {  	s18 =	sadd.s32 $0x1, s18  }
0x2b: {  	p0 =	sne.s32 s18, $0x8  }
.Ltmp5:
0x2c: {  	_ = 	snop;
	(pc) =	sbr.rel @!p0 .LBB2_19-.Ltmp5, $1  }
0x2d: {  	_ =	sdelay $0x3  }
.LBB2_6:
0x2e: {  	s19 =	sshll.u32 s18, $0x1  }
0x2f: {  	s21 =	sshll.u32 s18, $0x5;
	s20 =	sor.u32 s4, s19  }
0x30: {  	s23 =	sand.u32 $0x60, s21;
	s22 =	sshll.u32 s20, $0xA  }
0x31: {  	s23 =	sadd.s32 s23, s3;
	s22 =	sand.u32 $0xFFFE000, s22  }
0x32: {  	s22 =	sadd.s32 s22, s23  }
0x33: {  	s24 =	simm.s32 $0x80;
	s22 =	sadd.s32 $0x10, s22  }
0x34: {  	s25 =	simm.s32 $0x180;
	s23 =	simm.s32 $0x80;
	s26 =	sadd.s32 $0x0, s22  }
.LBB2_7:
0x35: {  	[tilespmem:s23], [sflag:$0x2] =	stream.linear.gather [hbm4b:s26+s2], $0x80, $0x38;
	[tilespmem:$0x5100] =	vst v63  }
0x36: {  	s26 =	smov.u32 s24;
	s23 =	smov.u32 s25;
	p0 =	sne.s32 s24, $0x1F80  }
.Ltmp6:
0x37: {  	s24 =	sadd.s32 $0x80, s24;
	(pc) =	sbr.rel @p0 .LBB2_7-.Ltmp6, $2  }
0x38: {  	_ =	sdelay $0x2  }
0x39: {  	s25 =	sadd.s32 $0x100, s25;
	s26 =	sadd.s32 s26, s22  }
0x3a: {  	[tilespmem:s23], [sflag:$0x2] =	stream.linear.gather [hbm4b:s26+s2], $0x80, $0x38;
	[tilespmem:$0x5100] =	vst v63  }
.Ltmp7:
0x3b: {  	_ = 	snop;
	(pc) =	sbr.rel .LBB2_9-.Ltmp7, $4  }
0x3c: {  	_ =	swait.ge [sflag:s13], $0x2000  }
0x3d: {  	[sflag:s13] =	ssyncset.done $0x0  }
0x3e: {  	s21 =	sand.u32 $0x3FFFFFE0, s21;
	s22 =	sshll.u32 s18, $0x8;
	[sflag:s13] =	ssyncadd.s32 $0xFFFFE000  }
0x3f: {  	s23 =	simm.s32 $0x0;
	v4 =	vmov s22;
	s22 =	simm.s32 $0x40;
	v3 =	vld [tilespmem:s21+$0x4000];
	s21 =	simm.s32 $0x70  }
.LBB2_11:
0x40: {  	s21 =	sadd.s32 $0x80, s21  }
0x41: {  	p0 =	sne.s32 s21, $0x2070  }
.Ltmp8:
0x42: {  	_ = 	snop;
	(pc) =	sbr.rel @!p0 .LBB2_12-.Ltmp8, $2  }
0x43: {  	_ =	sdelay $0x2  }
0x44: {  	s22 =	sadd.s32 $0x100, s22  }
.LBB2_9:
0x45: {  	v12 =	vld [tilespmem:s22+$0xFFFFFFC0]  }
0x46: {  	v11 =	vld [tilespmem:s22+$0xFFFFFFD0]  }
0x47: {  	v10 =	vld [tilespmem:s22+$0xFFFFFFE0]  }
0x48: {  	v9 =	vld [tilespmem:s22+$0xFFFFFFF0]  }
0x49: {  	v8 =	vld [tilespmem:s22+$0x0]  }
0x4a: {  	v7 =	vld [tilespmem:s22+$0x10]  }
0x4b: {  	v5 =	vld [tilespmem:s22+$0x20];
	vm7 =	vle.f32 v12, v3;
	vm6 =	vle.f32 v11, v3  }
0x4c: {  	v6 =	vld [tilespmem:s22+$0x30];
	vm5 =	vle.f32 v10, v3;
	vm0 =	vmor vm7, vm6  }
0x4d: {  	vm4 =	vle.f32 v9, v3;
	vm0 =	vmor vm0, vm5  }
0x4e: {  	vm3 =	vle.f32 v8, v3;
	vm0 =	vmor vm0, vm4  }
0x4f: {  	vm2 =	vle.f32 v7, v3;
	vm0 =	vmor vm0, vm3  }
0x50: {  	vm1 =	vle.f32 v5, v3;
	vm8 =	vmor vm0, vm2  }
0x51: {  	vm0 =	vle.f32 v6, v3;
	vm8 =	vmor vm8, vm1  }
0x52: {  	vm8 =	vmor vm8, vm0  }
0x53: {  	v13 =	vmpcnt.ones.xlane vm8;
	_ =	sdelay $0x1  }
0x54: {  	(v2sf) =	vpush v13, $0x0;
	_ =	sdelay $0xe  }
0x55: {  	s24 =	spop (v2sf)  }
0x56: {  	p0 =	seq.s32 s24, $0x0  }
.Ltmp9:
0x57: {  	_ = 	snop;
	(pc) =	sbr.rel @p0 .LBB2_11-.Ltmp9, $1  }
0x58: {  	_ =	sdelay $0x3  }
0x59: {  	v13 =	vsel vm7, $0x1, v1  }
0x5a: {  	(xrf0) =	vadd.scan.msk.s32 $0xffff, v13;
	_ =	sdelay $0x1  }
0x5b: {  	v33 =	vsel vm6, $0x1, v1  }
0x5c: {  	(xrf0) =	vadd.scan.msk.s32 $0xffff, v33  }
0x5d: {  	v34 =	vsel vm5, $0x1, v1  }
0x5e: {  	(xrf0) =	vadd.scan.msk.s32 $0xffff, v34  }
0x5f: {  	v14 =	vsel vm4, $0x1, v1;
	v35, _, _ =	vpop (xrf0)  }
0x60: {  	(xrf0) =	vadd.scan.msk.s32 $0xffff, v14;
	(v2sf) =	vpush v35, $0xF  }
0x61: {  	v36 =	vsel vm3, $0x1, v1  }
0x62: {  	v15, _, _ =	vpop (xrf0);
	(xrf0) =	vadd.scan.msk.s32 $0xffff, v36;
	_ =	sdelay $0x1  }
0x63: {  	(v2sf) =	vpush v15, $0xF;
	v37, _, _ =	vpop (xrf0)  }
0x64: {  	v16 =	vsel vm2, $0x1, v1;
	(v2sf) =	vpush v37, $0xF  }
0x65: {  	v17, _, _ =	vpop (xrf0);
	(xrf0) =	vadd.scan.msk.s32 $0xffff, v16  }
0x66: {  	v38 =	vsel vm1, $0x1, v1  }
0x67: {  	v18, _, _ =	vpop (xrf0);
	(xrf0) =	vadd.scan.msk.s32 $0xffff, v38  }
0x68: {  	(v2sf) =	vpush v17, $0xF  }
0x69: {  	(v2sf) =	vpush v18, $0xF;
	_ =	sdelay $0x1  }
0x6a: {  	v39, _, _ =	vpop (xrf0)  }
0x6b: {  	v43 =	vsel vm0, $0x1, v1;
	(v2sf) =	vpush v39, $0xF  }
0x6c: {  	v19 =	vmov s23;
	(xrf0) =	vadd.scan.msk.s32 $0xffff, v43;
	v20, _, _ =	vpop (xrf0)  }
0x6d: {  	v19 =	vadd.s32 $0xFFFFFFFF, v19;
	s24 =	spop (v2sf);
	(v2sf) =	vpush v20, $0xF  }
0x6e: {  	v19 =	vbroadcast v19, $0x0;
	_ =	sdelay $0x1  }
0x6f: {  	s29 =	sadd.s32 $0xFFFFFFA0, s21;
	v13 =	vadd.s32 v35, v19;
	s30 =	sadd.s32 s23, s24  }
0x70: {  	v23 =	vor.u32 s29, v2;
	vm8 =	vlt.s32 v13, $0x80;
	s31 =	spop (v2sf);
	v21 =	vmov s30  }
0x71: {  	v13 =	vadd.s32 v4, v13;
	vm7 =	vmand vm7, vm8;
	s23 =	sadd.s32 s31, s30;
	s25 =	spop (v2sf);
	v50, _, _ =	vpop (xrf0);
	v40 =	vadd.s32 $0xFFFFFFFF, v21  }
0x72: {  	v41 =	vmov s23;
	s23 =	sadd.s32 s25, s23;
	s25 =	sadd.s32 $0xFFFFFF90, s21;
	(v2sf) =	vpush v50, $0xF;
	v19 =	vbroadcast v40, $0x0  }
0x73: {  	v42 =	vadd.s32 $0xFFFFFFFF, v41;
	v22 =	vmov s23;
	v44 =	vor.u32 s25, v2  }
0x74: {  	s25 =	sadd.s32 $0xFFFFFFB0, s21;
	v22 =	vadd.s32 $0xFFFFFFFF, v22;
	v15 =	vadd.s32 v15, v19;
	v19 =	vbroadcast v42, $0x0  }
0x75: {  	v58 =	vor.u32 s25, v2;
	s26 =	spop (v2sf);
	v45 =	vbroadcast v22, $0x0;
	vm14 =	vlt.s32 v15, $0x80  }
0x76: {  	s23 =	sadd.s32 s26, s23;
	s28 =	spop (v2sf);
	v15 =	vadd.s32 v4, v15;
	vm6 =	vmand vm6, vm14;
	v14 =	vadd.s32 v37, v19  }
0x77: {  	v46 =	vmov s23;
	s23 =	sadd.s32 s28, s23;
	v17 =	vadd.s32 v17, v45;
	vm15 =	vlt.s32 v14, $0x80  }
0x78: {  	v22 =	vadd.s32 $0xFFFFFFFF, v46;
	v48 =	vmov s23;
	vm13 =	vlt.s32 v17, $0x80  }
0x79: {  	v47 =	vbroadcast v22, $0x0;
	vm12 =	vmand vm5, vm15;
	v22 =	vadd.s32 $0xFFFFFFFF, v48;
	s30 =	spop (v2sf)  }
0x7a: {  	v14 =	vadd.s32 v4, v14;
	v53 =	vadd.s32 v4, v17;
	v49 =	vbroadcast v22, $0x0;
	s23 =	sadd.s32 s30, s23  }
0x7b: {  	[tilespmem:v13+s15+$0x0] =	vst.idx.msk vm7, v12;
	vm14 =	vmand vm4, vm13;
	v18 =	vadd.s32 v18, v47;
	v52 =	vmov s23;
	s31 =	spop (v2sf)  }
0x7c: {  	[tilespmem:v13+s16+$0x0] =	vst.idx.msk vm7, v44;
	vm15 =	vlt.s32 v18, $0x80;
	v51 =	vadd.s32 v39, v49;
	v16 =	vadd.s32 $0xFFFFFFFF, v52;
	s23 =	sadd.s32 s31, s23  }
0x7d: {  	vm9 =	vmand vm3, vm15;
	[tilespmem:v15+s15+$0x0] =	vst.idx.msk vm6, v11;
	v54 =	vbroadcast v16, $0x0;
	v55 =	vmov s23  }
0x7e: {  	v56 =	vadd.s32 v4, v18;
	vm10 =	vlt.s32 v51, $0x80;
	[tilespmem:v15+s16+$0x0] =	vst.idx.msk vm6, v23;
	v16 =	vadd.s32 $0xFFFFFFFF, v55  }
0x7f: {  	vm11 =	vmand vm2, vm10;
	[tilespmem:v14+s15+$0x0] =	vst.idx.msk vm12, v10;
	v57 =	vadd.s32 v20, v54;
	v16 =	vbroadcast v16, $0x0  }
0x80: {  	s26 =	sadd.s32 $0xFFFFFFC0, s21;
	v59 =	vadd.s32 v4, v51;
	[tilespmem:v14+s16+$0x0] =	vst.idx.msk vm12, v58;
	vm12 =	vlt.s32 v57, $0x80  }
0x81: {  	v61 =	vor.u32 s26, v2;
	[tilespmem:v53+s15+$0x0] =	vst.idx.msk vm14, v9;
	vm13 =	vmand vm1, vm12;
	v60 =	vadd.s32 v50, v16  }
0x82: {  	s28 =	sadd.s32 $0xFFFFFFD0, s21;
	[tilespmem:v53+s16+$0x0] =	vst.idx.msk vm14, v61;
	v10 =	vadd.s32 v4, v57;
	vm14 =	vlt.s32 v60, $0x80  }
0x83: {  	v62 =	vor.u32 s28, v2;
	[tilespmem:v56+s15+$0x0] =	vst.idx.msk vm9, v8;
	vm15 =	vmand vm0, vm14  }
0x84: {  	s29 =	sadd.s32 $0xFFFFFFE0, s21;
	[tilespmem:v56+s16+$0x0] =	vst.idx.msk vm9, v62;
	v63 =	vadd.s32 v4, v60  }
0x85: {  	[tilespmem:v59+s15+$0x0] =	vst.idx.msk vm11, v7;
	v7 =	vor.u32 s29, v2  }
.Ltmp10:
0x86: {  	s30 =	sadd.s32 $0xFFFFFFF0, s21;
	[tilespmem:v59+s16+$0x0] =	vst.idx.msk vm11, v7;
	(pc) =	sbr.rel .LBB2_11-.Ltmp10, $4  }
0x87: {  	[tilespmem:v10+s15+$0x0] =	vst.idx.msk vm13, v5;
	v5 =	vor.u32 s30, v2  }
0x88: {  	[tilespmem:v10+s16+$0x0] =	vst.idx.msk vm13, v5  }
0x89: {  	s31 =	spop (v2sf);
	v5 =	vor.u32 s21, v2;
	[tilespmem:v63+s15+$0x0] =	vst.idx.msk vm15, v6  }
0x8a: {  	s23 =	sadd.s32 s31, s23;
	[tilespmem:v63+s16+$0x0] =	vst.idx.msk vm15, v5  }
.LBB2_12:
0x8b: {  	s20 =	sadd.s32 $0x2, s20  }
0x8c: {  	s20 =	smin.u32 s20, s7  }
0x8d: {  	s21 =	sshll.u32 s20, $0x4  }
0x8e: {  	s20 =	sshll.u32 s20, $0xA;
	s21 =	sand.u32 $0x70, s21  }
0x8f: {  	s20 =	sand.u32 $0x7E000, s20;
	s21 =	sadd.s32 s3, s21  }
0x90: {  	s22 =	simm.s32 $0x80;
	s20 =	sadd.s32 s20, s21  }
0x91: {  	s23 =	simm.s32 $0x100;
	s21 =	simm.s32 $0x0;
	s24 =	sadd.s32 $0x0, s20  }
.LBB2_13:
0x92: {  	[tilespmem:s21], [sflag:$0x1] =	stream.linear.gather [hbm4b:s24+s2], $0x80, $0x38;
	[tilespmem:$0x5100] =	vst v63  }
0x93: {  	s24 =	smov.u32 s22;
	s21 =	smov.u32 s23;
	p0 =	sne.s32 s22, $0x1F80  }
.Ltmp11:
0x94: {  	s22 =	sadd.s32 $0x80, s22;
	(pc) =	sbr.rel @p0 .LBB2_13-.Ltmp11, $2  }
0x95: {  	_ =	sdelay $0x2  }
0x96: {  	s23 =	sadd.s32 $0x100, s23;
	s24 =	sadd.s32 s24, s20  }
0x97: {  	[tilespmem:s21], [sflag:$0x1] =	stream.linear.gather [hbm4b:s24+s2], $0x80, $0x38;
	[tilespmem:$0x5100] =	vst v63  }
.Ltmp12:
0x98: {  	_ = 	snop;
	(pc) =	sbr.rel .LBB2_15-.Ltmp12, $4  }
0x99: {  	s19 =	sor.u32 $0x1, s19;
	_ =	swait.ge [sflag:s14], $0x2000  }
0x9a: {  	s20 =	sshll.u32 s19, $0x4;
	[sflag:s14] =	ssyncset.done $0x0  }
0x9b: {  	s19 =	sshll.u32 s19, $0x7;
	s20 =	sand.u32 $0x3FFFFFF0, s20;
	[sflag:s14] =	ssyncadd.s32 $0xFFFFE000  }
0x9c: {  	s21 =	simm.s32 $0x0;
	v4 =	vmov s19;
	s19 =	simm.s32 $0x70;
	v3 =	vld [tilespmem:s20+$0x4000];
	s20 =	simm.s32 $0xF0  }
.LBB2_17:
0x9d: {  	s19 =	sadd.s32 $0x80, s19  }
0x9e: {  	p0 =	sne.s32 s19, $0x2070  }
.Ltmp13:
0x9f: {  	_ = 	snop;
	(pc) =	sbr.rel @!p0 .LBB2_18-.Ltmp13, $2  }
0xa0: {  	_ =	sdelay $0x2  }
0xa1: {  	s20 =	sadd.s32 $0x100, s20  }
.LBB2_15:
0xa2: {  	v12 =	vld [tilespmem:s20+$0xFFFFFF90]  }
0xa3: {  	v11 =	vld [tilespmem:s20+$0xFFFFFFA0]  }
0xa4: {  	v10 =	vld [tilespmem:s20+$0xFFFFFFB0]  }
0xa5: {  	v9 =	vld [tilespmem:s20+$0xFFFFFFC0]  }
0xa6: {  	v8 =	vld [tilespmem:s20+$0xFFFFFFD0]  }
0xa7: {  	v7 =	vld [tilespmem:s20+$0xFFFFFFE0]  }
0xa8: {  	v5 =	vld [tilespmem:s20+$0xFFFFFFF0];
	vm7 =	vle.f32 v12, v3;
	vm6 =	vle.f32 v11, v3  }
0xa9: {  	v6 =	vld [tilespmem:s20+$0x0];
	vm5 =	vle.f32 v10, v3;
	vm0 =	vmor vm7, vm6  }
0xaa: {  	vm4 =	vle.f32 v9, v3;
	vm0 =	vmor vm0, vm5  }
0xab: {  	vm3 =	vle.f32 v8, v3;
	vm0 =	vmor vm0, vm4  }
0xac: {  	vm2 =	vle.f32 v7, v3;
	vm0 =	vmor vm0, vm3  }
0xad: {  	vm1 =	vle.f32 v5, v3;
	vm8 =	vmor vm0, vm2  }
0xae: {  	vm0 =	vle.f32 v6, v3;
	vm8 =	vmor vm8, vm1  }
0xaf: {  	vm8 =	vmor vm8, vm0  }
0xb0: {  	v13 =	vmpcnt.ones.xlane vm8;
	_ =	sdelay $0x1  }
0xb1: {  	(v2sf) =	vpush v13, $0x0;
	_ =	sdelay $0xe  }
0xb2: {  	s22 =	spop (v2sf)  }
0xb3: {  	p0 =	seq.s32 s22, $0x0  }
.Ltmp14:
0xb4: {  	_ = 	snop;
	(pc) =	sbr.rel @p0 .LBB2_17-.Ltmp14, $1  }
0xb5: {  	_ =	sdelay $0x3  }
0xb6: {  	v13 =	vsel vm7, $0x1, v1  }
0xb7: {  	(xrf0) =	vadd.scan.msk.s32 $0xffff, v13;
	_ =	sdelay $0x1  }
0xb8: {  	v33 =	vsel vm6, $0x1, v1  }
0xb9: {  	(xrf0) =	vadd.scan.msk.s32 $0xffff, v33  }
0xba: {  	v34 =	vsel vm5, $0x1, v1  }
0xbb: {  	(xrf0) =	vadd.scan.msk.s32 $0xffff, v34  }
0xbc: {  	v14 =	vsel vm4, $0x1, v1;
	v35, _, _ =	vpop (xrf0)  }
0xbd: {  	(xrf0) =	vadd.scan.msk.s32 $0xffff, v14;
	(v2sf) =	vpush v35, $0xF  }
0xbe: {  	v36 =	vsel vm3, $0x1, v1  }
0xbf: {  	v15, _, _ =	vpop (xrf0);
	(xrf0) =	vadd.scan.msk.s32 $0xffff, v36;
	_ =	sdelay $0x1  }
0xc0: {  	(v2sf) =	vpush v15, $0xF;
	v37, _, _ =	vpop (xrf0)  }
0xc1: {  	v16 =	vsel vm2, $0x1, v1;
	(v2sf) =	vpush v37, $0xF  }
0xc2: {  	v17, _, _ =	vpop (xrf0);
	(xrf0) =	vadd.scan.msk.s32 $0xffff, v16  }
0xc3: {  	v38 =	vsel vm1, $0x1, v1  }
0xc4: {  	v18, _, _ =	vpop (xrf0);
	(xrf0) =	vadd.scan.msk.s32 $0xffff, v38  }
0xc5: {  	(v2sf) =	vpush v17, $0xF  }
0xc6: {  	(v2sf) =	vpush v18, $0xF;
	_ =	sdelay $0x1  }
0xc7: {  	v39, _, _ =	vpop (xrf0)  }
0xc8: {  	(v2sf) =	vpush v39, $0xF  }
0xc9: {  	v43 =	vsel vm0, $0x1, v1;
	v20, _, _ =	vpop (xrf0)  }
0xca: {  	v19 =	vmov s21;
	(xrf0) =	vadd.scan.msk.s32 $0xffff, v43;
	s22 =	spop (v2sf);
	(v2sf) =	vpush v20, $0xF  }
0xcb: {  	v19 =	vadd.s32 $0xFFFFFFFF, v19  }
0xcc: {  	s23 =	sadd.s32 $0xFFFFFF90, s19;
	v19 =	vbroadcast v19, $0x0  }
0xcd: {  	s30 =	sadd.s32 $0xFFFFFFA0, s19;
	v44 =	vor.u32 s23, v2;
	s24 =	sadd.s32 s21, s22  }
0xce: {  	v23 =	vor.u32 s30, v2;
	v13 =	vadd.s32 v35, v19;
	s25 =	spop (v2sf);
	v21 =	vmov s24  }
0xcf: {  	vm8 =	vlt.s32 v13, $0x80;
	v13 =	vadd.s32 v4, v13;
	s21 =	sadd.s32 s25, s24;
	s26 =	spop (v2sf);
	v40 =	vadd.s32 $0xFFFFFFFF, v21  }
0xd0: {  	vm7 =	vmand vm7, vm8;
	v50, _, _ =	vpop (xrf0);
	v41 =	vmov s21;
	s21 =	sadd.s32 s26, s21;
	v19 =	vbroadcast v40, $0x0  }
0xd1: {  	(v2sf) =	vpush v50, $0xF;
	v42 =	vadd.s32 $0xFFFFFFFF, v41;
	v22 =	vmov s21  }
0xd2: {  	s25 =	sadd.s32 $0xFFFFFFB0, s19;
	v22 =	vadd.s32 $0xFFFFFFFF, v22;
	v15 =	vadd.s32 v15, v19;
	v19 =	vbroadcast v42, $0x0  }
0xd3: {  	v58 =	vor.u32 s25, v2;
	s28 =	spop (v2sf);
	v45 =	vbroadcast v22, $0x0;
	vm14 =	vlt.s32 v15, $0x80  }
0xd4: {  	s21 =	sadd.s32 s28, s21;
	s29 =	spop (v2sf);
	v15 =	vadd.s32 v4, v15;
	vm6 =	vmand vm6, vm14;
	v14 =	vadd.s32 v37, v19  }
0xd5: {  	v46 =	vmov s21;
	s21 =	sadd.s32 s29, s21;
	v17 =	vadd.s32 v17, v45;
	vm15 =	vlt.s32 v14, $0x80  }
0xd6: {  	v22 =	vadd.s32 $0xFFFFFFFF, v46;
	v48 =	vmov s21;
	vm13 =	vlt.s32 v17, $0x80  }
0xd7: {  	v47 =	vbroadcast v22, $0x0;
	vm12 =	vmand vm5, vm15;
	v22 =	vadd.s32 $0xFFFFFFFF, v48;
	s31 =	spop (v2sf)  }
0xd8: {  	v14 =	vadd.s32 v4, v14;
	v53 =	vadd.s32 v4, v17;
	v49 =	vbroadcast v22, $0x0;
	s21 =	sadd.s32 s31, s21  }
0xd9: {  	[tilespmem:v13+s15+$0x0] =	vst.idx.msk vm7, v12;
	vm14 =	vmand vm4, vm13;
	v18 =	vadd.s32 v18, v47;
	v52 =	vmov s21;
	s24 =	spop (v2sf)  }
0xda: {  	[tilespmem:v13+s16+$0x0] =	vst.idx.msk vm7, v44;
	vm15 =	vlt.s32 v18, $0x80;
	v51 =	vadd.s32 v39, v49;
	v16 =	vadd.s32 $0xFFFFFFFF, v52;
	s21 =	sadd.s32 s24, s21  }
0xdb: {  	vm9 =	vmand vm3, vm15;
	[tilespmem:v15+s15+$0x0] =	vst.idx.msk vm6, v11;
	v54 =	vbroadcast v16, $0x0;
	v55 =	vmov s21  }
0xdc: {  	v56 =	vadd.s32 v4, v18;
	vm10 =	vlt.s32 v51, $0x80;
	[tilespmem:v15+s16+$0x0] =	vst.idx.msk vm6, v23;
	v16 =	vadd.s32 $0xFFFFFFFF, v55  }
0xdd: {  	vm11 =	vmand vm2, vm10;
	[tilespmem:v14+s15+$0x0] =	vst.idx.msk vm12, v10;
	v57 =	vadd.s32 v20, v54;
	v16 =	vbroadcast v16, $0x0  }
0xde: {  	s26 =	sadd.s32 $0xFFFFFFC0, s19;
	v59 =	vadd.s32 v4, v51;
	[tilespmem:v14+s16+$0x0] =	vst.idx.msk vm12, v58;
	vm12 =	vlt.s32 v57, $0x80  }
0xdf: {  	v61 =	vor.u32 s26, v2;
	[tilespmem:v53+s15+$0x0] =	vst.idx.msk vm14, v9;
	vm13 =	vmand vm1, vm12;
	v60 =	vadd.s32 v50, v16  }
0xe0: {  	s28 =	sadd.s32 $0xFFFFFFD0, s19;
	[tilespmem:v53+s16+$0x0] =	vst.idx.msk vm14, v61;
	v10 =	vadd.s32 v4, v57;
	vm14 =	vlt.s32 v60, $0x80  }
0xe1: {  	v62 =	vor.u32 s28, v2;
	[tilespmem:v56+s15+$0x0] =	vst.idx.msk vm9, v8;
	vm15 =	vmand vm0, vm14  }
0xe2: {  	s29 =	sadd.s32 $0xFFFFFFE0, s19;
	[tilespmem:v56+s16+$0x0] =	vst.idx.msk vm9, v62;
	v63 =	vadd.s32 v4, v60  }
0xe3: {  	[tilespmem:v59+s15+$0x0] =	vst.idx.msk vm11, v7;
	v7 =	vor.u32 s29, v2  }
.Ltmp15:
0xe4: {  	s30 =	sadd.s32 $0xFFFFFFF0, s19;
	[tilespmem:v59+s16+$0x0] =	vst.idx.msk vm11, v7;
	(pc) =	sbr.rel .LBB2_17-.Ltmp15, $4  }
0xe5: {  	[tilespmem:v10+s15+$0x0] =	vst.idx.msk vm13, v5;
	v5 =	vor.u32 s30, v2  }
0xe6: {  	[tilespmem:v10+s16+$0x0] =	vst.idx.msk vm13, v5  }
0xe7: {  	s31 =	spop (v2sf);
	v5 =	vor.u32 s19, v2;
	[tilespmem:v63+s15+$0x0] =	vst.idx.msk vm15, v6  }
0xe8: {  	s21 =	sadd.s32 s31, s21;
	[tilespmem:v63+s16+$0x0] =	vst.idx.msk vm15, v5  }
.LBB2_20:
0xe9: {  	_ =	sfence.sel $0x180000  }
0xea: {  	[bflag:$0x0] =	sbarrier.arrive $0xFFFF  }
0xeb: {  	p0 =	sne.s32 s1, $0x0;
	_ =	strace $0x9000004A  }
0xec: {  	s0 =	sadd.s32 @!p0 $0x100000, s0;
	[bflag:$0x2] =	sbarrier.arrive $0xFFFF  }
0xed: {  	[sflag:s0] =	ssyncadd.tile.s32 @!p0 $0x1;
	_ =	shalt  }
.Lfunc_end2:
_tile_overlayer_lowered:
.L_overlay_start_2:
0xee: {  	(tag) =	ssettag $0x2  }
0xef: {  	s0 =	rddreg [dreg:$0x0];
	s2 =	stileid.u32  }
0xf0: {  	s1 =	rddreg [dreg:$0x1];
	p0 =	sne.s32 s2, $0x0  }
0xf1: {  	s3 =	rddreg [dreg:$0x2];
	[bflag:$0x3] =	sbarrier.arrive $0xFFFF;
	s2 =	simm.s32 @!p0 $0x1C03  }
0xf2: {  	[timem:s3], [sflag:s2] =	dma.local @!p0 [hbm:s0], s1  }
0xf3: {  	s0 =	simm.s32 @!p0 $0x3  }
0xf4: {  	_ =	swait.ge @!p0 [sflag:s0], s1  }
0xf5: {  	s1 =	ssub.s32 @!p0 $0x0, s1;
	[sflag:s0] =	ssyncset.done @!p0 $0x0  }
0xf6: {  	[sflag:s0] =	ssyncadd.s32 @!p0 s1  }
0xf7: {  	[bflag:$0x3] =	sbarrier.arrive $0xFFFF  }
0xf8: {  	_ =	shalt  }

// kernel: kernel.22.cloned.1.call-start
scs
__scs_entry_jumppad:
0x0: {  	(pc) =	sbr.rel $0x88, $3  }
0x1: {  	(tag) =	ssettag $0x0;
	lr =	simm.s32 $0x1  }
0x2: {  	[smem:$0x3FA0] =	sst lr;
	_ =	strace $0xD0000000  }
0x3: {  	_ = 	snop  }
0x4: {  	_ = 	snop  }
0x5: {  	_ = 	snop  }
0x6: {  	_ = 	snop  }
0x7: {  	_ = 	snop  }
__scs_overlays_trampoline_lowered:
0x8: {  	[smem:$0x3FAF] =	sst s0  }
0x9: {  	[smem:$0x3FB0] =	sst s1  }
0xa: {  	[smem:$0x3FB1] =	sst s2  }
0xb: {  	[smem:$0x3FB2] =	sst s3  }
0xc: {  	[smem:$0x3FB3] =	sst s4  }
0xd: {  	[smem:$0x3FB4] =	sst s5  }
0xe: {  	[smem:$0x3FB5] =	sst s6  }
0xf: {  	[smem:$0x3FB6] =	sst s7  }
0x10: {  	[smem:$0x3FB7] =	sst s8  }
0x11: {  	[smem:$0x3FB8] =	sst s9;
	s0 =	simm.s32 @!p0 $0x0  }
0x12: {  	s1 =	sld [smem:$0x3F9E];
	s0 =	simm.s32 @p0 $0x1  }
0x13: {  	[smem:$0x3FB9] =	sst s0;
	s0 =	simm.s32 @!p1 $0x0  }
0x14: {  	s2 =	sld [smem:$0x3F9D];
	s0 =	simm.s32 @p1 $0x1  }
0x15: {  	[smem:$0x3FBA] =	sst s0;
	s0 =	simm.s32 @!p2 $0x0  }
0x16: {  	s3 =	sld [smem:$0x3FDB];
	s0 =	simm.s32 @p2 $0x1  }
0x17: {  	s4 =	simm.s32 $0x1BF5;
	[smem:$0x3FBC] =	sst s0  }
0x18: {  	s0 =	sld [smem:$0x3F9F];
	_ =	swait.ge [sflag:s4], $0x0  }
0x19: {  	s7 =	sld [smem:$0x3FA0]  }
0x1a: {  	s8 =	sadd.s32 $0xFFFFE003, lr  }
0x1b: {  	s9 =	sadd.s32 $0xFFFFFEF7, lr;
	s5 =	simm.s32 $0xFFFFFFFF;
	p2 =	slt.u32 s8, $0xFFFFF086  }
0x1c: {  	p1 =	slt.u32 s9, $0xF7A;
	s5 =	simm.s32 @!p2 $0x0  }
0x1d: {  	s5 =	simm.s32 @p1 $0x1;
	p0 =	seq.s32 s7, s2  }
0x1e: {  	s7 =	smul.u32 @!p0 $0xF7A, s2;
	p2 =	seq.s32 @!p0 s5, $0x0  }
0x1f: {  	s9 =	smul.u32 $0xF7A, s1;
	s8 =	simm.s32 @!p0 $0x1BF5;
	p2 =	por !p2, p0  }
0x20: {  	[sflag:s8] =	ssyncset.s32 @!p0 $0xFFFFF086;
	s6 =	sadd.s32 @!p0 s3, s7;
	s7 =	simm.s32 @!p0 $0x108  }
0x21: {  	s3 =	sadd.s32 s3, s9;
	s6 =	sadd.s32 @!p0 $0x88, s6;
	s7 =	simm.s32 @p2 $0x1082  }
0x22: {  	[simem:s7], [sflag:s8] =	dma.local @!p0 [hbm:s6], $0xF7A  }
0x23: {  	s9 =	sor.u32 $0xD0000000, s2;
	s6 =	simm.s32 $0x108;
	_ =	swait.ge @!p0 [sflag:s8], $0x0  }
0x24: {  	s3 =	sadd.s32 $0x88, s3;
	s6 =	simm.s32 @!p1 $0x1082;
	[sflag:s4] =	ssyncset.s32 $0xFFFFF086  }
0x25: {  	[simem:s6], [sflag:s4] =	dma.local [hbm:s3], $0xF7A  }
0x26: {  	[smem:$0x3FA0] =	sst s1;
	(tag) =	ssettag s2;
	_ =	strace s9  }
0x27: {  	s1 =	sld [smem:$0x3FB0]  }
0x28: {  	s2 =	sld [smem:$0x3FB1]  }
0x29: {  	s4 =	sld [smem:$0x3FB3]  }
0x2a: {  	p0 =	seq.s32 s5, $0x0;
	s5 =	sld [smem:$0x3FB4]  }
0x2b: {  	s6 =	sld [smem:$0x3FB5]  }
0x2c: {  	s7 =	sld [smem:$0x3FB6]  }
0x2d: {  	s3 =	simm.s32 $0x108;
	s8 =	sld [smem:$0x3FB7]  }
0x2e: {  	s3 =	simm.s32 @!p0 $0x1082;
	s9 =	sld [smem:$0x3FB8]  }
0x2f: {  	lr =	sadd.s32 s0, s3;
	s0 =	sld [smem:$0x3FAF]  }
0x30: {  	s3 =	sld [smem:$0x3FB2]  }
0x31: {  	[smem:$0x3FBB] =	sst s10  }
0x32: {  	s10 =	sld [smem:$0x3FB9];
	_ =	sdelay $0x3  }
0x33: {  	p0 =	seq.s32 s10, $0x1;
	s10 =	sld [smem:$0x3FBB];
	_ =	sdelay $0x3  }
0x34: {  	[smem:$0x3FBB] =	sst s10  }
0x35: {  	s10 =	sld [smem:$0x3FBA];
	_ =	sdelay $0x3  }
0x36: {  	p1 =	seq.s32 s10, $0x1;
	s10 =	sld [smem:$0x3FBB];
	_ =	sdelay $0x3  }
0x37: {  	[smem:$0x3FBB] =	sst s10  }
0x38: {  	s10 =	sld [smem:$0x3FBC]  }
0x39: {  	_ = 	snop;
	(pc) =	sbr.ind lr, $3  }
0x3a: {  	_ = 	snop  }
0x3b: {  	_ = 	snop  }
0x3c: {  	p2 =	seq.s32 s10, $0x1;
	s10 =	sld [smem:$0x3FBB]  }
0x3d: {  	_ =	shalt  }
0x3e: {  	_ =	shalt  }
0x3f: {  	_ =	shalt  }
0x40: {  	_ =	shalt  }
0x41: {  	_ =	shalt  }
0x42: {  	_ =	shalt  }
0x43: {  	_ =	shalt  }
0x44: {  	_ =	shalt  }
0x45: {  	_ =	shalt  }
0x46: {  	_ =	shalt  }
0x47: {  	_ =	shalt  }
0x48: {  	_ =	shalt  }
0x49: {  	_ =	shalt  }
0x4a: {  	_ =	shalt  }
0x4b: {  	_ =	shalt  }
0x4c: {  	_ =	shalt  }
0x4d: {  	_ =	shalt  }
0x4e: {  	_ =	shalt  }
0x4f: {  	_ =	shalt  }
0x50: {  	_ =	shalt  }
0x51: {  	_ =	shalt  }
0x52: {  	_ =	shalt  }
0x53: {  	_ =	shalt  }
0x54: {  	_ =	shalt  }
0x55: {  	_ =	shalt  }
0x56: {  	_ =	shalt  }
0x57: {  	_ =	shalt  }
0x58: {  	_ =	shalt  }
0x59: {  	_ =	shalt  }
0x5a: {  	_ =	shalt  }
0x5b: {  	_ =	shalt  }
0x5c: {  	_ =	shalt  }
0x5d: {  	_ =	shalt  }
0x5e: {  	_ =	shalt  }
0x5f: {  	_ =	shalt  }
0x60: {  	_ =	shalt  }
0x61: {  	_ =	shalt  }
0x62: {  	_ =	shalt  }
0x63: {  	_ =	shalt  }
0x64: {  	_ =	shalt  }
0x65: {  	_ =	shalt  }
0x66: {  	_ =	shalt  }
0x67: {  	_ =	shalt  }
0x68: {  	_ =	shalt  }
0x69: {  	_ =	shalt  }
0x6a: {  	_ =	shalt  }
0x6b: {  	_ =	shalt  }
0x6c: {  	_ =	shalt  }
0x6d: {  	_ =	shalt  }
0x6e: {  	_ =	shalt  }
0x6f: {  	_ =	shalt  }
0x70: {  	_ =	shalt  }
0x71: {  	_ =	shalt  }
0x72: {  	_ =	shalt  }
0x73: {  	_ =	shalt  }
0x74: {  	_ =	shalt  }
0x75: {  	_ =	shalt  }
0x76: {  	_ =	shalt  }
0x77: {  	_ =	shalt  }
0x78: {  	_ =	shalt  }
0x79: {  	_ =	shalt  }
0x7a: {  	_ =	shalt  }
0x7b: {  	_ =	shalt  }
0x7c: {  	_ =	shalt  }
0x7d: {  	_ =	shalt  }
0x7e: {  	_ =	shalt  }
0x7f: {  	_ =	shalt  }
0x80: {  	_ =	shalt  }
0x81: {  	_ =	shalt  }
0x82: {  	_ =	shalt  }
0x83: {  	_ =	shalt  }
0x84: {  	_ =	shalt  }
0x85: {  	_ =	shalt  }
0x86: {  	_ =	shalt  }
0x87: {  	_ =	shalt  }
.Lfunc_end0:
.L_simem_size_0:
called_computation.3_lowered:
.L_overlay_start_0:
0x88: {  	s2 =	sld [smem:$0x3FD9]  }
0x89: {  	s3 =	sld [smem:$0x3FFE];
	_ =	sdelay $0x1  }
0x8a: {  	s1 =	srdreg.scid  }
0x8b: {  	s0 =	sand.u32 $0x1, s1  }
0x8c: {  	s16 =	sshll.u32 s0, $0xA;
	s2 =	sadd.s32 s3, s2  }
0x8d: {  	s2 =	sadd.s32 s2, s16  }
0x8e: {  	[smem:$0x3FC7] =	sst s2  }
0x8f: {  	_ = 	snop  }
0x90: {  	(tm) =	ssettm $0x1  }
0x91: {  	s17 =	sld [smem:$0x3FFB];
	_ =	sdelay $0x3  }
0x92: {  	_ =	strace s17  }
0x93: {  	s2 =	sld [smem:$0x3FFC];
	_ =	sdelay $0x3  }
0x94: {  	_ =	strace s2  }
0x95: {  	s2 =	sld [smem:$0x3FFD];
	_ =	sdelay $0x3  }
0x96: {  	_ =	strace s2  }
0x97: {  	_ =	strace $0x8FFFFFFF  }
0x98: {  	s18 =	sld [smem:$0x3FDB];
	_ =	sdelay $0x1  }
0x99: {  	s19 =	simm.s32 $_scs_section_size  }
0x9a: {  	s4 =	simm.s32 $_size__tile_overlayer_lowered;
	s5 =	simm.s32 $_tile_overlayer_lowered  }
0x9b: {  	s22 =	simm.s32 $0x1BFF;
	s21 =	sshll.u32 s5, $0x1;
	s2 =	sadd.s32 s19, s18  }
0x9c: {  	s6 =	simm.s32 $0x0;
	s20 =	sshll.u32 s4, $0x1;
	s4 =	sadd.s32 s21, s2  }
0x9d: {  	[timem:s6], [sflag:s22] =	dma.local [hbm:s4], s20  }
0x9e: {  	_ =	swait.ge [sflag:s22], s20  }
0x9f: {  	s3 =	ssub.s32 $0x0, s20;
	[sflag:s22] =	ssyncset.done $0x0  }
0xa0: {  	[sflag:s22] =	ssyncadd.s32 s3;
	_ =	sdelay $0x1  }
0xa1: {  	s23 =	simm.s32 $0x1B8B  }
0xa2: {  	_ =	swait.ge [sflag:s23], $0x1  }
0xa3: {  	[sflag:s23] =	ssyncset.done $0x0  }
0xa4: {  	s25 =	simm.s32 $0x1B8E;
	s24 =	sld [smem:$0x3FFE];
	[sflag:s23] =	ssyncadd.s32 $0xFFFFFFFF  }
0xa5: {  	s26 =	simm.s32 $execute0_lowered;
	[smem:$0x3FD2] =	sst s25  }
0xa6: {  	s4 =	sshll.u32 s26, $0x1;
	_ =	strace $0x80000046;
	[dreg:$0x1] =	wrdreg $0xFFFFFFFF  }
0xa7: {  	s28 =	simm.s32 $_size_execute0_lowered;
	s2 =	sadd.s32 s2, s4;
	[dreg:$0x0] =	wrdreg $0x0  }
0xa8: {  	s4 =	sshll.u32 s28, $0x1;
	[dreg:$0x2] =	wrdreg s2  }
0xa9: {  	[dreg:$0x3] =	wrdreg s4  }
0xaa: {  	[dreg:$0x4] =	wrdreg $0xC0  }
0xab: {  	_ =	task [dreg:s6], $0x5FFFF  }
0xac: {  	[dreg:$0x1] =	wrdreg $0xFFFFFFFF  }
0xad: {  	[dreg:$0x0] =	wrdreg $0x60  }
0xae: {  	[dreg:$0x2] =	wrdreg s24  }
0xaf: {  	[dreg:$0x3] =	wrdreg $0xC  }
0xb0: {  	_ =	task.clear_ibuf [dreg:s6], $0x4FFFF;
	_ =	strace $0x90000046  }
0xb1: {  	s29 =	simm.s32 $0xC;
	_ =	strace $0x80000048  }
0xb2: {  	_ =	swait.ge [sflag:s29], $0x1  }
0xb3: {  	[sflag:s29] =	ssyncadd.s32 $0xFFFFFFFF  }
0xb4: {  	_ =	strace $0x90000048  }
0xb5: {  	_ =	sfence  }
0xb6: {  	s30 =	sld [smem:$0x0];
	_ =	sdelay $0x2  }
0xb7: {  	s31 =	sshll.u32 s1, $0xD;
	s1 =	sshrl.u32 s1, $0x2  }
0xb8: {  	s3 =	sand.u32 $0x4000, s31;
	s1 =	sadd.s32 s1, s30  }
0xb9: {  	s0 =	sor.u32 s3, s0;
	s1 =	sshll.u32 s1, $0x11  }
0xba: {  	s0 =	sor.u32 s1, s0  }
0xbb: {  	s0 =	sadd.s32 $0x8F2B, s0  }
0xbc: {  	[sflag:s0] =	ssyncadd.remote.s32 $0x1  }
0xbd: {  	_ =	sfence.sel $0xFFFF  }
0xbe: {  	[dreg:$0x0] =	wrdreg $0xFFFFFFFF;
	(pc) =	sbr.abs _section_cstart, $3  }
0xbf: {  	[dreg:$0x1] =	wrdreg $0xFFFFFFFF  }
0xc0: {  	_ =	task.clear_ibuf [dreg:s6], $0x2FFFF;
	_ =	strace $0x9FFFFFFF  }
0xc1: {  	(tm) =	ssettm $0x7FFFFFFF  }
tec
execute0_lowered:
.L_overlay_start_1:
0x0: {  	(tag) =	ssettag $0x1  }
0x1: {  	s4 =	rddreg [dreg:$0x0]  }
0x2: {  	s0 =	rddreg [dreg:$0x1];
	s2 =	simm.s32 $0x0;
	s3 =	srdreg.scid  }
0x3: {  	s1 =	stileid.u32;
	s12 =	simm.s32 $0x3;
	s13 =	simm.s32 $0x1  }
0x4: {  	s14 =	simm.s32 $0x2;
	s15 =	simm.s32 $0x4100;
	s16 =	simm.s32 $0x4900  }
0x5: {  	s17 =	simm.s32 $0x0;
	s5 =	sand.u32 $0x1, s3;
	s6 =	sshll.u32 s1, $0x1  }
0x6: {  	[smem:$0x7FF] =	sst s2;
	s3 =	sadd.s32 $0x4600, s4;
	s7 =	sor.u32 s5, s6  }
0x7: {  	_ =	strace $0x80000047;
	s5 =	ssub.s32 $0x2, s5;
	s6 =	sshll.u32 s7, $0x5  }
.Ltmp0:
0x8: {  	s8 =	sshll.u32 s7, $0x8;
	s9 =	sshrl.u32 s5, $0x1;
	(pc) =	sbr.rel .LBB2_1-.Ltmp0, $4  }
0x9: {  	s31 =	sshll.u32 s7, $0xE;
	s6 =	sadd.s32 s6, s4;
	s10 =	sadd.s32 s8, s4  }
0xa: {  	s11 =	ssub.s32 s5, s9;
	s4 =	sshll.u32 s7, $0x4;
	s7 =	sshllo.u32 s7, $0x4  }
0xb: {  	s5 =	sadd.s32 $0x84600, s6;
	s6 =	sadd.s32 s3, s31;
	s8 =	sadd.s32 $0x84A00, s10  }
0xc: {  	v0 =	vimm.f32 $3.000000010e+38;
	v1 =	vimm.s32 $0x0;
	v2 =	vlaneseq.u32;
	s9 =	sadd.s32 $0x86A00, s10;
	s10 =	smax.u32 s11, $0x1;
	s11 =	simm.s32 $0x4000  }
.LBB2_19:
0xd: {  	_ =	swait.ge [sflag:s13], $0x2000  }
0xe: {  	[sflag:s13] =	ssyncset.done $0x0  }
0xf: {  	[sflag:s13] =	ssyncadd.s32 $0xFFFFE000  }
0x10: {  	[hbm4b:s8+s2] =	stream.linear.scatter [tilespmem:s15], [sflag:$0x3], $0x800, $0x38;
	[tilespmem:$0x5100] =	vst v63  }
0x11: {  	s17 =	sadd.s32 $0x1, s17;
	_ =	swait.ge [sflag:s12], $0x800  }
0x12: {  	p0 =	sne.s32 s17, s10;
	[sflag:s12] =	ssyncset.done $0x0  }
.Ltmp1:
0x13: {  	[sflag:s12] =	ssyncadd.s32 $0xFFFFF800;
	(pc) =	sbr.rel @!p0 .LBB2_20-.Ltmp1, $4  }
0x14: {  	[hbm4b:s9+s2] =	stream.linear.scatter [tilespmem:s16], [sflag:$0x3], $0x800, $0x38;
	[tilespmem:$0x5100] =	vst v63  }
0x15: {  	_ =	swait.ge [sflag:s12], $0x800  }
0x16: {  	[sflag:s12] =	ssyncset.done $0x0  }
0x17: {  	[sflag:s12] =	ssyncadd.s32 $0xFFFFF800  }
.LBB2_1:
0x18: {  	[tilespmem:s11], [sflag:$0x3] =	stream.linear.gather [hbm4b:s5+s2], $0x100, $0x38;
	[tilespmem:$0x5100] =	vst v63  }
0x19: {  	_ =	swait.ge [sflag:s12], $0x100  }
0x1a: {  	[sflag:s12] =	ssyncset.done $0x0  }
0x1b: {  	s18 =	simm.s32 $0x40;
	s20 =	simm.s32 $0x0;
	[sflag:s12] =	ssyncadd.s32 $0xFFFFFF00  }
.LBB2_2:
0x1c: {  	p0 =	sne.s32 s18, $0x1FC0;
	[tilespmem:s20+$0x4100] =	vst v0;
	s19 =	smov.u32 s18;
	s18 =	sadd.s32 $0x40, s18  }
.Ltmp2:
0x1d: {  	(pc) =	sbr.rel @p0 .LBB2_2-.Ltmp2, $2  }
0x1e: {  	_ =	sdelay $0x2  }
0x1f: {  	s20 =	sshra.s32 s19, $0x2  }
0x20: {  	s18 =	simm.s32 $0x0;
	s19 =	simm.s32 $0x80  }
0x21: {  	[tilespmem:s20+$0x4100] =	vst v0;
	s22 =	sadd.s32 $0x0, s6;
	s20 =	simm.s32 $0x100;
	s21 =	simm.s32 $0x0  }
.LBB2_4:
0x22: {  	[tilespmem:s21], [sflag:$0x1] =	stream.linear.gather [hbm4b:s22+s18], $0x80, $0x38;
	[tilespmem:$0x5100] =	vst v63  }
0x23: {  	s22 =	smov.u32 s19;
	s21 =	smov.u32 s20;
	p0 =	sne.s32 s19, $0x1F80  }
.Ltmp3:
0x24: {  	s19 =	sadd.s32 $0x80, s19;
	(pc) =	sbr.rel @p0 .LBB2_4-.Ltmp3, $2  }
0x25: {  	_ =	sdelay $0x2  }
0x26: {  	s20 =	sadd.s32 $0x100, s20;
	s22 =	sadd.s32 s22, s6  }
.Ltmp4:
0x27: {  	(pc) =	sbr.rel .LBB2_6-.Ltmp4, $2  }
0x28: {  	_ =	sdelay $0x2  }
0x29: {  	[tilespmem:s21], [sflag:$0x1] =	stream.linear.gather [hbm4b:s22+s18], $0x80, $0x38;
	[tilespmem:$0x5100] =	vst v63  }
.LBB2_18:
0x2a: {  	s18 =	sadd.s32 $0x1, s18  }
0x2b: {  	p0 =	sne.s32 s18, $0x8  }
.Ltmp5:
0x2c: {  	_ = 	snop;
	(pc) =	sbr.rel @!p0 .LBB2_19-.Ltmp5, $1  }
0x2d: {  	_ =	sdelay $0x3  }
.LBB2_6:
0x2e: {  	s19 =	sshll.u32 s18, $0x1  }
0x2f: {  	s21 =	sshll.u32 s18, $0x5;
	s20 =	sor.u32 s4, s19  }
0x30: {  	s23 =	sand.u32 $0x60, s21;
	s22 =	sshll.u32 s20, $0xA  }
0x31: {  	s23 =	sadd.s32 s23, s3;
	s22 =	sand.u32 $0xFFFE000, s22  }
0x32: {  	s22 =	sadd.s32 s22, s23  }
0x33: {  	s24 =	simm.s32 $0x80;
	s22 =	sadd.s32 $0x10, s22  }
0x34: {  	s25 =	simm.s32 $0x180;
	s23 =	simm.s32 $0x80;
	s26 =	sadd.s32 $0x0, s22  }
.LBB2_7:
0x35: {  	[tilespmem:s23], [sflag:$0x2] =	stream.linear.gather [hbm4b:s26+s2], $0x80, $0x38;
	[tilespmem:$0x5100] =	vst v63  }
0x36: {  	s26 =	smov.u32 s24;
	s23 =	smov.u32 s25;
	p0 =	sne.s32 s24, $0x1F80  }
.Ltmp6:
0x37: {  	s24 =	sadd.s32 $0x80, s24;
	(pc) =	sbr.rel @p0 .LBB2_7-.Ltmp6, $2  }
0x38: {  	_ =	sdelay $0x2  }
0x39: {  	s25 =	sadd.s32 $0x100, s25;
	s26 =	sadd.s32 s26, s22  }
0x3a: {  	[tilespmem:s23], [sflag:$0x2] =	stream.linear.gather [hbm4b:s26+s2], $0x80, $0x38;
	[tilespmem:$0x5100] =	vst v63  }
.Ltmp7:
0x3b: {  	_ = 	snop;
	(pc) =	sbr.rel .LBB2_9-.Ltmp7, $4  }
0x3c: {  	_ =	swait.ge [sflag:s13], $0x2000  }
0x3d: {  	[sflag:s13] =	ssyncset.done $0x0  }
0x3e: {  	s21 =	sand.u32 $0x3FFFFFE0, s21;
	s22 =	sshll.u32 s18, $0x8;
	[sflag:s13] =	ssyncadd.s32 $0xFFFFE000  }
0x3f: {  	s23 =	simm.s32 $0x0;
	v4 =	vmov s22;
	s22 =	simm.s32 $0x40;
	v3 =	vld [tilespmem:s21+$0x4000];
	s21 =	simm.s32 $0x70  }
.LBB2_11:
0x40: {  	s21 =	sadd.s32 $0x80, s21  }
0x41: {  	p0 =	sne.s32 s21, $0x2070  }
.Ltmp8:
0x42: {  	_ = 	snop;
	(pc) =	sbr.rel @!p0 .LBB2_12-.Ltmp8, $2  }
0x43: {  	_ =	sdelay $0x2  }
0x44: {  	s22 =	sadd.s32 $0x100, s22  }
.LBB2_9:
0x45: {  	v12 =	vld [tilespmem:s22+$0xFFFFFFC0]  }
0x46: {  	v11 =	vld [tilespmem:s22+$0xFFFFFFD0]  }
0x47: {  	v10 =	vld [tilespmem:s22+$0xFFFFFFE0]  }
0x48: {  	v9 =	vld [tilespmem:s22+$0xFFFFFFF0]  }
0x49: {  	v8 =	vld [tilespmem:s22+$0x0]  }
0x4a: {  	v7 =	vld [tilespmem:s22+$0x10]  }
0x4b: {  	v5 =	vld [tilespmem:s22+$0x20];
	vm7 =	vle.f32 v12, v3;
	vm6 =	vle.f32 v11, v3  }
0x4c: {  	v6 =	vld [tilespmem:s22+$0x30];
	vm5 =	vle.f32 v10, v3;
	vm0 =	vmor vm7, vm6  }
0x4d: {  	vm4 =	vle.f32 v9, v3;
	vm0 =	vmor vm0, vm5  }
0x4e: {  	vm3 =	vle.f32 v8, v3;
	vm0 =	vmor vm0, vm4  }
0x4f: {  	vm2 =	vle.f32 v7, v3;
	vm0 =	vmor vm0, vm3  }
0x50: {  	vm1 =	vle.f32 v5, v3;
	vm8 =	vmor vm0, vm2  }
0x51: {  	vm0 =	vle.f32 v6, v3;
	vm8 =	vmor vm8, vm1  }
0x52: {  	vm8 =	vmor vm8, vm0  }
0x53: {  	v13 =	vmpcnt.ones.xlane vm8;
	_ =	sdelay $0x1  }
0x54: {  	(v2sf) =	vpush v13, $0x0;
	_ =	sdelay $0xe  }
0x55: {  	s24 =	spop (v2sf)  }
0x56: {  	p0 =	seq.s32 s24, $0x0  }
.Ltmp9:
0x57: {  	_ = 	snop;
	(pc) =	sbr.rel @p0 .LBB2_11-.Ltmp9, $1  }
0x58: {  	_ =	sdelay $0x3  }
0x59: {  	v13 =	vsel vm7, $0x1, v1  }
0x5a: {  	(xrf0) =	vadd.scan.msk.s32 $0xffff, v13;
	_ =	sdelay $0x1  }
0x5b: {  	v33 =	vsel vm6, $0x1, v1  }
0x5c: {  	(xrf0) =	vadd.scan.msk.s32 $0xffff, v33  }
0x5d: {  	v34 =	vsel vm5, $0x1, v1  }
0x5e: {  	(xrf0) =	vadd.scan.msk.s32 $0xffff, v34  }
0x5f: {  	v14 =	vsel vm4, $0x1, v1;
	v35, _, _ =	vpop (xrf0)  }
0x60: {  	(xrf0) =	vadd.scan.msk.s32 $0xffff, v14;
	(v2sf) =	vpush v35, $0xF  }
0x61: {  	v36 =	vsel vm3, $0x1, v1  }
0x62: {  	v15, _, _ =	vpop (xrf0);
	(xrf0) =	vadd.scan.msk.s32 $0xffff, v36;
	_ =	sdelay $0x1  }
0x63: {  	(v2sf) =	vpush v15, $0xF;
	v37, _, _ =	vpop (xrf0)  }
0x64: {  	v16 =	vsel vm2, $0x1, v1;
	(v2sf) =	vpush v37, $0xF  }
0x65: {  	v17, _, _ =	vpop (xrf0);
	(xrf0) =	vadd.scan.msk.s32 $0xffff, v16  }
0x66: {  	v38 =	vsel vm1, $0x1, v1  }
0x67: {  	v18, _, _ =	vpop (xrf0);
	(xrf0) =	vadd.scan.msk.s32 $0xffff, v38  }
0x68: {  	(v2sf) =	vpush v17, $0xF  }
0x69: {  	(v2sf) =	vpush v18, $0xF;
	_ =	sdelay $0x1  }
0x6a: {  	v39, _, _ =	vpop (xrf0)  }
0x6b: {  	v43 =	vsel vm0, $0x1, v1;
	(v2sf) =	vpush v39, $0xF  }
0x6c: {  	v19 =	vmov s23;
	(xrf0) =	vadd.scan.msk.s32 $0xffff, v43;
	v20, _, _ =	vpop (xrf0)  }
0x6d: {  	v19 =	vadd.s32 $0xFFFFFFFF, v19;
	s24 =	spop (v2sf);
	(v2sf) =	vpush v20, $0xF  }
0x6e: {  	v19 =	vbroadcast v19, $0x0;
	_ =	sdelay $0x1  }
0x6f: {  	s29 =	sadd.s32 $0xFFFFFFA0, s21;
	v13 =	vadd.s32 v35, v19;
	s30 =	sadd.s32 s23, s24  }
0x70: {  	v23 =	vor.u32 s29, v2;
	vm8 =	vlt.s32 v13, $0x80;
	s31 =	spop (v2sf);
	v21 =	vmov s30  }
0x71: {  	v13 =	vadd.s32 v4, v13;
	vm7 =	vmand vm7, vm8;
	s23 =	sadd.s32 s31, s30;
	s25 =	spop (v2sf);
	v50, _, _ =	vpop (xrf0);
	v40 =	vadd.s32 $0xFFFFFFFF, v21  }
0x72: {  	v41 =	vmov s23;
	s23 =	sadd.s32 s25, s23;
	s25 =	sadd.s32 $0xFFFFFF90, s21;
	(v2sf) =	vpush v50, $0xF;
	v19 =	vbroadcast v40, $0x0  }
0x73: {  	v42 =	vadd.s32 $0xFFFFFFFF, v41;
	v22 =	vmov s23;
	v44 =	vor.u32 s25, v2  }
0x74: {  	s25 =	sadd.s32 $0xFFFFFFB0, s21;
	v22 =	vadd.s32 $0xFFFFFFFF, v22;
	v15 =	vadd.s32 v15, v19;
	v19 =	vbroadcast v42, $0x0  }
0x75: {  	v58 =	vor.u32 s25, v2;
	s26 =	spop (v2sf);
	v45 =	vbroadcast v22, $0x0;
	vm14 =	vlt.s32 v15, $0x80  }
0x76: {  	s23 =	sadd.s32 s26, s23;
	s28 =	spop (v2sf);
	v15 =	vadd.s32 v4, v15;
	vm6 =	vmand vm6, vm14;
	v14 =	vadd.s32 v37, v19  }
0x77: {  	v46 =	vmov s23;
	s23 =	sadd.s32 s28, s23;
	v17 =	vadd.s32 v17, v45;
	vm15 =	vlt.s32 v14, $0x80  }
0x78: {  	v22 =	vadd.s32 $0xFFFFFFFF, v46;
	v48 =	vmov s23;
	vm13 =	vlt.s32 v17, $0x80  }
0x79: {  	v47 =	vbroadcast v22, $0x0;
	vm12 =	vmand vm5, vm15;
	v22 =	vadd.s32 $0xFFFFFFFF, v48;
	s30 =	spop (v2sf)  }
0x7a: {  	v14 =	vadd.s32 v4, v14;
	v53 =	vadd.s32 v4, v17;
	v49 =	vbroadcast v22, $0x0;
	s23 =	sadd.s32 s30, s23  }
0x7b: {  	[tilespmem:v13+s15+$0x0] =	vst.idx.msk vm7, v12;
	vm14 =	vmand vm4, vm13;
	v18 =	vadd.s32 v18, v47;
	v52 =	vmov s23;
	s31 =	spop (v2sf)  }
0x7c: {  	[tilespmem:v13+s16+$0x0] =	vst.idx.msk vm7, v44;
	vm15 =	vlt.s32 v18, $0x80;
	v51 =	vadd.s32 v39, v49;
	v16 =	vadd.s32 $0xFFFFFFFF, v52;
	s23 =	sadd.s32 s31, s23  }
0x7d: {  	vm9 =	vmand vm3, vm15;
	[tilespmem:v15+s15+$0x0] =	vst.idx.msk vm6, v11;
	v54 =	vbroadcast v16, $0x0;
	v55 =	vmov s23  }
0x7e: {  	v56 =	vadd.s32 v4, v18;
	vm10 =	vlt.s32 v51, $0x80;
	[tilespmem:v15+s16+$0x0] =	vst.idx.msk vm6, v23;
	v16 =	vadd.s32 $0xFFFFFFFF, v55  }
0x7f: {  	vm11 =	vmand vm2, vm10;
	[tilespmem:v14+s15+$0x0] =	vst.idx.msk vm12, v10;
	v57 =	vadd.s32 v20, v54;
	v16 =	vbroadcast v16, $0x0  }
0x80: {  	s26 =	sadd.s32 $0xFFFFFFC0, s21;
	v59 =	vadd.s32 v4, v51;
	[tilespmem:v14+s16+$0x0] =	vst.idx.msk vm12, v58;
	vm12 =	vlt.s32 v57, $0x80  }
0x81: {  	v61 =	vor.u32 s26, v2;
	[tilespmem:v53+s15+$0x0] =	vst.idx.msk vm14, v9;
	vm13 =	vmand vm1, vm12;
	v60 =	vadd.s32 v50, v16  }
0x82: {  	s28 =	sadd.s32 $0xFFFFFFD0, s21;
	[tilespmem:v53+s16+$0x0] =	vst.idx.msk vm14, v61;
	v10 =	vadd.s32 v4, v57;
	vm14 =	vlt.s32 v60, $0x80  }
0x83: {  	v62 =	vor.u32 s28, v2;
	[tilespmem:v56+s15+$0x0] =	vst.idx.msk vm9, v8;
	vm15 =	vmand vm0, vm14  }
0x84: {  	s29 =	sadd.s32 $0xFFFFFFE0, s21;
	[tilespmem:v56+s16+$0x0] =	vst.idx.msk vm9, v62;
	v63 =	vadd.s32 v4, v60  }
0x85: {  	[tilespmem:v59+s15+$0x0] =	vst.idx.msk vm11, v7;
	v7 =	vor.u32 s29, v2  }
.Ltmp10:
0x86: {  	s30 =	sadd.s32 $0xFFFFFFF0, s21;
	[tilespmem:v59+s16+$0x0] =	vst.idx.msk vm11, v7;
	(pc) =	sbr.rel .LBB2_11-.Ltmp10, $4  }
0x87: {  	[tilespmem:v10+s15+$0x0] =	vst.idx.msk vm13, v5;
	v5 =	vor.u32 s30, v2  }
0x88: {  	[tilespmem:v10+s16+$0x0] =	vst.idx.msk vm13, v5  }
0x89: {  	s31 =	spop (v2sf);
	v5 =	vor.u32 s21, v2;
	[tilespmem:v63+s15+$0x0] =	vst.idx.msk vm15, v6  }
0x8a: {  	s23 =	sadd.s32 s31, s23;
	[tilespmem:v63+s16+$0x0] =	vst.idx.msk vm15, v5  }
.LBB2_12:
0x8b: {  	s20 =	sadd.s32 $0x2, s20  }
0x8c: {  	s20 =	smin.u32 s20, s7  }
0x8d: {  	s21 =	sshll.u32 s20, $0x4  }
0x8e: {  	s20 =	sshll.u32 s20, $0xA;
	s21 =	sand.u32 $0x70, s21  }
0x8f: {  	s20 =	sand.u32 $0x7E000, s20;
	s21 =	sadd.s32 s3, s21  }
0x90: {  	s22 =	simm.s32 $0x80;
	s20 =	sadd.s32 s20, s21  }
0x91: {  	s23 =	simm.s32 $0x100;
	s21 =	simm.s32 $0x0;
	s24 =	sadd.s32 $0x0, s20  }
.LBB2_13:
0x92: {  	[tilespmem:s21], [sflag:$0x1] =	stream.linear.gather [hbm4b:s24+s2], $0x80, $0x38;
	[tilespmem:$0x5100] =	vst v63  }
0x93: {  	s24 =	smov.u32 s22;
	s21 =	smov.u32 s23;
	p0 =	sne.s32 s22, $0x1F80  }
.Ltmp11:
0x94: {  	s22 =	sadd.s32 $0x80, s22;
	(pc) =	sbr.rel @p0 .LBB2_13-.Ltmp11, $2  }
0x95: {  	_ =	sdelay $0x2  }
0x96: {  	s23 =	sadd.s32 $0x100, s23;
	s24 =	sadd.s32 s24, s20  }
0x97: {  	[tilespmem:s21], [sflag:$0x1] =	stream.linear.gather [hbm4b:s24+s2], $0x80, $0x38;
	[tilespmem:$0x5100] =	vst v63  }
.Ltmp12:
0x98: {  	_ = 	snop;
	(pc) =	sbr.rel .LBB2_15-.Ltmp12, $4  }
0x99: {  	s19 =	sor.u32 $0x1, s19;
	_ =	swait.ge [sflag:s14], $0x2000  }
0x9a: {  	s20 =	sshll.u32 s19, $0x4;
	[sflag:s14] =	ssyncset.done $0x0  }
0x9b: {  	s19 =	sshll.u32 s19, $0x7;
	s20 =	sand.u32 $0x3FFFFFF0, s20;
	[sflag:s14] =	ssyncadd.s32 $0xFFFFE000  }
0x9c: {  	s21 =	simm.s32 $0x0;
	v4 =	vmov s19;
	s19 =	simm.s32 $0x70;
	v3 =	vld [tilespmem:s20+$0x4000];
	s20 =	simm.s32 $0xF0  }
.LBB2_17:
0x9d: {  	s19 =	sadd.s32 $0x80, s19  }
0x9e: {  	p0 =	sne.s32 s19, $0x2070  }
.Ltmp13:
0x9f: {  	_ = 	snop;
	(pc) =	sbr.rel @!p0 .LBB2_18-.Ltmp13, $2  }
0xa0: {  	_ =	sdelay $0x2  }
0xa1: {  	s20 =	sadd.s32 $0x100, s20  }
.LBB2_15:
0xa2: {  	v12 =	vld [tilespmem:s20+$0xFFFFFF90]  }
0xa3: {  	v11 =	vld [tilespmem:s20+$0xFFFFFFA0]  }
0xa4: {  	v10 =	vld [tilespmem:s20+$0xFFFFFFB0]  }
0xa5: {  	v9 =	vld [tilespmem:s20+$0xFFFFFFC0]  }
0xa6: {  	v8 =	vld [tilespmem:s20+$0xFFFFFFD0]  }
0xa7: {  	v7 =	vld [tilespmem:s20+$0xFFFFFFE0]  }
0xa8: {  	v5 =	vld [tilespmem:s20+$0xFFFFFFF0];
	vm7 =	vle.f32 v12, v3;
	vm6 =	vle.f32 v11, v3  }
0xa9: {  	v6 =	vld [tilespmem:s20+$0x0];
	vm5 =	vle.f32 v10, v3;
	vm0 =	vmor vm7, vm6  }
0xaa: {  	vm4 =	vle.f32 v9, v3;
	vm0 =	vmor vm0, vm5  }
0xab: {  	vm3 =	vle.f32 v8, v3;
	vm0 =	vmor vm0, vm4  }
0xac: {  	vm2 =	vle.f32 v7, v3;
	vm0 =	vmor vm0, vm3  }
0xad: {  	vm1 =	vle.f32 v5, v3;
	vm8 =	vmor vm0, vm2  }
0xae: {  	vm0 =	vle.f32 v6, v3;
	vm8 =	vmor vm8, vm1  }
0xaf: {  	vm8 =	vmor vm8, vm0  }
0xb0: {  	v13 =	vmpcnt.ones.xlane vm8;
	_ =	sdelay $0x1  }
0xb1: {  	(v2sf) =	vpush v13, $0x0;
	_ =	sdelay $0xe  }
0xb2: {  	s22 =	spop (v2sf)  }
0xb3: {  	p0 =	seq.s32 s22, $0x0  }
.Ltmp14:
0xb4: {  	_ = 	snop;
	(pc) =	sbr.rel @p0 .LBB2_17-.Ltmp14, $1  }
0xb5: {  	_ =	sdelay $0x3  }
0xb6: {  	v13 =	vsel vm7, $0x1, v1  }
0xb7: {  	(xrf0) =	vadd.scan.msk.s32 $0xffff, v13;
	_ =	sdelay $0x1  }
0xb8: {  	v33 =	vsel vm6, $0x1, v1  }
0xb9: {  	(xrf0) =	vadd.scan.msk.s32 $0xffff, v33  }
0xba: {  	v34 =	vsel vm5, $0x1, v1  }
0xbb: {  	(xrf0) =	vadd.scan.msk.s32 $0xffff, v34  }
0xbc: {  	v14 =	vsel vm4, $0x1, v1;
	v35, _, _ =	vpop (xrf0)  }
0xbd: {  	(xrf0) =	vadd.scan.msk.s32 $0xffff, v14;
	(v2sf) =	vpush v35, $0xF  }
0xbe: {  	v36 =	vsel vm3, $0x1, v1  }
0xbf: {  	v15, _, _ =	vpop (xrf0);
	(xrf0) =	vadd.scan.msk.s32 $0xffff, v36;
	_ =	sdelay $0x1  }
0xc0: {  	(v2sf) =	vpush v15, $0xF;
	v37, _, _ =	vpop (xrf0)  }
0xc1: {  	v16 =	vsel vm2, $0x1, v1;
	(v2sf) =	vpush v37, $0xF  }
0xc2: {  	v17, _, _ =	vpop (xrf0);
	(xrf0) =	vadd.scan.msk.s32 $0xffff, v16  }
0xc3: {  	v38 =	vsel vm1, $0x1, v1  }
0xc4: {  	v18, _, _ =	vpop (xrf0);
	(xrf0) =	vadd.scan.msk.s32 $0xffff, v38  }
0xc5: {  	(v2sf) =	vpush v17, $0xF  }
0xc6: {  	(v2sf) =	vpush v18, $0xF;
	_ =	sdelay $0x1  }
0xc7: {  	v39, _, _ =	vpop (xrf0)  }
0xc8: {  	(v2sf) =	vpush v39, $0xF  }
0xc9: {  	v43 =	vsel vm0, $0x1, v1;
	v20, _, _ =	vpop (xrf0)  }
0xca: {  	v19 =	vmov s21;
	(xrf0) =	vadd.scan.msk.s32 $0xffff, v43;
	s22 =	spop (v2sf);
	(v2sf) =	vpush v20, $0xF  }
0xcb: {  	v19 =	vadd.s32 $0xFFFFFFFF, v19  }
0xcc: {  	s23 =	sadd.s32 $0xFFFFFF90, s19;
	v19 =	vbroadcast v19, $0x0  }
0xcd: {  	s30 =	sadd.s32 $0xFFFFFFA0, s19;
	v44 =	vor.u32 s23, v2;
	s24 =	sadd.s32 s21, s22  }
0xce: {  	v23 =	vor.u32 s30, v2;
	v13 =	vadd.s32 v35, v19;
	s25 =	spop (v2sf);
	v21 =	vmov s24  }
0xcf: {  	vm8 =	vlt.s32 v13, $0x80;
	v13 =	vadd.s32 v4, v13;
	s21 =	sadd.s32 s25, s24;
	s26 =	spop (v2sf);
	v40 =	vadd.s32 $0xFFFFFFFF, v21  }
0xd0: {  	vm7 =	vmand vm7, vm8;
	v50, _, _ =	vpop (xrf0);
	v41 =	vmov s21;
	s21 =	sadd.s32 s26, s21;
	v19 =	vbroadcast v40, $0x0  }
0xd1: {  	(v2sf) =	vpush v50, $0xF;
	v42 =	vadd.s32 $0xFFFFFFFF, v41;
	v22 =	vmov s21  }
0xd2: {  	s25 =	sadd.s32 $0xFFFFFFB0, s19;
	v22 =	vadd.s32 $0xFFFFFFFF, v22;
	v15 =	vadd.s32 v15, v19;
	v19 =	vbroadcast v42, $0x0  }
0xd3: {  	v58 =	vor.u32 s25, v2;
	s28 =	spop (v2sf);
	v45 =	vbroadcast v22, $0x0;
	vm14 =	vlt.s32 v15, $0x80  }
0xd4: {  	s21 =	sadd.s32 s28, s21;
	s29 =	spop (v2sf);
	v15 =	vadd.s32 v4, v15;
	vm6 =	vmand vm6, vm14;
	v14 =	vadd.s32 v37, v19  }
0xd5: {  	v46 =	vmov s21;
	s21 =	sadd.s32 s29, s21;
	v17 =	vadd.s32 v17, v45;
	vm15 =	vlt.s32 v14, $0x80  }
0xd6: {  	v22 =	vadd.s32 $0xFFFFFFFF, v46;
	v48 =	vmov s21;
	vm13 =	vlt.s32 v17, $0x80  }
0xd7: {  	v47 =	vbroadcast v22, $0x0;
	vm12 =	vmand vm5, vm15;
	v22 =	vadd.s32 $0xFFFFFFFF, v48;
	s31 =	spop (v2sf)  }
0xd8: {  	v14 =	vadd.s32 v4, v14;
	v53 =	vadd.s32 v4, v17;
	v49 =	vbroadcast v22, $0x0;
	s21 =	sadd.s32 s31, s21  }
0xd9: {  	[tilespmem:v13+s15+$0x0] =	vst.idx.msk vm7, v12;
	vm14 =	vmand vm4, vm13;
	v18 =	vadd.s32 v18, v47;
	v52 =	vmov s21;
	s24 =	spop (v2sf)  }
0xda: {  	[tilespmem:v13+s16+$0x0] =	vst.idx.msk vm7, v44;
	vm15 =	vlt.s32 v18, $0x80;
	v51 =	vadd.s32 v39, v49;
	v16 =	vadd.s32 $0xFFFFFFFF, v52;
	s21 =	sadd.s32 s24, s21  }
0xdb: {  	vm9 =	vmand vm3, vm15;
	[tilespmem:v15+s15+$0x0] =	vst.idx.msk vm6, v11;
	v54 =	vbroadcast v16, $0x0;
	v55 =	vmov s21  }
0xdc: {  	v56 =	vadd.s32 v4, v18;
	vm10 =	vlt.s32 v51, $0x80;
	[tilespmem:v15+s16+$0x0] =	vst.idx.msk vm6, v23;
	v16 =	vadd.s32 $0xFFFFFFFF, v55  }
0xdd: {  	vm11 =	vmand vm2, vm10;
	[tilespmem:v14+s15+$0x0] =	vst.idx.msk vm12, v10;
	v57 =	vadd.s32 v20, v54;
	v16 =	vbroadcast v16, $0x0  }
0xde: {  	s26 =	sadd.s32 $0xFFFFFFC0, s19;
	v59 =	vadd.s32 v4, v51;
	[tilespmem:v14+s16+$0x0] =	vst.idx.msk vm12, v58;
	vm12 =	vlt.s32 v57, $0x80  }
0xdf: {  	v61 =	vor.u32 s26, v2;
	[tilespmem:v53+s15+$0x0] =	vst.idx.msk vm14, v9;
	vm13 =	vmand vm1, vm12;
	v60 =	vadd.s32 v50, v16  }
0xe0: {  	s28 =	sadd.s32 $0xFFFFFFD0, s19;
	[tilespmem:v53+s16+$0x0] =	vst.idx.msk vm14, v61;
	v10 =	vadd.s32 v4, v57;
	vm14 =	vlt.s32 v60, $0x80  }
0xe1: {  	v62 =	vor.u32 s28, v2;
	[tilespmem:v56+s15+$0x0] =	vst.idx.msk vm9, v8;
	vm15 =	vmand vm0, vm14  }
0xe2: {  	s29 =	sadd.s32 $0xFFFFFFE0, s19;
	[tilespmem:v56+s16+$0x0] =	vst.idx.msk vm9, v62;
	v63 =	vadd.s32 v4, v60  }
0xe3: {  	[tilespmem:v59+s15+$0x0] =	vst.idx.msk vm11, v7;
	v7 =	vor.u32 s29, v2  }
.Ltmp15:
0xe4: {  	s30 =	sadd.s32 $0xFFFFFFF0, s19;
	[tilespmem:v59+s16+$0x0] =	vst.idx.msk vm11, v7;
	(pc) =	sbr.rel .LBB2_17-.Ltmp15, $4  }
0xe5: {  	[tilespmem:v10+s15+$0x0] =	vst.idx.msk vm13, v5;
	v5 =	vor.u32 s30, v2  }
0xe6: {  	[tilespmem:v10+s16+$0x0] =	vst.idx.msk vm13, v5  }
0xe7: {  	s31 =	spop (v2sf);
	v5 =	vor.u32 s19, v2;
	[tilespmem:v63+s15+$0x0] =	vst.idx.msk vm15, v6  }
0xe8: {  	s21 =	sadd.s32 s31, s21;
	[tilespmem:v63+s16+$0x0] =	vst.idx.msk vm15, v5  }
.LBB2_20:
0xe9: {  	_ =	sfence.sel $0x180000  }
0xea: {  	[bflag:$0x0] =	sbarrier.arrive $0xFFFF  }
0xeb: {  	p0 =	sne.s32 s1, $0x0;
	_ =	strace $0x90000047  }
0xec: {  	s0 =	sadd.s32 @!p0 $0x100000, s0;
	[bflag:$0x2] =	sbarrier.arrive $0xFFFF  }
0xed: {  	[sflag:s0] =	ssyncadd.tile.s32 @!p0 $0x1;
	_ =	shalt  }
.Lfunc_end2:
_tile_overlayer_lowered:
.L_overlay_start_2:
0xee: {  	(tag) =	ssettag $0x2  }
0xef: {  	s0 =	rddreg [dreg:$0x0];
	s2 =	stileid.u32  }
0xf0: {  	s1 =	rddreg [dreg:$0x1];
	p0 =	sne.s32 s2, $0x0  }
0xf1: {  	s3 =	rddreg [dreg:$0x2];
	[bflag:$0x3] =	sbarrier.arrive $0xFFFF;
	s2 =	simm.s32 @!p0 $0x1C03  }
0xf2: {  	[timem:s3], [sflag:s2] =	dma.local @!p0 [hbm:s0], s1  }
0xf3: {  	s0 =	simm.s32 @!p0 $0x3  }
0xf4: {  	_ =	swait.ge @!p0 [sflag:s0], s1  }
0xf5: {  	s1 =	ssub.s32 @!p0 $0x0, s1;
	[sflag:s0] =	ssyncset.done @!p0 $0x0  }
0xf6: {  	[sflag:s0] =	ssyncadd.s32 @!p0 s1  }
0xf7: {  	[bflag:$0x3] =	sbarrier.arrive $0xFFFF  }
0xf8: {  	_ =	shalt  }

// kernel: kernel.25.cloned.1.call-start
scs
__scs_entry_jumppad:
0x0: {  	(pc) =	sbr.rel $0x88, $3  }
0x1: {  	(tag) =	ssettag $0x0;
	lr =	simm.s32 $0x1  }
0x2: {  	[smem:$0x3FA0] =	sst lr;
	_ =	strace $0xD0000000  }
0x3: {  	_ = 	snop  }
0x4: {  	_ = 	snop  }
0x5: {  	_ = 	snop  }
0x6: {  	_ = 	snop  }
0x7: {  	_ = 	snop  }
__scs_overlays_trampoline_lowered:
0x8: {  	[smem:$0x3FAF] =	sst s0  }
0x9: {  	[smem:$0x3FB0] =	sst s1  }
0xa: {  	[smem:$0x3FB1] =	sst s2  }
0xb: {  	[smem:$0x3FB2] =	sst s3  }
0xc: {  	[smem:$0x3FB3] =	sst s4  }
0xd: {  	[smem:$0x3FB4] =	sst s5  }
0xe: {  	[smem:$0x3FB5] =	sst s6  }
0xf: {  	[smem:$0x3FB6] =	sst s7  }
0x10: {  	[smem:$0x3FB7] =	sst s8  }
0x11: {  	[smem:$0x3FB8] =	sst s9;
	s0 =	simm.s32 @!p0 $0x0  }
0x12: {  	s1 =	sld [smem:$0x3F9E];
	s0 =	simm.s32 @p0 $0x1  }
0x13: {  	[smem:$0x3FB9] =	sst s0;
	s0 =	simm.s32 @!p1 $0x0  }
0x14: {  	s2 =	sld [smem:$0x3F9D];
	s0 =	simm.s32 @p1 $0x1  }
0x15: {  	[smem:$0x3FBA] =	sst s0;
	s0 =	simm.s32 @!p2 $0x0  }
0x16: {  	s3 =	sld [smem:$0x3FDB];
	s0 =	simm.s32 @p2 $0x1  }
0x17: {  	s4 =	simm.s32 $0x1BF5;
	[smem:$0x3FBC] =	sst s0  }
0x18: {  	s0 =	sld [smem:$0x3F9F];
	_ =	swait.ge [sflag:s4], $0x0  }
0x19: {  	s7 =	sld [smem:$0x3FA0]  }
0x1a: {  	s8 =	sadd.s32 $0xFFFFE003, lr  }
0x1b: {  	s9 =	sadd.s32 $0xFFFFFEF7, lr;
	s5 =	simm.s32 $0xFFFFFFFF;
	p2 =	slt.u32 s8, $0xFFFFF086  }
0x1c: {  	p1 =	slt.u32 s9, $0xF7A;
	s5 =	simm.s32 @!p2 $0x0  }
0x1d: {  	s5 =	simm.s32 @p1 $0x1;
	p0 =	seq.s32 s7, s2  }
0x1e: {  	s7 =	smul.u32 @!p0 $0xF7A, s2;
	p2 =	seq.s32 @!p0 s5, $0x0  }
0x1f: {  	s9 =	smul.u32 $0xF7A, s1;
	s8 =	simm.s32 @!p0 $0x1BF5;
	p2 =	por !p2, p0  }
0x20: {  	[sflag:s8] =	ssyncset.s32 @!p0 $0xFFFFF086;
	s6 =	sadd.s32 @!p0 s3, s7;
	s7 =	simm.s32 @!p0 $0x108  }
0x21: {  	s3 =	sadd.s32 s3, s9;
	s6 =	sadd.s32 @!p0 $0x88, s6;
	s7 =	simm.s32 @p2 $0x1082  }
0x22: {  	[simem:s7], [sflag:s8] =	dma.local @!p0 [hbm:s6], $0xF7A  }
0x23: {  	s9 =	sor.u32 $0xD0000000, s2;
	s6 =	simm.s32 $0x108;
	_ =	swait.ge @!p0 [sflag:s8], $0x0  }
0x24: {  	s3 =	sadd.s32 $0x88, s3;
	s6 =	simm.s32 @!p1 $0x1082;
	[sflag:s4] =	ssyncset.s32 $0xFFFFF086  }
0x25: {  	[simem:s6], [sflag:s4] =	dma.local [hbm:s3], $0xF7A  }
0x26: {  	[smem:$0x3FA0] =	sst s1;
	(tag) =	ssettag s2;
	_ =	strace s9  }
0x27: {  	s1 =	sld [smem:$0x3FB0]  }
0x28: {  	s2 =	sld [smem:$0x3FB1]  }
0x29: {  	s4 =	sld [smem:$0x3FB3]  }
0x2a: {  	p0 =	seq.s32 s5, $0x0;
	s5 =	sld [smem:$0x3FB4]  }
0x2b: {  	s6 =	sld [smem:$0x3FB5]  }
0x2c: {  	s7 =	sld [smem:$0x3FB6]  }
0x2d: {  	s3 =	simm.s32 $0x108;
	s8 =	sld [smem:$0x3FB7]  }
0x2e: {  	s3 =	simm.s32 @!p0 $0x1082;
	s9 =	sld [smem:$0x3FB8]  }
0x2f: {  	lr =	sadd.s32 s0, s3;
	s0 =	sld [smem:$0x3FAF]  }
0x30: {  	s3 =	sld [smem:$0x3FB2]  }
0x31: {  	[smem:$0x3FBB] =	sst s10  }
0x32: {  	s10 =	sld [smem:$0x3FB9];
	_ =	sdelay $0x3  }
0x33: {  	p0 =	seq.s32 s10, $0x1;
	s10 =	sld [smem:$0x3FBB];
	_ =	sdelay $0x3  }
0x34: {  	[smem:$0x3FBB] =	sst s10  }
0x35: {  	s10 =	sld [smem:$0x3FBA];
	_ =	sdelay $0x3  }
0x36: {  	p1 =	seq.s32 s10, $0x1;
	s10 =	sld [smem:$0x3FBB];
	_ =	sdelay $0x3  }
0x37: {  	[smem:$0x3FBB] =	sst s10  }
0x38: {  	s10 =	sld [smem:$0x3FBC]  }
0x39: {  	_ = 	snop;
	(pc) =	sbr.ind lr, $3  }
0x3a: {  	_ = 	snop  }
0x3b: {  	_ = 	snop  }
0x3c: {  	p2 =	seq.s32 s10, $0x1;
	s10 =	sld [smem:$0x3FBB]  }
0x3d: {  	_ =	shalt  }
0x3e: {  	_ =	shalt  }
0x3f: {  	_ =	shalt  }
0x40: {  	_ =	shalt  }
0x41: {  	_ =	shalt  }
0x42: {  	_ =	shalt  }
0x43: {  	_ =	shalt  }
0x44: {  	_ =	shalt  }
0x45: {  	_ =	shalt  }
0x46: {  	_ =	shalt  }
0x47: {  	_ =	shalt  }
0x48: {  	_ =	shalt  }
0x49: {  	_ =	shalt  }
0x4a: {  	_ =	shalt  }
0x4b: {  	_ =	shalt  }
0x4c: {  	_ =	shalt  }
0x4d: {  	_ =	shalt  }
0x4e: {  	_ =	shalt  }
0x4f: {  	_ =	shalt  }
0x50: {  	_ =	shalt  }
0x51: {  	_ =	shalt  }
0x52: {  	_ =	shalt  }
0x53: {  	_ =	shalt  }
0x54: {  	_ =	shalt  }
0x55: {  	_ =	shalt  }
0x56: {  	_ =	shalt  }
0x57: {  	_ =	shalt  }
0x58: {  	_ =	shalt  }
0x59: {  	_ =	shalt  }
0x5a: {  	_ =	shalt  }
0x5b: {  	_ =	shalt  }
0x5c: {  	_ =	shalt  }
0x5d: {  	_ =	shalt  }
0x5e: {  	_ =	shalt  }
0x5f: {  	_ =	shalt  }
0x60: {  	_ =	shalt  }
0x61: {  	_ =	shalt  }
0x62: {  	_ =	shalt  }
0x63: {  	_ =	shalt  }
0x64: {  	_ =	shalt  }
0x65: {  	_ =	shalt  }
0x66: {  	_ =	shalt  }
0x67: {  	_ =	shalt  }
0x68: {  	_ =	shalt  }
0x69: {  	_ =	shalt  }
0x6a: {  	_ =	shalt  }
0x6b: {  	_ =	shalt  }
0x6c: {  	_ =	shalt  }
0x6d: {  	_ =	shalt  }
0x6e: {  	_ =	shalt  }
0x6f: {  	_ =	shalt  }
0x70: {  	_ =	shalt  }
0x71: {  	_ =	shalt  }
0x72: {  	_ =	shalt  }
0x73: {  	_ =	shalt  }
0x74: {  	_ =	shalt  }
0x75: {  	_ =	shalt  }
0x76: {  	_ =	shalt  }
0x77: {  	_ =	shalt  }
0x78: {  	_ =	shalt  }
0x79: {  	_ =	shalt  }
0x7a: {  	_ =	shalt  }
0x7b: {  	_ =	shalt  }
0x7c: {  	_ =	shalt  }
0x7d: {  	_ =	shalt  }
0x7e: {  	_ =	shalt  }
0x7f: {  	_ =	shalt  }
0x80: {  	_ =	shalt  }
0x81: {  	_ =	shalt  }
0x82: {  	_ =	shalt  }
0x83: {  	_ =	shalt  }
0x84: {  	_ =	shalt  }
0x85: {  	_ =	shalt  }
0x86: {  	_ =	shalt  }
0x87: {  	_ =	shalt  }
.Lfunc_end0:
.L_simem_size_0:
called_computation.4_lowered:
.L_overlay_start_0:
0x88: {  	s2 =	sld [smem:$0x3FD9]  }
0x89: {  	s3 =	sld [smem:$0x3FFE];
	_ =	sdelay $0x1  }
0x8a: {  	s1 =	srdreg.scid  }
0x8b: {  	s0 =	sand.u32 $0x1, s1  }
0x8c: {  	s17 =	sshll.u32 s0, $0xA;
	s2 =	sadd.s32 s3, s2  }
0x8d: {  	s2 =	sadd.s32 s2, s17  }
0x8e: {  	[smem:$0x3FC7] =	sst s2  }
0x8f: {  	_ = 	snop  }
0x90: {  	s2 =	sld [smem:$0x3FD0];
	(tm) =	ssettm $0x1  }
0x91: {  	s18 =	sld [smem:$0x3FFB];
	_ =	sdelay $0x3  }
0x92: {  	_ =	strace s18  }
0x93: {  	s3 =	sld [smem:$0x3FFC];
	_ =	sdelay $0x3  }
0x94: {  	_ =	strace s3  }
0x95: {  	s3 =	sld [smem:$0x3FFD];
	_ =	sdelay $0x3  }
0x96: {  	_ =	strace s3  }
0x97: {  	_ =	strace $0x8FFFFFFF  }
0x98: {  	s19 =	sld [smem:$0x3FDB];
	_ =	sdelay $0x1  }
0x99: {  	s4 =	simm.s32 $_scs_section_size  }
0x9a: {  	s5 =	simm.s32 $_size__tile_overlayer_lowered;
	s6 =	simm.s32 $_tile_overlayer_lowered  }
0x9b: {  	s22 =	simm.s32 $0x1BFF;
	s21 =	sshll.u32 s6, $0x1;
	s3 =	sadd.s32 s4, s19  }
0x9c: {  	s7 =	simm.s32 $0x0;
	s20 =	sshll.u32 s5, $0x1;
	s5 =	sadd.s32 s21, s3  }
0x9d: {  	[timem:s7], [sflag:s22] =	dma.local [hbm:s5], s20  }
0x9e: {  	_ =	swait.ge [sflag:s22], s20  }
0x9f: {  	s4 =	ssub.s32 $0x0, s20;
	[sflag:s22] =	ssyncset.done $0x0  }
0xa0: {  	[sflag:s22] =	ssyncadd.s32 s4;
	_ =	sdelay $0x1  }
0xa1: {  	s23 =	simm.s32 $0x1B8B  }
0xa2: {  	_ =	swait.ge [sflag:s23], $0x1  }
0xa3: {  	[sflag:s23] =	ssyncset.done $0x0  }
0xa4: {  	s25 =	simm.s32 $0x1B8E;
	s24 =	sld [smem:$0x3FFE];
	[sflag:s23] =	ssyncadd.s32 $0xFFFFFFFF  }
0xa5: {  	s26 =	simm.s32 $execute0_lowered;
	[smem:$0x3FD2] =	sst s25  }
0xa6: {  	s5 =	sshll.u32 s26, $0x1;
	_ =	strace $0x80000052;
	[dreg:$0x1] =	wrdreg $0xFFFFFFFF  }
0xa7: {  	s28 =	simm.s32 $_size_execute0_lowered;
	s3 =	sadd.s32 s3, s5;
	[dreg:$0x0] =	wrdreg $0x0  }
0xa8: {  	s5 =	sshll.u32 s28, $0x1;
	[dreg:$0x2] =	wrdreg s3  }
0xa9: {  	[dreg:$0x3] =	wrdreg s5  }
0xaa: {  	[dreg:$0x4] =	wrdreg $0xC0  }
0xab: {  	_ =	task [dreg:s7], $0x5FFFF  }
0xac: {  	[dreg:$0x1] =	wrdreg $0xFFFFFFFF  }
0xad: {  	[dreg:$0x0] =	wrdreg $0x60  }
0xae: {  	[dreg:$0x2] =	wrdreg s24  }
0xaf: {  	[dreg:$0x3] =	wrdreg s2  }
0xb0: {  	[dreg:$0x4] =	wrdreg $0x9  }
0xb1: {  	_ =	task.clear_ibuf [dreg:s7], $0x5FFFF;
	_ =	strace $0x90000052  }
0xb2: {  	s29 =	simm.s32 $0x9;
	_ =	strace $0x80000054  }
0xb3: {  	_ =	swait.ge [sflag:s29], $0x1  }
0xb4: {  	[sflag:s29] =	ssyncadd.s32 $0xFFFFFFFF  }
0xb5: {  	_ =	strace $0x90000054  }
0xb6: {  	_ =	sfence  }
0xb7: {  	s30 =	sld [smem:$0x0];
	_ =	sdelay $0x2  }
0xb8: {  	s31 =	sshll.u32 s1, $0xD;
	s1 =	sshrl.u32 s1, $0x2  }
0xb9: {  	s3 =	sand.u32 $0x4000, s31;
	s1 =	sadd.s32 s1, s30  }
0xba: {  	s0 =	sor.u32 s3, s0;
	s1 =	sshll.u32 s1, $0x11  }
0xbb: {  	s0 =	sor.u32 s1, s0  }
0xbc: {  	s0 =	sadd.s32 $0x8F2B, s0  }
0xbd: {  	[sflag:s0] =	ssyncadd.remote.s32 $0x1  }
0xbe: {  	_ =	sfence.sel $0xFFFF  }
0xbf: {  	[dreg:$0x0] =	wrdreg $0xFFFFFFFF;
	(pc) =	sbr.abs _section_cstart, $3  }
0xc0: {  	[dreg:$0x1] =	wrdreg $0xFFFFFFFF  }
0xc1: {  	_ =	task.clear_ibuf [dreg:s7], $0x2FFFF;
	_ =	strace $0x9FFFFFFF  }
0xc2: {  	(tm) =	ssettm $0x7FFFFFFF  }
0xc3: {  	_ =	shalt  }
tec
execute0_lowered:
.L_overlay_start_1:
0x0: {  	(tag) =	ssettag $0x1  }
0x1: {  	s4 =	rddreg [dreg:$0x0]  }
0x2: {  	s5 =	rddreg [dreg:$0x1];
	s1 =	stileid.u32  }
0x3: {  	s0 =	rddreg [dreg:$0x2];
	s3 =	srdreg.scid;
	s2 =	simm.s32 $0x0  }
0x4: {  	s6 =	sshll.u32 s1, $0x1;
	s7 =	sand.u32 $0x1, s3;
	[smem:$0x7FF] =	sst s2  }
0x5: {  	s30 =	sshll.u32 s1, $0xC;
	s29 =	sand.u32 $0x2, s6;
	_ =	strace $0x80000053  }
0x6: {  	s8 =	sand.u32 $0xE000, s30;
	s3 =	sor.u32 s7, s29;
	s7 =	ssub.s32 $0x2, s7  }
0x7: {  	s31 =	sshll.u32 s3, $0xB;
	s3 =	sadd.s32 $0x213600, s4;
	s10 =	sshrl.u32 s7, $0x1  }
0x8: {  	v0 =	vmov s8;
	s6 =	sor.u32 s8, s31;
	s7 =	ssub.s32 s7, s10;
	s8 =	simm.s32 $0x800  }
0x9: {  	s10 =	simm.s32 $0x0;
	s9 =	sshll.u32 s6, $0x1;
	s6 =	sshrl.u32 s6, $0x3  }
0xa: {  	s9 =	sadd.s32 s9, s4;
	s4 =	sadd.s32 s5, s6;
	s6 =	smax.u32 s7, $0x1  }
0xb: {  	s7 =	simm.s32 $0x2;
	s5 =	sadd.s32 $0x4600, s9;
	s9 =	simm.s32 $0x1  }
.LBB2_1:
0xc: {  	[tilespmem:s2], [sflag:$0x2] =	stream.linear.gather [hbm4b:s4+s2], $0x800, $0x38;
	[tilespmem:$0x8800] =	vst v63  }
0xd: {  	_ =	swait.ge [sflag:s7], $0x800  }
0xe: {  	[sflag:s7] =	ssyncset.done $0x0  }
0xf: {  	s11 =	simm.s32 $0x0;
	s12 =	simm.s32 $0x40;
	[sflag:s7] =	ssyncadd.s32 $0xFFFFF800  }
.LBB2_2:
0x10: {  	p0 =	sne.s32 s12, $0x1FC0;
	v1 =	vld [tilespmem:s11+$0x0];
	_ =	sdelay $0x1  }
.Ltmp0:
0x11: {  	(pc) =	sbr.rel @p0 .LBB2_2-.Ltmp0, $3  }
0x12: {  	_ =	sdelay $0x1  }
0x13: {  	v1 =	vadd.s32 v0, v1  }
0x14: {  	[tilespmem:s11+$0x0] =	vst v1;
	s11 =	sshra.s32 s12, $0x2;
	s12 =	sadd.s32 $0x40, s12  }
0x15: {  	v1 =	vld [tilespmem:s11+$0x0];
	_ =	sdelay $0x4  }
0x16: {  	v1 =	vadd.s32 v0, v1  }
0x17: {  	[tilespmem:s11+$0x0] =	vst v1  }
0x18: {  	[tilespmem:s8], [sflag:$0x1] =	stream.indirect.gather [hbm4b:s3+s8], $0x10, s2, s8, $0xb8;
	[tilespmem:$0x8800] =	vst v63  }
0x19: {  	s10 =	sadd.s32 $0x1, s10;
	_ =	swait.ge [sflag:s9], $0x8000  }
0x1a: {  	p0 =	sne.s32 s10, s6;
	[sflag:s9] =	ssyncset.done $0x0  }
.Ltmp1:
0x1b: {  	[sflag:s9] =	ssyncadd.s32 $0xFFFF8000;
	(pc) =	sbr.rel @p0 .LBB2_1-.Ltmp1, $4  }
0x1c: {  	[hbm4b:s5+s2] =	stream.linear.scatter [tilespmem:s8], [sflag:$0x2], $0x8000, $0x38;
	[tilespmem:$0x8800] =	vst v63  }
0x1d: {  	_ =	swait.ge [sflag:s7], $0x8000  }
0x1e: {  	[sflag:s7] =	ssyncset.done $0x0  }
0x1f: {  	[sflag:s7] =	ssyncadd.s32 $0xFFFF8000  }
0x20: {  	_ =	sfence.sel $0x180000  }
0x21: {  	[bflag:$0x0] =	sbarrier.arrive $0xFFFF  }
0x22: {  	p0 =	sne.s32 s1, $0x0;
	_ =	strace $0x90000053  }
0x23: {  	s0 =	sadd.s32 @!p0 $0x100000, s0;
	[bflag:$0x2] =	sbarrier.arrive $0xFFFF  }
0x24: {  	[sflag:s0] =	ssyncadd.tile.s32 @!p0 $0x1;
	_ =	shalt  }
.Lfunc_end2:
_tile_overlayer_lowered:
.L_overlay_start_2:
0x25: {  	(tag) =	ssettag $0x2  }
0x26: {  	s0 =	rddreg [dreg:$0x0];
	s2 =	stileid.u32  }
0x27: {  	s1 =	rddreg [dreg:$0x1];
	p0 =	sne.s32 s2, $0x0  }
0x28: {  	s3 =	rddreg [dreg:$0x2];
	[bflag:$0x3] =	sbarrier.arrive $0xFFFF;
	s2 =	simm.s32 @!p0 $0x1C02  }
0x29: {  	[timem:s3], [sflag:s2] =	dma.local @!p0 [hbm:s0], s1  }
0x2a: {  	s0 =	simm.s32 @!p0 $0x2  }
0x2b: {  	_ =	swait.ge @!p0 [sflag:s0], s1  }
0x2c: {  	s1 =	ssub.s32 @!p0 $0x0, s1;
	[sflag:s0] =	ssyncset.done @!p0 $0x0  }
0x2d: {  	[sflag:s0] =	ssyncadd.s32 @!p0 s1  }
0x2e: {  	[bflag:$0x3] =	sbarrier.arrive $0xFFFF  }
0x2f: {  	_ =	shalt  }

</sc_bundles>
